<compile_context>
chip_gen: v7x
topology: tpu7x:2x2x1
jax: 0.10.2.dev20260603
libtpu: 0.0.44.dev20260713+nightly
codegen_flags: <defaults>
</compile_context>

<pallas_src>
import functools

import jax
import jax.numpy as jnp
from jax import lax
from jax.experimental import pallas as pl
from jax.experimental.pallas import tpu as pltpu
from jax.experimental.pallas import tpu_sc as plsc

N = 10000
E = 320000
D = 128

NC = 2
NS = 16
NW = NC * NS

GC = 80
OC = 160
NSUB = OC // GC

SEG_SIZES = (51200, 89600, 89600, 89600)
G0_SIZE = SEG_SIZES[0]

RPT = 624
TAIL = N - NS * RPT


def _leaky(z):
    return jnp.where(z > 0, z, 0.01 * z)



@functools.lru_cache(maxsize=None)
def _make_gather(nedge):
    epw = nedge // NW
    ng = epw // GC
    assert epw % GC == 0

    def body(x0_hbm, src_hbm, xj_hbm, x0_sh, idx0, idx1, rows0, rows1,
             isem0, isem1, gsem, wsem0, wsem1):
        c = lax.axis_index("c")
        s = lax.axis_index("s")
        wid = s * NC + c
        wb = wid * epw
        pltpu.sync_copy(x0_hbm.at[pl.ds(s * RPT, RPT)],
                        x0_sh.at[pl.ds(s * RPT, RPT)])
        @pl.when(s == NS - 1)
        def _():
            pltpu.sync_copy(x0_hbm.at[pl.ds(NS * RPT, TAIL)],
                            x0_sh.at[pl.ds(NS * RPT, TAIL)])
        plsc.subcore_barrier()

        def src_slice(o):
            return src_hbm.at[pl.ds(pl.multiple_of(wb + o * GC, GC), GC)]

        def xj_slice(o):
            return xj_hbm.at[pl.ds(pl.multiple_of(wb + o * GC, GC), GC)]

        def stage(o, ibuf, rbuf, isem, wsem, first):
            pltpu.make_async_copy(src_slice(o), ibuf, isem).wait()
            @pl.when(jnp.logical_not(first))
            def _():
                pltpu.make_async_copy(rbuf, xj_slice(o - 2), wsem).wait()
            pltpu.async_copy(x0_sh.at[ibuf], rbuf, gsem).wait()
            pltpu.async_copy(rbuf, xj_slice(o), wsem)

        pltpu.async_copy(src_slice(0), idx0, isem0)

        def pair(i, carry):
            o = i * 2
            pltpu.async_copy(src_slice(o + 1), idx1, isem1)
            stage(o, idx0, rows0, isem0, wsem0, i == 0)
            @pl.when(o + 2 < ng)
            def _():
                pltpu.async_copy(src_slice(o + 2), idx0, isem0)
            stage(o + 1, idx1, rows1, isem1, wsem1, i == 0)
            return carry

        lax.fori_loop(0, ng // 2, pair, 0)
        if ng % 2:
            stage(ng - 1, idx0, rows0, isem0, wsem0, False)
            pltpu.make_async_copy(rows1, xj_slice(ng - 2), wsem1).wait()
            pltpu.make_async_copy(rows0, xj_slice(ng - 1), wsem0).wait()
        else:
            pltpu.make_async_copy(rows0, xj_slice(ng - 2), wsem0).wait()
            pltpu.make_async_copy(rows1, xj_slice(ng - 1), wsem1).wait()

    mesh = plsc.VectorSubcoreMesh(core_axis_name="c", subcore_axis_name="s",
                                  num_cores=NC, num_subcores=NS)
    return pl.kernel(
        body,
        out_type=jax.ShapeDtypeStruct((nedge, D), jnp.float32),
        mesh=mesh,
        scratch_types=[
            pltpu.VMEM_SHARED((N, D), jnp.float32),
            pltpu.VMEM((GC,), jnp.int32),
            pltpu.VMEM((GC,), jnp.int32),
            pltpu.VMEM((GC, D), jnp.float32),
            pltpu.VMEM((GC, D), jnp.float32),
            pltpu.SemaphoreType.DMA,
            pltpu.SemaphoreType.DMA,
            pltpu.SemaphoreType.DMA,
            pltpu.SemaphoreType.DMA,
            pltpu.SemaphoreType.DMA,
        ],
    )



@functools.lru_cache(maxsize=None)
def _make_scatter(nedge):
    ept = nedge // NS
    nout = ept // OC
    assert ept % OC == 0

    def body(msg_hbm, dst4d_hbm, prev_hbm, aggr_hbm, acc_sh,
             idx_all, rows0, rows1, isem, psem, vsem0, vsem1, ssem):
        c = lax.axis_index("c")
        s = lax.axis_index("s")
        tb = s * ept

        pltpu.async_copy(dst4d_hbm.at[s], idx_all, isem)

        for k in range(2):
            col0 = (c * 2 + k) * 128

            def msg_slice(o):
                return msg_hbm.at[pl.ds(tb + o * OC, OC), pl.ds(col0, 128)]

            def wait_load(o, rbuf, vsem):
                pltpu.make_async_copy(msg_slice(o), rbuf, vsem).wait()

            def scat(o, buf):
                ds_ = []
                for j in range(NSUB):
                    ds_.append(pltpu.async_copy(
                        buf.at[pl.ds(j * GC, GC)],
                        acc_sh.at[idx_all.at[o, j]], ssem, add=True))
                for d in ds_:
                    d.wait()

            pltpu.async_copy(
                prev_hbm.at[pl.ds(s * RPT, RPT), pl.ds(col0, 128)],
                acc_sh.at[pl.ds(s * RPT, RPT)], psem)
            @pl.when(s == NS - 1)
            def _():
                pltpu.async_copy(
                    prev_hbm.at[pl.ds(NS * RPT, TAIL), pl.ds(col0, 128)],
                    acc_sh.at[pl.ds(NS * RPT, TAIL)], psem)
            pltpu.async_copy(msg_slice(0), rows0, vsem0)
            pltpu.make_async_copy(
                prev_hbm.at[pl.ds(s * RPT, RPT), pl.ds(col0, 128)],
                acc_sh.at[pl.ds(s * RPT, RPT)], psem).wait()
            @pl.when(s == NS - 1)
            def _():
                pltpu.make_async_copy(
                    prev_hbm.at[pl.ds(NS * RPT, TAIL), pl.ds(col0, 128)],
                    acc_sh.at[pl.ds(NS * RPT, TAIL)], psem).wait()
            if k == 0:
                pltpu.make_async_copy(dst4d_hbm.at[s], idx_all, isem).wait()
            plsc.subcore_barrier()

            def pair(i, carry):
                o = i * 2
                pltpu.async_copy(msg_slice(o + 1), rows1, vsem1)
                wait_load(o, rows0, vsem0)
                scat(o, rows0)
                @pl.when(o + 2 < nout)
                def _():
                    pltpu.async_copy(msg_slice(o + 2), rows0, vsem0)
                wait_load(o + 1, rows1, vsem1)
                scat(o + 1, rows1)
                return carry

            lax.fori_loop(0, nout // 2, pair, 0)
            if nout % 2:
                wait_load(nout - 1, rows0, vsem0)
                scat(nout - 1, rows0)
            plsc.subcore_barrier()
            pltpu.sync_copy(acc_sh.at[pl.ds(s * RPT, RPT)],
                            aggr_hbm.at[pl.ds(s * RPT, RPT),
                                        pl.ds(col0, 128)])
            @pl.when(s == NS - 1)
            def _():
                pltpu.sync_copy(acc_sh.at[pl.ds(NS * RPT, TAIL)],
                                aggr_hbm.at[pl.ds(NS * RPT, TAIL),
                                            pl.ds(col0, 128)])

    mesh = plsc.VectorSubcoreMesh(core_axis_name="c", subcore_axis_name="s",
                                  num_cores=NC, num_subcores=NS)
    kern = pl.kernel(
        body,
        out_type=jax.ShapeDtypeStruct((N, 512), jnp.float32),
        mesh=mesh,
        scratch_types=[
            pltpu.VMEM_SHARED((N, 128), jnp.float32),
            pltpu.VMEM((nout, NSUB, GC), jnp.int32),
            pltpu.VMEM((OC, 128), jnp.float32),
            pltpu.VMEM((OC, 128), jnp.float32),
            pltpu.SemaphoreType.DMA,
            pltpu.SemaphoreType.DMA,
            pltpu.SemaphoreType.DMA,
            pltpu.SemaphoreType.DMA,
            pltpu.SemaphoreType.DMA,
        ],
    )

    def run(msg_seg, dst_seg, prev):
        dst4d = dst_seg.reshape(NS, nout, NSUB, GC)
        return kern(msg_seg, dst4d, prev)

    return run



def _edge_mlp_body(xj, ea, W1, b1, W2, b2, out):
    t = xj[...] * ea[...]
    h = _leaky(jnp.dot(t, W1[...], preferred_element_type=jnp.float32)
               + b1[...])
    out[...] = _leaky(jnp.dot(h, W2[...], preferred_element_type=jnp.float32)
                      + b2[...])


def _edge_mlp(xj, xj_off, ea, ea_off, nedge, W1, b1, W2, b2):
    BE = 800
    grid = (nedge // BE,)
    xo = xj_off // BE
    eo = ea_off // BE
    return pl.pallas_call(
        _edge_mlp_body,
        grid=grid,
        in_specs=[
            pl.BlockSpec((BE, D), lambda i: (xo + i, 0)),
            pl.BlockSpec((BE, D), lambda i: (eo + i, 0)),
            pl.BlockSpec((D, 256), lambda i: (0, 0)),
            pl.BlockSpec((1, 256), lambda i: (0, 0)),
            pl.BlockSpec((256, 512), lambda i: (0, 0)),
            pl.BlockSpec((1, 512), lambda i: (0, 0)),
        ],
        out_specs=pl.BlockSpec((BE, 512), lambda i: (i, 0)),
        out_shape=jax.ShapeDtypeStruct((nedge, 512), jnp.float32),
    )(xj, ea, W1, b1, W2, b2)


def _node_mlp_body(x0, aggr, W3a, W3b, b3, W4, b4s, out):
    bf = jnp.bfloat16
    u = _leaky(jnp.dot(x0[...].astype(bf), W3a[...].astype(bf),
                       preferred_element_type=jnp.float32)
               + jnp.dot(aggr[...].astype(bf), W3b[...].astype(bf),
                         preferred_element_type=jnp.float32)
               + b3[...])
    y = jnp.dot(u.astype(bf), W4[...].astype(bf),
                preferred_element_type=jnp.float32)
    out[...] = (y + b4s[...] + x0[...]) * 0.5


def _node_mlp(x0, aggr, W3a_s, W3b_s, b3, W4_s, b4s):
    BN = 2000
    grid = (N // BN,)
    return pl.pallas_call(
        _node_mlp_body,
        grid=grid,
        in_specs=[
            pl.BlockSpec((BN, D), lambda i: (i, 0)),
            pl.BlockSpec((BN, 512), lambda i: (i, 0)),
            pl.BlockSpec((D, 1024), lambda i: (0, 0)),
            pl.BlockSpec((512, 1024), lambda i: (0, 0)),
            pl.BlockSpec((1, 1024), lambda i: (0, 0)),
            pl.BlockSpec((1024, D), lambda i: (0, 0)),
            pl.BlockSpec((1, D), lambda i: (0, 0)),
        ],
        out_specs=pl.BlockSpec((BN, D), lambda i: (i, 0)),
        out_shape=jax.ShapeDtypeStruct((N, D), jnp.float32),
    )(x0, aggr, W3a_s, W3b_s, b3, W4_s, b4s)



def kernel(x0, edge_index, edge_attr, W1, b1, W2, b2, W3, b3, W4, b4,
           bn_g, bn_b, bn_m, bn_v):
    src = edge_index[0].astype(jnp.int32)
    dst = edge_index[1].astype(jnp.int32)

    b1r = b1.reshape(1, 256)
    b2r = b2.reshape(1, 512)

    xj_a = _make_gather(G0_SIZE)(x0, lax.slice(src, (0,), (G0_SIZE,)))
    xj_b = _make_gather(E - G0_SIZE)(x0, lax.slice(src, (G0_SIZE,), (E,)))

    aggr = jnp.zeros((N, 512), jnp.float32)
    lo = 0
    for sg, sz in enumerate(SEG_SIZES):
        if sg == 0:
            msg = _edge_mlp(xj_a, 0, edge_attr, 0, sz, W1, b1r, W2, b2r)
        else:
            msg = _edge_mlp(xj_b, lo - G0_SIZE, edge_attr, lo, sz,
                            W1, b1r, W2, b2r)
        aggr = _make_scatter(sz)(
            msg, lax.slice(dst, (lo,), (lo + sz,)), aggr)
        lo += sz

    scale = bn_g / jnp.sqrt(bn_v + 1e-5)
    shift = (b4 - bn_m) * scale + bn_b
    W4_s = W4 * scale[None, :]
    b4s = shift.reshape(1, D)
    out = _node_mlp(x0, aggr, W3[:D], W3[D:], b3.reshape(1, 1024), W4_s, b4s)
    return out

# --- scband reference (transcript-rebuilt; emitter-appended) ---
"""Pipeline reference for scband-mddnet-20023137533996 (READ-ONLY COPY).

The authoritative reference and input builder live on the scoring server;
editing this copy changes nothing except your own understanding.
"""

import jax, jax.numpy as jnp
import numpy as np

N = 10000
E = 320000
D = 128

def leaky_relu(z):
    return jnp.where(z > 0, z, 0.01 * z)

def setup_inputs(seed: int = 0) -> dict:
    key = jax.random.key(seed)
    ks = jax.random.split(key, 12)
    x0 = jax.random.normal(ks[0], (N, D), dtype=jnp.float32)
    edge_index = jax.random.randint(ks[1], (2, E), 0, N, dtype=jnp.int64)
    edge_attr = jax.random.normal(ks[2], (E, D), dtype=jnp.float32)
    # mlp1: Lin(128,256) -> LeakyReLU -> Lin(256,512) -> LeakyReLU
    W1 = jax.random.normal(ks[3], (D, 256), dtype=jnp.float32) * (1.0 / np.sqrt(D))
    b1 = jnp.zeros((256,), dtype=jnp.float32)
    W2 = jax.random.normal(ks[4], (256, 512), dtype=jnp.float32) * (1.0 / np.sqrt(256))
    b2 = jnp.zeros((512,), dtype=jnp.float32)
    # mlp2: Lin(640,1024) -> LeakyReLU -> Lin(1024,128) -> BN(128) (eval) 
    W3 = jax.random.normal(ks[5], (D + 512, 1024), dtype=jnp.float32) * (1.0 / np.sqrt(D + 512))
    b3 = jnp.zeros((1024,), dtype=jnp.float32)
    W4 = jax.random.normal(ks[6], (1024, D), dtype=jnp.float32) * (1.0 / np.sqrt(1024))
    b4 = jnp.zeros((D,), dtype=jnp.float32)
    bn_g = jnp.ones((D,), dtype=jnp.float32)
    bn_b = jnp.zeros((D,), dtype=jnp.float32)
    bn_m = jnp.zeros((D,), dtype=jnp.float32)
    bn_v = jnp.ones((D,), dtype=jnp.float32)
    return {"x0": x0, "edge_index": edge_index, "edge_attr": edge_attr,
            "W1": W1, "b1": b1, "W2": W2, "b2": b2,
            "W3": W3, "b3": b3, "W4": W4, "b4": b4,
            "bn_g": bn_g, "bn_b": bn_b, "bn_m": bn_m, "bn_v": bn_v}

def reference(x0, edge_index, edge_attr, W1, b1, W2, b2, W3, b3, W4, b4, bn_g, bn_b, bn_m, bn_v):
    src = edge_index[0]
    dst = edge_index[1]
    # message: x_j * edge_attr -> mlp1 (dropout is identity at inference)
    x_j = jnp.take(x0, src, axis=0)
    tmp = x_j * edge_attr
    h = leaky_relu(tmp @ W1 + b1)
    msg = leaky_relu(h @ W2 + b2)
    # aggregate: scatter-add by dst
    aggr_out = jax.ops.segment_sum(msg, dst, num_segments=N)
    # update: cat([x, aggr_out]) -> mlp2 -> (comb + x) / 2
    cat = jnp.concatenate([x0, aggr_out], axis=1)
    u = leaky_relu(cat @ W3 + b3)
    u = u @ W4 + b4
    u = (u - bn_m) / jnp.sqrt(bn_v + 1e-5) * bn_g + bn_b
    comb = (u + x0) / 2.0
    return comb

if __name__ == "__main__":
    import jax
    _d = setup_inputs()
    print(jax.jit(kernel)(*tuple(_d.values())))

</pallas_src>

<mosaic_0001>
#map = affine_map<(d0, d1) -> (0, 0)>
#map1 = affine_map<(d0, d1) -> (0, 0, 0, 0)>
module attributes {stable_mosaic.version = 14 : i64} {
  func.func @body(%arg0: i32, %arg1: i32, %arg2: memref<51200x512xf32, #tpu.memory_space<hbm>>, %arg3: memref<16x20x2x80xi32, #tpu.memory_space<hbm>>, %arg4: memref<10000x512xf32, #tpu.memory_space<hbm>>, %arg5: memref<10000x512xf32, #tpu.memory_space<hbm>>, %arg6: memref<10000x128xf32, #tpu.memory_space<vmem_shared>>, %arg7: memref<20x2x80xi32, #tpu.memory_space<vmem>>, %arg8: memref<160x128xf32, #tpu.memory_space<vmem>>, %arg9: memref<160x128xf32, #tpu.memory_space<vmem>>, %arg10: memref<!tpu.dma_semaphore, #tpu.memory_space<semaphore_mem>>, %arg11: memref<!tpu.dma_semaphore, #tpu.memory_space<semaphore_mem>>, %arg12: memref<!tpu.dma_semaphore, #tpu.memory_space<semaphore_mem>>, %arg13: memref<!tpu.dma_semaphore, #tpu.memory_space<semaphore_mem>>, %arg14: memref<!tpu.dma_semaphore, #tpu.memory_space<semaphore_mem>>) attributes {dimension_semantics = [#tpu.dimension_semantics<core_parallel>, #tpu.dimension_semantics<subcore_parallel>], iteration_bounds = array<i64: 2, 16>, scalar_prefetch = 0 : i64, scratch_operands = 9 : i64, tpu.core_type = #tpu.core_type<sc_vector_subcore>, window_params = [{transform_indices = #map}, {transform_indices = #map1}, {transform_indices = #map}, {transform_indices = #map}]} {
    %mul3A = arith.constant 3200 : i32
    %mul3A_0 = arith.muli %arg1, %mul3A : i32
    %dma_start3A = arith.constant 0 : i32
    %dma_start3A_1 = arith.constant 0 : i32
    %dma_start3A_2 = arith.constant 0 : i32
    %dma_start3A_3 = tpu.memref_slice %arg3[%arg1, %dma_start3A, %dma_start3A_1, %dma_start3A_2] : memref<16x20x2x80xi32, #tpu.memory_space<hbm>> -> memref<1x20x2x80xi32, #tpu.memory_space<hbm>>
    %dma_start3A_4 = tpu.memref_squeeze %dma_start3A_3 : memref<1x20x2x80xi32, #tpu.memory_space<hbm>> -> memref<20x2x80xi32, #tpu.memory_space<hbm>>
    %dma_start3A_5 = arith.constant 0 : i32
    %dma_start3A_6 = arith.constant 0 : i32
    %dma_start3A_7 = arith.constant 0 : i32
    %dma_start3A_8 = tpu.memref_slice %arg3[%arg1, %dma_start3A_5, %dma_start3A_6, %dma_start3A_7] : memref<16x20x2x80xi32, #tpu.memory_space<hbm>> -> memref<1x20x2x80xi32, #tpu.memory_space<hbm>>
    %dma_start3A_9 = tpu.memref_squeeze %dma_start3A_8 : memref<1x20x2x80xi32, #tpu.memory_space<hbm>> -> memref<20x2x80xi32, #tpu.memory_space<hbm>>
    tpu.enqueue_dma source(%dma_start3A_9 : memref<20x2x80xi32, #tpu.memory_space<hbm>>) target(%arg7 : memref<20x2x80xi32, #tpu.memory_space<vmem>>) target_semaphore(%arg10 : memref<!tpu.dma_semaphore, #tpu.memory_space<semaphore_mem>>)
    %mul3A_10 = arith.constant 2 : i32
    %mul3A_11 = arith.muli %arg0, %mul3A_10 : i32
    %add3A = arith.constant 0 : i32
    %add3A_12 = arith.addi %mul3A_11, %add3A : i32
    %mul3A_13 = arith.constant 128 : i32
    %mul3A_14 = arith.muli %add3A_12, %mul3A_13 : i32
    %mul3A_15 = arith.constant 624 : i32
    %mul3A_16 = arith.muli %arg1, %mul3A_15 : i32
    %mul3A_17 = arith.constant 624 : i32
    %mul3A_18 = arith.muli %arg1, %mul3A_17 : i32
    %dma_start3A_19 = arith.constant 0 : i32
    %dma_start3A_20 = tpu.memref_slice %arg6[%mul3A_18, %dma_start3A_19] : memref<10000x128xf32, #tpu.memory_space<vmem_shared>> -> memref<624x128xf32, #tpu.memory_space<vmem_shared>>
    %dma_start3A_21 = tpu.memref_slice %arg4[%mul3A_16, %mul3A_14] : memref<10000x512xf32, #tpu.memory_space<hbm>> -> memref<624x128xf32, #tpu.memory_space<hbm>>
    tpu.enqueue_dma source(%dma_start3A_21 : memref<624x128xf32, #tpu.memory_space<hbm>>) target(%dma_start3A_20 : memref<624x128xf32, #tpu.memory_space<vmem_shared>>) target_semaphore(%arg11 : memref<!tpu.dma_semaphore, #tpu.memory_space<semaphore_mem>>)
    %eq3A = arith.constant 15 : i32
    %eq3A_22 = arith.cmpi eq, %arg1, %eq3A : i32
    %convert_element_type3A = arith.extui %eq3A_22 : i1 to i32
    %cond3A = arith.constant 0 : i32
    %cond3A_23 = arith.cmpi ne, %convert_element_type3A, %cond3A : i32
    scf.if %cond3A_23 {
      %dma_start3A_115 = arith.constant 9984 : i32
      %dma_start3A_116 = arith.constant 0 : i32
      %dma_start3A_117 = tpu.memref_slice %arg6[%dma_start3A_115, %dma_start3A_116] : memref<10000x128xf32, #tpu.memory_space<vmem_shared>> -> memref<16x128xf32, #tpu.memory_space<vmem_shared>>
      %dma_start3A_118 = arith.constant 9984 : i32
      %dma_start3A_119 = tpu.memref_slice %arg4[%dma_start3A_118, %mul3A_14] : memref<10000x512xf32, #tpu.memory_space<hbm>> -> memref<16x128xf32, #tpu.memory_space<hbm>>
      tpu.enqueue_dma source(%dma_start3A_119 : memref<16x128xf32, #tpu.memory_space<hbm>>) target(%dma_start3A_117 : memref<16x128xf32, #tpu.memory_space<vmem_shared>>) target_semaphore(%arg11 : memref<!tpu.dma_semaphore, #tpu.memory_space<semaphore_mem>>)
    } else {
    }
    %add3A_24 = arith.constant 0 : i32
    %add3A_25 = arith.addi %mul3A_0, %add3A_24 : i32
    %dma_start3A_26 = tpu.memref_slice %arg2[%add3A_25, %mul3A_14] : memref<51200x512xf32, #tpu.memory_space<hbm>> -> memref<160x128xf32, #tpu.memory_space<hbm>>
    %dma_start3A_27 = tpu.memref_slice %arg2[%add3A_25, %mul3A_14] : memref<51200x512xf32, #tpu.memory_space<hbm>> -> memref<160x128xf32, #tpu.memory_space<hbm>>
    tpu.enqueue_dma source(%dma_start3A_27 : memref<160x128xf32, #tpu.memory_space<hbm>>) target(%arg8 : memref<160x128xf32, #tpu.memory_space<vmem>>) target_semaphore(%arg12 : memref<!tpu.dma_semaphore, #tpu.memory_space<semaphore_mem>>)
    %mul3A_28 = arith.constant 624 : i32
    %mul3A_29 = arith.muli %arg1, %mul3A_28 : i32
    %mul3A_30 = arith.constant 624 : i32
    %mul3A_31 = arith.muli %arg1, %mul3A_30 : i32
    %dma_wait3A = arith.constant 0 : i32
    %dma_wait3A_32 = tpu.memref_slice %arg6[%mul3A_31, %dma_wait3A] : memref<10000x128xf32, #tpu.memory_space<vmem_shared>> -> memref<624x128xf32, #tpu.memory_space<vmem_shared>>
    %dma_wait3A_33 = tpu.memref_slice %arg4[%mul3A_29, %mul3A_14] : memref<10000x512xf32, #tpu.memory_space<hbm>> -> memref<624x128xf32, #tpu.memory_space<hbm>>
    tpu.wait_dma2 semaphore(%arg11 : memref<!tpu.dma_semaphore, #tpu.memory_space<semaphore_mem>>) src(%dma_wait3A_33 : memref<624x128xf32, #tpu.memory_space<hbm>>) dst(%dma_wait3A_32 : memref<624x128xf32, #tpu.memory_space<vmem_shared>>)
    %eq3A_34 = arith.constant 15 : i32
    %eq3A_35 = arith.cmpi eq, %arg1, %eq3A_34 : i32
    %convert_element_type3A_36 = arith.extui %eq3A_35 : i1 to i32
    %cond3A_37 = arith.constant 0 : i32
    %cond3A_38 = arith.cmpi ne, %convert_element_type3A_36, %cond3A_37 : i32
    scf.if %cond3A_38 {
      %dma_wait3A_115 = arith.constant 9984 : i32
      %dma_wait3A_116 = arith.constant 0 : i32
      %dma_wait3A_117 = tpu.memref_slice %arg6[%dma_wait3A_115, %dma_wait3A_116] : memref<10000x128xf32, #tpu.memory_space<vmem_shared>> -> memref<16x128xf32, #tpu.memory_space<vmem_shared>>
      %dma_wait3A_118 = arith.constant 9984 : i32
      %dma_wait3A_119 = tpu.memref_slice %arg4[%dma_wait3A_118, %mul3A_14] : memref<10000x512xf32, #tpu.memory_space<hbm>> -> memref<16x128xf32, #tpu.memory_space<hbm>>
      tpu.wait_dma2 semaphore(%arg11 : memref<!tpu.dma_semaphore, #tpu.memory_space<semaphore_mem>>) src(%dma_wait3A_119 : memref<16x128xf32, #tpu.memory_space<hbm>>) dst(%dma_wait3A_117 : memref<16x128xf32, #tpu.memory_space<vmem_shared>>)
    } else {
    }
    %dma_wait3A_39 = arith.constant 0 : i32
    %dma_wait3A_40 = arith.constant 0 : i32
    %dma_wait3A_41 = arith.constant 0 : i32
    %dma_wait3A_42 = tpu.memref_slice %arg3[%arg1, %dma_wait3A_39, %dma_wait3A_40, %dma_wait3A_41] : memref<16x20x2x80xi32, #tpu.memory_space<hbm>> -> memref<1x20x2x80xi32, #tpu.memory_space<hbm>>
    %dma_wait3A_43 = tpu.memref_squeeze %dma_wait3A_42 : memref<1x20x2x80xi32, #tpu.memory_space<hbm>> -> memref<20x2x80xi32, #tpu.memory_space<hbm>>
    %dma_wait3A_44 = arith.constant 0 : i32
    %dma_wait3A_45 = arith.constant 0 : i32
    %dma_wait3A_46 = arith.constant 0 : i32
    %dma_wait3A_47 = tpu.memref_slice %arg3[%arg1, %dma_wait3A_44, %dma_wait3A_45, %dma_wait3A_46] : memref<16x20x2x80xi32, #tpu.memory_space<hbm>> -> memref<1x20x2x80xi32, #tpu.memory_space<hbm>>
    %dma_wait3A_48 = tpu.memref_squeeze %dma_wait3A_47 : memref<1x20x2x80xi32, #tpu.memory_space<hbm>> -> memref<20x2x80xi32, #tpu.memory_space<hbm>>
    tpu.wait_dma2 semaphore(%arg10 : memref<!tpu.dma_semaphore, #tpu.memory_space<semaphore_mem>>) src(%dma_wait3A_48 : memref<20x2x80xi32, #tpu.memory_space<hbm>>) dst(%arg7 : memref<20x2x80xi32, #tpu.memory_space<vmem>>)
    %barrier3A = arith.constant 0 : index
    tpu.barrier barrier_id(%barrier3A)
    %scan3A = arith.constant 0 : i32
    %scan3A_49 = arith.constant 0 : i32
    %scan3A_50 = arith.constant 10 : i32
    %scan3A_51 = arith.addi %scan3A_49, %scan3A_50 : i32
    %scan3A_52 = arith.constant 1 : i32
    scf.for %scan3A_115 = %scan3A_49 to %scan3A_51 step %scan3A_52  : i32 {
      %mul3A_116 = arith.constant 2 : i32
      %mul3A_117 = arith.muli %scan3A_115, %mul3A_116 : i32
      %add3A_118 = arith.constant 1 : i32
      %add3A_119 = arith.addi %mul3A_117, %add3A_118 : i32
      %mul3A_120 = arith.constant 160 : i32
      %mul3A_121 = arith.muli %add3A_119, %mul3A_120 : i32
      %add3A_122 = arith.addi %mul3A_0, %mul3A_121 : i32
      %dma_start3A_123 = tpu.memref_slice %arg2[%add3A_122, %mul3A_14] : memref<51200x512xf32, #tpu.memory_space<hbm>> -> memref<160x128xf32, #tpu.memory_space<hbm>>
      %dma_start3A_124 = tpu.memref_slice %arg2[%add3A_122, %mul3A_14] : memref<51200x512xf32, #tpu.memory_space<hbm>> -> memref<160x128xf32, #tpu.memory_space<hbm>>
      tpu.enqueue_dma source(%dma_start3A_124 : memref<160x128xf32, #tpu.memory_space<hbm>>) target(%arg9 : memref<160x128xf32, #tpu.memory_space<vmem>>) target_semaphore(%arg13 : memref<!tpu.dma_semaphore, #tpu.memory_space<semaphore_mem>>)
      %mul3A_125 = arith.constant 160 : i32
      %mul3A_126 = arith.muli %mul3A_117, %mul3A_125 : i32
      %add3A_127 = arith.addi %mul3A_0, %mul3A_126 : i32
      %dma_wait3A_128 = tpu.memref_slice %arg2[%add3A_127, %mul3A_14] : memref<51200x512xf32, #tpu.memory_space<hbm>> -> memref<160x128xf32, #tpu.memory_space<hbm>>
      %dma_wait3A_129 = tpu.memref_slice %arg2[%add3A_127, %mul3A_14] : memref<51200x512xf32, #tpu.memory_space<hbm>> -> memref<160x128xf32, #tpu.memory_space<hbm>>
      tpu.wait_dma2 semaphore(%arg12 : memref<!tpu.dma_semaphore, #tpu.memory_space<semaphore_mem>>) src(%dma_wait3A_129 : memref<160x128xf32, #tpu.memory_space<hbm>>) dst(%arg8 : memref<160x128xf32, #tpu.memory_space<vmem>>)
      %dma_start3A_130 = arith.constant 0 : i32
      %dma_start3A_131 = arith.constant 0 : i32
      %dma_start3A_132 = arith.constant 0 : i32
      %dma_start3A_133 = tpu.memref_slice %arg8[%dma_start3A_131, %dma_start3A_132] : memref<160x128xf32, #tpu.memory_space<vmem>> -> memref<80x128xf32, #tpu.memory_space<vmem>>
      %dma_start3A_134 = arith.constant 0 : i32
      %dma_start3A_135 = tpu.memref_slice %arg7[%mul3A_117, %dma_start3A_130, %dma_start3A_134] : memref<20x2x80xi32, #tpu.memory_space<vmem>> -> memref<1x1x80xi32, #tpu.memory_space<vmem>>
      %dma_start3A_136 = tpu.memref_squeeze %dma_start3A_135 : memref<1x1x80xi32, #tpu.memory_space<vmem>> -> memref<80xi32, #tpu.memory_space<vmem>>
      %dma_start3A_137 = arith.constant 0 : i32
      %dma_start3A_138 = arith.constant 0 : i32
      %dma_start3A_139 = tpu.memref_slice %arg6[%dma_start3A_137, %dma_start3A_138] : memref<10000x128xf32, #tpu.memory_space<vmem_shared>> -> memref<10000x128xf32, #tpu.memory_space<vmem_shared>>
      tpu.enqueue_indirect_dma source(%dma_start3A_133 : memref<80x128xf32, #tpu.memory_space<vmem>>) target(%dma_start3A_139 : memref<10000x128xf32, #tpu.memory_space<vmem_shared>>) offsets(%dma_start3A_136 : memref<80xi32, #tpu.memory_space<vmem>>) semaphore(%arg14 : memref<!tpu.dma_semaphore, #tpu.memory_space<semaphore_mem>>) {add = true}
      %dma_start3A_140 = arith.constant 1 : i32
      %dma_start3A_141 = arith.constant 80 : i32
      %dma_start3A_142 = arith.constant 0 : i32
      %dma_start3A_143 = tpu.memref_slice %arg8[%dma_start3A_141, %dma_start3A_142] : memref<160x128xf32, #tpu.memory_space<vmem>> -> memref<80x128xf32, #tpu.memory_space<vmem>>
      %dma_start3A_144 = arith.constant 0 : i32
      %dma_start3A_145 = tpu.memref_slice %arg7[%mul3A_117, %dma_start3A_140, %dma_start3A_144] : memref<20x2x80xi32, #tpu.memory_space<vmem>> -> memref<1x1x80xi32, #tpu.memory_space<vmem>>
      %dma_start3A_146 = tpu.memref_squeeze %dma_start3A_145 : memref<1x1x80xi32, #tpu.memory_space<vmem>> -> memref<80xi32, #tpu.memory_space<vmem>>
      %dma_start3A_147 = arith.constant 0 : i32
      %dma_start3A_148 = arith.constant 0 : i32
      %dma_start3A_149 = tpu.memref_slice %arg6[%dma_start3A_147, %dma_start3A_148] : memref<10000x128xf32, #tpu.memory_space<vmem_shared>> -> memref<10000x128xf32, #tpu.memory_space<vmem_shared>>
      tpu.enqueue_indirect_dma source(%dma_start3A_143 : memref<80x128xf32, #tpu.memory_space<vmem>>) target(%dma_start3A_149 : memref<10000x128xf32, #tpu.memory_space<vmem_shared>>) offsets(%dma_start3A_146 : memref<80xi32, #tpu.memory_space<vmem>>) semaphore(%arg14 : memref<!tpu.dma_semaphore, #tpu.memory_space<semaphore_mem>>) {add = true}
      %dma_wait3A_150 = arith.constant 0 : i32
      %dma_wait3A_151 = arith.constant 0 : i32
      %dma_wait3A_152 = arith.constant 0 : i32
      %dma_wait3A_153 = tpu.memref_slice %arg8[%dma_wait3A_151, %dma_wait3A_152] : memref<160x128xf32, #tpu.memory_space<vmem>> -> memref<80x128xf32, #tpu.memory_space<vmem>>
      %dma_wait3A_154 = arith.constant 0 : i32
      %dma_wait3A_155 = tpu.memref_slice %arg7[%mul3A_117, %dma_wait3A_150, %dma_wait3A_154] : memref<20x2x80xi32, #tpu.memory_space<vmem>> -> memref<1x1x80xi32, #tpu.memory_space<vmem>>
      %dma_wait3A_156 = tpu.memref_squeeze %dma_wait3A_155 : memref<1x1x80xi32, #tpu.memory_space<vmem>> -> memref<80xi32, #tpu.memory_space<vmem>>
      %dma_wait3A_157 = arith.constant 0 : i32
      %dma_wait3A_158 = arith.constant 0 : i32
      %dma_wait3A_159 = tpu.memref_slice %arg6[%dma_wait3A_157, %dma_wait3A_158] : memref<10000x128xf32, #tpu.memory_space<vmem_shared>> -> memref<10000x128xf32, #tpu.memory_space<vmem_shared>>
      tpu.wait_indirect_dma semaphore(%arg14 : memref<!tpu.dma_semaphore, #tpu.memory_space<semaphore_mem>>) src(%dma_wait3A_153 : memref<80x128xf32, #tpu.memory_space<vmem>>) dst(%dma_wait3A_159 : memref<10000x128xf32, #tpu.memory_space<vmem_shared>>)
      %dma_wait3A_160 = arith.constant 1 : i32
      %dma_wait3A_161 = arith.constant 80 : i32
      %dma_wait3A_162 = arith.constant 0 : i32
      %dma_wait3A_163 = tpu.memref_slice %arg8[%dma_wait3A_161, %dma_wait3A_162] : memref<160x128xf32, #tpu.memory_space<vmem>> -> memref<80x128xf32, #tpu.memory_space<vmem>>
      %dma_wait3A_164 = arith.constant 0 : i32
      %dma_wait3A_165 = tpu.memref_slice %arg7[%mul3A_117, %dma_wait3A_160, %dma_wait3A_164] : memref<20x2x80xi32, #tpu.memory_space<vmem>> -> memref<1x1x80xi32, #tpu.memory_space<vmem>>
      %dma_wait3A_166 = tpu.memref_squeeze %dma_wait3A_165 : memref<1x1x80xi32, #tpu.memory_space<vmem>> -> memref<80xi32, #tpu.memory_space<vmem>>
      %dma_wait3A_167 = arith.constant 0 : i32
      %dma_wait3A_168 = arith.constant 0 : i32
      %dma_wait3A_169 = tpu.memref_slice %arg6[%dma_wait3A_167, %dma_wait3A_168] : memref<10000x128xf32, #tpu.memory_space<vmem_shared>> -> memref<10000x128xf32, #tpu.memory_space<vmem_shared>>
      tpu.wait_indirect_dma semaphore(%arg14 : memref<!tpu.dma_semaphore, #tpu.memory_space<semaphore_mem>>) src(%dma_wait3A_163 : memref<80x128xf32, #tpu.memory_space<vmem>>) dst(%dma_wait3A_169 : memref<10000x128xf32, #tpu.memory_space<vmem_shared>>)
      %add3A_170 = arith.constant 2 : i32
      %add3A_171 = arith.addi %mul3A_117, %add3A_170 : i32
      %lt3A = arith.constant 20 : i32
      %lt3A_172 = arith.cmpi slt, %add3A_171, %lt3A : i32
      %convert_element_type3A_173 = arith.extui %lt3A_172 : i1 to i32
      %cond3A_174 = arith.constant 0 : i32
      %cond3A_175 = arith.cmpi ne, %convert_element_type3A_173, %cond3A_174 : i32
      scf.if %cond3A_175 {
        %add3A_225 = arith.constant 2 : i32
        %add3A_226 = arith.addi %mul3A_117, %add3A_225 : i32
        %mul3A_227 = arith.constant 160 : i32
        %mul3A_228 = arith.muli %add3A_226, %mul3A_227 : i32
        %add3A_229 = arith.addi %mul3A_0, %mul3A_228 : i32
        %dma_start3A_230 = tpu.memref_slice %arg2[%add3A_229, %mul3A_14] : memref<51200x512xf32, #tpu.memory_space<hbm>> -> memref<160x128xf32, #tpu.memory_space<hbm>>
        %dma_start3A_231 = tpu.memref_slice %arg2[%add3A_229, %mul3A_14] : memref<51200x512xf32, #tpu.memory_space<hbm>> -> memref<160x128xf32, #tpu.memory_space<hbm>>
        tpu.enqueue_dma source(%dma_start3A_231 : memref<160x128xf32, #tpu.memory_space<hbm>>) target(%arg8 : memref<160x128xf32, #tpu.memory_space<vmem>>) target_semaphore(%arg12 : memref<!tpu.dma_semaphore, #tpu.memory_space<semaphore_mem>>)
      } else {
      }
      %add3A_176 = arith.constant 1 : i32
      %add3A_177 = arith.addi %mul3A_117, %add3A_176 : i32
      %mul3A_178 = arith.constant 160 : i32
      %mul3A_179 = arith.muli %add3A_177, %mul3A_178 : i32
      %add3A_180 = arith.addi %mul3A_0, %mul3A_179 : i32
      %dma_wait3A_181 = tpu.memref_slice %arg2[%add3A_180, %mul3A_14] : memref<51200x512xf32, #tpu.memory_space<hbm>> -> memref<160x128xf32, #tpu.memory_space<hbm>>
      %dma_wait3A_182 = tpu.memref_slice %arg2[%add3A_180, %mul3A_14] : memref<51200x512xf32, #tpu.memory_space<hbm>> -> memref<160x128xf32, #tpu.memory_space<hbm>>
      tpu.wait_dma2 semaphore(%arg13 : memref<!tpu.dma_semaphore, #tpu.memory_space<semaphore_mem>>) src(%dma_wait3A_182 : memref<160x128xf32, #tpu.memory_space<hbm>>) dst(%arg9 : memref<160x128xf32, #tpu.memory_space<vmem>>)
      %add3A_183 = arith.constant 1 : i32
      %add3A_184 = arith.addi %mul3A_117, %add3A_183 : i32
      %dma_start3A_185 = arith.constant 0 : i32
      %dma_start3A_186 = arith.constant 0 : i32
      %dma_start3A_187 = arith.constant 0 : i32
      %dma_start3A_188 = tpu.memref_slice %arg9[%dma_start3A_186, %dma_start3A_187] : memref<160x128xf32, #tpu.memory_space<vmem>> -> memref<80x128xf32, #tpu.memory_space<vmem>>
      %dma_start3A_189 = arith.constant 0 : i32
      %dma_start3A_190 = tpu.memref_slice %arg7[%add3A_184, %dma_start3A_185, %dma_start3A_189] : memref<20x2x80xi32, #tpu.memory_space<vmem>> -> memref<1x1x80xi32, #tpu.memory_space<vmem>>
      %dma_start3A_191 = tpu.memref_squeeze %dma_start3A_190 : memref<1x1x80xi32, #tpu.memory_space<vmem>> -> memref<80xi32, #tpu.memory_space<vmem>>
      %dma_start3A_192 = arith.constant 0 : i32
      %dma_start3A_193 = arith.constant 0 : i32
      %dma_start3A_194 = tpu.memref_slice %arg6[%dma_start3A_192, %dma_start3A_193] : memref<10000x128xf32, #tpu.memory_space<vmem_shared>> -> memref<10000x128xf32, #tpu.memory_space<vmem_shared>>
      tpu.enqueue_indirect_dma source(%dma_start3A_188 : memref<80x128xf32, #tpu.memory_space<vmem>>) target(%dma_start3A_194 : memref<10000x128xf32, #tpu.memory_space<vmem_shared>>) offsets(%dma_start3A_191 : memref<80xi32, #tpu.memory_space<vmem>>) semaphore(%arg14 : memref<!tpu.dma_semaphore, #tpu.memory_space<semaphore_mem>>) {add = true}
      %dma_start3A_195 = arith.constant 1 : i32
      %dma_start3A_196 = arith.constant 80 : i32
      %dma_start3A_197 = arith.constant 0 : i32
      %dma_start3A_198 = tpu.memref_slice %arg9[%dma_start3A_196, %dma_start3A_197] : memref<160x128xf32, #tpu.memory_space<vmem>> -> memref<80x128xf32, #tpu.memory_space<vmem>>
      %dma_start3A_199 = arith.constant 0 : i32
      %dma_start3A_200 = tpu.memref_slice %arg7[%add3A_184, %dma_start3A_195, %dma_start3A_199] : memref<20x2x80xi32, #tpu.memory_space<vmem>> -> memref<1x1x80xi32, #tpu.memory_space<vmem>>
      %dma_start3A_201 = tpu.memref_squeeze %dma_start3A_200 : memref<1x1x80xi32, #tpu.memory_space<vmem>> -> memref<80xi32, #tpu.memory_space<vmem>>
      %dma_start3A_202 = arith.constant 0 : i32
      %dma_start3A_203 = arith.constant 0 : i32
      %dma_start3A_204 = tpu.memref_slice %arg6[%dma_start3A_202, %dma_start3A_203] : memref<10000x128xf32, #tpu.memory_space<vmem_shared>> -> memref<10000x128xf32, #tpu.memory_space<vmem_shared>>
      tpu.enqueue_indirect_dma source(%dma_start3A_198 : memref<80x128xf32, #tpu.memory_space<vmem>>) target(%dma_start3A_204 : memref<10000x128xf32, #tpu.memory_space<vmem_shared>>) offsets(%dma_start3A_201 : memref<80xi32, #tpu.memory_space<vmem>>) semaphore(%arg14 : memref<!tpu.dma_semaphore, #tpu.memory_space<semaphore_mem>>) {add = true}
      %dma_wait3A_205 = arith.constant 0 : i32
      %dma_wait3A_206 = arith.constant 0 : i32
      %dma_wait3A_207 = arith.constant 0 : i32
      %dma_wait3A_208 = tpu.memref_slice %arg9[%dma_wait3A_206, %dma_wait3A_207] : memref<160x128xf32, #tpu.memory_space<vmem>> -> memref<80x128xf32, #tpu.memory_space<vmem>>
      %dma_wait3A_209 = arith.constant 0 : i32
      %dma_wait3A_210 = tpu.memref_slice %arg7[%add3A_184, %dma_wait3A_205, %dma_wait3A_209] : memref<20x2x80xi32, #tpu.memory_space<vmem>> -> memref<1x1x80xi32, #tpu.memory_space<vmem>>
      %dma_wait3A_211 = tpu.memref_squeeze %dma_wait3A_210 : memref<1x1x80xi32, #tpu.memory_space<vmem>> -> memref<80xi32, #tpu.memory_space<vmem>>
      %dma_wait3A_212 = arith.constant 0 : i32
      %dma_wait3A_213 = arith.constant 0 : i32
      %dma_wait3A_214 = tpu.memref_slice %arg6[%dma_wait3A_212, %dma_wait3A_213] : memref<10000x128xf32, #tpu.memory_space<vmem_shared>> -> memref<10000x128xf32, #tpu.memory_space<vmem_shared>>
      tpu.wait_indirect_dma semaphore(%arg14 : memref<!tpu.dma_semaphore, #tpu.memory_space<semaphore_mem>>) src(%dma_wait3A_208 : memref<80x128xf32, #tpu.memory_space<vmem>>) dst(%dma_wait3A_214 : memref<10000x128xf32, #tpu.memory_space<vmem_shared>>)
      %dma_wait3A_215 = arith.constant 1 : i32
      %dma_wait3A_216 = arith.constant 80 : i32
      %dma_wait3A_217 = arith.constant 0 : i32
      %dma_wait3A_218 = tpu.memref_slice %arg9[%dma_wait3A_216, %dma_wait3A_217] : memref<160x128xf32, #tpu.memory_space<vmem>> -> memref<80x128xf32, #tpu.memory_space<vmem>>
      %dma_wait3A_219 = arith.constant 0 : i32
      %dma_wait3A_220 = tpu.memref_slice %arg7[%add3A_184, %dma_wait3A_215, %dma_wait3A_219] : memref<20x2x80xi32, #tpu.memory_space<vmem>> -> memref<1x1x80xi32, #tpu.memory_space<vmem>>
      %dma_wait3A_221 = tpu.memref_squeeze %dma_wait3A_220 : memref<1x1x80xi32, #tpu.memory_space<vmem>> -> memref<80xi32, #tpu.memory_space<vmem>>
      %dma_wait3A_222 = arith.constant 0 : i32
      %dma_wait3A_223 = arith.constant 0 : i32
      %dma_wait3A_224 = tpu.memref_slice %arg6[%dma_wait3A_222, %dma_wait3A_223] : memref<10000x128xf32, #tpu.memory_space<vmem_shared>> -> memref<10000x128xf32, #tpu.memory_space<vmem_shared>>
      tpu.wait_indirect_dma semaphore(%arg14 : memref<!tpu.dma_semaphore, #tpu.memory_space<semaphore_mem>>) src(%dma_wait3A_218 : memref<80x128xf32, #tpu.memory_space<vmem>>) dst(%dma_wait3A_224 : memref<10000x128xf32, #tpu.memory_space<vmem_shared>>)
    }
    %scan3A_53 = arith.constant 10 : i32
    %barrier3A_54 = arith.constant 0 : index
    tpu.barrier barrier_id(%barrier3A_54)
    %mul3A_55 = arith.constant 624 : i32
    %mul3A_56 = arith.muli %arg1, %mul3A_55 : i32
    %mul3A_57 = arith.constant 624 : i32
    %mul3A_58 = arith.muli %arg1, %mul3A_57 : i32
    "tpu.region"() ({
      %run_scoped3A = tpu.sem_alloc : memref<!tpu.dma_semaphore, #tpu.memory_space<semaphore_mem>>
      %dma_start3A_115 = tpu.memref_slice %arg5[%mul3A_58, %mul3A_14] : memref<10000x512xf32, #tpu.memory_space<hbm>> -> memref<624x128xf32, #tpu.memory_space<hbm>>
      %dma_start3A_116 = arith.constant 0 : i32
      %dma_start3A_117 = tpu.memref_slice %arg6[%mul3A_56, %dma_start3A_116] : memref<10000x128xf32, #tpu.memory_space<vmem_shared>> -> memref<624x128xf32, #tpu.memory_space<vmem_shared>>
      tpu.enqueue_dma source(%dma_start3A_117 : memref<624x128xf32, #tpu.memory_space<vmem_shared>>) target(%dma_start3A_115 : memref<624x128xf32, #tpu.memory_space<hbm>>) target_semaphore(%run_scoped3A : memref<!tpu.dma_semaphore, #tpu.memory_space<semaphore_mem>>)
      %dma_wait3A_118 = tpu.memref_slice %arg5[%mul3A_58, %mul3A_14] : memref<10000x512xf32, #tpu.memory_space<hbm>> -> memref<624x128xf32, #tpu.memory_space<hbm>>
      %dma_wait3A_119 = arith.constant 0 : i32
      %dma_wait3A_120 = tpu.memref_slice %arg6[%mul3A_56, %dma_wait3A_119] : memref<10000x128xf32, #tpu.memory_space<vmem_shared>> -> memref<624x128xf32, #tpu.memory_space<vmem_shared>>
      tpu.wait_dma2 semaphore(%run_scoped3A : memref<!tpu.dma_semaphore, #tpu.memory_space<semaphore_mem>>) src(%dma_wait3A_120 : memref<624x128xf32, #tpu.memory_space<vmem_shared>>) dst(%dma_wait3A_118 : memref<624x128xf32, #tpu.memory_space<hbm>>)
      tpu.yield
    }) : () -> ()
    %eq3A_59 = arith.constant 15 : i32
    %eq3A_60 = arith.cmpi eq, %arg1, %eq3A_59 : i32
    %convert_element_type3A_61 = arith.extui %eq3A_60 : i1 to i32
    %cond3A_62 = arith.constant 0 : i32
    %cond3A_63 = arith.cmpi ne, %convert_element_type3A_61, %cond3A_62 : i32
    scf.if %cond3A_63 {
      "tpu.region"() ({
        %run_scoped3A = tpu.sem_alloc : memref<!tpu.dma_semaphore, #tpu.memory_space<semaphore_mem>>
        %dma_start3A_115 = arith.constant 9984 : i32
        %dma_start3A_116 = tpu.memref_slice %arg5[%dma_start3A_115, %mul3A_14] : memref<10000x512xf32, #tpu.memory_space<hbm>> -> memref<16x128xf32, #tpu.memory_space<hbm>>
        %dma_start3A_117 = arith.constant 9984 : i32
        %dma_start3A_118 = arith.constant 0 : i32
        %dma_start3A_119 = tpu.memref_slice %arg6[%dma_start3A_117, %dma_start3A_118] : memref<10000x128xf32, #tpu.memory_space<vmem_shared>> -> memref<16x128xf32, #tpu.memory_space<vmem_shared>>
        tpu.enqueue_dma source(%dma_start3A_119 : memref<16x128xf32, #tpu.memory_space<vmem_shared>>) target(%dma_start3A_116 : memref<16x128xf32, #tpu.memory_space<hbm>>) target_semaphore(%run_scoped3A : memref<!tpu.dma_semaphore, #tpu.memory_space<semaphore_mem>>)
        %dma_wait3A_120 = arith.constant 9984 : i32
        %dma_wait3A_121 = tpu.memref_slice %arg5[%dma_wait3A_120, %mul3A_14] : memref<10000x512xf32, #tpu.memory_space<hbm>> -> memref<16x128xf32, #tpu.memory_space<hbm>>
        %dma_wait3A_122 = arith.constant 9984 : i32
        %dma_wait3A_123 = arith.constant 0 : i32
        %dma_wait3A_124 = tpu.memref_slice %arg6[%dma_wait3A_122, %dma_wait3A_123] : memref<10000x128xf32, #tpu.memory_space<vmem_shared>> -> memref<16x128xf32, #tpu.memory_space<vmem_shared>>
        tpu.wait_dma2 semaphore(%run_scoped3A : memref<!tpu.dma_semaphore, #tpu.memory_space<semaphore_mem>>) src(%dma_wait3A_124 : memref<16x128xf32, #tpu.memory_space<vmem_shared>>) dst(%dma_wait3A_121 : memref<16x128xf32, #tpu.memory_space<hbm>>)
        tpu.yield
      }) : () -> ()
    } else {
    }
    %mul3A_64 = arith.constant 2 : i32
    %mul3A_65 = arith.muli %arg0, %mul3A_64 : i32
    %add3A_66 = arith.constant 1 : i32
    %add3A_67 = arith.addi %mul3A_65, %add3A_66 : i32
    %mul3A_68 = arith.constant 128 : i32
    %mul3A_69 = arith.muli %add3A_67, %mul3A_68 : i32
    %mul3A_70 = arith.constant 624 : i32
    %mul3A_71 = arith.muli %arg1, %mul3A_70 : i32
    %mul3A_72 = arith.constant 624 : i32
    %mul3A_73 = arith.muli %arg1, %mul3A_72 : i32
    %dma_start3A_74 = arith.constant 0 : i32
    %dma_start3A_75 = tpu.memref_slice %arg6[%mul3A_73, %dma_start3A_74] : memref<10000x128xf32, #tpu.memory_space<vmem_shared>> -> memref<624x128xf32, #tpu.memory_space<vmem_shared>>
    %dma_start3A_76 = tpu.memref_slice %arg4[%mul3A_71, %mul3A_69] : memref<10000x512xf32, #tpu.memory_space<hbm>> -> memref<624x128xf32, #tpu.memory_space<hbm>>
    tpu.enqueue_dma source(%dma_start3A_76 : memref<624x128xf32, #tpu.memory_space<hbm>>) target(%dma_start3A_75 : memref<624x128xf32, #tpu.memory_space<vmem_shared>>) target_semaphore(%arg11 : memref<!tpu.dma_semaphore, #tpu.memory_space<semaphore_mem>>)
    %eq3A_77 = arith.constant 15 : i32
    %eq3A_78 = arith.cmpi eq, %arg1, %eq3A_77 : i32
    %convert_element_type3A_79 = arith.extui %eq3A_78 : i1 to i32
    %cond3A_80 = arith.constant 0 : i32
    %cond3A_81 = arith.cmpi ne, %convert_element_type3A_79, %cond3A_80 : i32
    scf.if %cond3A_81 {
      %dma_start3A_115 = arith.constant 9984 : i32
      %dma_start3A_116 = arith.constant 0 : i32
      %dma_start3A_117 = tpu.memref_slice %arg6[%dma_start3A_115, %dma_start3A_116] : memref<10000x128xf32, #tpu.memory_space<vmem_shared>> -> memref<16x128xf32, #tpu.memory_space<vmem_shared>>
      %dma_start3A_118 = arith.constant 9984 : i32
      %dma_start3A_119 = tpu.memref_slice %arg4[%dma_start3A_118, %mul3A_69] : memref<10000x512xf32, #tpu.memory_space<hbm>> -> memref<16x128xf32, #tpu.memory_space<hbm>>
      tpu.enqueue_dma source(%dma_start3A_119 : memref<16x128xf32, #tpu.memory_space<hbm>>) target(%dma_start3A_117 : memref<16x128xf32, #tpu.memory_space<vmem_shared>>) target_semaphore(%arg11 : memref<!tpu.dma_semaphore, #tpu.memory_space<semaphore_mem>>)
    } else {
    }
    %add3A_82 = arith.constant 0 : i32
    %add3A_83 = arith.addi %mul3A_0, %add3A_82 : i32
    %dma_start3A_84 = tpu.memref_slice %arg2[%add3A_83, %mul3A_69] : memref<51200x512xf32, #tpu.memory_space<hbm>> -> memref<160x128xf32, #tpu.memory_space<hbm>>
    %dma_start3A_85 = tpu.memref_slice %arg2[%add3A_83, %mul3A_69] : memref<51200x512xf32, #tpu.memory_space<hbm>> -> memref<160x128xf32, #tpu.memory_space<hbm>>
    tpu.enqueue_dma source(%dma_start3A_85 : memref<160x128xf32, #tpu.memory_space<hbm>>) target(%arg8 : memref<160x128xf32, #tpu.memory_space<vmem>>) target_semaphore(%arg12 : memref<!tpu.dma_semaphore, #tpu.memory_space<semaphore_mem>>)
    %mul3A_86 = arith.constant 624 : i32
    %mul3A_87 = arith.muli %arg1, %mul3A_86 : i32
    %mul3A_88 = arith.constant 624 : i32
    %mul3A_89 = arith.muli %arg1, %mul3A_88 : i32
    %dma_wait3A_90 = arith.constant 0 : i32
    %dma_wait3A_91 = tpu.memref_slice %arg6[%mul3A_89, %dma_wait3A_90] : memref<10000x128xf32, #tpu.memory_space<vmem_shared>> -> memref<624x128xf32, #tpu.memory_space<vmem_shared>>
    %dma_wait3A_92 = tpu.memref_slice %arg4[%mul3A_87, %mul3A_69] : memref<10000x512xf32, #tpu.memory_space<hbm>> -> memref<624x128xf32, #tpu.memory_space<hbm>>
    tpu.wait_dma2 semaphore(%arg11 : memref<!tpu.dma_semaphore, #tpu.memory_space<semaphore_mem>>) src(%dma_wait3A_92 : memref<624x128xf32, #tpu.memory_space<hbm>>) dst(%dma_wait3A_91 : memref<624x128xf32, #tpu.memory_space<vmem_shared>>)
    %eq3A_93 = arith.constant 15 : i32
    %eq3A_94 = arith.cmpi eq, %arg1, %eq3A_93 : i32
    %convert_element_type3A_95 = arith.extui %eq3A_94 : i1 to i32
    %cond3A_96 = arith.constant 0 : i32
    %cond3A_97 = arith.cmpi ne, %convert_element_type3A_95, %cond3A_96 : i32
    scf.if %cond3A_97 {
      %dma_wait3A_115 = arith.constant 9984 : i32
      %dma_wait3A_116 = arith.constant 0 : i32
      %dma_wait3A_117 = tpu.memref_slice %arg6[%dma_wait3A_115, %dma_wait3A_116] : memref<10000x128xf32, #tpu.memory_space<vmem_shared>> -> memref<16x128xf32, #tpu.memory_space<vmem_shared>>
      %dma_wait3A_118 = arith.constant 9984 : i32
      %dma_wait3A_119 = tpu.memref_slice %arg4[%dma_wait3A_118, %mul3A_69] : memref<10000x512xf32, #tpu.memory_space<hbm>> -> memref<16x128xf32, #tpu.memory_space<hbm>>
      tpu.wait_dma2 semaphore(%arg11 : memref<!tpu.dma_semaphore, #tpu.memory_space<semaphore_mem>>) src(%dma_wait3A_119 : memref<16x128xf32, #tpu.memory_space<hbm>>) dst(%dma_wait3A_117 : memref<16x128xf32, #tpu.memory_space<vmem_shared>>)
    } else {
    }
    %barrier3A_98 = arith.constant 0 : index
    tpu.barrier barrier_id(%barrier3A_98)
    %scan3A_99 = arith.constant 0 : i32
    %scan3A_100 = arith.constant 0 : i32
    %scan3A_101 = arith.constant 10 : i32
    %scan3A_102 = arith.addi %scan3A_100, %scan3A_101 : i32
    %scan3A_103 = arith.constant 1 : i32
    scf.for %scan3A_115 = %scan3A_100 to %scan3A_102 step %scan3A_103  : i32 {
      %mul3A_116 = arith.constant 2 : i32
      %mul3A_117 = arith.muli %scan3A_115, %mul3A_116 : i32
      %add3A_118 = arith.constant 1 : i32
      %add3A_119 = arith.addi %mul3A_117, %add3A_118 : i32
      %mul3A_120 = arith.constant 160 : i32
      %mul3A_121 = arith.muli %add3A_119, %mul3A_120 : i32
      %add3A_122 = arith.addi %mul3A_0, %mul3A_121 : i32
      %dma_start3A_123 = tpu.memref_slice %arg2[%add3A_122, %mul3A_69] : memref<51200x512xf32, #tpu.memory_space<hbm>> -> memref<160x128xf32, #tpu.memory_space<hbm>>
      %dma_start3A_124 = tpu.memref_slice %arg2[%add3A_122, %mul3A_69] : memref<51200x512xf32, #tpu.memory_space<hbm>> -> memref<160x128xf32, #tpu.memory_space<hbm>>
      tpu.enqueue_dma source(%dma_start3A_124 : memref<160x128xf32, #tpu.memory_space<hbm>>) target(%arg9 : memref<160x128xf32, #tpu.memory_space<vmem>>) target_semaphore(%arg13 : memref<!tpu.dma_semaphore, #tpu.memory_space<semaphore_mem>>)
      %mul3A_125 = arith.constant 160 : i32
      %mul3A_126 = arith.muli %mul3A_117, %mul3A_125 : i32
      %add3A_127 = arith.addi %mul3A_0, %mul3A_126 : i32
      %dma_wait3A_128 = tpu.memref_slice %arg2[%add3A_127, %mul3A_69] : memref<51200x512xf32, #tpu.memory_space<hbm>> -> memref<160x128xf32, #tpu.memory_space<hbm>>
      %dma_wait3A_129 = tpu.memref_slice %arg2[%add3A_127, %mul3A_69] : memref<51200x512xf32, #tpu.memory_space<hbm>> -> memref<160x128xf32, #tpu.memory_space<hbm>>
      tpu.wait_dma2 semaphore(%arg12 : memref<!tpu.dma_semaphore, #tpu.memory_space<semaphore_mem>>) src(%dma_wait3A_129 : memref<160x128xf32, #tpu.memory_space<hbm>>) dst(%arg8 : memref<160x128xf32, #tpu.memory_space<vmem>>)
      %dma_start3A_130 = arith.constant 0 : i32
      %dma_start3A_131 = arith.constant 0 : i32
      %dma_start3A_132 = arith.constant 0 : i32
      %dma_start3A_133 = tpu.memref_slice %arg8[%dma_start3A_131, %dma_start3A_132] : memref<160x128xf32, #tpu.memory_space<vmem>> -> memref<80x128xf32, #tpu.memory_space<vmem>>
      %dma_start3A_134 = arith.constant 0 : i32
      %dma_start3A_135 = tpu.memref_slice %arg7[%mul3A_117, %dma_start3A_130, %dma_start3A_134] : memref<20x2x80xi32, #tpu.memory_space<vmem>> -> memref<1x1x80xi32, #tpu.memory_space<vmem>>
      %dma_start3A_136 = tpu.memref_squeeze %dma_start3A_135 : memref<1x1x80xi32, #tpu.memory_space<vmem>> -> memref<80xi32, #tpu.memory_space<vmem>>
      %dma_start3A_137 = arith.constant 0 : i32
      %dma_start3A_138 = arith.constant 0 : i32
      %dma_start3A_139 = tpu.memref_slice %arg6[%dma_start3A_137, %dma_start3A_138] : memref<10000x128xf32, #tpu.memory_space<vmem_shared>> -> memref<10000x128xf32, #tpu.memory_space<vmem_shared>>
      tpu.enqueue_indirect_dma source(%dma_start3A_133 : memref<80x128xf32, #tpu.memory_space<vmem>>) target(%dma_start3A_139 : memref<10000x128xf32, #tpu.memory_space<vmem_shared>>) offsets(%dma_start3A_136 : memref<80xi32, #tpu.memory_space<vmem>>) semaphore(%arg14 : memref<!tpu.dma_semaphore, #tpu.memory_space<semaphore_mem>>) {add = true}
      %dma_start3A_140 = arith.constant 1 : i32
      %dma_start3A_141 = arith.constant 80 : i32
      %dma_start3A_142 = arith.constant 0 : i32
      %dma_start3A_143 = tpu.memref_slice %arg8[%dma_start3A_141, %dma_start3A_142] : memref<160x128xf32, #tpu.memory_space<vmem>> -> memref<80x128xf32, #tpu.memory_space<vmem>>
      %dma_start3A_144 = arith.constant 0 : i32
      %dma_start3A_145 = tpu.memref_slice %arg7[%mul3A_117, %dma_start3A_140, %dma_start3A_144] : memref<20x2x80xi32, #tpu.memory_space<vmem>> -> memref<1x1x80xi32, #tpu.memory_space<vmem>>
      %dma_start3A_146 = tpu.memref_squeeze %dma_start3A_145 : memref<1x1x80xi32, #tpu.memory_space<vmem>> -> memref<80xi32, #tpu.memory_space<vmem>>
      %dma_start3A_147 = arith.constant 0 : i32
      %dma_start3A_148 = arith.constant 0 : i32
      %dma_start3A_149 = tpu.memref_slice %arg6[%dma_start3A_147, %dma_start3A_148] : memref<10000x128xf32, #tpu.memory_space<vmem_shared>> -> memref<10000x128xf32, #tpu.memory_space<vmem_shared>>
      tpu.enqueue_indirect_dma source(%dma_start3A_143 : memref<80x128xf32, #tpu.memory_space<vmem>>) target(%dma_start3A_149 : memref<10000x128xf32, #tpu.memory_space<vmem_shared>>) offsets(%dma_start3A_146 : memref<80xi32, #tpu.memory_space<vmem>>) semaphore(%arg14 : memref<!tpu.dma_semaphore, #tpu.memory_space<semaphore_mem>>) {add = true}
      %dma_wait3A_150 = arith.constant 0 : i32
      %dma_wait3A_151 = arith.constant 0 : i32
      %dma_wait3A_152 = arith.constant 0 : i32
      %dma_wait3A_153 = tpu.memref_slice %arg8[%dma_wait3A_151, %dma_wait3A_152] : memref<160x128xf32, #tpu.memory_space<vmem>> -> memref<80x128xf32, #tpu.memory_space<vmem>>
      %dma_wait3A_154 = arith.constant 0 : i32
      %dma_wait3A_155 = tpu.memref_slice %arg7[%mul3A_117, %dma_wait3A_150, %dma_wait3A_154] : memref<20x2x80xi32, #tpu.memory_space<vmem>> -> memref<1x1x80xi32, #tpu.memory_space<vmem>>
      %dma_wait3A_156 = tpu.memref_squeeze %dma_wait3A_155 : memref<1x1x80xi32, #tpu.memory_space<vmem>> -> memref<80xi32, #tpu.memory_space<vmem>>
      %dma_wait3A_157 = arith.constant 0 : i32
      %dma_wait3A_158 = arith.constant 0 : i32
      %dma_wait3A_159 = tpu.memref_slice %arg6[%dma_wait3A_157, %dma_wait3A_158] : memref<10000x128xf32, #tpu.memory_space<vmem_shared>> -> memref<10000x128xf32, #tpu.memory_space<vmem_shared>>
      tpu.wait_indirect_dma semaphore(%arg14 : memref<!tpu.dma_semaphore, #tpu.memory_space<semaphore_mem>>) src(%dma_wait3A_153 : memref<80x128xf32, #tpu.memory_space<vmem>>) dst(%dma_wait3A_159 : memref<10000x128xf32, #tpu.memory_space<vmem_shared>>)
      %dma_wait3A_160 = arith.constant 1 : i32
      %dma_wait3A_161 = arith.constant 80 : i32
      %dma_wait3A_162 = arith.constant 0 : i32
      %dma_wait3A_163 = tpu.memref_slice %arg8[%dma_wait3A_161, %dma_wait3A_162] : memref<160x128xf32, #tpu.memory_space<vmem>> -> memref<80x128xf32, #tpu.memory_space<vmem>>
      %dma_wait3A_164 = arith.constant 0 : i32
      %dma_wait3A_165 = tpu.memref_slice %arg7[%mul3A_117, %dma_wait3A_160, %dma_wait3A_164] : memref<20x2x80xi32, #tpu.memory_space<vmem>> -> memref<1x1x80xi32, #tpu.memory_space<vmem>>
      %dma_wait3A_166 = tpu.memref_squeeze %dma_wait3A_165 : memref<1x1x80xi32, #tpu.memory_space<vmem>> -> memref<80xi32, #tpu.memory_space<vmem>>
      %dma_wait3A_167 = arith.constant 0 : i32
      %dma_wait3A_168 = arith.constant 0 : i32
      %dma_wait3A_169 = tpu.memref_slice %arg6[%dma_wait3A_167, %dma_wait3A_168] : memref<10000x128xf32, #tpu.memory_space<vmem_shared>> -> memref<10000x128xf32, #tpu.memory_space<vmem_shared>>
      tpu.wait_indirect_dma semaphore(%arg14 : memref<!tpu.dma_semaphore, #tpu.memory_space<semaphore_mem>>) src(%dma_wait3A_163 : memref<80x128xf32, #tpu.memory_space<vmem>>) dst(%dma_wait3A_169 : memref<10000x128xf32, #tpu.memory_space<vmem_shared>>)
      %add3A_170 = arith.constant 2 : i32
      %add3A_171 = arith.addi %mul3A_117, %add3A_170 : i32
      %lt3A = arith.constant 20 : i32
      %lt3A_172 = arith.cmpi slt, %add3A_171, %lt3A : i32
      %convert_element_type3A_173 = arith.extui %lt3A_172 : i1 to i32
      %cond3A_174 = arith.constant 0 : i32
      %cond3A_175 = arith.cmpi ne, %convert_element_type3A_173, %cond3A_174 : i32
      scf.if %cond3A_175 {
        %add3A_225 = arith.constant 2 : i32
        %add3A_226 = arith.addi %mul3A_117, %add3A_225 : i32
        %mul3A_227 = arith.constant 160 : i32
        %mul3A_228 = arith.muli %add3A_226, %mul3A_227 : i32
        %add3A_229 = arith.addi %mul3A_0, %mul3A_228 : i32
        %dma_start3A_230 = tpu.memref_slice %arg2[%add3A_229, %mul3A_69] : memref<51200x512xf32, #tpu.memory_space<hbm>> -> memref<160x128xf32, #tpu.memory_space<hbm>>
        %dma_start3A_231 = tpu.memref_slice %arg2[%add3A_229, %mul3A_69] : memref<51200x512xf32, #tpu.memory_space<hbm>> -> memref<160x128xf32, #tpu.memory_space<hbm>>
        tpu.enqueue_dma source(%dma_start3A_231 : memref<160x128xf32, #tpu.memory_space<hbm>>) target(%arg8 : memref<160x128xf32, #tpu.memory_space<vmem>>) target_semaphore(%arg12 : memref<!tpu.dma_semaphore, #tpu.memory_space<semaphore_mem>>)
      } else {
      }
      %add3A_176 = arith.constant 1 : i32
      %add3A_177 = arith.addi %mul3A_117, %add3A_176 : i32
      %mul3A_178 = arith.constant 160 : i32
      %mul3A_179 = arith.muli %add3A_177, %mul3A_178 : i32
      %add3A_180 = arith.addi %mul3A_0, %mul3A_179 : i32
      %dma_wait3A_181 = tpu.memref_slice %arg2[%add3A_180, %mul3A_69] : memref<51200x512xf32, #tpu.memory_space<hbm>> -> memref<160x128xf32, #tpu.memory_space<hbm>>
      %dma_wait3A_182 = tpu.memref_slice %arg2[%add3A_180, %mul3A_69] : memref<51200x512xf32, #tpu.memory_space<hbm>> -> memref<160x128xf32, #tpu.memory_space<hbm>>
      tpu.wait_dma2 semaphore(%arg13 : memref<!tpu.dma_semaphore, #tpu.memory_space<semaphore_mem>>) src(%dma_wait3A_182 : memref<160x128xf32, #tpu.memory_space<hbm>>) dst(%arg9 : memref<160x128xf32, #tpu.memory_space<vmem>>)
      %add3A_183 = arith.constant 1 : i32
      %add3A_184 = arith.addi %mul3A_117, %add3A_183 : i32
      %dma_start3A_185 = arith.constant 0 : i32
      %dma_start3A_186 = arith.constant 0 : i32
      %dma_start3A_187 = arith.constant 0 : i32
      %dma_start3A_188 = tpu.memref_slice %arg9[%dma_start3A_186, %dma_start3A_187] : memref<160x128xf32, #tpu.memory_space<vmem>> -> memref<80x128xf32, #tpu.memory_space<vmem>>
      %dma_start3A_189 = arith.constant 0 : i32
      %dma_start3A_190 = tpu.memref_slice %arg7[%add3A_184, %dma_start3A_185, %dma_start3A_189] : memref<20x2x80xi32, #tpu.memory_space<vmem>> -> memref<1x1x80xi32, #tpu.memory_space<vmem>>
      %dma_start3A_191 = tpu.memref_squeeze %dma_start3A_190 : memref<1x1x80xi32, #tpu.memory_space<vmem>> -> memref<80xi32, #tpu.memory_space<vmem>>
      %dma_start3A_192 = arith.constant 0 : i32
      %dma_start3A_193 = arith.constant 0 : i32
      %dma_start3A_194 = tpu.memref_slice %arg6[%dma_start3A_192, %dma_start3A_193] : memref<10000x128xf32, #tpu.memory_space<vmem_shared>> -> memref<10000x128xf32, #tpu.memory_space<vmem_shared>>
      tpu.enqueue_indirect_dma source(%dma_start3A_188 : memref<80x128xf32, #tpu.memory_space<vmem>>) target(%dma_start3A_194 : memref<10000x128xf32, #tpu.memory_space<vmem_shared>>) offsets(%dma_start3A_191 : memref<80xi32, #tpu.memory_space<vmem>>) semaphore(%arg14 : memref<!tpu.dma_semaphore, #tpu.memory_space<semaphore_mem>>) {add = true}
      %dma_start3A_195 = arith.constant 1 : i32
      %dma_start3A_196 = arith.constant 80 : i32
      %dma_start3A_197 = arith.constant 0 : i32
      %dma_start3A_198 = tpu.memref_slice %arg9[%dma_start3A_196, %dma_start3A_197] : memref<160x128xf32, #tpu.memory_space<vmem>> -> memref<80x128xf32, #tpu.memory_space<vmem>>
      %dma_start3A_199 = arith.constant 0 : i32
      %dma_start3A_200 = tpu.memref_slice %arg7[%add3A_184, %dma_start3A_195, %dma_start3A_199] : memref<20x2x80xi32, #tpu.memory_space<vmem>> -> memref<1x1x80xi32, #tpu.memory_space<vmem>>
      %dma_start3A_201 = tpu.memref_squeeze %dma_start3A_200 : memref<1x1x80xi32, #tpu.memory_space<vmem>> -> memref<80xi32, #tpu.memory_space<vmem>>
      %dma_start3A_202 = arith.constant 0 : i32
      %dma_start3A_203 = arith.constant 0 : i32
      %dma_start3A_204 = tpu.memref_slice %arg6[%dma_start3A_202, %dma_start3A_203] : memref<10000x128xf32, #tpu.memory_space<vmem_shared>> -> memref<10000x128xf32, #tpu.memory_space<vmem_shared>>
      tpu.enqueue_indirect_dma source(%dma_start3A_198 : memref<80x128xf32, #tpu.memory_space<vmem>>) target(%dma_start3A_204 : memref<10000x128xf32, #tpu.memory_space<vmem_shared>>) offsets(%dma_start3A_201 : memref<80xi32, #tpu.memory_space<vmem>>) semaphore(%arg14 : memref<!tpu.dma_semaphore, #tpu.memory_space<semaphore_mem>>) {add = true}
      %dma_wait3A_205 = arith.constant 0 : i32
      %dma_wait3A_206 = arith.constant 0 : i32
      %dma_wait3A_207 = arith.constant 0 : i32
      %dma_wait3A_208 = tpu.memref_slice %arg9[%dma_wait3A_206, %dma_wait3A_207] : memref<160x128xf32, #tpu.memory_space<vmem>> -> memref<80x128xf32, #tpu.memory_space<vmem>>
      %dma_wait3A_209 = arith.constant 0 : i32
      %dma_wait3A_210 = tpu.memref_slice %arg7[%add3A_184, %dma_wait3A_205, %dma_wait3A_209] : memref<20x2x80xi32, #tpu.memory_space<vmem>> -> memref<1x1x80xi32, #tpu.memory_space<vmem>>
      %dma_wait3A_211 = tpu.memref_squeeze %dma_wait3A_210 : memref<1x1x80xi32, #tpu.memory_space<vmem>> -> memref<80xi32, #tpu.memory_space<vmem>>
      %dma_wait3A_212 = arith.constant 0 : i32
      %dma_wait3A_213 = arith.constant 0 : i32
      %dma_wait3A_214 = tpu.memref_slice %arg6[%dma_wait3A_212, %dma_wait3A_213] : memref<10000x128xf32, #tpu.memory_space<vmem_shared>> -> memref<10000x128xf32, #tpu.memory_space<vmem_shared>>
      tpu.wait_indirect_dma semaphore(%arg14 : memref<!tpu.dma_semaphore, #tpu.memory_space<semaphore_mem>>) src(%dma_wait3A_208 : memref<80x128xf32, #tpu.memory_space<vmem>>) dst(%dma_wait3A_214 : memref<10000x128xf32, #tpu.memory_space<vmem_shared>>)
      %dma_wait3A_215 = arith.constant 1 : i32
      %dma_wait3A_216 = arith.constant 80 : i32
      %dma_wait3A_217 = arith.constant 0 : i32
      %dma_wait3A_218 = tpu.memref_slice %arg9[%dma_wait3A_216, %dma_wait3A_217] : memref<160x128xf32, #tpu.memory_space<vmem>> -> memref<80x128xf32, #tpu.memory_space<vmem>>
      %dma_wait3A_219 = arith.constant 0 : i32
      %dma_wait3A_220 = tpu.memref_slice %arg7[%add3A_184, %dma_wait3A_215, %dma_wait3A_219] : memref<20x2x80xi32, #tpu.memory_space<vmem>> -> memref<1x1x80xi32, #tpu.memory_space<vmem>>
      %dma_wait3A_221 = tpu.memref_squeeze %dma_wait3A_220 : memref<1x1x80xi32, #tpu.memory_space<vmem>> -> memref<80xi32, #tpu.memory_space<vmem>>
      %dma_wait3A_222 = arith.constant 0 : i32
      %dma_wait3A_223 = arith.constant 0 : i32
      %dma_wait3A_224 = tpu.memref_slice %arg6[%dma_wait3A_222, %dma_wait3A_223] : memref<10000x128xf32, #tpu.memory_space<vmem_shared>> -> memref<10000x128xf32, #tpu.memory_space<vmem_shared>>
      tpu.wait_indirect_dma semaphore(%arg14 : memref<!tpu.dma_semaphore, #tpu.memory_space<semaphore_mem>>) src(%dma_wait3A_218 : memref<80x128xf32, #tpu.memory_space<vmem>>) dst(%dma_wait3A_224 : memref<10000x128xf32, #tpu.memory_space<vmem_shared>>)
    }
    %scan3A_104 = arith.constant 10 : i32
    %barrier3A_105 = arith.constant 0 : index
    tpu.barrier barrier_id(%barrier3A_105)
    %mul3A_106 = arith.constant 624 : i32
    %mul3A_107 = arith.muli %arg1, %mul3A_106 : i32
    %mul3A_108 = arith.constant 624 : i32
    %mul3A_109 = arith.muli %arg1, %mul3A_108 : i32
    "tpu.region"() ({
      %run_scoped3A = tpu.sem_alloc : memref<!tpu.dma_semaphore, #tpu.memory_space<semaphore_mem>>
      %dma_start3A_115 = tpu.memref_slice %arg5[%mul3A_109, %mul3A_69] : memref<10000x512xf32, #tpu.memory_space<hbm>> -> memref<624x128xf32, #tpu.memory_space<hbm>>
      %dma_start3A_116 = arith.constant 0 : i32
      %dma_start3A_117 = tpu.memref_slice %arg6[%mul3A_107, %dma_start3A_116] : memref<10000x128xf32, #tpu.memory_space<vmem_shared>> -> memref<624x128xf32, #tpu.memory_space<vmem_shared>>
      tpu.enqueue_dma source(%dma_start3A_117 : memref<624x128xf32, #tpu.memory_space<vmem_shared>>) target(%dma_start3A_115 : memref<624x128xf32, #tpu.memory_space<hbm>>) target_semaphore(%run_scoped3A : memref<!tpu.dma_semaphore, #tpu.memory_space<semaphore_mem>>)
      %dma_wait3A_118 = tpu.memref_slice %arg5[%mul3A_109, %mul3A_69] : memref<10000x512xf32, #tpu.memory_space<hbm>> -> memref<624x128xf32, #tpu.memory_space<hbm>>
      %dma_wait3A_119 = arith.constant 0 : i32
      %dma_wait3A_120 = tpu.memref_slice %arg6[%mul3A_107, %dma_wait3A_119] : memref<10000x128xf32, #tpu.memory_space<vmem_shared>> -> memref<624x128xf32, #tpu.memory_space<vmem_shared>>
      tpu.wait_dma2 semaphore(%run_scoped3A : memref<!tpu.dma_semaphore, #tpu.memory_space<semaphore_mem>>) src(%dma_wait3A_120 : memref<624x128xf32, #tpu.memory_space<vmem_shared>>) dst(%dma_wait3A_118 : memref<624x128xf32, #tpu.memory_space<hbm>>)
      tpu.yield
    }) : () -> ()
    %eq3A_110 = arith.constant 15 : i32
    %eq3A_111 = arith.cmpi eq, %arg1, %eq3A_110 : i32
    %convert_element_type3A_112 = arith.extui %eq3A_111 : i1 to i32
    %cond3A_113 = arith.constant 0 : i32
    %cond3A_114 = arith.cmpi ne, %convert_element_type3A_112, %cond3A_113 : i32
    scf.if %cond3A_114 {
      "tpu.region"() ({
        %run_scoped3A = tpu.sem_alloc : memref<!tpu.dma_semaphore, #tpu.memory_space<semaphore_mem>>
        %dma_start3A_115 = arith.constant 9984 : i32
        %dma_start3A_116 = tpu.memref_slice %arg5[%dma_start3A_115, %mul3A_69] : memref<10000x512xf32, #tpu.memory_space<hbm>> -> memref<16x128xf32, #tpu.memory_space<hbm>>
        %dma_start3A_117 = arith.constant 9984 : i32
        %dma_start3A_118 = arith.constant 0 : i32
        %dma_start3A_119 = tpu.memref_slice %arg6[%dma_start3A_117, %dma_start3A_118] : memref<10000x128xf32, #tpu.memory_space<vmem_shared>> -> memref<16x128xf32, #tpu.memory_space<vmem_shared>>
        tpu.enqueue_dma source(%dma_start3A_119 : memref<16x128xf32, #tpu.memory_space<vmem_shared>>) target(%dma_start3A_116 : memref<16x128xf32, #tpu.memory_space<hbm>>) target_semaphore(%run_scoped3A : memref<!tpu.dma_semaphore, #tpu.memory_space<semaphore_mem>>)
        %dma_wait3A_120 = arith.constant 9984 : i32
        %dma_wait3A_121 = tpu.memref_slice %arg5[%dma_wait3A_120, %mul3A_69] : memref<10000x512xf32, #tpu.memory_space<hbm>> -> memref<16x128xf32, #tpu.memory_space<hbm>>
        %dma_wait3A_122 = arith.constant 9984 : i32
        %dma_wait3A_123 = arith.constant 0 : i32
        %dma_wait3A_124 = tpu.memref_slice %arg6[%dma_wait3A_122, %dma_wait3A_123] : memref<10000x128xf32, #tpu.memory_space<vmem_shared>> -> memref<16x128xf32, #tpu.memory_space<vmem_shared>>
        tpu.wait_dma2 semaphore(%run_scoped3A : memref<!tpu.dma_semaphore, #tpu.memory_space<semaphore_mem>>) src(%dma_wait3A_124 : memref<16x128xf32, #tpu.memory_space<vmem_shared>>) dst(%dma_wait3A_121 : memref<16x128xf32, #tpu.memory_space<hbm>>)
        tpu.yield
      }) : () -> ()
    } else {
    }
    return
  }
}

#map = affine_map<(d0, d1) -> (0, 0)>
#map1 = affine_map<(d0, d1) -> (0)>
module attributes {stable_mosaic.version = 14 : i64} {
  func.func @body(%arg0: i32, %arg1: i32, %arg2: memref<10000x128xf32, #tpu.memory_space<hbm>>, %arg3: memref<51200xi32, #tpu.memory_space<hbm>>, %arg4: memref<51200x128xf32, #tpu.memory_space<hbm>>, %arg5: memref<10000x128xf32, #tpu.memory_space<vmem_shared>>, %arg6: memref<80xi32, #tpu.memory_space<vmem>>, %arg7: memref<80xi32, #tpu.memory_space<vmem>>, %arg8: memref<80x128xf32, #tpu.memory_space<vmem>>, %arg9: memref<80x128xf32, #tpu.memory_space<vmem>>, %arg10: memref<!tpu.dma_semaphore, #tpu.memory_space<semaphore_mem>>, %arg11: memref<!tpu.dma_semaphore, #tpu.memory_space<semaphore_mem>>, %arg12: memref<!tpu.dma_semaphore, #tpu.memory_space<semaphore_mem>>, %arg13: memref<!tpu.dma_semaphore, #tpu.memory_space<semaphore_mem>>, %arg14: memref<!tpu.dma_semaphore, #tpu.memory_space<semaphore_mem>>) attributes {dimension_semantics = [#tpu.dimension_semantics<core_parallel>, #tpu.dimension_semantics<subcore_parallel>], iteration_bounds = array<i64: 2, 16>, scalar_prefetch = 0 : i64, scratch_operands = 10 : i64, tpu.core_type = #tpu.core_type<sc_vector_subcore>, window_params = [{transform_indices = #map}, {transform_indices = #map1}, {transform_indices = #map}]} {
    %mul3A = arith.constant 2 : i32
    %mul3A_0 = arith.muli %arg1, %mul3A : i32
    %add3A = arith.addi %mul3A_0, %arg0 : i32
    %mul3A_1 = arith.constant 1600 : i32
    %mul3A_2 = arith.muli %add3A, %mul3A_1 : i32
    %mul3A_3 = arith.constant 624 : i32
    %mul3A_4 = arith.muli %arg1, %mul3A_3 : i32
    %mul3A_5 = arith.constant 624 : i32
    %mul3A_6 = arith.muli %arg1, %mul3A_5 : i32
    "tpu.region"() ({
      %run_scoped3A = tpu.sem_alloc : memref<!tpu.dma_semaphore, #tpu.memory_space<semaphore_mem>>
      %dma_start3A_30 = arith.constant 0 : i32
      %dma_start3A_31 = tpu.memref_slice %arg5[%mul3A_6, %dma_start3A_30] : memref<10000x128xf32, #tpu.memory_space<vmem_shared>> -> memref<624x128xf32, #tpu.memory_space<vmem_shared>>
      %dma_start3A_32 = arith.constant 0 : i32
      %dma_start3A_33 = tpu.memref_slice %arg2[%mul3A_4, %dma_start3A_32] : memref<10000x128xf32, #tpu.memory_space<hbm>> -> memref<624x128xf32, #tpu.memory_space<hbm>>
      tpu.enqueue_dma source(%dma_start3A_33 : memref<624x128xf32, #tpu.memory_space<hbm>>) target(%dma_start3A_31 : memref<624x128xf32, #tpu.memory_space<vmem_shared>>) target_semaphore(%run_scoped3A : memref<!tpu.dma_semaphore, #tpu.memory_space<semaphore_mem>>)
      %dma_wait3A_34 = arith.constant 0 : i32
      %dma_wait3A_35 = tpu.memref_slice %arg5[%mul3A_6, %dma_wait3A_34] : memref<10000x128xf32, #tpu.memory_space<vmem_shared>> -> memref<624x128xf32, #tpu.memory_space<vmem_shared>>
      %dma_wait3A_36 = arith.constant 0 : i32
      %dma_wait3A_37 = tpu.memref_slice %arg2[%mul3A_4, %dma_wait3A_36] : memref<10000x128xf32, #tpu.memory_space<hbm>> -> memref<624x128xf32, #tpu.memory_space<hbm>>
      tpu.wait_dma2 semaphore(%run_scoped3A : memref<!tpu.dma_semaphore, #tpu.memory_space<semaphore_mem>>) src(%dma_wait3A_37 : memref<624x128xf32, #tpu.memory_space<hbm>>) dst(%dma_wait3A_35 : memref<624x128xf32, #tpu.memory_space<vmem_shared>>)
      tpu.yield
    }) : () -> ()
    %eq3A = arith.constant 15 : i32
    %eq3A_7 = arith.cmpi eq, %arg1, %eq3A : i32
    %convert_element_type3A = arith.extui %eq3A_7 : i1 to i32
    %cond3A = arith.constant 0 : i32
    %cond3A_8 = arith.cmpi ne, %convert_element_type3A, %cond3A : i32
    scf.if %cond3A_8 {
      "tpu.region"() ({
        %run_scoped3A = tpu.sem_alloc : memref<!tpu.dma_semaphore, #tpu.memory_space<semaphore_mem>>
        %dma_start3A_30 = arith.constant 9984 : i32
        %dma_start3A_31 = arith.constant 0 : i32
        %dma_start3A_32 = tpu.memref_slice %arg5[%dma_start3A_30, %dma_start3A_31] : memref<10000x128xf32, #tpu.memory_space<vmem_shared>> -> memref<16x128xf32, #tpu.memory_space<vmem_shared>>
        %dma_start3A_33 = arith.constant 9984 : i32
        %dma_start3A_34 = arith.constant 0 : i32
        %dma_start3A_35 = tpu.memref_slice %arg2[%dma_start3A_33, %dma_start3A_34] : memref<10000x128xf32, #tpu.memory_space<hbm>> -> memref<16x128xf32, #tpu.memory_space<hbm>>
        tpu.enqueue_dma source(%dma_start3A_35 : memref<16x128xf32, #tpu.memory_space<hbm>>) target(%dma_start3A_32 : memref<16x128xf32, #tpu.memory_space<vmem_shared>>) target_semaphore(%run_scoped3A : memref<!tpu.dma_semaphore, #tpu.memory_space<semaphore_mem>>)
        %dma_wait3A_36 = arith.constant 9984 : i32
        %dma_wait3A_37 = arith.constant 0 : i32
        %dma_wait3A_38 = tpu.memref_slice %arg5[%dma_wait3A_36, %dma_wait3A_37] : memref<10000x128xf32, #tpu.memory_space<vmem_shared>> -> memref<16x128xf32, #tpu.memory_space<vmem_shared>>
        %dma_wait3A_39 = arith.constant 9984 : i32
        %dma_wait3A_40 = arith.constant 0 : i32
        %dma_wait3A_41 = tpu.memref_slice %arg2[%dma_wait3A_39, %dma_wait3A_40] : memref<10000x128xf32, #tpu.memory_space<hbm>> -> memref<16x128xf32, #tpu.memory_space<hbm>>
        tpu.wait_dma2 semaphore(%run_scoped3A : memref<!tpu.dma_semaphore, #tpu.memory_space<semaphore_mem>>) src(%dma_wait3A_41 : memref<16x128xf32, #tpu.memory_space<hbm>>) dst(%dma_wait3A_38 : memref<16x128xf32, #tpu.memory_space<vmem_shared>>)
        tpu.yield
      }) : () -> ()
    } else {
    }
    %barrier3A = arith.constant 0 : index
    tpu.barrier barrier_id(%barrier3A)
    %add3A_9 = arith.constant 0 : i32
    %add3A_10 = arith.addi %mul3A_2, %add3A_9 : i32
    %multiple_of3A = tpu.assume_multiple %add3A_10, 80 : i32
    %dma_start3A = tpu.memref_slice %arg3[%multiple_of3A] : memref<51200xi32, #tpu.memory_space<hbm>> -> memref<80xi32, #tpu.memory_space<hbm>>
    %dma_start3A_11 = tpu.memref_slice %arg3[%multiple_of3A] : memref<51200xi32, #tpu.memory_space<hbm>> -> memref<80xi32, #tpu.memory_space<hbm>>
    tpu.enqueue_dma source(%dma_start3A_11 : memref<80xi32, #tpu.memory_space<hbm>>) target(%arg6 : memref<80xi32, #tpu.memory_space<vmem>>) target_semaphore(%arg10 : memref<!tpu.dma_semaphore, #tpu.memory_space<semaphore_mem>>)
    %scan3A = arith.constant 0 : i32
    %scan3A_12 = arith.constant 0 : i32
    %scan3A_13 = arith.constant 10 : i32
    %scan3A_14 = arith.addi %scan3A_12, %scan3A_13 : i32
    %scan3A_15 = arith.constant 1 : i32
    scf.for %scan3A_30 = %scan3A_12 to %scan3A_14 step %scan3A_15  : i32 {
      %mul3A_31 = arith.constant 2 : i32
      %mul3A_32 = arith.muli %scan3A_30, %mul3A_31 : i32
      %add3A_33 = arith.constant 1 : i32
      %add3A_34 = arith.addi %mul3A_32, %add3A_33 : i32
      %mul3A_35 = arith.constant 80 : i32
      %mul3A_36 = arith.muli %add3A_34, %mul3A_35 : i32
      %add3A_37 = arith.addi %mul3A_2, %mul3A_36 : i32
      %multiple_of3A_38 = tpu.assume_multiple %add3A_37, 80 : i32
      %dma_start3A_39 = tpu.memref_slice %arg3[%multiple_of3A_38] : memref<51200xi32, #tpu.memory_space<hbm>> -> memref<80xi32, #tpu.memory_space<hbm>>
      %dma_start3A_40 = tpu.memref_slice %arg3[%multiple_of3A_38] : memref<51200xi32, #tpu.memory_space<hbm>> -> memref<80xi32, #tpu.memory_space<hbm>>
      tpu.enqueue_dma source(%dma_start3A_40 : memref<80xi32, #tpu.memory_space<hbm>>) target(%arg7 : memref<80xi32, #tpu.memory_space<vmem>>) target_semaphore(%arg11 : memref<!tpu.dma_semaphore, #tpu.memory_space<semaphore_mem>>)
      %eq3A_41 = arith.constant 0 : i32
      %eq3A_42 = arith.cmpi eq, %scan3A_30, %eq3A_41 : i32
      %mul3A_43 = arith.constant 80 : i32
      %mul3A_44 = arith.muli %mul3A_32, %mul3A_43 : i32
      %add3A_45 = arith.addi %mul3A_2, %mul3A_44 : i32
      %multiple_of3A_46 = tpu.assume_multiple %add3A_45, 80 : i32
      %dma_wait3A_47 = tpu.memref_slice %arg3[%multiple_of3A_46] : memref<51200xi32, #tpu.memory_space<hbm>> -> memref<80xi32, #tpu.memory_space<hbm>>
      %dma_wait3A_48 = tpu.memref_slice %arg3[%multiple_of3A_46] : memref<51200xi32, #tpu.memory_space<hbm>> -> memref<80xi32, #tpu.memory_space<hbm>>
      tpu.wait_dma2 semaphore(%arg10 : memref<!tpu.dma_semaphore, #tpu.memory_space<semaphore_mem>>) src(%dma_wait3A_48 : memref<80xi32, #tpu.memory_space<hbm>>) dst(%arg6 : memref<80xi32, #tpu.memory_space<vmem>>)
      %not3A = arith.constant true
      %not3A_49 = arith.xori %eq3A_42, %not3A : i1
      %convert_element_type3A_50 = arith.extui %not3A_49 : i1 to i32
      %cond3A_51 = arith.constant 0 : i32
      %cond3A_52 = arith.cmpi ne, %convert_element_type3A_50, %cond3A_51 : i32
      scf.if %cond3A_52 {
        %sub3A = arith.constant 2 : i32
        %sub3A_102 = arith.subi %mul3A_32, %sub3A : i32
        %mul3A_103 = arith.constant 80 : i32
        %mul3A_104 = arith.muli %sub3A_102, %mul3A_103 : i32
        %add3A_105 = arith.addi %mul3A_2, %mul3A_104 : i32
        %multiple_of3A_106 = tpu.assume_multiple %add3A_105, 80 : i32
        %dma_wait3A_107 = arith.constant 0 : i32
        %dma_wait3A_108 = tpu.memref_slice %arg4[%multiple_of3A_106, %dma_wait3A_107] : memref<51200x128xf32, #tpu.memory_space<hbm>> -> memref<80x128xf32, #tpu.memory_space<hbm>>
        %dma_wait3A_109 = arith.constant 0 : i32
        %dma_wait3A_110 = tpu.memref_slice %arg4[%multiple_of3A_106, %dma_wait3A_109] : memref<51200x128xf32, #tpu.memory_space<hbm>> -> memref<80x128xf32, #tpu.memory_space<hbm>>
        tpu.wait_dma2 semaphore(%arg13 : memref<!tpu.dma_semaphore, #tpu.memory_space<semaphore_mem>>) src(%arg8 : memref<80x128xf32, #tpu.memory_space<vmem>>) dst(%dma_wait3A_110 : memref<80x128xf32, #tpu.memory_space<hbm>>)
      } else {
      }
      %dma_start3A_53 = arith.constant 0 : i32
      %dma_start3A_54 = arith.constant 0 : i32
      %dma_start3A_55 = tpu.memref_slice %arg5[%dma_start3A_53, %dma_start3A_54] : memref<10000x128xf32, #tpu.memory_space<vmem_shared>> -> memref<10000x128xf32, #tpu.memory_space<vmem_shared>>
      tpu.enqueue_indirect_dma source(%dma_start3A_55 : memref<10000x128xf32, #tpu.memory_space<vmem_shared>>) target(%arg8 : memref<80x128xf32, #tpu.memory_space<vmem>>) offsets(%arg6 : memref<80xi32, #tpu.memory_space<vmem>>) semaphore(%arg12 : memref<!tpu.dma_semaphore, #tpu.memory_space<semaphore_mem>>)
      %dma_wait3A_56 = arith.constant 0 : i32
      %dma_wait3A_57 = arith.constant 0 : i32
      %dma_wait3A_58 = tpu.memref_slice %arg5[%dma_wait3A_56, %dma_wait3A_57] : memref<10000x128xf32, #tpu.memory_space<vmem_shared>> -> memref<10000x128xf32, #tpu.memory_space<vmem_shared>>
      tpu.wait_indirect_dma semaphore(%arg12 : memref<!tpu.dma_semaphore, #tpu.memory_space<semaphore_mem>>) src(%dma_wait3A_58 : memref<10000x128xf32, #tpu.memory_space<vmem_shared>>) dst(%arg8 : memref<80x128xf32, #tpu.memory_space<vmem>>)
      %mul3A_59 = arith.constant 80 : i32
      %mul3A_60 = arith.muli %mul3A_32, %mul3A_59 : i32
      %add3A_61 = arith.addi %mul3A_2, %mul3A_60 : i32
      %multiple_of3A_62 = tpu.assume_multiple %add3A_61, 80 : i32
      %dma_start3A_63 = arith.constant 0 : i32
      %dma_start3A_64 = tpu.memref_slice %arg4[%multiple_of3A_62, %dma_start3A_63] : memref<51200x128xf32, #tpu.memory_space<hbm>> -> memref<80x128xf32, #tpu.memory_space<hbm>>
      %dma_start3A_65 = arith.constant 0 : i32
      %dma_start3A_66 = tpu.memref_slice %arg4[%multiple_of3A_62, %dma_start3A_65] : memref<51200x128xf32, #tpu.memory_space<hbm>> -> memref<80x128xf32, #tpu.memory_space<hbm>>
      tpu.enqueue_dma source(%arg8 : memref<80x128xf32, #tpu.memory_space<vmem>>) target(%dma_start3A_66 : memref<80x128xf32, #tpu.memory_space<hbm>>) target_semaphore(%arg13 : memref<!tpu.dma_semaphore, #tpu.memory_space<semaphore_mem>>)
      %add3A_67 = arith.constant 2 : i32
      %add3A_68 = arith.addi %mul3A_32, %add3A_67 : i32
      %lt3A = arith.constant 20 : i32
      %lt3A_69 = arith.cmpi slt, %add3A_68, %lt3A : i32
      %convert_element_type3A_70 = arith.extui %lt3A_69 : i1 to i32
      %cond3A_71 = arith.constant 0 : i32
      %cond3A_72 = arith.cmpi ne, %convert_element_type3A_70, %cond3A_71 : i32
      scf.if %cond3A_72 {
        %add3A_102 = arith.constant 2 : i32
        %add3A_103 = arith.addi %mul3A_32, %add3A_102 : i32
        %mul3A_104 = arith.constant 80 : i32
        %mul3A_105 = arith.muli %add3A_103, %mul3A_104 : i32
        %add3A_106 = arith.addi %mul3A_2, %mul3A_105 : i32
        %multiple_of3A_107 = tpu.assume_multiple %add3A_106, 80 : i32
        %dma_start3A_108 = tpu.memref_slice %arg3[%multiple_of3A_107] : memref<51200xi32, #tpu.memory_space<hbm>> -> memref<80xi32, #tpu.memory_space<hbm>>
        %dma_start3A_109 = tpu.memref_slice %arg3[%multiple_of3A_107] : memref<51200xi32, #tpu.memory_space<hbm>> -> memref<80xi32, #tpu.memory_space<hbm>>
        tpu.enqueue_dma source(%dma_start3A_109 : memref<80xi32, #tpu.memory_space<hbm>>) target(%arg6 : memref<80xi32, #tpu.memory_space<vmem>>) target_semaphore(%arg10 : memref<!tpu.dma_semaphore, #tpu.memory_space<semaphore_mem>>)
      } else {
      }
      %add3A_73 = arith.constant 1 : i32
      %add3A_74 = arith.addi %mul3A_32, %add3A_73 : i32
      %eq3A_75 = arith.constant 0 : i32
      %eq3A_76 = arith.cmpi eq, %scan3A_30, %eq3A_75 : i32
      %mul3A_77 = arith.constant 80 : i32
      %mul3A_78 = arith.muli %add3A_74, %mul3A_77 : i32
      %add3A_79 = arith.addi %mul3A_2, %mul3A_78 : i32
      %multiple_of3A_80 = tpu.assume_multiple %add3A_79, 80 : i32
      %dma_wait3A_81 = tpu.memref_slice %arg3[%multiple_of3A_80] : memref<51200xi32, #tpu.memory_space<hbm>> -> memref<80xi32, #tpu.memory_space<hbm>>
      %dma_wait3A_82 = tpu.memref_slice %arg3[%multiple_of3A_80] : memref<51200xi32, #tpu.memory_space<hbm>> -> memref<80xi32, #tpu.memory_space<hbm>>
      tpu.wait_dma2 semaphore(%arg11 : memref<!tpu.dma_semaphore, #tpu.memory_space<semaphore_mem>>) src(%dma_wait3A_82 : memref<80xi32, #tpu.memory_space<hbm>>) dst(%arg7 : memref<80xi32, #tpu.memory_space<vmem>>)
      %not3A_83 = arith.constant true
      %not3A_84 = arith.xori %eq3A_76, %not3A_83 : i1
      %convert_element_type3A_85 = arith.extui %not3A_84 : i1 to i32
      %cond3A_86 = arith.constant 0 : i32
      %cond3A_87 = arith.cmpi ne, %convert_element_type3A_85, %cond3A_86 : i32
      scf.if %cond3A_87 {
        %sub3A = arith.constant 2 : i32
        %sub3A_102 = arith.subi %add3A_74, %sub3A : i32
        %mul3A_103 = arith.constant 80 : i32
        %mul3A_104 = arith.muli %sub3A_102, %mul3A_103 : i32
        %add3A_105 = arith.addi %mul3A_2, %mul3A_104 : i32
        %multiple_of3A_106 = tpu.assume_multiple %add3A_105, 80 : i32
        %dma_wait3A_107 = arith.constant 0 : i32
        %dma_wait3A_108 = tpu.memref_slice %arg4[%multiple_of3A_106, %dma_wait3A_107] : memref<51200x128xf32, #tpu.memory_space<hbm>> -> memref<80x128xf32, #tpu.memory_space<hbm>>
        %dma_wait3A_109 = arith.constant 0 : i32
        %dma_wait3A_110 = tpu.memref_slice %arg4[%multiple_of3A_106, %dma_wait3A_109] : memref<51200x128xf32, #tpu.memory_space<hbm>> -> memref<80x128xf32, #tpu.memory_space<hbm>>
        tpu.wait_dma2 semaphore(%arg14 : memref<!tpu.dma_semaphore, #tpu.memory_space<semaphore_mem>>) src(%arg9 : memref<80x128xf32, #tpu.memory_space<vmem>>) dst(%dma_wait3A_110 : memref<80x128xf32, #tpu.memory_space<hbm>>)
      } else {
      }
      %dma_start3A_88 = arith.constant 0 : i32
      %dma_start3A_89 = arith.constant 0 : i32
      %dma_start3A_90 = tpu.memref_slice %arg5[%dma_start3A_88, %dma_start3A_89] : memref<10000x128xf32, #tpu.memory_space<vmem_shared>> -> memref<10000x128xf32, #tpu.memory_space<vmem_shared>>
      tpu.enqueue_indirect_dma source(%dma_start3A_90 : memref<10000x128xf32, #tpu.memory_space<vmem_shared>>) target(%arg9 : memref<80x128xf32, #tpu.memory_space<vmem>>) offsets(%arg7 : memref<80xi32, #tpu.memory_space<vmem>>) semaphore(%arg12 : memref<!tpu.dma_semaphore, #tpu.memory_space<semaphore_mem>>)
      %dma_wait3A_91 = arith.constant 0 : i32
      %dma_wait3A_92 = arith.constant 0 : i32
      %dma_wait3A_93 = tpu.memref_slice %arg5[%dma_wait3A_91, %dma_wait3A_92] : memref<10000x128xf32, #tpu.memory_space<vmem_shared>> -> memref<10000x128xf32, #tpu.memory_space<vmem_shared>>
      tpu.wait_indirect_dma semaphore(%arg12 : memref<!tpu.dma_semaphore, #tpu.memory_space<semaphore_mem>>) src(%dma_wait3A_93 : memref<10000x128xf32, #tpu.memory_space<vmem_shared>>) dst(%arg9 : memref<80x128xf32, #tpu.memory_space<vmem>>)
      %mul3A_94 = arith.constant 80 : i32
      %mul3A_95 = arith.muli %add3A_74, %mul3A_94 : i32
      %add3A_96 = arith.addi %mul3A_2, %mul3A_95 : i32
      %multiple_of3A_97 = tpu.assume_multiple %add3A_96, 80 : i32
      %dma_start3A_98 = arith.constant 0 : i32
      %dma_start3A_99 = tpu.memref_slice %arg4[%multiple_of3A_97, %dma_start3A_98] : memref<51200x128xf32, #tpu.memory_space<hbm>> -> memref<80x128xf32, #tpu.memory_space<hbm>>
      %dma_start3A_100 = arith.constant 0 : i32
      %dma_start3A_101 = tpu.memref_slice %arg4[%multiple_of3A_97, %dma_start3A_100] : memref<51200x128xf32, #tpu.memory_space<hbm>> -> memref<80x128xf32, #tpu.memory_space<hbm>>
      tpu.enqueue_dma source(%arg9 : memref<80x128xf32, #tpu.memory_space<vmem>>) target(%dma_start3A_101 : memref<80x128xf32, #tpu.memory_space<hbm>>) target_semaphore(%arg14 : memref<!tpu.dma_semaphore, #tpu.memory_space<semaphore_mem>>)
    }
    %scan3A_16 = arith.constant 10 : i32
    %add3A_17 = arith.constant 1440 : i32
    %add3A_18 = arith.addi %mul3A_2, %add3A_17 : i32
    %multiple_of3A_19 = tpu.assume_multiple %add3A_18, 80 : i32
    %dma_wait3A = arith.constant 0 : i32
    %dma_wait3A_20 = tpu.memref_slice %arg4[%multiple_of3A_19, %dma_wait3A] : memref<51200x128xf32, #tpu.memory_space<hbm>> -> memref<80x128xf32, #tpu.memory_space<hbm>>
    %dma_wait3A_21 = arith.constant 0 : i32
    %dma_wait3A_22 = tpu.memref_slice %arg4[%multiple_of3A_19, %dma_wait3A_21] : memref<51200x128xf32, #tpu.memory_space<hbm>> -> memref<80x128xf32, #tpu.memory_space<hbm>>
    tpu.wait_dma2 semaphore(%arg13 : memref<!tpu.dma_semaphore, #tpu.memory_space<semaphore_mem>>) src(%arg8 : memref<80x128xf32, #tpu.memory_space<vmem>>) dst(%dma_wait3A_22 : memref<80x128xf32, #tpu.memory_space<hbm>>)
    %add3A_23 = arith.constant 1520 : i32
    %add3A_24 = arith.addi %mul3A_2, %add3A_23 : i32
    %multiple_of3A_25 = tpu.assume_multiple %add3A_24, 80 : i32
    %dma_wait3A_26 = arith.constant 0 : i32
    %dma_wait3A_27 = tpu.memref_slice %arg4[%multiple_of3A_25, %dma_wait3A_26] : memref<51200x128xf32, #tpu.memory_space<hbm>> -> memref<80x128xf32, #tpu.memory_space<hbm>>
    %dma_wait3A_28 = arith.constant 0 : i32
    %dma_wait3A_29 = tpu.memref_slice %arg4[%multiple_of3A_25, %dma_wait3A_28] : memref<51200x128xf32, #tpu.memory_space<hbm>> -> memref<80x128xf32, #tpu.memory_space<hbm>>
    tpu.wait_dma2 semaphore(%arg14 : memref<!tpu.dma_semaphore, #tpu.memory_space<semaphore_mem>>) src(%arg9 : memref<80x128xf32, #tpu.memory_space<vmem>>) dst(%dma_wait3A_29 : memref<80x128xf32, #tpu.memory_space<hbm>>)
    return
  }
}

#map = affine_map<(d0, d1) -> (0, 0)>
#map1 = affine_map<(d0, d1) -> (0)>
module attributes {stable_mosaic.version = 14 : i64} {
  func.func @body(%arg0: i32, %arg1: i32, %arg2: memref<10000x128xf32, #tpu.memory_space<hbm>>, %arg3: memref<268800xi32, #tpu.memory_space<hbm>>, %arg4: memref<268800x128xf32, #tpu.memory_space<hbm>>, %arg5: memref<10000x128xf32, #tpu.memory_space<vmem_shared>>, %arg6: memref<80xi32, #tpu.memory_space<vmem>>, %arg7: memref<80xi32, #tpu.memory_space<vmem>>, %arg8: memref<80x128xf32, #tpu.memory_space<vmem>>, %arg9: memref<80x128xf32, #tpu.memory_space<vmem>>, %arg10: memref<!tpu.dma_semaphore, #tpu.memory_space<semaphore_mem>>, %arg11: memref<!tpu.dma_semaphore, #tpu.memory_space<semaphore_mem>>, %arg12: memref<!tpu.dma_semaphore, #tpu.memory_space<semaphore_mem>>, %arg13: memref<!tpu.dma_semaphore, #tpu.memory_space<semaphore_mem>>, %arg14: memref<!tpu.dma_semaphore, #tpu.memory_space<semaphore_mem>>) attributes {dimension_semantics = [#tpu.dimension_semantics<core_parallel>, #tpu.dimension_semantics<subcore_parallel>], iteration_bounds = array<i64: 2, 16>, scalar_prefetch = 0 : i64, scratch_operands = 10 : i64, tpu.core_type = #tpu.core_type<sc_vector_subcore>, window_params = [{transform_indices = #map}, {transform_indices = #map1}, {transform_indices = #map}]} {
    %mul3A = arith.constant 2 : i32
    %mul3A_0 = arith.muli %arg1, %mul3A : i32
    %add3A = arith.addi %mul3A_0, %arg0 : i32
    %mul3A_1 = arith.constant 8400 : i32
    %mul3A_2 = arith.muli %add3A, %mul3A_1 : i32
    %mul3A_3 = arith.constant 624 : i32
    %mul3A_4 = arith.muli %arg1, %mul3A_3 : i32
    %mul3A_5 = arith.constant 624 : i32
    %mul3A_6 = arith.muli %arg1, %mul3A_5 : i32
    "tpu.region"() ({
      %run_scoped3A = tpu.sem_alloc : memref<!tpu.dma_semaphore, #tpu.memory_space<semaphore_mem>>
      %dma_start3A_53 = arith.constant 0 : i32
      %dma_start3A_54 = tpu.memref_slice %arg5[%mul3A_6, %dma_start3A_53] : memref<10000x128xf32, #tpu.memory_space<vmem_shared>> -> memref<624x128xf32, #tpu.memory_space<vmem_shared>>
      %dma_start3A_55 = arith.constant 0 : i32
      %dma_start3A_56 = tpu.memref_slice %arg2[%mul3A_4, %dma_start3A_55] : memref<10000x128xf32, #tpu.memory_space<hbm>> -> memref<624x128xf32, #tpu.memory_space<hbm>>
      tpu.enqueue_dma source(%dma_start3A_56 : memref<624x128xf32, #tpu.memory_space<hbm>>) target(%dma_start3A_54 : memref<624x128xf32, #tpu.memory_space<vmem_shared>>) target_semaphore(%run_scoped3A : memref<!tpu.dma_semaphore, #tpu.memory_space<semaphore_mem>>)
      %dma_wait3A_57 = arith.constant 0 : i32
      %dma_wait3A_58 = tpu.memref_slice %arg5[%mul3A_6, %dma_wait3A_57] : memref<10000x128xf32, #tpu.memory_space<vmem_shared>> -> memref<624x128xf32, #tpu.memory_space<vmem_shared>>
      %dma_wait3A_59 = arith.constant 0 : i32
      %dma_wait3A_60 = tpu.memref_slice %arg2[%mul3A_4, %dma_wait3A_59] : memref<10000x128xf32, #tpu.memory_space<hbm>> -> memref<624x128xf32, #tpu.memory_space<hbm>>
      tpu.wait_dma2 semaphore(%run_scoped3A : memref<!tpu.dma_semaphore, #tpu.memory_space<semaphore_mem>>) src(%dma_wait3A_60 : memref<624x128xf32, #tpu.memory_space<hbm>>) dst(%dma_wait3A_58 : memref<624x128xf32, #tpu.memory_space<vmem_shared>>)
      tpu.yield
    }) : () -> ()
    %eq3A = arith.constant 15 : i32
    %eq3A_7 = arith.cmpi eq, %arg1, %eq3A : i32
    %convert_element_type3A = arith.extui %eq3A_7 : i1 to i32
    %cond3A = arith.constant 0 : i32
    %cond3A_8 = arith.cmpi ne, %convert_element_type3A, %cond3A : i32
    scf.if %cond3A_8 {
      "tpu.region"() ({
        %run_scoped3A = tpu.sem_alloc : memref<!tpu.dma_semaphore, #tpu.memory_space<semaphore_mem>>
        %dma_start3A_53 = arith.constant 9984 : i32
        %dma_start3A_54 = arith.constant 0 : i32
        %dma_start3A_55 = tpu.memref_slice %arg5[%dma_start3A_53, %dma_start3A_54] : memref<10000x128xf32, #tpu.memory_space<vmem_shared>> -> memref<16x128xf32, #tpu.memory_space<vmem_shared>>
        %dma_start3A_56 = arith.constant 9984 : i32
        %dma_start3A_57 = arith.constant 0 : i32
        %dma_start3A_58 = tpu.memref_slice %arg2[%dma_start3A_56, %dma_start3A_57] : memref<10000x128xf32, #tpu.memory_space<hbm>> -> memref<16x128xf32, #tpu.memory_space<hbm>>
        tpu.enqueue_dma source(%dma_start3A_58 : memref<16x128xf32, #tpu.memory_space<hbm>>) target(%dma_start3A_55 : memref<16x128xf32, #tpu.memory_space<vmem_shared>>) target_semaphore(%run_scoped3A : memref<!tpu.dma_semaphore, #tpu.memory_space<semaphore_mem>>)
        %dma_wait3A_59 = arith.constant 9984 : i32
        %dma_wait3A_60 = arith.constant 0 : i32
        %dma_wait3A_61 = tpu.memref_slice %arg5[%dma_wait3A_59, %dma_wait3A_60] : memref<10000x128xf32, #tpu.memory_space<vmem_shared>> -> memref<16x128xf32, #tpu.memory_space<vmem_shared>>
        %dma_wait3A_62 = arith.constant 9984 : i32
        %dma_wait3A_63 = arith.constant 0 : i32
        %dma_wait3A_64 = tpu.memref_slice %arg2[%dma_wait3A_62, %dma_wait3A_63] : memref<10000x128xf32, #tpu.memory_space<hbm>> -> memref<16x128xf32, #tpu.memory_space<hbm>>
        tpu.wait_dma2 semaphore(%run_scoped3A : memref<!tpu.dma_semaphore, #tpu.memory_space<semaphore_mem>>) src(%dma_wait3A_64 : memref<16x128xf32, #tpu.memory_space<hbm>>) dst(%dma_wait3A_61 : memref<16x128xf32, #tpu.memory_space<vmem_shared>>)
        tpu.yield
      }) : () -> ()
    } else {
    }
    %barrier3A = arith.constant 0 : index
    tpu.barrier barrier_id(%barrier3A)
    %add3A_9 = arith.constant 0 : i32
    %add3A_10 = arith.addi %mul3A_2, %add3A_9 : i32
    %multiple_of3A = tpu.assume_multiple %add3A_10, 80 : i32
    %dma_start3A = tpu.memref_slice %arg3[%multiple_of3A] : memref<268800xi32, #tpu.memory_space<hbm>> -> memref<80xi32, #tpu.memory_space<hbm>>
    %dma_start3A_11 = tpu.memref_slice %arg3[%multiple_of3A] : memref<268800xi32, #tpu.memory_space<hbm>> -> memref<80xi32, #tpu.memory_space<hbm>>
    tpu.enqueue_dma source(%dma_start3A_11 : memref<80xi32, #tpu.memory_space<hbm>>) target(%arg6 : memref<80xi32, #tpu.memory_space<vmem>>) target_semaphore(%arg10 : memref<!tpu.dma_semaphore, #tpu.memory_space<semaphore_mem>>)
    %scan3A = arith.constant 0 : i32
    %scan3A_12 = arith.constant 0 : i32
    %scan3A_13 = arith.constant 52 : i32
    %scan3A_14 = arith.addi %scan3A_12, %scan3A_13 : i32
    %scan3A_15 = arith.constant 1 : i32
    scf.for %scan3A_53 = %scan3A_12 to %scan3A_14 step %scan3A_15  : i32 {
      %mul3A_54 = arith.constant 2 : i32
      %mul3A_55 = arith.muli %scan3A_53, %mul3A_54 : i32
      %add3A_56 = arith.constant 1 : i32
      %add3A_57 = arith.addi %mul3A_55, %add3A_56 : i32
      %mul3A_58 = arith.constant 80 : i32
      %mul3A_59 = arith.muli %add3A_57, %mul3A_58 : i32
      %add3A_60 = arith.addi %mul3A_2, %mul3A_59 : i32
      %multiple_of3A_61 = tpu.assume_multiple %add3A_60, 80 : i32
      %dma_start3A_62 = tpu.memref_slice %arg3[%multiple_of3A_61] : memref<268800xi32, #tpu.memory_space<hbm>> -> memref<80xi32, #tpu.memory_space<hbm>>
      %dma_start3A_63 = tpu.memref_slice %arg3[%multiple_of3A_61] : memref<268800xi32, #tpu.memory_space<hbm>> -> memref<80xi32, #tpu.memory_space<hbm>>
      tpu.enqueue_dma source(%dma_start3A_63 : memref<80xi32, #tpu.memory_space<hbm>>) target(%arg7 : memref<80xi32, #tpu.memory_space<vmem>>) target_semaphore(%arg11 : memref<!tpu.dma_semaphore, #tpu.memory_space<semaphore_mem>>)
      %eq3A_64 = arith.constant 0 : i32
      %eq3A_65 = arith.cmpi eq, %scan3A_53, %eq3A_64 : i32
      %mul3A_66 = arith.constant 80 : i32
      %mul3A_67 = arith.muli %mul3A_55, %mul3A_66 : i32
      %add3A_68 = arith.addi %mul3A_2, %mul3A_67 : i32
      %multiple_of3A_69 = tpu.assume_multiple %add3A_68, 80 : i32
      %dma_wait3A_70 = tpu.memref_slice %arg3[%multiple_of3A_69] : memref<268800xi32, #tpu.memory_space<hbm>> -> memref<80xi32, #tpu.memory_space<hbm>>
      %dma_wait3A_71 = tpu.memref_slice %arg3[%multiple_of3A_69] : memref<268800xi32, #tpu.memory_space<hbm>> -> memref<80xi32, #tpu.memory_space<hbm>>
      tpu.wait_dma2 semaphore(%arg10 : memref<!tpu.dma_semaphore, #tpu.memory_space<semaphore_mem>>) src(%dma_wait3A_71 : memref<80xi32, #tpu.memory_space<hbm>>) dst(%arg6 : memref<80xi32, #tpu.memory_space<vmem>>)
      %not3A_72 = arith.constant true
      %not3A_73 = arith.xori %eq3A_65, %not3A_72 : i1
      %convert_element_type3A_74 = arith.extui %not3A_73 : i1 to i32
      %cond3A_75 = arith.constant 0 : i32
      %cond3A_76 = arith.cmpi ne, %convert_element_type3A_74, %cond3A_75 : i32
      scf.if %cond3A_76 {
        %sub3A = arith.constant 2 : i32
        %sub3A_126 = arith.subi %mul3A_55, %sub3A : i32
        %mul3A_127 = arith.constant 80 : i32
        %mul3A_128 = arith.muli %sub3A_126, %mul3A_127 : i32
        %add3A_129 = arith.addi %mul3A_2, %mul3A_128 : i32
        %multiple_of3A_130 = tpu.assume_multiple %add3A_129, 80 : i32
        %dma_wait3A_131 = arith.constant 0 : i32
        %dma_wait3A_132 = tpu.memref_slice %arg4[%multiple_of3A_130, %dma_wait3A_131] : memref<268800x128xf32, #tpu.memory_space<hbm>> -> memref<80x128xf32, #tpu.memory_space<hbm>>
        %dma_wait3A_133 = arith.constant 0 : i32
        %dma_wait3A_134 = tpu.memref_slice %arg4[%multiple_of3A_130, %dma_wait3A_133] : memref<268800x128xf32, #tpu.memory_space<hbm>> -> memref<80x128xf32, #tpu.memory_space<hbm>>
        tpu.wait_dma2 semaphore(%arg13 : memref<!tpu.dma_semaphore, #tpu.memory_space<semaphore_mem>>) src(%arg8 : memref<80x128xf32, #tpu.memory_space<vmem>>) dst(%dma_wait3A_134 : memref<80x128xf32, #tpu.memory_space<hbm>>)
      } else {
      }
      %dma_start3A_77 = arith.constant 0 : i32
      %dma_start3A_78 = arith.constant 0 : i32
      %dma_start3A_79 = tpu.memref_slice %arg5[%dma_start3A_77, %dma_start3A_78] : memref<10000x128xf32, #tpu.memory_space<vmem_shared>> -> memref<10000x128xf32, #tpu.memory_space<vmem_shared>>
      tpu.enqueue_indirect_dma source(%dma_start3A_79 : memref<10000x128xf32, #tpu.memory_space<vmem_shared>>) target(%arg8 : memref<80x128xf32, #tpu.memory_space<vmem>>) offsets(%arg6 : memref<80xi32, #tpu.memory_space<vmem>>) semaphore(%arg12 : memref<!tpu.dma_semaphore, #tpu.memory_space<semaphore_mem>>)
      %dma_wait3A_80 = arith.constant 0 : i32
      %dma_wait3A_81 = arith.constant 0 : i32
      %dma_wait3A_82 = tpu.memref_slice %arg5[%dma_wait3A_80, %dma_wait3A_81] : memref<10000x128xf32, #tpu.memory_space<vmem_shared>> -> memref<10000x128xf32, #tpu.memory_space<vmem_shared>>
      tpu.wait_indirect_dma semaphore(%arg12 : memref<!tpu.dma_semaphore, #tpu.memory_space<semaphore_mem>>) src(%dma_wait3A_82 : memref<10000x128xf32, #tpu.memory_space<vmem_shared>>) dst(%arg8 : memref<80x128xf32, #tpu.memory_space<vmem>>)
      %mul3A_83 = arith.constant 80 : i32
      %mul3A_84 = arith.muli %mul3A_55, %mul3A_83 : i32
      %add3A_85 = arith.addi %mul3A_2, %mul3A_84 : i32
      %multiple_of3A_86 = tpu.assume_multiple %add3A_85, 80 : i32
      %dma_start3A_87 = arith.constant 0 : i32
      %dma_start3A_88 = tpu.memref_slice %arg4[%multiple_of3A_86, %dma_start3A_87] : memref<268800x128xf32, #tpu.memory_space<hbm>> -> memref<80x128xf32, #tpu.memory_space<hbm>>
      %dma_start3A_89 = arith.constant 0 : i32
      %dma_start3A_90 = tpu.memref_slice %arg4[%multiple_of3A_86, %dma_start3A_89] : memref<268800x128xf32, #tpu.memory_space<hbm>> -> memref<80x128xf32, #tpu.memory_space<hbm>>
      tpu.enqueue_dma source(%arg8 : memref<80x128xf32, #tpu.memory_space<vmem>>) target(%dma_start3A_90 : memref<80x128xf32, #tpu.memory_space<hbm>>) target_semaphore(%arg13 : memref<!tpu.dma_semaphore, #tpu.memory_space<semaphore_mem>>)
      %add3A_91 = arith.constant 2 : i32
      %add3A_92 = arith.addi %mul3A_55, %add3A_91 : i32
      %lt3A = arith.constant 105 : i32
      %lt3A_93 = arith.cmpi slt, %add3A_92, %lt3A : i32
      %convert_element_type3A_94 = arith.extui %lt3A_93 : i1 to i32
      %cond3A_95 = arith.constant 0 : i32
      %cond3A_96 = arith.cmpi ne, %convert_element_type3A_94, %cond3A_95 : i32
      scf.if %cond3A_96 {
        %add3A_126 = arith.constant 2 : i32
        %add3A_127 = arith.addi %mul3A_55, %add3A_126 : i32
        %mul3A_128 = arith.constant 80 : i32
        %mul3A_129 = arith.muli %add3A_127, %mul3A_128 : i32
        %add3A_130 = arith.addi %mul3A_2, %mul3A_129 : i32
        %multiple_of3A_131 = tpu.assume_multiple %add3A_130, 80 : i32
        %dma_start3A_132 = tpu.memref_slice %arg3[%multiple_of3A_131] : memref<268800xi32, #tpu.memory_space<hbm>> -> memref<80xi32, #tpu.memory_space<hbm>>
        %dma_start3A_133 = tpu.memref_slice %arg3[%multiple_of3A_131] : memref<268800xi32, #tpu.memory_space<hbm>> -> memref<80xi32, #tpu.memory_space<hbm>>
        tpu.enqueue_dma source(%dma_start3A_133 : memref<80xi32, #tpu.memory_space<hbm>>) target(%arg6 : memref<80xi32, #tpu.memory_space<vmem>>) target_semaphore(%arg10 : memref<!tpu.dma_semaphore, #tpu.memory_space<semaphore_mem>>)
      } else {
      }
      %add3A_97 = arith.constant 1 : i32
      %add3A_98 = arith.addi %mul3A_55, %add3A_97 : i32
      %eq3A_99 = arith.constant 0 : i32
      %eq3A_100 = arith.cmpi eq, %scan3A_53, %eq3A_99 : i32
      %mul3A_101 = arith.constant 80 : i32
      %mul3A_102 = arith.muli %add3A_98, %mul3A_101 : i32
      %add3A_103 = arith.addi %mul3A_2, %mul3A_102 : i32
      %multiple_of3A_104 = tpu.assume_multiple %add3A_103, 80 : i32
      %dma_wait3A_105 = tpu.memref_slice %arg3[%multiple_of3A_104] : memref<268800xi32, #tpu.memory_space<hbm>> -> memref<80xi32, #tpu.memory_space<hbm>>
      %dma_wait3A_106 = tpu.memref_slice %arg3[%multiple_of3A_104] : memref<268800xi32, #tpu.memory_space<hbm>> -> memref<80xi32, #tpu.memory_space<hbm>>
      tpu.wait_dma2 semaphore(%arg11 : memref<!tpu.dma_semaphore, #tpu.memory_space<semaphore_mem>>) src(%dma_wait3A_106 : memref<80xi32, #tpu.memory_space<hbm>>) dst(%arg7 : memref<80xi32, #tpu.memory_space<vmem>>)
      %not3A_107 = arith.constant true
      %not3A_108 = arith.xori %eq3A_100, %not3A_107 : i1
      %convert_element_type3A_109 = arith.extui %not3A_108 : i1 to i32
      %cond3A_110 = arith.constant 0 : i32
      %cond3A_111 = arith.cmpi ne, %convert_element_type3A_109, %cond3A_110 : i32
      scf.if %cond3A_111 {
        %sub3A = arith.constant 2 : i32
        %sub3A_126 = arith.subi %add3A_98, %sub3A : i32
        %mul3A_127 = arith.constant 80 : i32
        %mul3A_128 = arith.muli %sub3A_126, %mul3A_127 : i32
        %add3A_129 = arith.addi %mul3A_2, %mul3A_128 : i32
        %multiple_of3A_130 = tpu.assume_multiple %add3A_129, 80 : i32
        %dma_wait3A_131 = arith.constant 0 : i32
        %dma_wait3A_132 = tpu.memref_slice %arg4[%multiple_of3A_130, %dma_wait3A_131] : memref<268800x128xf32, #tpu.memory_space<hbm>> -> memref<80x128xf32, #tpu.memory_space<hbm>>
        %dma_wait3A_133 = arith.constant 0 : i32
        %dma_wait3A_134 = tpu.memref_slice %arg4[%multiple_of3A_130, %dma_wait3A_133] : memref<268800x128xf32, #tpu.memory_space<hbm>> -> memref<80x128xf32, #tpu.memory_space<hbm>>
        tpu.wait_dma2 semaphore(%arg14 : memref<!tpu.dma_semaphore, #tpu.memory_space<semaphore_mem>>) src(%arg9 : memref<80x128xf32, #tpu.memory_space<vmem>>) dst(%dma_wait3A_134 : memref<80x128xf32, #tpu.memory_space<hbm>>)
      } else {
      }
      %dma_start3A_112 = arith.constant 0 : i32
      %dma_start3A_113 = arith.constant 0 : i32
      %dma_start3A_114 = tpu.memref_slice %arg5[%dma_start3A_112, %dma_start3A_113] : memref<10000x128xf32, #tpu.memory_space<vmem_shared>> -> memref<10000x128xf32, #tpu.memory_space<vmem_shared>>
      tpu.enqueue_indirect_dma source(%dma_start3A_114 : memref<10000x128xf32, #tpu.memory_space<vmem_shared>>) target(%arg9 : memref<80x128xf32, #tpu.memory_space<vmem>>) offsets(%arg7 : memref<80xi32, #tpu.memory_space<vmem>>) semaphore(%arg12 : memref<!tpu.dma_semaphore, #tpu.memory_space<semaphore_mem>>)
      %dma_wait3A_115 = arith.constant 0 : i32
      %dma_wait3A_116 = arith.constant 0 : i32
      %dma_wait3A_117 = tpu.memref_slice %arg5[%dma_wait3A_115, %dma_wait3A_116] : memref<10000x128xf32, #tpu.memory_space<vmem_shared>> -> memref<10000x128xf32, #tpu.memory_space<vmem_shared>>
      tpu.wait_indirect_dma semaphore(%arg12 : memref<!tpu.dma_semaphore, #tpu.memory_space<semaphore_mem>>) src(%dma_wait3A_117 : memref<10000x128xf32, #tpu.memory_space<vmem_shared>>) dst(%arg9 : memref<80x128xf32, #tpu.memory_space<vmem>>)
      %mul3A_118 = arith.constant 80 : i32
      %mul3A_119 = arith.muli %add3A_98, %mul3A_118 : i32
      %add3A_120 = arith.addi %mul3A_2, %mul3A_119 : i32
      %multiple_of3A_121 = tpu.assume_multiple %add3A_120, 80 : i32
      %dma_start3A_122 = arith.constant 0 : i32
      %dma_start3A_123 = tpu.memref_slice %arg4[%multiple_of3A_121, %dma_start3A_122] : memref<268800x128xf32, #tpu.memory_space<hbm>> -> memref<80x128xf32, #tpu.memory_space<hbm>>
      %dma_start3A_124 = arith.constant 0 : i32
      %dma_start3A_125 = tpu.memref_slice %arg4[%multiple_of3A_121, %dma_start3A_124] : memref<268800x128xf32, #tpu.memory_space<hbm>> -> memref<80x128xf32, #tpu.memory_space<hbm>>
      tpu.enqueue_dma source(%arg9 : memref<80x128xf32, #tpu.memory_space<vmem>>) target(%dma_start3A_125 : memref<80x128xf32, #tpu.memory_space<hbm>>) target_semaphore(%arg14 : memref<!tpu.dma_semaphore, #tpu.memory_space<semaphore_mem>>)
    }
    %scan3A_16 = arith.constant 52 : i32
    %add3A_17 = arith.constant 8320 : i32
    %add3A_18 = arith.addi %mul3A_2, %add3A_17 : i32
    %multiple_of3A_19 = tpu.assume_multiple %add3A_18, 80 : i32
    %dma_wait3A = tpu.memref_slice %arg3[%multiple_of3A_19] : memref<268800xi32, #tpu.memory_space<hbm>> -> memref<80xi32, #tpu.memory_space<hbm>>
    %dma_wait3A_20 = tpu.memref_slice %arg3[%multiple_of3A_19] : memref<268800xi32, #tpu.memory_space<hbm>> -> memref<80xi32, #tpu.memory_space<hbm>>
    tpu.wait_dma2 semaphore(%arg10 : memref<!tpu.dma_semaphore, #tpu.memory_space<semaphore_mem>>) src(%dma_wait3A_20 : memref<80xi32, #tpu.memory_space<hbm>>) dst(%arg6 : memref<80xi32, #tpu.memory_space<vmem>>)
    %not3A = arith.constant false
    %not3A_21 = arith.constant true
    %not3A_22 = arith.xori %not3A, %not3A_21 : i1
    %convert_element_type3A_23 = arith.extui %not3A_22 : i1 to i32
    %cond3A_24 = arith.constant 0 : i32
    %cond3A_25 = arith.cmpi ne, %convert_element_type3A_23, %cond3A_24 : i32
    scf.if %cond3A_25 {
      %add3A_53 = arith.constant 8160 : i32
      %add3A_54 = arith.addi %mul3A_2, %add3A_53 : i32
      %multiple_of3A_55 = tpu.assume_multiple %add3A_54, 80 : i32
      %dma_wait3A_56 = arith.constant 0 : i32
      %dma_wait3A_57 = tpu.memref_slice %arg4[%multiple_of3A_55, %dma_wait3A_56] : memref<268800x128xf32, #tpu.memory_space<hbm>> -> memref<80x128xf32, #tpu.memory_space<hbm>>
      %dma_wait3A_58 = arith.constant 0 : i32
      %dma_wait3A_59 = tpu.memref_slice %arg4[%multiple_of3A_55, %dma_wait3A_58] : memref<268800x128xf32, #tpu.memory_space<hbm>> -> memref<80x128xf32, #tpu.memory_space<hbm>>
      tpu.wait_dma2 semaphore(%arg13 : memref<!tpu.dma_semaphore, #tpu.memory_space<semaphore_mem>>) src(%arg8 : memref<80x128xf32, #tpu.memory_space<vmem>>) dst(%dma_wait3A_59 : memref<80x128xf32, #tpu.memory_space<hbm>>)
    } else {
    }
    %dma_start3A_26 = arith.constant 0 : i32
    %dma_start3A_27 = arith.constant 0 : i32
    %dma_start3A_28 = tpu.memref_slice %arg5[%dma_start3A_26, %dma_start3A_27] : memref<10000x128xf32, #tpu.memory_space<vmem_shared>> -> memref<10000x128xf32, #tpu.memory_space<vmem_shared>>
    tpu.enqueue_indirect_dma source(%dma_start3A_28 : memref<10000x128xf32, #tpu.memory_space<vmem_shared>>) target(%arg8 : memref<80x128xf32, #tpu.memory_space<vmem>>) offsets(%arg6 : memref<80xi32, #tpu.memory_space<vmem>>) semaphore(%arg12 : memref<!tpu.dma_semaphore, #tpu.memory_space<semaphore_mem>>)
    %dma_wait3A_29 = arith.constant 0 : i32
    %dma_wait3A_30 = arith.constant 0 : i32
    %dma_wait3A_31 = tpu.memref_slice %arg5[%dma_wait3A_29, %dma_wait3A_30] : memref<10000x128xf32, #tpu.memory_space<vmem_shared>> -> memref<10000x128xf32, #tpu.memory_space<vmem_shared>>
    tpu.wait_indirect_dma semaphore(%arg12 : memref<!tpu.dma_semaphore, #tpu.memory_space<semaphore_mem>>) src(%dma_wait3A_31 : memref<10000x128xf32, #tpu.memory_space<vmem_shared>>) dst(%arg8 : memref<80x128xf32, #tpu.memory_space<vmem>>)
    %add3A_32 = arith.constant 8320 : i32
    %add3A_33 = arith.addi %mul3A_2, %add3A_32 : i32
    %multiple_of3A_34 = tpu.assume_multiple %add3A_33, 80 : i32
    %dma_start3A_35 = arith.constant 0 : i32
    %dma_start3A_36 = tpu.memref_slice %arg4[%multiple_of3A_34, %dma_start3A_35] : memref<268800x128xf32, #tpu.memory_space<hbm>> -> memref<80x128xf32, #tpu.memory_space<hbm>>
    %dma_start3A_37 = arith.constant 0 : i32
    %dma_start3A_38 = tpu.memref_slice %arg4[%multiple_of3A_34, %dma_start3A_37] : memref<268800x128xf32, #tpu.memory_space<hbm>> -> memref<80x128xf32, #tpu.memory_space<hbm>>
    tpu.enqueue_dma source(%arg8 : memref<80x128xf32, #tpu.memory_space<vmem>>) target(%dma_start3A_38 : memref<80x128xf32, #tpu.memory_space<hbm>>) target_semaphore(%arg13 : memref<!tpu.dma_semaphore, #tpu.memory_space<semaphore_mem>>)
    %add3A_39 = arith.constant 8240 : i32
    %add3A_40 = arith.addi %mul3A_2, %add3A_39 : i32
    %multiple_of3A_41 = tpu.assume_multiple %add3A_40, 80 : i32
    %dma_wait3A_42 = arith.constant 0 : i32
    %dma_wait3A_43 = tpu.memref_slice %arg4[%multiple_of3A_41, %dma_wait3A_42] : memref<268800x128xf32, #tpu.memory_space<hbm>> -> memref<80x128xf32, #tpu.memory_space<hbm>>
    %dma_wait3A_44 = arith.constant 0 : i32
    %dma_wait3A_45 = tpu.memref_slice %arg4[%multiple_of3A_41, %dma_wait3A_44] : memref<268800x128xf32, #tpu.memory_space<hbm>> -> memref<80x128xf32, #tpu.memory_space<hbm>>
    tpu.wait_dma2 semaphore(%arg14 : memref<!tpu.dma_semaphore, #tpu.memory_space<semaphore_mem>>) src(%arg9 : memref<80x128xf32, #tpu.memory_space<vmem>>) dst(%dma_wait3A_45 : memref<80x128xf32, #tpu.memory_space<hbm>>)
    %add3A_46 = arith.constant 8320 : i32
    %add3A_47 = arith.addi %mul3A_2, %add3A_46 : i32
    %multiple_of3A_48 = tpu.assume_multiple %add3A_47, 80 : i32
    %dma_wait3A_49 = arith.constant 0 : i32
    %dma_wait3A_50 = tpu.memref_slice %arg4[%multiple_of3A_48, %dma_wait3A_49] : memref<268800x128xf32, #tpu.memory_space<hbm>> -> memref<80x128xf32, #tpu.memory_space<hbm>>
    %dma_wait3A_51 = arith.constant 0 : i32
    %dma_wait3A_52 = tpu.memref_slice %arg4[%multiple_of3A_48, %dma_wait3A_51] : memref<268800x128xf32, #tpu.memory_space<hbm>> -> memref<80x128xf32, #tpu.memory_space<hbm>>
    tpu.wait_dma2 semaphore(%arg13 : memref<!tpu.dma_semaphore, #tpu.memory_space<semaphore_mem>>) src(%arg8 : memref<80x128xf32, #tpu.memory_space<vmem>>) dst(%dma_wait3A_52 : memref<80x128xf32, #tpu.memory_space<hbm>>)
    return
  }
}

#map = affine_map<(d0, d1) -> (0, 0)>
#map1 = affine_map<(d0, d1) -> (0, 0, 0, 0)>
module attributes {stable_mosaic.version = 14 : i64} {
  func.func @body(%arg0: i32, %arg1: i32, %arg2: memref<89600x512xf32, #tpu.memory_space<hbm>>, %arg3: memref<16x35x2x80xi32, #tpu.memory_space<hbm>>, %arg4: memref<10000x512xf32, #tpu.memory_space<hbm>>, %arg5: memref<10000x512xf32, #tpu.memory_space<hbm>>, %arg6: memref<10000x128xf32, #tpu.memory_space<vmem_shared>>, %arg7: memref<35x2x80xi32, #tpu.memory_space<vmem>>, %arg8: memref<160x128xf32, #tpu.memory_space<vmem>>, %arg9: memref<160x128xf32, #tpu.memory_space<vmem>>, %arg10: memref<!tpu.dma_semaphore, #tpu.memory_space<semaphore_mem>>, %arg11: memref<!tpu.dma_semaphore, #tpu.memory_space<semaphore_mem>>, %arg12: memref<!tpu.dma_semaphore, #tpu.memory_space<semaphore_mem>>, %arg13: memref<!tpu.dma_semaphore, #tpu.memory_space<semaphore_mem>>, %arg14: memref<!tpu.dma_semaphore, #tpu.memory_space<semaphore_mem>>) attributes {dimension_semantics = [#tpu.dimension_semantics<core_parallel>, #tpu.dimension_semantics<subcore_parallel>], iteration_bounds = array<i64: 2, 16>, scalar_prefetch = 0 : i64, scratch_operands = 9 : i64, tpu.core_type = #tpu.core_type<sc_vector_subcore>, window_params = [{transform_indices = #map}, {transform_indices = #map1}, {transform_indices = #map}, {transform_indices = #map}]} {
    %mul3A = arith.constant 5600 : i32
    %mul3A_0 = arith.muli %arg1, %mul3A : i32
    %dma_start3A = arith.constant 0 : i32
    %dma_start3A_1 = arith.constant 0 : i32
    %dma_start3A_2 = arith.constant 0 : i32
    %dma_start3A_3 = tpu.memref_slice %arg3[%arg1, %dma_start3A, %dma_start3A_1, %dma_start3A_2] : memref<16x35x2x80xi32, #tpu.memory_space<hbm>> -> memref<1x35x2x80xi32, #tpu.memory_space<hbm>>
    %dma_start3A_4 = tpu.memref_squeeze %dma_start3A_3 : memref<1x35x2x80xi32, #tpu.memory_space<hbm>> -> memref<35x2x80xi32, #tpu.memory_space<hbm>>
    %dma_start3A_5 = arith.constant 0 : i32
    %dma_start3A_6 = arith.constant 0 : i32
    %dma_start3A_7 = arith.constant 0 : i32
    %dma_start3A_8 = tpu.memref_slice %arg3[%arg1, %dma_start3A_5, %dma_start3A_6, %dma_start3A_7] : memref<16x35x2x80xi32, #tpu.memory_space<hbm>> -> memref<1x35x2x80xi32, #tpu.memory_space<hbm>>
    %dma_start3A_9 = tpu.memref_squeeze %dma_start3A_8 : memref<1x35x2x80xi32, #tpu.memory_space<hbm>> -> memref<35x2x80xi32, #tpu.memory_space<hbm>>
    tpu.enqueue_dma source(%dma_start3A_9 : memref<35x2x80xi32, #tpu.memory_space<hbm>>) target(%arg7 : memref<35x2x80xi32, #tpu.memory_space<vmem>>) target_semaphore(%arg10 : memref<!tpu.dma_semaphore, #tpu.memory_space<semaphore_mem>>)
    %mul3A_10 = arith.constant 2 : i32
    %mul3A_11 = arith.muli %arg0, %mul3A_10 : i32
    %add3A = arith.constant 0 : i32
    %add3A_12 = arith.addi %mul3A_11, %add3A : i32
    %mul3A_13 = arith.constant 128 : i32
    %mul3A_14 = arith.muli %add3A_12, %mul3A_13 : i32
    %mul3A_15 = arith.constant 624 : i32
    %mul3A_16 = arith.muli %arg1, %mul3A_15 : i32
    %mul3A_17 = arith.constant 624 : i32
    %mul3A_18 = arith.muli %arg1, %mul3A_17 : i32
    %dma_start3A_19 = arith.constant 0 : i32
    %dma_start3A_20 = tpu.memref_slice %arg6[%mul3A_18, %dma_start3A_19] : memref<10000x128xf32, #tpu.memory_space<vmem_shared>> -> memref<624x128xf32, #tpu.memory_space<vmem_shared>>
    %dma_start3A_21 = tpu.memref_slice %arg4[%mul3A_16, %mul3A_14] : memref<10000x512xf32, #tpu.memory_space<hbm>> -> memref<624x128xf32, #tpu.memory_space<hbm>>
    tpu.enqueue_dma source(%dma_start3A_21 : memref<624x128xf32, #tpu.memory_space<hbm>>) target(%dma_start3A_20 : memref<624x128xf32, #tpu.memory_space<vmem_shared>>) target_semaphore(%arg11 : memref<!tpu.dma_semaphore, #tpu.memory_space<semaphore_mem>>)
    %eq3A = arith.constant 15 : i32
    %eq3A_22 = arith.cmpi eq, %arg1, %eq3A : i32
    %convert_element_type3A = arith.extui %eq3A_22 : i1 to i32
    %cond3A = arith.constant 0 : i32
    %cond3A_23 = arith.cmpi ne, %convert_element_type3A, %cond3A : i32
    scf.if %cond3A_23 {
      %dma_start3A_211 = arith.constant 9984 : i32
      %dma_start3A_212 = arith.constant 0 : i32
      %dma_start3A_213 = tpu.memref_slice %arg6[%dma_start3A_211, %dma_start3A_212] : memref<10000x128xf32, #tpu.memory_space<vmem_shared>> -> memref<16x128xf32, #tpu.memory_space<vmem_shared>>
      %dma_start3A_214 = arith.constant 9984 : i32
      %dma_start3A_215 = tpu.memref_slice %arg4[%dma_start3A_214, %mul3A_14] : memref<10000x512xf32, #tpu.memory_space<hbm>> -> memref<16x128xf32, #tpu.memory_space<hbm>>
      tpu.enqueue_dma source(%dma_start3A_215 : memref<16x128xf32, #tpu.memory_space<hbm>>) target(%dma_start3A_213 : memref<16x128xf32, #tpu.memory_space<vmem_shared>>) target_semaphore(%arg11 : memref<!tpu.dma_semaphore, #tpu.memory_space<semaphore_mem>>)
    } else {
    }
    %add3A_24 = arith.constant 0 : i32
    %add3A_25 = arith.addi %mul3A_0, %add3A_24 : i32
    %dma_start3A_26 = tpu.memref_slice %arg2[%add3A_25, %mul3A_14] : memref<89600x512xf32, #tpu.memory_space<hbm>> -> memref<160x128xf32, #tpu.memory_space<hbm>>
    %dma_start3A_27 = tpu.memref_slice %arg2[%add3A_25, %mul3A_14] : memref<89600x512xf32, #tpu.memory_space<hbm>> -> memref<160x128xf32, #tpu.memory_space<hbm>>
    tpu.enqueue_dma source(%dma_start3A_27 : memref<160x128xf32, #tpu.memory_space<hbm>>) target(%arg8 : memref<160x128xf32, #tpu.memory_space<vmem>>) target_semaphore(%arg12 : memref<!tpu.dma_semaphore, #tpu.memory_space<semaphore_mem>>)
    %mul3A_28 = arith.constant 624 : i32
    %mul3A_29 = arith.muli %arg1, %mul3A_28 : i32
    %mul3A_30 = arith.constant 624 : i32
    %mul3A_31 = arith.muli %arg1, %mul3A_30 : i32
    %dma_wait3A = arith.constant 0 : i32
    %dma_wait3A_32 = tpu.memref_slice %arg6[%mul3A_31, %dma_wait3A] : memref<10000x128xf32, #tpu.memory_space<vmem_shared>> -> memref<624x128xf32, #tpu.memory_space<vmem_shared>>
    %dma_wait3A_33 = tpu.memref_slice %arg4[%mul3A_29, %mul3A_14] : memref<10000x512xf32, #tpu.memory_space<hbm>> -> memref<624x128xf32, #tpu.memory_space<hbm>>
    tpu.wait_dma2 semaphore(%arg11 : memref<!tpu.dma_semaphore, #tpu.memory_space<semaphore_mem>>) src(%dma_wait3A_33 : memref<624x128xf32, #tpu.memory_space<hbm>>) dst(%dma_wait3A_32 : memref<624x128xf32, #tpu.memory_space<vmem_shared>>)
    %eq3A_34 = arith.constant 15 : i32
    %eq3A_35 = arith.cmpi eq, %arg1, %eq3A_34 : i32
    %convert_element_type3A_36 = arith.extui %eq3A_35 : i1 to i32
    %cond3A_37 = arith.constant 0 : i32
    %cond3A_38 = arith.cmpi ne, %convert_element_type3A_36, %cond3A_37 : i32
    scf.if %cond3A_38 {
      %dma_wait3A_211 = arith.constant 9984 : i32
      %dma_wait3A_212 = arith.constant 0 : i32
      %dma_wait3A_213 = tpu.memref_slice %arg6[%dma_wait3A_211, %dma_wait3A_212] : memref<10000x128xf32, #tpu.memory_space<vmem_shared>> -> memref<16x128xf32, #tpu.memory_space<vmem_shared>>
      %dma_wait3A_214 = arith.constant 9984 : i32
      %dma_wait3A_215 = tpu.memref_slice %arg4[%dma_wait3A_214, %mul3A_14] : memref<10000x512xf32, #tpu.memory_space<hbm>> -> memref<16x128xf32, #tpu.memory_space<hbm>>
      tpu.wait_dma2 semaphore(%arg11 : memref<!tpu.dma_semaphore, #tpu.memory_space<semaphore_mem>>) src(%dma_wait3A_215 : memref<16x128xf32, #tpu.memory_space<hbm>>) dst(%dma_wait3A_213 : memref<16x128xf32, #tpu.memory_space<vmem_shared>>)
    } else {
    }
    %dma_wait3A_39 = arith.constant 0 : i32
    %dma_wait3A_40 = arith.constant 0 : i32
    %dma_wait3A_41 = arith.constant 0 : i32
    %dma_wait3A_42 = tpu.memref_slice %arg3[%arg1, %dma_wait3A_39, %dma_wait3A_40, %dma_wait3A_41] : memref<16x35x2x80xi32, #tpu.memory_space<hbm>> -> memref<1x35x2x80xi32, #tpu.memory_space<hbm>>
    %dma_wait3A_43 = tpu.memref_squeeze %dma_wait3A_42 : memref<1x35x2x80xi32, #tpu.memory_space<hbm>> -> memref<35x2x80xi32, #tpu.memory_space<hbm>>
    %dma_wait3A_44 = arith.constant 0 : i32
    %dma_wait3A_45 = arith.constant 0 : i32
    %dma_wait3A_46 = arith.constant 0 : i32
    %dma_wait3A_47 = tpu.memref_slice %arg3[%arg1, %dma_wait3A_44, %dma_wait3A_45, %dma_wait3A_46] : memref<16x35x2x80xi32, #tpu.memory_space<hbm>> -> memref<1x35x2x80xi32, #tpu.memory_space<hbm>>
    %dma_wait3A_48 = tpu.memref_squeeze %dma_wait3A_47 : memref<1x35x2x80xi32, #tpu.memory_space<hbm>> -> memref<35x2x80xi32, #tpu.memory_space<hbm>>
    tpu.wait_dma2 semaphore(%arg10 : memref<!tpu.dma_semaphore, #tpu.memory_space<semaphore_mem>>) src(%dma_wait3A_48 : memref<35x2x80xi32, #tpu.memory_space<hbm>>) dst(%arg7 : memref<35x2x80xi32, #tpu.memory_space<vmem>>)
    %barrier3A = arith.constant 0 : index
    tpu.barrier barrier_id(%barrier3A)
    %scan3A = arith.constant 0 : i32
    %scan3A_49 = arith.constant 0 : i32
    %scan3A_50 = arith.constant 17 : i32
    %scan3A_51 = arith.addi %scan3A_49, %scan3A_50 : i32
    %scan3A_52 = arith.constant 1 : i32
    scf.for %scan3A_211 = %scan3A_49 to %scan3A_51 step %scan3A_52  : i32 {
      %mul3A_212 = arith.constant 2 : i32
      %mul3A_213 = arith.muli %scan3A_211, %mul3A_212 : i32
      %add3A_214 = arith.constant 1 : i32
      %add3A_215 = arith.addi %mul3A_213, %add3A_214 : i32
      %mul3A_216 = arith.constant 160 : i32
      %mul3A_217 = arith.muli %add3A_215, %mul3A_216 : i32
      %add3A_218 = arith.addi %mul3A_0, %mul3A_217 : i32
      %dma_start3A_219 = tpu.memref_slice %arg2[%add3A_218, %mul3A_14] : memref<89600x512xf32, #tpu.memory_space<hbm>> -> memref<160x128xf32, #tpu.memory_space<hbm>>
      %dma_start3A_220 = tpu.memref_slice %arg2[%add3A_218, %mul3A_14] : memref<89600x512xf32, #tpu.memory_space<hbm>> -> memref<160x128xf32, #tpu.memory_space<hbm>>
      tpu.enqueue_dma source(%dma_start3A_220 : memref<160x128xf32, #tpu.memory_space<hbm>>) target(%arg9 : memref<160x128xf32, #tpu.memory_space<vmem>>) target_semaphore(%arg13 : memref<!tpu.dma_semaphore, #tpu.memory_space<semaphore_mem>>)
      %mul3A_221 = arith.constant 160 : i32
      %mul3A_222 = arith.muli %mul3A_213, %mul3A_221 : i32
      %add3A_223 = arith.addi %mul3A_0, %mul3A_222 : i32
      %dma_wait3A_224 = tpu.memref_slice %arg2[%add3A_223, %mul3A_14] : memref<89600x512xf32, #tpu.memory_space<hbm>> -> memref<160x128xf32, #tpu.memory_space<hbm>>
      %dma_wait3A_225 = tpu.memref_slice %arg2[%add3A_223, %mul3A_14] : memref<89600x512xf32, #tpu.memory_space<hbm>> -> memref<160x128xf32, #tpu.memory_space<hbm>>
      tpu.wait_dma2 semaphore(%arg12 : memref<!tpu.dma_semaphore, #tpu.memory_space<semaphore_mem>>) src(%dma_wait3A_225 : memref<160x128xf32, #tpu.memory_space<hbm>>) dst(%arg8 : memref<160x128xf32, #tpu.memory_space<vmem>>)
      %dma_start3A_226 = arith.constant 0 : i32
      %dma_start3A_227 = arith.constant 0 : i32
      %dma_start3A_228 = arith.constant 0 : i32
      %dma_start3A_229 = tpu.memref_slice %arg8[%dma_start3A_227, %dma_start3A_228] : memref<160x128xf32, #tpu.memory_space<vmem>> -> memref<80x128xf32, #tpu.memory_space<vmem>>
      %dma_start3A_230 = arith.constant 0 : i32
      %dma_start3A_231 = tpu.memref_slice %arg7[%mul3A_213, %dma_start3A_226, %dma_start3A_230] : memref<35x2x80xi32, #tpu.memory_space<vmem>> -> memref<1x1x80xi32, #tpu.memory_space<vmem>>
      %dma_start3A_232 = tpu.memref_squeeze %dma_start3A_231 : memref<1x1x80xi32, #tpu.memory_space<vmem>> -> memref<80xi32, #tpu.memory_space<vmem>>
      %dma_start3A_233 = arith.constant 0 : i32
      %dma_start3A_234 = arith.constant 0 : i32
      %dma_start3A_235 = tpu.memref_slice %arg6[%dma_start3A_233, %dma_start3A_234] : memref<10000x128xf32, #tpu.memory_space<vmem_shared>> -> memref<10000x128xf32, #tpu.memory_space<vmem_shared>>
      tpu.enqueue_indirect_dma source(%dma_start3A_229 : memref<80x128xf32, #tpu.memory_space<vmem>>) target(%dma_start3A_235 : memref<10000x128xf32, #tpu.memory_space<vmem_shared>>) offsets(%dma_start3A_232 : memref<80xi32, #tpu.memory_space<vmem>>) semaphore(%arg14 : memref<!tpu.dma_semaphore, #tpu.memory_space<semaphore_mem>>) {add = true}
      %dma_start3A_236 = arith.constant 1 : i32
      %dma_start3A_237 = arith.constant 80 : i32
      %dma_start3A_238 = arith.constant 0 : i32
      %dma_start3A_239 = tpu.memref_slice %arg8[%dma_start3A_237, %dma_start3A_238] : memref<160x128xf32, #tpu.memory_space<vmem>> -> memref<80x128xf32, #tpu.memory_space<vmem>>
      %dma_start3A_240 = arith.constant 0 : i32
      %dma_start3A_241 = tpu.memref_slice %arg7[%mul3A_213, %dma_start3A_236, %dma_start3A_240] : memref<35x2x80xi32, #tpu.memory_space<vmem>> -> memref<1x1x80xi32, #tpu.memory_space<vmem>>
      %dma_start3A_242 = tpu.memref_squeeze %dma_start3A_241 : memref<1x1x80xi32, #tpu.memory_space<vmem>> -> memref<80xi32, #tpu.memory_space<vmem>>
      %dma_start3A_243 = arith.constant 0 : i32
      %dma_start3A_244 = arith.constant 0 : i32
      %dma_start3A_245 = tpu.memref_slice %arg6[%dma_start3A_243, %dma_start3A_244] : memref<10000x128xf32, #tpu.memory_space<vmem_shared>> -> memref<10000x128xf32, #tpu.memory_space<vmem_shared>>
      tpu.enqueue_indirect_dma source(%dma_start3A_239 : memref<80x128xf32, #tpu.memory_space<vmem>>) target(%dma_start3A_245 : memref<10000x128xf32, #tpu.memory_space<vmem_shared>>) offsets(%dma_start3A_242 : memref<80xi32, #tpu.memory_space<vmem>>) semaphore(%arg14 : memref<!tpu.dma_semaphore, #tpu.memory_space<semaphore_mem>>) {add = true}
      %dma_wait3A_246 = arith.constant 0 : i32
      %dma_wait3A_247 = arith.constant 0 : i32
      %dma_wait3A_248 = arith.constant 0 : i32
      %dma_wait3A_249 = tpu.memref_slice %arg8[%dma_wait3A_247, %dma_wait3A_248] : memref<160x128xf32, #tpu.memory_space<vmem>> -> memref<80x128xf32, #tpu.memory_space<vmem>>
      %dma_wait3A_250 = arith.constant 0 : i32
      %dma_wait3A_251 = tpu.memref_slice %arg7[%mul3A_213, %dma_wait3A_246, %dma_wait3A_250] : memref<35x2x80xi32, #tpu.memory_space<vmem>> -> memref<1x1x80xi32, #tpu.memory_space<vmem>>
      %dma_wait3A_252 = tpu.memref_squeeze %dma_wait3A_251 : memref<1x1x80xi32, #tpu.memory_space<vmem>> -> memref<80xi32, #tpu.memory_space<vmem>>
      %dma_wait3A_253 = arith.constant 0 : i32
      %dma_wait3A_254 = arith.constant 0 : i32
      %dma_wait3A_255 = tpu.memref_slice %arg6[%dma_wait3A_253, %dma_wait3A_254] : memref<10000x128xf32, #tpu.memory_space<vmem_shared>> -> memref<10000x128xf32, #tpu.memory_space<vmem_shared>>
      tpu.wait_indirect_dma semaphore(%arg14 : memref<!tpu.dma_semaphore, #tpu.memory_space<semaphore_mem>>) src(%dma_wait3A_249 : memref<80x128xf32, #tpu.memory_space<vmem>>) dst(%dma_wait3A_255 : memref<10000x128xf32, #tpu.memory_space<vmem_shared>>)
      %dma_wait3A_256 = arith.constant 1 : i32
      %dma_wait3A_257 = arith.constant 80 : i32
      %dma_wait3A_258 = arith.constant 0 : i32
      %dma_wait3A_259 = tpu.memref_slice %arg8[%dma_wait3A_257, %dma_wait3A_258] : memref<160x128xf32, #tpu.memory_space<vmem>> -> memref<80x128xf32, #tpu.memory_space<vmem>>
      %dma_wait3A_260 = arith.constant 0 : i32
      %dma_wait3A_261 = tpu.memref_slice %arg7[%mul3A_213, %dma_wait3A_256, %dma_wait3A_260] : memref<35x2x80xi32, #tpu.memory_space<vmem>> -> memref<1x1x80xi32, #tpu.memory_space<vmem>>
      %dma_wait3A_262 = tpu.memref_squeeze %dma_wait3A_261 : memref<1x1x80xi32, #tpu.memory_space<vmem>> -> memref<80xi32, #tpu.memory_space<vmem>>
      %dma_wait3A_263 = arith.constant 0 : i32
      %dma_wait3A_264 = arith.constant 0 : i32
      %dma_wait3A_265 = tpu.memref_slice %arg6[%dma_wait3A_263, %dma_wait3A_264] : memref<10000x128xf32, #tpu.memory_space<vmem_shared>> -> memref<10000x128xf32, #tpu.memory_space<vmem_shared>>
      tpu.wait_indirect_dma semaphore(%arg14 : memref<!tpu.dma_semaphore, #tpu.memory_space<semaphore_mem>>) src(%dma_wait3A_259 : memref<80x128xf32, #tpu.memory_space<vmem>>) dst(%dma_wait3A_265 : memref<10000x128xf32, #tpu.memory_space<vmem_shared>>)
      %add3A_266 = arith.constant 2 : i32
      %add3A_267 = arith.addi %mul3A_213, %add3A_266 : i32
      %lt3A = arith.constant 35 : i32
      %lt3A_268 = arith.cmpi slt, %add3A_267, %lt3A : i32
      %convert_element_type3A_269 = arith.extui %lt3A_268 : i1 to i32
      %cond3A_270 = arith.constant 0 : i32
      %cond3A_271 = arith.cmpi ne, %convert_element_type3A_269, %cond3A_270 : i32
      scf.if %cond3A_271 {
        %add3A_321 = arith.constant 2 : i32
        %add3A_322 = arith.addi %mul3A_213, %add3A_321 : i32
        %mul3A_323 = arith.constant 160 : i32
        %mul3A_324 = arith.muli %add3A_322, %mul3A_323 : i32
        %add3A_325 = arith.addi %mul3A_0, %mul3A_324 : i32
        %dma_start3A_326 = tpu.memref_slice %arg2[%add3A_325, %mul3A_14] : memref<89600x512xf32, #tpu.memory_space<hbm>> -> memref<160x128xf32, #tpu.memory_space<hbm>>
        %dma_start3A_327 = tpu.memref_slice %arg2[%add3A_325, %mul3A_14] : memref<89600x512xf32, #tpu.memory_space<hbm>> -> memref<160x128xf32, #tpu.memory_space<hbm>>
        tpu.enqueue_dma source(%dma_start3A_327 : memref<160x128xf32, #tpu.memory_space<hbm>>) target(%arg8 : memref<160x128xf32, #tpu.memory_space<vmem>>) target_semaphore(%arg12 : memref<!tpu.dma_semaphore, #tpu.memory_space<semaphore_mem>>)
      } else {
      }
      %add3A_272 = arith.constant 1 : i32
      %add3A_273 = arith.addi %mul3A_213, %add3A_272 : i32
      %mul3A_274 = arith.constant 160 : i32
      %mul3A_275 = arith.muli %add3A_273, %mul3A_274 : i32
      %add3A_276 = arith.addi %mul3A_0, %mul3A_275 : i32
      %dma_wait3A_277 = tpu.memref_slice %arg2[%add3A_276, %mul3A_14] : memref<89600x512xf32, #tpu.memory_space<hbm>> -> memref<160x128xf32, #tpu.memory_space<hbm>>
      %dma_wait3A_278 = tpu.memref_slice %arg2[%add3A_276, %mul3A_14] : memref<89600x512xf32, #tpu.memory_space<hbm>> -> memref<160x128xf32, #tpu.memory_space<hbm>>
      tpu.wait_dma2 semaphore(%arg13 : memref<!tpu.dma_semaphore, #tpu.memory_space<semaphore_mem>>) src(%dma_wait3A_278 : memref<160x128xf32, #tpu.memory_space<hbm>>) dst(%arg9 : memref<160x128xf32, #tpu.memory_space<vmem>>)
      %add3A_279 = arith.constant 1 : i32
      %add3A_280 = arith.addi %mul3A_213, %add3A_279 : i32
      %dma_start3A_281 = arith.constant 0 : i32
      %dma_start3A_282 = arith.constant 0 : i32
      %dma_start3A_283 = arith.constant 0 : i32
      %dma_start3A_284 = tpu.memref_slice %arg9[%dma_start3A_282, %dma_start3A_283] : memref<160x128xf32, #tpu.memory_space<vmem>> -> memref<80x128xf32, #tpu.memory_space<vmem>>
      %dma_start3A_285 = arith.constant 0 : i32
      %dma_start3A_286 = tpu.memref_slice %arg7[%add3A_280, %dma_start3A_281, %dma_start3A_285] : memref<35x2x80xi32, #tpu.memory_space<vmem>> -> memref<1x1x80xi32, #tpu.memory_space<vmem>>
      %dma_start3A_287 = tpu.memref_squeeze %dma_start3A_286 : memref<1x1x80xi32, #tpu.memory_space<vmem>> -> memref<80xi32, #tpu.memory_space<vmem>>
      %dma_start3A_288 = arith.constant 0 : i32
      %dma_start3A_289 = arith.constant 0 : i32
      %dma_start3A_290 = tpu.memref_slice %arg6[%dma_start3A_288, %dma_start3A_289] : memref<10000x128xf32, #tpu.memory_space<vmem_shared>> -> memref<10000x128xf32, #tpu.memory_space<vmem_shared>>
      tpu.enqueue_indirect_dma source(%dma_start3A_284 : memref<80x128xf32, #tpu.memory_space<vmem>>) target(%dma_start3A_290 : memref<10000x128xf32, #tpu.memory_space<vmem_shared>>) offsets(%dma_start3A_287 : memref<80xi32, #tpu.memory_space<vmem>>) semaphore(%arg14 : memref<!tpu.dma_semaphore, #tpu.memory_space<semaphore_mem>>) {add = true}
      %dma_start3A_291 = arith.constant 1 : i32
      %dma_start3A_292 = arith.constant 80 : i32
      %dma_start3A_293 = arith.constant 0 : i32
      %dma_start3A_294 = tpu.memref_slice %arg9[%dma_start3A_292, %dma_start3A_293] : memref<160x128xf32, #tpu.memory_space<vmem>> -> memref<80x128xf32, #tpu.memory_space<vmem>>
      %dma_start3A_295 = arith.constant 0 : i32
      %dma_start3A_296 = tpu.memref_slice %arg7[%add3A_280, %dma_start3A_291, %dma_start3A_295] : memref<35x2x80xi32, #tpu.memory_space<vmem>> -> memref<1x1x80xi32, #tpu.memory_space<vmem>>
      %dma_start3A_297 = tpu.memref_squeeze %dma_start3A_296 : memref<1x1x80xi32, #tpu.memory_space<vmem>> -> memref<80xi32, #tpu.memory_space<vmem>>
      %dma_start3A_298 = arith.constant 0 : i32
      %dma_start3A_299 = arith.constant 0 : i32
      %dma_start3A_300 = tpu.memref_slice %arg6[%dma_start3A_298, %dma_start3A_299] : memref<10000x128xf32, #tpu.memory_space<vmem_shared>> -> memref<10000x128xf32, #tpu.memory_space<vmem_shared>>
      tpu.enqueue_indirect_dma source(%dma_start3A_294 : memref<80x128xf32, #tpu.memory_space<vmem>>) target(%dma_start3A_300 : memref<10000x128xf32, #tpu.memory_space<vmem_shared>>) offsets(%dma_start3A_297 : memref<80xi32, #tpu.memory_space<vmem>>) semaphore(%arg14 : memref<!tpu.dma_semaphore, #tpu.memory_space<semaphore_mem>>) {add = true}
      %dma_wait3A_301 = arith.constant 0 : i32
      %dma_wait3A_302 = arith.constant 0 : i32
      %dma_wait3A_303 = arith.constant 0 : i32
      %dma_wait3A_304 = tpu.memref_slice %arg9[%dma_wait3A_302, %dma_wait3A_303] : memref<160x128xf32, #tpu.memory_space<vmem>> -> memref<80x128xf32, #tpu.memory_space<vmem>>
      %dma_wait3A_305 = arith.constant 0 : i32
      %dma_wait3A_306 = tpu.memref_slice %arg7[%add3A_280, %dma_wait3A_301, %dma_wait3A_305] : memref<35x2x80xi32, #tpu.memory_space<vmem>> -> memref<1x1x80xi32, #tpu.memory_space<vmem>>
      %dma_wait3A_307 = tpu.memref_squeeze %dma_wait3A_306 : memref<1x1x80xi32, #tpu.memory_space<vmem>> -> memref<80xi32, #tpu.memory_space<vmem>>
      %dma_wait3A_308 = arith.constant 0 : i32
      %dma_wait3A_309 = arith.constant 0 : i32
      %dma_wait3A_310 = tpu.memref_slice %arg6[%dma_wait3A_308, %dma_wait3A_309] : memref<10000x128xf32, #tpu.memory_space<vmem_shared>> -> memref<10000x128xf32, #tpu.memory_space<vmem_shared>>
      tpu.wait_indirect_dma semaphore(%arg14 : memref<!tpu.dma_semaphore, #tpu.memory_space<semaphore_mem>>) src(%dma_wait3A_304 : memref<80x128xf32, #tpu.memory_space<vmem>>) dst(%dma_wait3A_310 : memref<10000x128xf32, #tpu.memory_space<vmem_shared>>)
      %dma_wait3A_311 = arith.constant 1 : i32
      %dma_wait3A_312 = arith.constant 80 : i32
      %dma_wait3A_313 = arith.constant 0 : i32
      %dma_wait3A_314 = tpu.memref_slice %arg9[%dma_wait3A_312, %dma_wait3A_313] : memref<160x128xf32, #tpu.memory_space<vmem>> -> memref<80x128xf32, #tpu.memory_space<vmem>>
      %dma_wait3A_315 = arith.constant 0 : i32
      %dma_wait3A_316 = tpu.memref_slice %arg7[%add3A_280, %dma_wait3A_311, %dma_wait3A_315] : memref<35x2x80xi32, #tpu.memory_space<vmem>> -> memref<1x1x80xi32, #tpu.memory_space<vmem>>
      %dma_wait3A_317 = tpu.memref_squeeze %dma_wait3A_316 : memref<1x1x80xi32, #tpu.memory_space<vmem>> -> memref<80xi32, #tpu.memory_space<vmem>>
      %dma_wait3A_318 = arith.constant 0 : i32
      %dma_wait3A_319 = arith.constant 0 : i32
      %dma_wait3A_320 = tpu.memref_slice %arg6[%dma_wait3A_318, %dma_wait3A_319] : memref<10000x128xf32, #tpu.memory_space<vmem_shared>> -> memref<10000x128xf32, #tpu.memory_space<vmem_shared>>
      tpu.wait_indirect_dma semaphore(%arg14 : memref<!tpu.dma_semaphore, #tpu.memory_space<semaphore_mem>>) src(%dma_wait3A_314 : memref<80x128xf32, #tpu.memory_space<vmem>>) dst(%dma_wait3A_320 : memref<10000x128xf32, #tpu.memory_space<vmem_shared>>)
    }
    %scan3A_53 = arith.constant 17 : i32
    %add3A_54 = arith.constant 5440 : i32
    %add3A_55 = arith.addi %mul3A_0, %add3A_54 : i32
    %dma_wait3A_56 = tpu.memref_slice %arg2[%add3A_55, %mul3A_14] : memref<89600x512xf32, #tpu.memory_space<hbm>> -> memref<160x128xf32, #tpu.memory_space<hbm>>
    %dma_wait3A_57 = tpu.memref_slice %arg2[%add3A_55, %mul3A_14] : memref<89600x512xf32, #tpu.memory_space<hbm>> -> memref<160x128xf32, #tpu.memory_space<hbm>>
    tpu.wait_dma2 semaphore(%arg12 : memref<!tpu.dma_semaphore, #tpu.memory_space<semaphore_mem>>) src(%dma_wait3A_57 : memref<160x128xf32, #tpu.memory_space<hbm>>) dst(%arg8 : memref<160x128xf32, #tpu.memory_space<vmem>>)
    %dma_start3A_58 = arith.constant 34 : i32
    %dma_start3A_59 = arith.constant 0 : i32
    %dma_start3A_60 = arith.constant 0 : i32
    %dma_start3A_61 = arith.constant 0 : i32
    %dma_start3A_62 = tpu.memref_slice %arg8[%dma_start3A_60, %dma_start3A_61] : memref<160x128xf32, #tpu.memory_space<vmem>> -> memref<80x128xf32, #tpu.memory_space<vmem>>
    %dma_start3A_63 = arith.constant 0 : i32
    %dma_start3A_64 = tpu.memref_slice %arg7[%dma_start3A_58, %dma_start3A_59, %dma_start3A_63] : memref<35x2x80xi32, #tpu.memory_space<vmem>> -> memref<1x1x80xi32, #tpu.memory_space<vmem>>
    %dma_start3A_65 = tpu.memref_squeeze %dma_start3A_64 : memref<1x1x80xi32, #tpu.memory_space<vmem>> -> memref<80xi32, #tpu.memory_space<vmem>>
    %dma_start3A_66 = arith.constant 0 : i32
    %dma_start3A_67 = arith.constant 0 : i32
    %dma_start3A_68 = tpu.memref_slice %arg6[%dma_start3A_66, %dma_start3A_67] : memref<10000x128xf32, #tpu.memory_space<vmem_shared>> -> memref<10000x128xf32, #tpu.memory_space<vmem_shared>>
    tpu.enqueue_indirect_dma source(%dma_start3A_62 : memref<80x128xf32, #tpu.memory_space<vmem>>) target(%dma_start3A_68 : memref<10000x128xf32, #tpu.memory_space<vmem_shared>>) offsets(%dma_start3A_65 : memref<80xi32, #tpu.memory_space<vmem>>) semaphore(%arg14 : memref<!tpu.dma_semaphore, #tpu.memory_space<semaphore_mem>>) {add = true}
    %dma_start3A_69 = arith.constant 34 : i32
    %dma_start3A_70 = arith.constant 1 : i32
    %dma_start3A_71 = arith.constant 80 : i32
    %dma_start3A_72 = arith.constant 0 : i32
    %dma_start3A_73 = tpu.memref_slice %arg8[%dma_start3A_71, %dma_start3A_72] : memref<160x128xf32, #tpu.memory_space<vmem>> -> memref<80x128xf32, #tpu.memory_space<vmem>>
    %dma_start3A_74 = arith.constant 0 : i32
    %dma_start3A_75 = tpu.memref_slice %arg7[%dma_start3A_69, %dma_start3A_70, %dma_start3A_74] : memref<35x2x80xi32, #tpu.memory_space<vmem>> -> memref<1x1x80xi32, #tpu.memory_space<vmem>>
    %dma_start3A_76 = tpu.memref_squeeze %dma_start3A_75 : memref<1x1x80xi32, #tpu.memory_space<vmem>> -> memref<80xi32, #tpu.memory_space<vmem>>
    %dma_start3A_77 = arith.constant 0 : i32
    %dma_start3A_78 = arith.constant 0 : i32
    %dma_start3A_79 = tpu.memref_slice %arg6[%dma_start3A_77, %dma_start3A_78] : memref<10000x128xf32, #tpu.memory_space<vmem_shared>> -> memref<10000x128xf32, #tpu.memory_space<vmem_shared>>
    tpu.enqueue_indirect_dma source(%dma_start3A_73 : memref<80x128xf32, #tpu.memory_space<vmem>>) target(%dma_start3A_79 : memref<10000x128xf32, #tpu.memory_space<vmem_shared>>) offsets(%dma_start3A_76 : memref<80xi32, #tpu.memory_space<vmem>>) semaphore(%arg14 : memref<!tpu.dma_semaphore, #tpu.memory_space<semaphore_mem>>) {add = true}
    %dma_wait3A_80 = arith.constant 34 : i32
    %dma_wait3A_81 = arith.constant 0 : i32
    %dma_wait3A_82 = arith.constant 0 : i32
    %dma_wait3A_83 = arith.constant 0 : i32
    %dma_wait3A_84 = tpu.memref_slice %arg8[%dma_wait3A_82, %dma_wait3A_83] : memref<160x128xf32, #tpu.memory_space<vmem>> -> memref<80x128xf32, #tpu.memory_space<vmem>>
    %dma_wait3A_85 = arith.constant 0 : i32
    %dma_wait3A_86 = tpu.memref_slice %arg7[%dma_wait3A_80, %dma_wait3A_81, %dma_wait3A_85] : memref<35x2x80xi32, #tpu.memory_space<vmem>> -> memref<1x1x80xi32, #tpu.memory_space<vmem>>
    %dma_wait3A_87 = tpu.memref_squeeze %dma_wait3A_86 : memref<1x1x80xi32, #tpu.memory_space<vmem>> -> memref<80xi32, #tpu.memory_space<vmem>>
    %dma_wait3A_88 = arith.constant 0 : i32
    %dma_wait3A_89 = arith.constant 0 : i32
    %dma_wait3A_90 = tpu.memref_slice %arg6[%dma_wait3A_88, %dma_wait3A_89] : memref<10000x128xf32, #tpu.memory_space<vmem_shared>> -> memref<10000x128xf32, #tpu.memory_space<vmem_shared>>
    tpu.wait_indirect_dma semaphore(%arg14 : memref<!tpu.dma_semaphore, #tpu.memory_space<semaphore_mem>>) src(%dma_wait3A_84 : memref<80x128xf32, #tpu.memory_space<vmem>>) dst(%dma_wait3A_90 : memref<10000x128xf32, #tpu.memory_space<vmem_shared>>)
    %dma_wait3A_91 = arith.constant 34 : i32
    %dma_wait3A_92 = arith.constant 1 : i32
    %dma_wait3A_93 = arith.constant 80 : i32
    %dma_wait3A_94 = arith.constant 0 : i32
    %dma_wait3A_95 = tpu.memref_slice %arg8[%dma_wait3A_93, %dma_wait3A_94] : memref<160x128xf32, #tpu.memory_space<vmem>> -> memref<80x128xf32, #tpu.memory_space<vmem>>
    %dma_wait3A_96 = arith.constant 0 : i32
    %dma_wait3A_97 = tpu.memref_slice %arg7[%dma_wait3A_91, %dma_wait3A_92, %dma_wait3A_96] : memref<35x2x80xi32, #tpu.memory_space<vmem>> -> memref<1x1x80xi32, #tpu.memory_space<vmem>>
    %dma_wait3A_98 = tpu.memref_squeeze %dma_wait3A_97 : memref<1x1x80xi32, #tpu.memory_space<vmem>> -> memref<80xi32, #tpu.memory_space<vmem>>
    %dma_wait3A_99 = arith.constant 0 : i32
    %dma_wait3A_100 = arith.constant 0 : i32
    %dma_wait3A_101 = tpu.memref_slice %arg6[%dma_wait3A_99, %dma_wait3A_100] : memref<10000x128xf32, #tpu.memory_space<vmem_shared>> -> memref<10000x128xf32, #tpu.memory_space<vmem_shared>>
    tpu.wait_indirect_dma semaphore(%arg14 : memref<!tpu.dma_semaphore, #tpu.memory_space<semaphore_mem>>) src(%dma_wait3A_95 : memref<80x128xf32, #tpu.memory_space<vmem>>) dst(%dma_wait3A_101 : memref<10000x128xf32, #tpu.memory_space<vmem_shared>>)
    %barrier3A_102 = arith.constant 0 : index
    tpu.barrier barrier_id(%barrier3A_102)
    %mul3A_103 = arith.constant 624 : i32
    %mul3A_104 = arith.muli %arg1, %mul3A_103 : i32
    %mul3A_105 = arith.constant 624 : i32
    %mul3A_106 = arith.muli %arg1, %mul3A_105 : i32
    "tpu.region"() ({
      %run_scoped3A = tpu.sem_alloc : memref<!tpu.dma_semaphore, #tpu.memory_space<semaphore_mem>>
      %dma_start3A_211 = tpu.memref_slice %arg5[%mul3A_106, %mul3A_14] : memref<10000x512xf32, #tpu.memory_space<hbm>> -> memref<624x128xf32, #tpu.memory_space<hbm>>
      %dma_start3A_212 = arith.constant 0 : i32
      %dma_start3A_213 = tpu.memref_slice %arg6[%mul3A_104, %dma_start3A_212] : memref<10000x128xf32, #tpu.memory_space<vmem_shared>> -> memref<624x128xf32, #tpu.memory_space<vmem_shared>>
      tpu.enqueue_dma source(%dma_start3A_213 : memref<624x128xf32, #tpu.memory_space<vmem_shared>>) target(%dma_start3A_211 : memref<624x128xf32, #tpu.memory_space<hbm>>) target_semaphore(%run_scoped3A : memref<!tpu.dma_semaphore, #tpu.memory_space<semaphore_mem>>)
      %dma_wait3A_214 = tpu.memref_slice %arg5[%mul3A_106, %mul3A_14] : memref<10000x512xf32, #tpu.memory_space<hbm>> -> memref<624x128xf32, #tpu.memory_space<hbm>>
      %dma_wait3A_215 = arith.constant 0 : i32
      %dma_wait3A_216 = tpu.memref_slice %arg6[%mul3A_104, %dma_wait3A_215] : memref<10000x128xf32, #tpu.memory_space<vmem_shared>> -> memref<624x128xf32, #tpu.memory_space<vmem_shared>>
      tpu.wait_dma2 semaphore(%run_scoped3A : memref<!tpu.dma_semaphore, #tpu.memory_space<semaphore_mem>>) src(%dma_wait3A_216 : memref<624x128xf32, #tpu.memory_space<vmem_shared>>) dst(%dma_wait3A_214 : memref<624x128xf32, #tpu.memory_space<hbm>>)
      tpu.yield
    }) : () -> ()
    %eq3A_107 = arith.constant 15 : i32
    %eq3A_108 = arith.cmpi eq, %arg1, %eq3A_107 : i32
    %convert_element_type3A_109 = arith.extui %eq3A_108 : i1 to i32
    %cond3A_110 = arith.constant 0 : i32
    %cond3A_111 = arith.cmpi ne, %convert_element_type3A_109, %cond3A_110 : i32
    scf.if %cond3A_111 {
      "tpu.region"() ({
        %run_scoped3A = tpu.sem_alloc : memref<!tpu.dma_semaphore, #tpu.memory_space<semaphore_mem>>
        %dma_start3A_211 = arith.constant 9984 : i32
        %dma_start3A_212 = tpu.memref_slice %arg5[%dma_start3A_211, %mul3A_14] : memref<10000x512xf32, #tpu.memory_space<hbm>> -> memref<16x128xf32, #tpu.memory_space<hbm>>
        %dma_start3A_213 = arith.constant 9984 : i32
        %dma_start3A_214 = arith.constant 0 : i32
        %dma_start3A_215 = tpu.memref_slice %arg6[%dma_start3A_213, %dma_start3A_214] : memref<10000x128xf32, #tpu.memory_space<vmem_shared>> -> memref<16x128xf32, #tpu.memory_space<vmem_shared>>
        tpu.enqueue_dma source(%dma_start3A_215 : memref<16x128xf32, #tpu.memory_space<vmem_shared>>) target(%dma_start3A_212 : memref<16x128xf32, #tpu.memory_space<hbm>>) target_semaphore(%run_scoped3A : memref<!tpu.dma_semaphore, #tpu.memory_space<semaphore_mem>>)
        %dma_wait3A_216 = arith.constant 9984 : i32
        %dma_wait3A_217 = tpu.memref_slice %arg5[%dma_wait3A_216, %mul3A_14] : memref<10000x512xf32, #tpu.memory_space<hbm>> -> memref<16x128xf32, #tpu.memory_space<hbm>>
        %dma_wait3A_218 = arith.constant 9984 : i32
        %dma_wait3A_219 = arith.constant 0 : i32
        %dma_wait3A_220 = tpu.memref_slice %arg6[%dma_wait3A_218, %dma_wait3A_219] : memref<10000x128xf32, #tpu.memory_space<vmem_shared>> -> memref<16x128xf32, #tpu.memory_space<vmem_shared>>
        tpu.wait_dma2 semaphore(%run_scoped3A : memref<!tpu.dma_semaphore, #tpu.memory_space<semaphore_mem>>) src(%dma_wait3A_220 : memref<16x128xf32, #tpu.memory_space<vmem_shared>>) dst(%dma_wait3A_217 : memref<16x128xf32, #tpu.memory_space<hbm>>)
        tpu.yield
      }) : () -> ()
    } else {
    }
    %mul3A_112 = arith.constant 2 : i32
    %mul3A_113 = arith.muli %arg0, %mul3A_112 : i32
    %add3A_114 = arith.constant 1 : i32
    %add3A_115 = arith.addi %mul3A_113, %add3A_114 : i32
    %mul3A_116 = arith.constant 128 : i32
    %mul3A_117 = arith.muli %add3A_115, %mul3A_116 : i32
    %mul3A_118 = arith.constant 624 : i32
    %mul3A_119 = arith.muli %arg1, %mul3A_118 : i32
    %mul3A_120 = arith.constant 624 : i32
    %mul3A_121 = arith.muli %arg1, %mul3A_120 : i32
    %dma_start3A_122 = arith.constant 0 : i32
    %dma_start3A_123 = tpu.memref_slice %arg6[%mul3A_121, %dma_start3A_122] : memref<10000x128xf32, #tpu.memory_space<vmem_shared>> -> memref<624x128xf32, #tpu.memory_space<vmem_shared>>
    %dma_start3A_124 = tpu.memref_slice %arg4[%mul3A_119, %mul3A_117] : memref<10000x512xf32, #tpu.memory_space<hbm>> -> memref<624x128xf32, #tpu.memory_space<hbm>>
    tpu.enqueue_dma source(%dma_start3A_124 : memref<624x128xf32, #tpu.memory_space<hbm>>) target(%dma_start3A_123 : memref<624x128xf32, #tpu.memory_space<vmem_shared>>) target_semaphore(%arg11 : memref<!tpu.dma_semaphore, #tpu.memory_space<semaphore_mem>>)
    %eq3A_125 = arith.constant 15 : i32
    %eq3A_126 = arith.cmpi eq, %arg1, %eq3A_125 : i32
    %convert_element_type3A_127 = arith.extui %eq3A_126 : i1 to i32
    %cond3A_128 = arith.constant 0 : i32
    %cond3A_129 = arith.cmpi ne, %convert_element_type3A_127, %cond3A_128 : i32
    scf.if %cond3A_129 {
      %dma_start3A_211 = arith.constant 9984 : i32
      %dma_start3A_212 = arith.constant 0 : i32
      %dma_start3A_213 = tpu.memref_slice %arg6[%dma_start3A_211, %dma_start3A_212] : memref<10000x128xf32, #tpu.memory_space<vmem_shared>> -> memref<16x128xf32, #tpu.memory_space<vmem_shared>>
      %dma_start3A_214 = arith.constant 9984 : i32
      %dma_start3A_215 = tpu.memref_slice %arg4[%dma_start3A_214, %mul3A_117] : memref<10000x512xf32, #tpu.memory_space<hbm>> -> memref<16x128xf32, #tpu.memory_space<hbm>>
      tpu.enqueue_dma source(%dma_start3A_215 : memref<16x128xf32, #tpu.memory_space<hbm>>) target(%dma_start3A_213 : memref<16x128xf32, #tpu.memory_space<vmem_shared>>) target_semaphore(%arg11 : memref<!tpu.dma_semaphore, #tpu.memory_space<semaphore_mem>>)
    } else {
    }
    %add3A_130 = arith.constant 0 : i32
    %add3A_131 = arith.addi %mul3A_0, %add3A_130 : i32
    %dma_start3A_132 = tpu.memref_slice %arg2[%add3A_131, %mul3A_117] : memref<89600x512xf32, #tpu.memory_space<hbm>> -> memref<160x128xf32, #tpu.memory_space<hbm>>
    %dma_start3A_133 = tpu.memref_slice %arg2[%add3A_131, %mul3A_117] : memref<89600x512xf32, #tpu.memory_space<hbm>> -> memref<160x128xf32, #tpu.memory_space<hbm>>
    tpu.enqueue_dma source(%dma_start3A_133 : memref<160x128xf32, #tpu.memory_space<hbm>>) target(%arg8 : memref<160x128xf32, #tpu.memory_space<vmem>>) target_semaphore(%arg12 : memref<!tpu.dma_semaphore, #tpu.memory_space<semaphore_mem>>)
    %mul3A_134 = arith.constant 624 : i32
    %mul3A_135 = arith.muli %arg1, %mul3A_134 : i32
    %mul3A_136 = arith.constant 624 : i32
    %mul3A_137 = arith.muli %arg1, %mul3A_136 : i32
    %dma_wait3A_138 = arith.constant 0 : i32
    %dma_wait3A_139 = tpu.memref_slice %arg6[%mul3A_137, %dma_wait3A_138] : memref<10000x128xf32, #tpu.memory_space<vmem_shared>> -> memref<624x128xf32, #tpu.memory_space<vmem_shared>>
    %dma_wait3A_140 = tpu.memref_slice %arg4[%mul3A_135, %mul3A_117] : memref<10000x512xf32, #tpu.memory_space<hbm>> -> memref<624x128xf32, #tpu.memory_space<hbm>>
    tpu.wait_dma2 semaphore(%arg11 : memref<!tpu.dma_semaphore, #tpu.memory_space<semaphore_mem>>) src(%dma_wait3A_140 : memref<624x128xf32, #tpu.memory_space<hbm>>) dst(%dma_wait3A_139 : memref<624x128xf32, #tpu.memory_space<vmem_shared>>)
    %eq3A_141 = arith.constant 15 : i32
    %eq3A_142 = arith.cmpi eq, %arg1, %eq3A_141 : i32
    %convert_element_type3A_143 = arith.extui %eq3A_142 : i1 to i32
    %cond3A_144 = arith.constant 0 : i32
    %cond3A_145 = arith.cmpi ne, %convert_element_type3A_143, %cond3A_144 : i32
    scf.if %cond3A_145 {
      %dma_wait3A_211 = arith.constant 9984 : i32
      %dma_wait3A_212 = arith.constant 0 : i32
      %dma_wait3A_213 = tpu.memref_slice %arg6[%dma_wait3A_211, %dma_wait3A_212] : memref<10000x128xf32, #tpu.memory_space<vmem_shared>> -> memref<16x128xf32, #tpu.memory_space<vmem_shared>>
      %dma_wait3A_214 = arith.constant 9984 : i32
      %dma_wait3A_215 = tpu.memref_slice %arg4[%dma_wait3A_214, %mul3A_117] : memref<10000x512xf32, #tpu.memory_space<hbm>> -> memref<16x128xf32, #tpu.memory_space<hbm>>
      tpu.wait_dma2 semaphore(%arg11 : memref<!tpu.dma_semaphore, #tpu.memory_space<semaphore_mem>>) src(%dma_wait3A_215 : memref<16x128xf32, #tpu.memory_space<hbm>>) dst(%dma_wait3A_213 : memref<16x128xf32, #tpu.memory_space<vmem_shared>>)
    } else {
    }
    %barrier3A_146 = arith.constant 0 : index
    tpu.barrier barrier_id(%barrier3A_146)
    %scan3A_147 = arith.constant 0 : i32
    %scan3A_148 = arith.constant 0 : i32
    %scan3A_149 = arith.constant 17 : i32
    %scan3A_150 = arith.addi %scan3A_148, %scan3A_149 : i32
    %scan3A_151 = arith.constant 1 : i32
    scf.for %scan3A_211 = %scan3A_148 to %scan3A_150 step %scan3A_151  : i32 {
      %mul3A_212 = arith.constant 2 : i32
      %mul3A_213 = arith.muli %scan3A_211, %mul3A_212 : i32
      %add3A_214 = arith.constant 1 : i32
      %add3A_215 = arith.addi %mul3A_213, %add3A_214 : i32
      %mul3A_216 = arith.constant 160 : i32
      %mul3A_217 = arith.muli %add3A_215, %mul3A_216 : i32
      %add3A_218 = arith.addi %mul3A_0, %mul3A_217 : i32
      %dma_start3A_219 = tpu.memref_slice %arg2[%add3A_218, %mul3A_117] : memref<89600x512xf32, #tpu.memory_space<hbm>> -> memref<160x128xf32, #tpu.memory_space<hbm>>
      %dma_start3A_220 = tpu.memref_slice %arg2[%add3A_218, %mul3A_117] : memref<89600x512xf32, #tpu.memory_space<hbm>> -> memref<160x128xf32, #tpu.memory_space<hbm>>
      tpu.enqueue_dma source(%dma_start3A_220 : memref<160x128xf32, #tpu.memory_space<hbm>>) target(%arg9 : memref<160x128xf32, #tpu.memory_space<vmem>>) target_semaphore(%arg13 : memref<!tpu.dma_semaphore, #tpu.memory_space<semaphore_mem>>)
      %mul3A_221 = arith.constant 160 : i32
      %mul3A_222 = arith.muli %mul3A_213, %mul3A_221 : i32
      %add3A_223 = arith.addi %mul3A_0, %mul3A_222 : i32
      %dma_wait3A_224 = tpu.memref_slice %arg2[%add3A_223, %mul3A_117] : memref<89600x512xf32, #tpu.memory_space<hbm>> -> memref<160x128xf32, #tpu.memory_space<hbm>>
      %dma_wait3A_225 = tpu.memref_slice %arg2[%add3A_223, %mul3A_117] : memref<89600x512xf32, #tpu.memory_space<hbm>> -> memref<160x128xf32, #tpu.memory_space<hbm>>
      tpu.wait_dma2 semaphore(%arg12 : memref<!tpu.dma_semaphore, #tpu.memory_space<semaphore_mem>>) src(%dma_wait3A_225 : memref<160x128xf32, #tpu.memory_space<hbm>>) dst(%arg8 : memref<160x128xf32, #tpu.memory_space<vmem>>)
      %dma_start3A_226 = arith.constant 0 : i32
      %dma_start3A_227 = arith.constant 0 : i32
      %dma_start3A_228 = arith.constant 0 : i32
      %dma_start3A_229 = tpu.memref_slice %arg8[%dma_start3A_227, %dma_start3A_228] : memref<160x128xf32, #tpu.memory_space<vmem>> -> memref<80x128xf32, #tpu.memory_space<vmem>>
      %dma_start3A_230 = arith.constant 0 : i32
      %dma_start3A_231 = tpu.memref_slice %arg7[%mul3A_213, %dma_start3A_226, %dma_start3A_230] : memref<35x2x80xi32, #tpu.memory_space<vmem>> -> memref<1x1x80xi32, #tpu.memory_space<vmem>>
      %dma_start3A_232 = tpu.memref_squeeze %dma_start3A_231 : memref<1x1x80xi32, #tpu.memory_space<vmem>> -> memref<80xi32, #tpu.memory_space<vmem>>
      %dma_start3A_233 = arith.constant 0 : i32
      %dma_start3A_234 = arith.constant 0 : i32
      %dma_start3A_235 = tpu.memref_slice %arg6[%dma_start3A_233, %dma_start3A_234] : memref<10000x128xf32, #tpu.memory_space<vmem_shared>> -> memref<10000x128xf32, #tpu.memory_space<vmem_shared>>
      tpu.enqueue_indirect_dma source(%dma_start3A_229 : memref<80x128xf32, #tpu.memory_space<vmem>>) target(%dma_start3A_235 : memref<10000x128xf32, #tpu.memory_space<vmem_shared>>) offsets(%dma_start3A_232 : memref<80xi32, #tpu.memory_space<vmem>>) semaphore(%arg14 : memref<!tpu.dma_semaphore, #tpu.memory_space<semaphore_mem>>) {add = true}
      %dma_start3A_236 = arith.constant 1 : i32
      %dma_start3A_237 = arith.constant 80 : i32
      %dma_start3A_238 = arith.constant 0 : i32
      %dma_start3A_239 = tpu.memref_slice %arg8[%dma_start3A_237, %dma_start3A_238] : memref<160x128xf32, #tpu.memory_space<vmem>> -> memref<80x128xf32, #tpu.memory_space<vmem>>
      %dma_start3A_240 = arith.constant 0 : i32
      %dma_start3A_241 = tpu.memref_slice %arg7[%mul3A_213, %dma_start3A_236, %dma_start3A_240] : memref<35x2x80xi32, #tpu.memory_space<vmem>> -> memref<1x1x80xi32, #tpu.memory_space<vmem>>
      %dma_start3A_242 = tpu.memref_squeeze %dma_start3A_241 : memref<1x1x80xi32, #tpu.memory_space<vmem>> -> memref<80xi32, #tpu.memory_space<vmem>>
      %dma_start3A_243 = arith.constant 0 : i32
      %dma_start3A_244 = arith.constant 0 : i32
      %dma_start3A_245 = tpu.memref_slice %arg6[%dma_start3A_243, %dma_start3A_244] : memref<10000x128xf32, #tpu.memory_space<vmem_shared>> -> memref<10000x128xf32, #tpu.memory_space<vmem_shared>>
      tpu.enqueue_indirect_dma source(%dma_start3A_239 : memref<80x128xf32, #tpu.memory_space<vmem>>) target(%dma_start3A_245 : memref<10000x128xf32, #tpu.memory_space<vmem_shared>>) offsets(%dma_start3A_242 : memref<80xi32, #tpu.memory_space<vmem>>) semaphore(%arg14 : memref<!tpu.dma_semaphore, #tpu.memory_space<semaphore_mem>>) {add = true}
      %dma_wait3A_246 = arith.constant 0 : i32
      %dma_wait3A_247 = arith.constant 0 : i32
      %dma_wait3A_248 = arith.constant 0 : i32
      %dma_wait3A_249 = tpu.memref_slice %arg8[%dma_wait3A_247, %dma_wait3A_248] : memref<160x128xf32, #tpu.memory_space<vmem>> -> memref<80x128xf32, #tpu.memory_space<vmem>>
      %dma_wait3A_250 = arith.constant 0 : i32
      %dma_wait3A_251 = tpu.memref_slice %arg7[%mul3A_213, %dma_wait3A_246, %dma_wait3A_250] : memref<35x2x80xi32, #tpu.memory_space<vmem>> -> memref<1x1x80xi32, #tpu.memory_space<vmem>>
      %dma_wait3A_252 = tpu.memref_squeeze %dma_wait3A_251 : memref<1x1x80xi32, #tpu.memory_space<vmem>> -> memref<80xi32, #tpu.memory_space<vmem>>
      %dma_wait3A_253 = arith.constant 0 : i32
      %dma_wait3A_254 = arith.constant 0 : i32
      %dma_wait3A_255 = tpu.memref_slice %arg6[%dma_wait3A_253, %dma_wait3A_254] : memref<10000x128xf32, #tpu.memory_space<vmem_shared>> -> memref<10000x128xf32, #tpu.memory_space<vmem_shared>>
      tpu.wait_indirect_dma semaphore(%arg14 : memref<!tpu.dma_semaphore, #tpu.memory_space<semaphore_mem>>) src(%dma_wait3A_249 : memref<80x128xf32, #tpu.memory_space<vmem>>) dst(%dma_wait3A_255 : memref<10000x128xf32, #tpu.memory_space<vmem_shared>>)
      %dma_wait3A_256 = arith.constant 1 : i32
      %dma_wait3A_257 = arith.constant 80 : i32
      %dma_wait3A_258 = arith.constant 0 : i32
      %dma_wait3A_259 = tpu.memref_slice %arg8[%dma_wait3A_257, %dma_wait3A_258] : memref<160x128xf32, #tpu.memory_space<vmem>> -> memref<80x128xf32, #tpu.memory_space<vmem>>
      %dma_wait3A_260 = arith.constant 0 : i32
      %dma_wait3A_261 = tpu.memref_slice %arg7[%mul3A_213, %dma_wait3A_256, %dma_wait3A_260] : memref<35x2x80xi32, #tpu.memory_space<vmem>> -> memref<1x1x80xi32, #tpu.memory_space<vmem>>
      %dma_wait3A_262 = tpu.memref_squeeze %dma_wait3A_261 : memref<1x1x80xi32, #tpu.memory_space<vmem>> -> memref<80xi32, #tpu.memory_space<vmem>>
      %dma_wait3A_263 = arith.constant 0 : i32
      %dma_wait3A_264 = arith.constant 0 : i32
      %dma_wait3A_265 = tpu.memref_slice %arg6[%dma_wait3A_263, %dma_wait3A_264] : memref<10000x128xf32, #tpu.memory_space<vmem_shared>> -> memref<10000x128xf32, #tpu.memory_space<vmem_shared>>
      tpu.wait_indirect_dma semaphore(%arg14 : memref<!tpu.dma_semaphore, #tpu.memory_space<semaphore_mem>>) src(%dma_wait3A_259 : memref<80x128xf32, #tpu.memory_space<vmem>>) dst(%dma_wait3A_265 : memref<10000x128xf32, #tpu.memory_space<vmem_shared>>)
      %add3A_266 = arith.constant 2 : i32
      %add3A_267 = arith.addi %mul3A_213, %add3A_266 : i32
      %lt3A = arith.constant 35 : i32
      %lt3A_268 = arith.cmpi slt, %add3A_267, %lt3A : i32
      %convert_element_type3A_269 = arith.extui %lt3A_268 : i1 to i32
      %cond3A_270 = arith.constant 0 : i32
      %cond3A_271 = arith.cmpi ne, %convert_element_type3A_269, %cond3A_270 : i32
      scf.if %cond3A_271 {
        %add3A_321 = arith.constant 2 : i32
        %add3A_322 = arith.addi %mul3A_213, %add3A_321 : i32
        %mul3A_323 = arith.constant 160 : i32
        %mul3A_324 = arith.muli %add3A_322, %mul3A_323 : i32
        %add3A_325 = arith.addi %mul3A_0, %mul3A_324 : i32
        %dma_start3A_326 = tpu.memref_slice %arg2[%add3A_325, %mul3A_117] : memref<89600x512xf32, #tpu.memory_space<hbm>> -> memref<160x128xf32, #tpu.memory_space<hbm>>
        %dma_start3A_327 = tpu.memref_slice %arg2[%add3A_325, %mul3A_117] : memref<89600x512xf32, #tpu.memory_space<hbm>> -> memref<160x128xf32, #tpu.memory_space<hbm>>
        tpu.enqueue_dma source(%dma_start3A_327 : memref<160x128xf32, #tpu.memory_space<hbm>>) target(%arg8 : memref<160x128xf32, #tpu.memory_space<vmem>>) target_semaphore(%arg12 : memref<!tpu.dma_semaphore, #tpu.memory_space<semaphore_mem>>)
      } else {
      }
      %add3A_272 = arith.constant 1 : i32
      %add3A_273 = arith.addi %mul3A_213, %add3A_272 : i32
      %mul3A_274 = arith.constant 160 : i32
      %mul3A_275 = arith.muli %add3A_273, %mul3A_274 : i32
      %add3A_276 = arith.addi %mul3A_0, %mul3A_275 : i32
      %dma_wait3A_277 = tpu.memref_slice %arg2[%add3A_276, %mul3A_117] : memref<89600x512xf32, #tpu.memory_space<hbm>> -> memref<160x128xf32, #tpu.memory_space<hbm>>
      %dma_wait3A_278 = tpu.memref_slice %arg2[%add3A_276, %mul3A_117] : memref<89600x512xf32, #tpu.memory_space<hbm>> -> memref<160x128xf32, #tpu.memory_space<hbm>>
      tpu.wait_dma2 semaphore(%arg13 : memref<!tpu.dma_semaphore, #tpu.memory_space<semaphore_mem>>) src(%dma_wait3A_278 : memref<160x128xf32, #tpu.memory_space<hbm>>) dst(%arg9 : memref<160x128xf32, #tpu.memory_space<vmem>>)
      %add3A_279 = arith.constant 1 : i32
      %add3A_280 = arith.addi %mul3A_213, %add3A_279 : i32
      %dma_start3A_281 = arith.constant 0 : i32
      %dma_start3A_282 = arith.constant 0 : i32
      %dma_start3A_283 = arith.constant 0 : i32
      %dma_start3A_284 = tpu.memref_slice %arg9[%dma_start3A_282, %dma_start3A_283] : memref<160x128xf32, #tpu.memory_space<vmem>> -> memref<80x128xf32, #tpu.memory_space<vmem>>
      %dma_start3A_285 = arith.constant 0 : i32
      %dma_start3A_286 = tpu.memref_slice %arg7[%add3A_280, %dma_start3A_281, %dma_start3A_285] : memref<35x2x80xi32, #tpu.memory_space<vmem>> -> memref<1x1x80xi32, #tpu.memory_space<vmem>>
      %dma_start3A_287 = tpu.memref_squeeze %dma_start3A_286 : memref<1x1x80xi32, #tpu.memory_space<vmem>> -> memref<80xi32, #tpu.memory_space<vmem>>
      %dma_start3A_288 = arith.constant 0 : i32
      %dma_start3A_289 = arith.constant 0 : i32
      %dma_start3A_290 = tpu.memref_slice %arg6[%dma_start3A_288, %dma_start3A_289] : memref<10000x128xf32, #tpu.memory_space<vmem_shared>> -> memref<10000x128xf32, #tpu.memory_space<vmem_shared>>
      tpu.enqueue_indirect_dma source(%dma_start3A_284 : memref<80x128xf32, #tpu.memory_space<vmem>>) target(%dma_start3A_290 : memref<10000x128xf32, #tpu.memory_space<vmem_shared>>) offsets(%dma_start3A_287 : memref<80xi32, #tpu.memory_space<vmem>>) semaphore(%arg14 : memref<!tpu.dma_semaphore, #tpu.memory_space<semaphore_mem>>) {add = true}
      %dma_start3A_291 = arith.constant 1 : i32
      %dma_start3A_292 = arith.constant 80 : i32
      %dma_start3A_293 = arith.constant 0 : i32
      %dma_start3A_294 = tpu.memref_slice %arg9[%dma_start3A_292, %dma_start3A_293] : memref<160x128xf32, #tpu.memory_space<vmem>> -> memref<80x128xf32, #tpu.memory_space<vmem>>
      %dma_start3A_295 = arith.constant 0 : i32
      %dma_start3A_296 = tpu.memref_slice %arg7[%add3A_280, %dma_start3A_291, %dma_start3A_295] : memref<35x2x80xi32, #tpu.memory_space<vmem>> -> memref<1x1x80xi32, #tpu.memory_space<vmem>>
      %dma_start3A_297 = tpu.memref_squeeze %dma_start3A_296 : memref<1x1x80xi32, #tpu.memory_space<vmem>> -> memref<80xi32, #tpu.memory_space<vmem>>
      %dma_start3A_298 = arith.constant 0 : i32
      %dma_start3A_299 = arith.constant 0 : i32
      %dma_start3A_300 = tpu.memref_slice %arg6[%dma_start3A_298, %dma_start3A_299] : memref<10000x128xf32, #tpu.memory_space<vmem_shared>> -> memref<10000x128xf32, #tpu.memory_space<vmem_shared>>
      tpu.enqueue_indirect_dma source(%dma_start3A_294 : memref<80x128xf32, #tpu.memory_space<vmem>>) target(%dma_start3A_300 : memref<10000x128xf32, #tpu.memory_space<vmem_shared>>) offsets(%dma_start3A_297 : memref<80xi32, #tpu.memory_space<vmem>>) semaphore(%arg14 : memref<!tpu.dma_semaphore, #tpu.memory_space<semaphore_mem>>) {add = true}
      %dma_wait3A_301 = arith.constant 0 : i32
      %dma_wait3A_302 = arith.constant 0 : i32
      %dma_wait3A_303 = arith.constant 0 : i32
      %dma_wait3A_304 = tpu.memref_slice %arg9[%dma_wait3A_302, %dma_wait3A_303] : memref<160x128xf32, #tpu.memory_space<vmem>> -> memref<80x128xf32, #tpu.memory_space<vmem>>
      %dma_wait3A_305 = arith.constant 0 : i32
      %dma_wait3A_306 = tpu.memref_slice %arg7[%add3A_280, %dma_wait3A_301, %dma_wait3A_305] : memref<35x2x80xi32, #tpu.memory_space<vmem>> -> memref<1x1x80xi32, #tpu.memory_space<vmem>>
      %dma_wait3A_307 = tpu.memref_squeeze %dma_wait3A_306 : memref<1x1x80xi32, #tpu.memory_space<vmem>> -> memref<80xi32, #tpu.memory_space<vmem>>
      %dma_wait3A_308 = arith.constant 0 : i32
      %dma_wait3A_309 = arith.constant 0 : i32
      %dma_wait3A_310 = tpu.memref_slice %arg6[%dma_wait3A_308, %dma_wait3A_309] : memref<10000x128xf32, #tpu.memory_space<vmem_shared>> -> memref<10000x128xf32, #tpu.memory_space<vmem_shared>>
      tpu.wait_indirect_dma semaphore(%arg14 : memref<!tpu.dma_semaphore, #tpu.memory_space<semaphore_mem>>) src(%dma_wait3A_304 : memref<80x128xf32, #tpu.memory_space<vmem>>) dst(%dma_wait3A_310 : memref<10000x128xf32, #tpu.memory_space<vmem_shared>>)
      %dma_wait3A_311 = arith.constant 1 : i32
      %dma_wait3A_312 = arith.constant 80 : i32
      %dma_wait3A_313 = arith.constant 0 : i32
      %dma_wait3A_314 = tpu.memref_slice %arg9[%dma_wait3A_312, %dma_wait3A_313] : memref<160x128xf32, #tpu.memory_space<vmem>> -> memref<80x128xf32, #tpu.memory_space<vmem>>
      %dma_wait3A_315 = arith.constant 0 : i32
      %dma_wait3A_316 = tpu.memref_slice %arg7[%add3A_280, %dma_wait3A_311, %dma_wait3A_315] : memref<35x2x80xi32, #tpu.memory_space<vmem>> -> memref<1x1x80xi32, #tpu.memory_space<vmem>>
      %dma_wait3A_317 = tpu.memref_squeeze %dma_wait3A_316 : memref<1x1x80xi32, #tpu.memory_space<vmem>> -> memref<80xi32, #tpu.memory_space<vmem>>
      %dma_wait3A_318 = arith.constant 0 : i32
      %dma_wait3A_319 = arith.constant 0 : i32
      %dma_wait3A_320 = tpu.memref_slice %arg6[%dma_wait3A_318, %dma_wait3A_319] : memref<10000x128xf32, #tpu.memory_space<vmem_shared>> -> memref<10000x128xf32, #tpu.memory_space<vmem_shared>>
      tpu.wait_indirect_dma semaphore(%arg14 : memref<!tpu.dma_semaphore, #tpu.memory_space<semaphore_mem>>) src(%dma_wait3A_314 : memref<80x128xf32, #tpu.memory_space<vmem>>) dst(%dma_wait3A_320 : memref<10000x128xf32, #tpu.memory_space<vmem_shared>>)
    }
    %scan3A_152 = arith.constant 17 : i32
    %add3A_153 = arith.constant 5440 : i32
    %add3A_154 = arith.addi %mul3A_0, %add3A_153 : i32
    %dma_wait3A_155 = tpu.memref_slice %arg2[%add3A_154, %mul3A_117] : memref<89600x512xf32, #tpu.memory_space<hbm>> -> memref<160x128xf32, #tpu.memory_space<hbm>>
    %dma_wait3A_156 = tpu.memref_slice %arg2[%add3A_154, %mul3A_117] : memref<89600x512xf32, #tpu.memory_space<hbm>> -> memref<160x128xf32, #tpu.memory_space<hbm>>
    tpu.wait_dma2 semaphore(%arg12 : memref<!tpu.dma_semaphore, #tpu.memory_space<semaphore_mem>>) src(%dma_wait3A_156 : memref<160x128xf32, #tpu.memory_space<hbm>>) dst(%arg8 : memref<160x128xf32, #tpu.memory_space<vmem>>)
    %dma_start3A_157 = arith.constant 34 : i32
    %dma_start3A_158 = arith.constant 0 : i32
    %dma_start3A_159 = arith.constant 0 : i32
    %dma_start3A_160 = arith.constant 0 : i32
    %dma_start3A_161 = tpu.memref_slice %arg8[%dma_start3A_159, %dma_start3A_160] : memref<160x128xf32, #tpu.memory_space<vmem>> -> memref<80x128xf32, #tpu.memory_space<vmem>>
    %dma_start3A_162 = arith.constant 0 : i32
    %dma_start3A_163 = tpu.memref_slice %arg7[%dma_start3A_157, %dma_start3A_158, %dma_start3A_162] : memref<35x2x80xi32, #tpu.memory_space<vmem>> -> memref<1x1x80xi32, #tpu.memory_space<vmem>>
    %dma_start3A_164 = tpu.memref_squeeze %dma_start3A_163 : memref<1x1x80xi32, #tpu.memory_space<vmem>> -> memref<80xi32, #tpu.memory_space<vmem>>
    %dma_start3A_165 = arith.constant 0 : i32
    %dma_start3A_166 = arith.constant 0 : i32
    %dma_start3A_167 = tpu.memref_slice %arg6[%dma_start3A_165, %dma_start3A_166] : memref<10000x128xf32, #tpu.memory_space<vmem_shared>> -> memref<10000x128xf32, #tpu.memory_space<vmem_shared>>
    tpu.enqueue_indirect_dma source(%dma_start3A_161 : memref<80x128xf32, #tpu.memory_space<vmem>>) target(%dma_start3A_167 : memref<10000x128xf32, #tpu.memory_space<vmem_shared>>) offsets(%dma_start3A_164 : memref<80xi32, #tpu.memory_space<vmem>>) semaphore(%arg14 : memref<!tpu.dma_semaphore, #tpu.memory_space<semaphore_mem>>) {add = true}
    %dma_start3A_168 = arith.constant 34 : i32
    %dma_start3A_169 = arith.constant 1 : i32
    %dma_start3A_170 = arith.constant 80 : i32
    %dma_start3A_171 = arith.constant 0 : i32
    %dma_start3A_172 = tpu.memref_slice %arg8[%dma_start3A_170, %dma_start3A_171] : memref<160x128xf32, #tpu.memory_space<vmem>> -> memref<80x128xf32, #tpu.memory_space<vmem>>
    %dma_start3A_173 = arith.constant 0 : i32
    %dma_start3A_174 = tpu.memref_slice %arg7[%dma_start3A_168, %dma_start3A_169, %dma_start3A_173] : memref<35x2x80xi32, #tpu.memory_space<vmem>> -> memref<1x1x80xi32, #tpu.memory_space<vmem>>
    %dma_start3A_175 = tpu.memref_squeeze %dma_start3A_174 : memref<1x1x80xi32, #tpu.memory_space<vmem>> -> memref<80xi32, #tpu.memory_space<vmem>>
    %dma_start3A_176 = arith.constant 0 : i32
    %dma_start3A_177 = arith.constant 0 : i32
    %dma_start3A_178 = tpu.memref_slice %arg6[%dma_start3A_176, %dma_start3A_177] : memref<10000x128xf32, #tpu.memory_space<vmem_shared>> -> memref<10000x128xf32, #tpu.memory_space<vmem_shared>>
    tpu.enqueue_indirect_dma source(%dma_start3A_172 : memref<80x128xf32, #tpu.memory_space<vmem>>) target(%dma_start3A_178 : memref<10000x128xf32, #tpu.memory_space<vmem_shared>>) offsets(%dma_start3A_175 : memref<80xi32, #tpu.memory_space<vmem>>) semaphore(%arg14 : memref<!tpu.dma_semaphore, #tpu.memory_space<semaphore_mem>>) {add = true}
    %dma_wait3A_179 = arith.constant 34 : i32
    %dma_wait3A_180 = arith.constant 0 : i32
    %dma_wait3A_181 = arith.constant 0 : i32
    %dma_wait3A_182 = arith.constant 0 : i32
    %dma_wait3A_183 = tpu.memref_slice %arg8[%dma_wait3A_181, %dma_wait3A_182] : memref<160x128xf32, #tpu.memory_space<vmem>> -> memref<80x128xf32, #tpu.memory_space<vmem>>
    %dma_wait3A_184 = arith.constant 0 : i32
    %dma_wait3A_185 = tpu.memref_slice %arg7[%dma_wait3A_179, %dma_wait3A_180, %dma_wait3A_184] : memref<35x2x80xi32, #tpu.memory_space<vmem>> -> memref<1x1x80xi32, #tpu.memory_space<vmem>>
    %dma_wait3A_186 = tpu.memref_squeeze %dma_wait3A_185 : memref<1x1x80xi32, #tpu.memory_space<vmem>> -> memref<80xi32, #tpu.memory_space<vmem>>
    %dma_wait3A_187 = arith.constant 0 : i32
    %dma_wait3A_188 = arith.constant 0 : i32
    %dma_wait3A_189 = tpu.memref_slice %arg6[%dma_wait3A_187, %dma_wait3A_188] : memref<10000x128xf32, #tpu.memory_space<vmem_shared>> -> memref<10000x128xf32, #tpu.memory_space<vmem_shared>>
    tpu.wait_indirect_dma semaphore(%arg14 : memref<!tpu.dma_semaphore, #tpu.memory_space<semaphore_mem>>) src(%dma_wait3A_183 : memref<80x128xf32, #tpu.memory_space<vmem>>) dst(%dma_wait3A_189 : memref<10000x128xf32, #tpu.memory_space<vmem_shared>>)
    %dma_wait3A_190 = arith.constant 34 : i32
    %dma_wait3A_191 = arith.constant 1 : i32
    %dma_wait3A_192 = arith.constant 80 : i32
    %dma_wait3A_193 = arith.constant 0 : i32
    %dma_wait3A_194 = tpu.memref_slice %arg8[%dma_wait3A_192, %dma_wait3A_193] : memref<160x128xf32, #tpu.memory_space<vmem>> -> memref<80x128xf32, #tpu.memory_space<vmem>>
    %dma_wait3A_195 = arith.constant 0 : i32
    %dma_wait3A_196 = tpu.memref_slice %arg7[%dma_wait3A_190, %dma_wait3A_191, %dma_wait3A_195] : memref<35x2x80xi32, #tpu.memory_space<vmem>> -> memref<1x1x80xi32, #tpu.memory_space<vmem>>
    %dma_wait3A_197 = tpu.memref_squeeze %dma_wait3A_196 : memref<1x1x80xi32, #tpu.memory_space<vmem>> -> memref<80xi32, #tpu.memory_space<vmem>>
    %dma_wait3A_198 = arith.constant 0 : i32
    %dma_wait3A_199 = arith.constant 0 : i32
    %dma_wait3A_200 = tpu.memref_slice %arg6[%dma_wait3A_198, %dma_wait3A_199] : memref<10000x128xf32, #tpu.memory_space<vmem_shared>> -> memref<10000x128xf32, #tpu.memory_space<vmem_shared>>
    tpu.wait_indirect_dma semaphore(%arg14 : memref<!tpu.dma_semaphore, #tpu.memory_space<semaphore_mem>>) src(%dma_wait3A_194 : memref<80x128xf32, #tpu.memory_space<vmem>>) dst(%dma_wait3A_200 : memref<10000x128xf32, #tpu.memory_space<vmem_shared>>)
    %barrier3A_201 = arith.constant 0 : index
    tpu.barrier barrier_id(%barrier3A_201)
    %mul3A_202 = arith.constant 624 : i32
    %mul3A_203 = arith.muli %arg1, %mul3A_202 : i32
    %mul3A_204 = arith.constant 624 : i32
    %mul3A_205 = arith.muli %arg1, %mul3A_204 : i32
    "tpu.region"() ({
      %run_scoped3A = tpu.sem_alloc : memref<!tpu.dma_semaphore, #tpu.memory_space<semaphore_mem>>
      %dma_start3A_211 = tpu.memref_slice %arg5[%mul3A_205, %mul3A_117] : memref<10000x512xf32, #tpu.memory_space<hbm>> -> memref<624x128xf32, #tpu.memory_space<hbm>>
      %dma_start3A_212 = arith.constant 0 : i32
      %dma_start3A_213 = tpu.memref_slice %arg6[%mul3A_203, %dma_start3A_212] : memref<10000x128xf32, #tpu.memory_space<vmem_shared>> -> memref<624x128xf32, #tpu.memory_space<vmem_shared>>
      tpu.enqueue_dma source(%dma_start3A_213 : memref<624x128xf32, #tpu.memory_space<vmem_shared>>) target(%dma_start3A_211 : memref<624x128xf32, #tpu.memory_space<hbm>>) target_semaphore(%run_scoped3A : memref<!tpu.dma_semaphore, #tpu.memory_space<semaphore_mem>>)
      %dma_wait3A_214 = tpu.memref_slice %arg5[%mul3A_205, %mul3A_117] : memref<10000x512xf32, #tpu.memory_space<hbm>> -> memref<624x128xf32, #tpu.memory_space<hbm>>
      %dma_wait3A_215 = arith.constant 0 : i32
      %dma_wait3A_216 = tpu.memref_slice %arg6[%mul3A_203, %dma_wait3A_215] : memref<10000x128xf32, #tpu.memory_space<vmem_shared>> -> memref<624x128xf32, #tpu.memory_space<vmem_shared>>
      tpu.wait_dma2 semaphore(%run_scoped3A : memref<!tpu.dma_semaphore, #tpu.memory_space<semaphore_mem>>) src(%dma_wait3A_216 : memref<624x128xf32, #tpu.memory_space<vmem_shared>>) dst(%dma_wait3A_214 : memref<624x128xf32, #tpu.memory_space<hbm>>)
      tpu.yield
    }) : () -> ()
    %eq3A_206 = arith.constant 15 : i32
    %eq3A_207 = arith.cmpi eq, %arg1, %eq3A_206 : i32
    %convert_element_type3A_208 = arith.extui %eq3A_207 : i1 to i32
    %cond3A_209 = arith.constant 0 : i32
    %cond3A_210 = arith.cmpi ne, %convert_element_type3A_208, %cond3A_209 : i32
    scf.if %cond3A_210 {
      "tpu.region"() ({
        %run_scoped3A = tpu.sem_alloc : memref<!tpu.dma_semaphore, #tpu.memory_space<semaphore_mem>>
        %dma_start3A_211 = arith.constant 9984 : i32
        %dma_start3A_212 = tpu.memref_slice %arg5[%dma_start3A_211, %mul3A_117] : memref<10000x512xf32, #tpu.memory_space<hbm>> -> memref<16x128xf32, #tpu.memory_space<hbm>>
        %dma_start3A_213 = arith.constant 9984 : i32
        %dma_start3A_214 = arith.constant 0 : i32
        %dma_start3A_215 = tpu.memref_slice %arg6[%dma_start3A_213, %dma_start3A_214] : memref<10000x128xf32, #tpu.memory_space<vmem_shared>> -> memref<16x128xf32, #tpu.memory_space<vmem_shared>>
        tpu.enqueue_dma source(%dma_start3A_215 : memref<16x128xf32, #tpu.memory_space<vmem_shared>>) target(%dma_start3A_212 : memref<16x128xf32, #tpu.memory_space<hbm>>) target_semaphore(%run_scoped3A : memref<!tpu.dma_semaphore, #tpu.memory_space<semaphore_mem>>)
        %dma_wait3A_216 = arith.constant 9984 : i32
        %dma_wait3A_217 = tpu.memref_slice %arg5[%dma_wait3A_216, %mul3A_117] : memref<10000x512xf32, #tpu.memory_space<hbm>> -> memref<16x128xf32, #tpu.memory_space<hbm>>
        %dma_wait3A_218 = arith.constant 9984 : i32
        %dma_wait3A_219 = arith.constant 0 : i32
        %dma_wait3A_220 = tpu.memref_slice %arg6[%dma_wait3A_218, %dma_wait3A_219] : memref<10000x128xf32, #tpu.memory_space<vmem_shared>> -> memref<16x128xf32, #tpu.memory_space<vmem_shared>>
        tpu.wait_dma2 semaphore(%run_scoped3A : memref<!tpu.dma_semaphore, #tpu.memory_space<semaphore_mem>>) src(%dma_wait3A_220 : memref<16x128xf32, #tpu.memory_space<vmem_shared>>) dst(%dma_wait3A_217 : memref<16x128xf32, #tpu.memory_space<hbm>>)
        tpu.yield
      }) : () -> ()
    } else {
    }
    return
  }
}

#map = affine_map<(d0, d1) -> (0, 0)>
#map1 = affine_map<(d0, d1) -> (0, 0, 0, 0)>
module attributes {stable_mosaic.version = 14 : i64} {
  func.func @body(%arg0: i32, %arg1: i32, %arg2: memref<89600x512xf32, #tpu.memory_space<hbm>>, %arg3: memref<16x35x2x80xi32, #tpu.memory_space<hbm>>, %arg4: memref<10000x512xf32, #tpu.memory_space<hbm>>, %arg5: memref<10000x512xf32, #tpu.memory_space<hbm>>, %arg6: memref<10000x128xf32, #tpu.memory_space<vmem_shared>>, %arg7: memref<35x2x80xi32, #tpu.memory_space<vmem>>, %arg8: memref<160x128xf32, #tpu.memory_space<vmem>>, %arg9: memref<160x128xf32, #tpu.memory_space<vmem>>, %arg10: memref<!tpu.dma_semaphore, #tpu.memory_space<semaphore_mem>>, %arg11: memref<!tpu.dma_semaphore, #tpu.memory_space<semaphore_mem>>, %arg12: memref<!tpu.dma_semaphore, #tpu.memory_space<semaphore_mem>>, %arg13: memref<!tpu.dma_semaphore, #tpu.memory_space<semaphore_mem>>, %arg14: memref<!tpu.dma_semaphore, #tpu.memory_space<semaphore_mem>>) attributes {dimension_semantics = [#tpu.dimension_semantics<core_parallel>, #tpu.dimension_semantics<subcore_parallel>], iteration_bounds = array<i64: 2, 16>, scalar_prefetch = 0 : i64, scratch_operands = 9 : i64, tpu.core_type = #tpu.core_type<sc_vector_subcore>, window_params = [{transform_indices = #map}, {transform_indices = #map1}, {transform_indices = #map}, {transform_indices = #map}]} {
    %mul3A = arith.constant 5600 : i32
    %mul3A_0 = arith.muli %arg1, %mul3A : i32
    %dma_start3A = arith.constant 0 : i32
    %dma_start3A_1 = arith.constant 0 : i32
    %dma_start3A_2 = arith.constant 0 : i32
    %dma_start3A_3 = tpu.memref_slice %arg3[%arg1, %dma_start3A, %dma_start3A_1, %dma_start3A_2] : memref<16x35x2x80xi32, #tpu.memory_space<hbm>> -> memref<1x35x2x80xi32, #tpu.memory_space<hbm>>
    %dma_start3A_4 = tpu.memref_squeeze %dma_start3A_3 : memref<1x35x2x80xi32, #tpu.memory_space<hbm>> -> memref<35x2x80xi32, #tpu.memory_space<hbm>>
    %dma_start3A_5 = arith.constant 0 : i32
    %dma_start3A_6 = arith.constant 0 : i32
    %dma_start3A_7 = arith.constant 0 : i32
    %dma_start3A_8 = tpu.memref_slice %arg3[%arg1, %dma_start3A_5, %dma_start3A_6, %dma_start3A_7] : memref<16x35x2x80xi32, #tpu.memory_space<hbm>> -> memref<1x35x2x80xi32, #tpu.memory_space<hbm>>
    %dma_start3A_9 = tpu.memref_squeeze %dma_start3A_8 : memref<1x35x2x80xi32, #tpu.memory_space<hbm>> -> memref<35x2x80xi32, #tpu.memory_space<hbm>>
    tpu.enqueue_dma source(%dma_start3A_9 : memref<35x2x80xi32, #tpu.memory_space<hbm>>) target(%arg7 : memref<35x2x80xi32, #tpu.memory_space<vmem>>) target_semaphore(%arg10 : memref<!tpu.dma_semaphore, #tpu.memory_space<semaphore_mem>>)
    %mul3A_10 = arith.constant 2 : i32
    %mul3A_11 = arith.muli %arg0, %mul3A_10 : i32
    %add3A = arith.constant 0 : i32
    %add3A_12 = arith.addi %mul3A_11, %add3A : i32
    %mul3A_13 = arith.constant 128 : i32
    %mul3A_14 = arith.muli %add3A_12, %mul3A_13 : i32
    %mul3A_15 = arith.constant 624 : i32
    %mul3A_16 = arith.muli %arg1, %mul3A_15 : i32
    %mul3A_17 = arith.constant 624 : i32
    %mul3A_18 = arith.muli %arg1, %mul3A_17 : i32
    %dma_start3A_19 = arith.constant 0 : i32
    %dma_start3A_20 = tpu.memref_slice %arg6[%mul3A_18, %dma_start3A_19] : memref<10000x128xf32, #tpu.memory_space<vmem_shared>> -> memref<624x128xf32, #tpu.memory_space<vmem_shared>>
    %dma_start3A_21 = tpu.memref_slice %arg4[%mul3A_16, %mul3A_14] : memref<10000x512xf32, #tpu.memory_space<hbm>> -> memref<624x128xf32, #tpu.memory_space<hbm>>
    tpu.enqueue_dma source(%dma_start3A_21 : memref<624x128xf32, #tpu.memory_space<hbm>>) target(%dma_start3A_20 : memref<624x128xf32, #tpu.memory_space<vmem_shared>>) target_semaphore(%arg11 : memref<!tpu.dma_semaphore, #tpu.memory_space<semaphore_mem>>)
    %eq3A = arith.constant 15 : i32
    %eq3A_22 = arith.cmpi eq, %arg1, %eq3A : i32
    %convert_element_type3A = arith.extui %eq3A_22 : i1 to i32
    %cond3A = arith.constant 0 : i32
    %cond3A_23 = arith.cmpi ne, %convert_element_type3A, %cond3A : i32
    scf.if %cond3A_23 {
      %dma_start3A_211 = arith.constant 9984 : i32
      %dma_start3A_212 = arith.constant 0 : i32
      %dma_start3A_213 = tpu.memref_slice %arg6[%dma_start3A_211, %dma_start3A_212] : memref<10000x128xf32, #tpu.memory_space<vmem_shared>> -> memref<16x128xf32, #tpu.memory_space<vmem_shared>>
      %dma_start3A_214 = arith.constant 9984 : i32
      %dma_start3A_215 = tpu.memref_slice %arg4[%dma_start3A_214, %mul3A_14] : memref<10000x512xf32, #tpu.memory_space<hbm>> -> memref<16x128xf32, #tpu.memory_space<hbm>>
      tpu.enqueue_dma source(%dma_start3A_215 : memref<16x128xf32, #tpu.memory_space<hbm>>) target(%dma_start3A_213 : memref<16x128xf32, #tpu.memory_space<vmem_shared>>) target_semaphore(%arg11 : memref<!tpu.dma_semaphore, #tpu.memory_space<semaphore_mem>>)
    } else {
    }
    %add3A_24 = arith.constant 0 : i32
    %add3A_25 = arith.addi %mul3A_0, %add3A_24 : i32
    %dma_start3A_26 = tpu.memref_slice %arg2[%add3A_25, %mul3A_14] : memref<89600x512xf32, #tpu.memory_space<hbm>> -> memref<160x128xf32, #tpu.memory_space<hbm>>
    %dma_start3A_27 = tpu.memref_slice %arg2[%add3A_25, %mul3A_14] : memref<89600x512xf32, #tpu.memory_space<hbm>> -> memref<160x128xf32, #tpu.memory_space<hbm>>
    tpu.enqueue_dma source(%dma_start3A_27 : memref<160x128xf32, #tpu.memory_space<hbm>>) target(%arg8 : memref<160x128xf32, #tpu.memory_space<vmem>>) target_semaphore(%arg12 : memref<!tpu.dma_semaphore, #tpu.memory_space<semaphore_mem>>)
    %mul3A_28 = arith.constant 624 : i32
    %mul3A_29 = arith.muli %arg1, %mul3A_28 : i32
    %mul3A_30 = arith.constant 624 : i32
    %mul3A_31 = arith.muli %arg1, %mul3A_30 : i32
    %dma_wait3A = arith.constant 0 : i32
    %dma_wait3A_32 = tpu.memref_slice %arg6[%mul3A_31, %dma_wait3A] : memref<10000x128xf32, #tpu.memory_space<vmem_shared>> -> memref<624x128xf32, #tpu.memory_space<vmem_shared>>
    %dma_wait3A_33 = tpu.memref_slice %arg4[%mul3A_29, %mul3A_14] : memref<10000x512xf32, #tpu.memory_space<hbm>> -> memref<624x128xf32, #tpu.memory_space<hbm>>
    tpu.wait_dma2 semaphore(%arg11 : memref<!tpu.dma_semaphore, #tpu.memory_space<semaphore_mem>>) src(%dma_wait3A_33 : memref<624x128xf32, #tpu.memory_space<hbm>>) dst(%dma_wait3A_32 : memref<624x128xf32, #tpu.memory_space<vmem_shared>>)
    %eq3A_34 = arith.constant 15 : i32
    %eq3A_35 = arith.cmpi eq, %arg1, %eq3A_34 : i32
    %convert_element_type3A_36 = arith.extui %eq3A_35 : i1 to i32
    %cond3A_37 = arith.constant 0 : i32
    %cond3A_38 = arith.cmpi ne, %convert_element_type3A_36, %cond3A_37 : i32
    scf.if %cond3A_38 {
      %dma_wait3A_211 = arith.constant 9984 : i32
      %dma_wait3A_212 = arith.constant 0 : i32
      %dma_wait3A_213 = tpu.memref_slice %arg6[%dma_wait3A_211, %dma_wait3A_212] : memref<10000x128xf32, #tpu.memory_space<vmem_shared>> -> memref<16x128xf32, #tpu.memory_space<vmem_shared>>
      %dma_wait3A_214 = arith.constant 9984 : i32
      %dma_wait3A_215 = tpu.memref_slice %arg4[%dma_wait3A_214, %mul3A_14] : memref<10000x512xf32, #tpu.memory_space<hbm>> -> memref<16x128xf32, #tpu.memory_space<hbm>>
      tpu.wait_dma2 semaphore(%arg11 : memref<!tpu.dma_semaphore, #tpu.memory_space<semaphore_mem>>) src(%dma_wait3A_215 : memref<16x128xf32, #tpu.memory_space<hbm>>) dst(%dma_wait3A_213 : memref<16x128xf32, #tpu.memory_space<vmem_shared>>)
    } else {
    }
    %dma_wait3A_39 = arith.constant 0 : i32
    %dma_wait3A_40 = arith.constant 0 : i32
    %dma_wait3A_41 = arith.constant 0 : i32
    %dma_wait3A_42 = tpu.memref_slice %arg3[%arg1, %dma_wait3A_39, %dma_wait3A_40, %dma_wait3A_41] : memref<16x35x2x80xi32, #tpu.memory_space<hbm>> -> memref<1x35x2x80xi32, #tpu.memory_space<hbm>>
    %dma_wait3A_43 = tpu.memref_squeeze %dma_wait3A_42 : memref<1x35x2x80xi32, #tpu.memory_space<hbm>> -> memref<35x2x80xi32, #tpu.memory_space<hbm>>
    %dma_wait3A_44 = arith.constant 0 : i32
    %dma_wait3A_45 = arith.constant 0 : i32
    %dma_wait3A_46 = arith.constant 0 : i32
    %dma_wait3A_47 = tpu.memref_slice %arg3[%arg1, %dma_wait3A_44, %dma_wait3A_45, %dma_wait3A_46] : memref<16x35x2x80xi32, #tpu.memory_space<hbm>> -> memref<1x35x2x80xi32, #tpu.memory_space<hbm>>
    %dma_wait3A_48 = tpu.memref_squeeze %dma_wait3A_47 : memref<1x35x2x80xi32, #tpu.memory_space<hbm>> -> memref<35x2x80xi32, #tpu.memory_space<hbm>>
    tpu.wait_dma2 semaphore(%arg10 : memref<!tpu.dma_semaphore, #tpu.memory_space<semaphore_mem>>) src(%dma_wait3A_48 : memref<35x2x80xi32, #tpu.memory_space<hbm>>) dst(%arg7 : memref<35x2x80xi32, #tpu.memory_space<vmem>>)
    %barrier3A = arith.constant 0 : index
    tpu.barrier barrier_id(%barrier3A)
    %scan3A = arith.constant 0 : i32
    %scan3A_49 = arith.constant 0 : i32
    %scan3A_50 = arith.constant 17 : i32
    %scan3A_51 = arith.addi %scan3A_49, %scan3A_50 : i32
    %scan3A_52 = arith.constant 1 : i32
    scf.for %scan3A_211 = %scan3A_49 to %scan3A_51 step %scan3A_52  : i32 {
      %mul3A_212 = arith.constant 2 : i32
      %mul3A_213 = arith.muli %scan3A_211, %mul3A_212 : i32
      %add3A_214 = arith.constant 1 : i32
      %add3A_215 = arith.addi %mul3A_213, %add3A_214 : i32
      %mul3A_216 = arith.constant 160 : i32
      %mul3A_217 = arith.muli %add3A_215, %mul3A_216 : i32
      %add3A_218 = arith.addi %mul3A_0, %mul3A_217 : i32
      %dma_start3A_219 = tpu.memref_slice %arg2[%add3A_218, %mul3A_14] : memref<89600x512xf32, #tpu.memory_space<hbm>> -> memref<160x128xf32, #tpu.memory_space<hbm>>
      %dma_start3A_220 = tpu.memref_slice %arg2[%add3A_218, %mul3A_14] : memref<89600x512xf32, #tpu.memory_space<hbm>> -> memref<160x128xf32, #tpu.memory_space<hbm>>
      tpu.enqueue_dma source(%dma_start3A_220 : memref<160x128xf32, #tpu.memory_space<hbm>>) target(%arg9 : memref<160x128xf32, #tpu.memory_space<vmem>>) target_semaphore(%arg13 : memref<!tpu.dma_semaphore, #tpu.memory_space<semaphore_mem>>)
      %mul3A_221 = arith.constant 160 : i32
      %mul3A_222 = arith.muli %mul3A_213, %mul3A_221 : i32
      %add3A_223 = arith.addi %mul3A_0, %mul3A_222 : i32
      %dma_wait3A_224 = tpu.memref_slice %arg2[%add3A_223, %mul3A_14] : memref<89600x512xf32, #tpu.memory_space<hbm>> -> memref<160x128xf32, #tpu.memory_space<hbm>>
      %dma_wait3A_225 = tpu.memref_slice %arg2[%add3A_223, %mul3A_14] : memref<89600x512xf32, #tpu.memory_space<hbm>> -> memref<160x128xf32, #tpu.memory_space<hbm>>
      tpu.wait_dma2 semaphore(%arg12 : memref<!tpu.dma_semaphore, #tpu.memory_space<semaphore_mem>>) src(%dma_wait3A_225 : memref<160x128xf32, #tpu.memory_space<hbm>>) dst(%arg8 : memref<160x128xf32, #tpu.memory_space<vmem>>)
      %dma_start3A_226 = arith.constant 0 : i32
      %dma_start3A_227 = arith.constant 0 : i32
      %dma_start3A_228 = arith.constant 0 : i32
      %dma_start3A_229 = tpu.memref_slice %arg8[%dma_start3A_227, %dma_start3A_228] : memref<160x128xf32, #tpu.memory_space<vmem>> -> memref<80x128xf32, #tpu.memory_space<vmem>>
      %dma_start3A_230 = arith.constant 0 : i32
      %dma_start3A_231 = tpu.memref_slice %arg7[%mul3A_213, %dma_start3A_226, %dma_start3A_230] : memref<35x2x80xi32, #tpu.memory_space<vmem>> -> memref<1x1x80xi32, #tpu.memory_space<vmem>>
      %dma_start3A_232 = tpu.memref_squeeze %dma_start3A_231 : memref<1x1x80xi32, #tpu.memory_space<vmem>> -> memref<80xi32, #tpu.memory_space<vmem>>
      %dma_start3A_233 = arith.constant 0 : i32
      %dma_start3A_234 = arith.constant 0 : i32
      %dma_start3A_235 = tpu.memref_slice %arg6[%dma_start3A_233, %dma_start3A_234] : memref<10000x128xf32, #tpu.memory_space<vmem_shared>> -> memref<10000x128xf32, #tpu.memory_space<vmem_shared>>
      tpu.enqueue_indirect_dma source(%dma_start3A_229 : memref<80x128xf32, #tpu.memory_space<vmem>>) target(%dma_start3A_235 : memref<10000x128xf32, #tpu.memory_space<vmem_shared>>) offsets(%dma_start3A_232 : memref<80xi32, #tpu.memory_space<vmem>>) semaphore(%arg14 : memref<!tpu.dma_semaphore, #tpu.memory_space<semaphore_mem>>) {add = true}
      %dma_start3A_236 = arith.constant 1 : i32
      %dma_start3A_237 = arith.constant 80 : i32
      %dma_start3A_238 = arith.constant 0 : i32
      %dma_start3A_239 = tpu.memref_slice %arg8[%dma_start3A_237, %dma_start3A_238] : memref<160x128xf32, #tpu.memory_space<vmem>> -> memref<80x128xf32, #tpu.memory_space<vmem>>
      %dma_start3A_240 = arith.constant 0 : i32
      %dma_start3A_241 = tpu.memref_slice %arg7[%mul3A_213, %dma_start3A_236, %dma_start3A_240] : memref<35x2x80xi32, #tpu.memory_space<vmem>> -> memref<1x1x80xi32, #tpu.memory_space<vmem>>
      %dma_start3A_242 = tpu.memref_squeeze %dma_start3A_241 : memref<1x1x80xi32, #tpu.memory_space<vmem>> -> memref<80xi32, #tpu.memory_space<vmem>>
      %dma_start3A_243 = arith.constant 0 : i32
      %dma_start3A_244 = arith.constant 0 : i32
      %dma_start3A_245 = tpu.memref_slice %arg6[%dma_start3A_243, %dma_start3A_244] : memref<10000x128xf32, #tpu.memory_space<vmem_shared>> -> memref<10000x128xf32, #tpu.memory_space<vmem_shared>>
      tpu.enqueue_indirect_dma source(%dma_start3A_239 : memref<80x128xf32, #tpu.memory_space<vmem>>) target(%dma_start3A_245 : memref<10000x128xf32, #tpu.memory_space<vmem_shared>>) offsets(%dma_start3A_242 : memref<80xi32, #tpu.memory_space<vmem>>) semaphore(%arg14 : memref<!tpu.dma_semaphore, #tpu.memory_space<semaphore_mem>>) {add = true}
      %dma_wait3A_246 = arith.constant 0 : i32
      %dma_wait3A_247 = arith.constant 0 : i32
      %dma_wait3A_248 = arith.constant 0 : i32
      %dma_wait3A_249 = tpu.memref_slice %arg8[%dma_wait3A_247, %dma_wait3A_248] : memref<160x128xf32, #tpu.memory_space<vmem>> -> memref<80x128xf32, #tpu.memory_space<vmem>>
      %dma_wait3A_250 = arith.constant 0 : i32
      %dma_wait3A_251 = tpu.memref_slice %arg7[%mul3A_213, %dma_wait3A_246, %dma_wait3A_250] : memref<35x2x80xi32, #tpu.memory_space<vmem>> -> memref<1x1x80xi32, #tpu.memory_space<vmem>>
      %dma_wait3A_252 = tpu.memref_squeeze %dma_wait3A_251 : memref<1x1x80xi32, #tpu.memory_space<vmem>> -> memref<80xi32, #tpu.memory_space<vmem>>
      %dma_wait3A_253 = arith.constant 0 : i32
      %dma_wait3A_254 = arith.constant 0 : i32
      %dma_wait3A_255 = tpu.memref_slice %arg6[%dma_wait3A_253, %dma_wait3A_254] : memref<10000x128xf32, #tpu.memory_space<vmem_shared>> -> memref<10000x128xf32, #tpu.memory_space<vmem_shared>>
      tpu.wait_indirect_dma semaphore(%arg14 : memref<!tpu.dma_semaphore, #tpu.memory_space<semaphore_mem>>) src(%dma_wait3A_249 : memref<80x128xf32, #tpu.memory_space<vmem>>) dst(%dma_wait3A_255 : memref<10000x128xf32, #tpu.memory_space<vmem_shared>>)
      %dma_wait3A_256 = arith.constant 1 : i32
      %dma_wait3A_257 = arith.constant 80 : i32
      %dma_wait3A_258 = arith.constant 0 : i32
      %dma_wait3A_259 = tpu.memref_slice %arg8[%dma_wait3A_257, %dma_wait3A_258] : memref<160x128xf32, #tpu.memory_space<vmem>> -> memref<80x128xf32, #tpu.memory_space<vmem>>
      %dma_wait3A_260 = arith.constant 0 : i32
      %dma_wait3A_261 = tpu.memref_slice %arg7[%mul3A_213, %dma_wait3A_256, %dma_wait3A_260] : memref<35x2x80xi32, #tpu.memory_space<vmem>> -> memref<1x1x80xi32, #tpu.memory_space<vmem>>
      %dma_wait3A_262 = tpu.memref_squeeze %dma_wait3A_261 : memref<1x1x80xi32, #tpu.memory_space<vmem>> -> memref<80xi32, #tpu.memory_space<vmem>>
      %dma_wait3A_263 = arith.constant 0 : i32
      %dma_wait3A_264 = arith.constant 0 : i32
      %dma_wait3A_265 = tpu.memref_slice %arg6[%dma_wait3A_263, %dma_wait3A_264] : memref<10000x128xf32, #tpu.memory_space<vmem_shared>> -> memref<10000x128xf32, #tpu.memory_space<vmem_shared>>
      tpu.wait_indirect_dma semaphore(%arg14 : memref<!tpu.dma_semaphore, #tpu.memory_space<semaphore_mem>>) src(%dma_wait3A_259 : memref<80x128xf32, #tpu.memory_space<vmem>>) dst(%dma_wait3A_265 : memref<10000x128xf32, #tpu.memory_space<vmem_shared>>)
      %add3A_266 = arith.constant 2 : i32
      %add3A_267 = arith.addi %mul3A_213, %add3A_266 : i32
      %lt3A = arith.constant 35 : i32
      %lt3A_268 = arith.cmpi slt, %add3A_267, %lt3A : i32
      %convert_element_type3A_269 = arith.extui %lt3A_268 : i1 to i32
      %cond3A_270 = arith.constant 0 : i32
      %cond3A_271 = arith.cmpi ne, %convert_element_type3A_269, %cond3A_270 : i32
      scf.if %cond3A_271 {
        %add3A_321 = arith.constant 2 : i32
        %add3A_322 = arith.addi %mul3A_213, %add3A_321 : i32
        %mul3A_323 = arith.constant 160 : i32
        %mul3A_324 = arith.muli %add3A_322, %mul3A_323 : i32
        %add3A_325 = arith.addi %mul3A_0, %mul3A_324 : i32
        %dma_start3A_326 = tpu.memref_slice %arg2[%add3A_325, %mul3A_14] : memref<89600x512xf32, #tpu.memory_space<hbm>> -> memref<160x128xf32, #tpu.memory_space<hbm>>
        %dma_start3A_327 = tpu.memref_slice %arg2[%add3A_325, %mul3A_14] : memref<89600x512xf32, #tpu.memory_space<hbm>> -> memref<160x128xf32, #tpu.memory_space<hbm>>
        tpu.enqueue_dma source(%dma_start3A_327 : memref<160x128xf32, #tpu.memory_space<hbm>>) target(%arg8 : memref<160x128xf32, #tpu.memory_space<vmem>>) target_semaphore(%arg12 : memref<!tpu.dma_semaphore, #tpu.memory_space<semaphore_mem>>)
      } else {
      }
      %add3A_272 = arith.constant 1 : i32
      %add3A_273 = arith.addi %mul3A_213, %add3A_272 : i32
      %mul3A_274 = arith.constant 160 : i32
      %mul3A_275 = arith.muli %add3A_273, %mul3A_274 : i32
      %add3A_276 = arith.addi %mul3A_0, %mul3A_275 : i32
      %dma_wait3A_277 = tpu.memref_slice %arg2[%add3A_276, %mul3A_14] : memref<89600x512xf32, #tpu.memory_space<hbm>> -> memref<160x128xf32, #tpu.memory_space<hbm>>
      %dma_wait3A_278 = tpu.memref_slice %arg2[%add3A_276, %mul3A_14] : memref<89600x512xf32, #tpu.memory_space<hbm>> -> memref<160x128xf32, #tpu.memory_space<hbm>>
      tpu.wait_dma2 semaphore(%arg13 : memref<!tpu.dma_semaphore, #tpu.memory_space<semaphore_mem>>) src(%dma_wait3A_278 : memref<160x128xf32, #tpu.memory_space<hbm>>) dst(%arg9 : memref<160x128xf32, #tpu.memory_space<vmem>>)
      %add3A_279 = arith.constant 1 : i32
      %add3A_280 = arith.addi %mul3A_213, %add3A_279 : i32
      %dma_start3A_281 = arith.constant 0 : i32
      %dma_start3A_282 = arith.constant 0 : i32
      %dma_start3A_283 = arith.constant 0 : i32
      %dma_start3A_284 = tpu.memref_slice %arg9[%dma_start3A_282, %dma_start3A_283] : memref<160x128xf32, #tpu.memory_space<vmem>> -> memref<80x128xf32, #tpu.memory_space<vmem>>
      %dma_start3A_285 = arith.constant 0 : i32
      %dma_start3A_286 = tpu.memref_slice %arg7[%add3A_280, %dma_start3A_281, %dma_start3A_285] : memref<35x2x80xi32, #tpu.memory_space<vmem>> -> memref<1x1x80xi32, #tpu.memory_space<vmem>>
      %dma_start3A_287 = tpu.memref_squeeze %dma_start3A_286 : memref<1x1x80xi32, #tpu.memory_space<vmem>> -> memref<80xi32, #tpu.memory_space<vmem>>
      %dma_start3A_288 = arith.constant 0 : i32
      %dma_start3A_289 = arith.constant 0 : i32
      %dma_start3A_290 = tpu.memref_slice %arg6[%dma_start3A_288, %dma_start3A_289] : memref<10000x128xf32, #tpu.memory_space<vmem_shared>> -> memref<10000x128xf32, #tpu.memory_space<vmem_shared>>
      tpu.enqueue_indirect_dma source(%dma_start3A_284 : memref<80x128xf32, #tpu.memory_space<vmem>>) target(%dma_start3A_290 : memref<10000x128xf32, #tpu.memory_space<vmem_shared>>) offsets(%dma_start3A_287 : memref<80xi32, #tpu.memory_space<vmem>>) semaphore(%arg14 : memref<!tpu.dma_semaphore, #tpu.memory_space<semaphore_mem>>) {add = true}
      %dma_start3A_291 = arith.constant 1 : i32
      %dma_start3A_292 = arith.constant 80 : i32
      %dma_start3A_293 = arith.constant 0 : i32
      %dma_start3A_294 = tpu.memref_slice %arg9[%dma_start3A_292, %dma_start3A_293] : memref<160x128xf32, #tpu.memory_space<vmem>> -> memref<80x128xf32, #tpu.memory_space<vmem>>
      %dma_start3A_295 = arith.constant 0 : i32
      %dma_start3A_296 = tpu.memref_slice %arg7[%add3A_280, %dma_start3A_291, %dma_start3A_295] : memref<35x2x80xi32, #tpu.memory_space<vmem>> -> memref<1x1x80xi32, #tpu.memory_space<vmem>>
      %dma_start3A_297 = tpu.memref_squeeze %dma_start3A_296 : memref<1x1x80xi32, #tpu.memory_space<vmem>> -> memref<80xi32, #tpu.memory_space<vmem>>
      %dma_start3A_298 = arith.constant 0 : i32
      %dma_start3A_299 = arith.constant 0 : i32
      %dma_start3A_300 = tpu.memref_slice %arg6[%dma_start3A_298, %dma_start3A_299] : memref<10000x128xf32, #tpu.memory_space<vmem_shared>> -> memref<10000x128xf32, #tpu.memory_space<vmem_shared>>
      tpu.enqueue_indirect_dma source(%dma_start3A_294 : memref<80x128xf32, #tpu.memory_space<vmem>>) target(%dma_start3A_300 : memref<10000x128xf32, #tpu.memory_space<vmem_shared>>) offsets(%dma_start3A_297 : memref<80xi32, #tpu.memory_space<vmem>>) semaphore(%arg14 : memref<!tpu.dma_semaphore, #tpu.memory_space<semaphore_mem>>) {add = true}
      %dma_wait3A_301 = arith.constant 0 : i32
      %dma_wait3A_302 = arith.constant 0 : i32
      %dma_wait3A_303 = arith.constant 0 : i32
      %dma_wait3A_304 = tpu.memref_slice %arg9[%dma_wait3A_302, %dma_wait3A_303] : memref<160x128xf32, #tpu.memory_space<vmem>> -> memref<80x128xf32, #tpu.memory_space<vmem>>
      %dma_wait3A_305 = arith.constant 0 : i32
      %dma_wait3A_306 = tpu.memref_slice %arg7[%add3A_280, %dma_wait3A_301, %dma_wait3A_305] : memref<35x2x80xi32, #tpu.memory_space<vmem>> -> memref<1x1x80xi32, #tpu.memory_space<vmem>>
      %dma_wait3A_307 = tpu.memref_squeeze %dma_wait3A_306 : memref<1x1x80xi32, #tpu.memory_space<vmem>> -> memref<80xi32, #tpu.memory_space<vmem>>
      %dma_wait3A_308 = arith.constant 0 : i32
      %dma_wait3A_309 = arith.constant 0 : i32
      %dma_wait3A_310 = tpu.memref_slice %arg6[%dma_wait3A_308, %dma_wait3A_309] : memref<10000x128xf32, #tpu.memory_space<vmem_shared>> -> memref<10000x128xf32, #tpu.memory_space<vmem_shared>>
      tpu.wait_indirect_dma semaphore(%arg14 : memref<!tpu.dma_semaphore, #tpu.memory_space<semaphore_mem>>) src(%dma_wait3A_304 : memref<80x128xf32, #tpu.memory_space<vmem>>) dst(%dma_wait3A_310 : memref<10000x128xf32, #tpu.memory_space<vmem_shared>>)
      %dma_wait3A_311 = arith.constant 1 : i32
      %dma_wait3A_312 = arith.constant 80 : i32
      %dma_wait3A_313 = arith.constant 0 : i32
      %dma_wait3A_314 = tpu.memref_slice %arg9[%dma_wait3A_312, %dma_wait3A_313] : memref<160x128xf32, #tpu.memory_space<vmem>> -> memref<80x128xf32, #tpu.memory_space<vmem>>
      %dma_wait3A_315 = arith.constant 0 : i32
      %dma_wait3A_316 = tpu.memref_slice %arg7[%add3A_280, %dma_wait3A_311, %dma_wait3A_315] : memref<35x2x80xi32, #tpu.memory_space<vmem>> -> memref<1x1x80xi32, #tpu.memory_space<vmem>>
      %dma_wait3A_317 = tpu.memref_squeeze %dma_wait3A_316 : memref<1x1x80xi32, #tpu.memory_space<vmem>> -> memref<80xi32, #tpu.memory_space<vmem>>
      %dma_wait3A_318 = arith.constant 0 : i32
      %dma_wait3A_319 = arith.constant 0 : i32
      %dma_wait3A_320 = tpu.memref_slice %arg6[%dma_wait3A_318, %dma_wait3A_319] : memref<10000x128xf32, #tpu.memory_space<vmem_shared>> -> memref<10000x128xf32, #tpu.memory_space<vmem_shared>>
      tpu.wait_indirect_dma semaphore(%arg14 : memref<!tpu.dma_semaphore, #tpu.memory_space<semaphore_mem>>) src(%dma_wait3A_314 : memref<80x128xf32, #tpu.memory_space<vmem>>) dst(%dma_wait3A_320 : memref<10000x128xf32, #tpu.memory_space<vmem_shared>>)
    }
    %scan3A_53 = arith.constant 17 : i32
    %add3A_54 = arith.constant 5440 : i32
    %add3A_55 = arith.addi %mul3A_0, %add3A_54 : i32
    %dma_wait3A_56 = tpu.memref_slice %arg2[%add3A_55, %mul3A_14] : memref<89600x512xf32, #tpu.memory_space<hbm>> -> memref<160x128xf32, #tpu.memory_space<hbm>>
    %dma_wait3A_57 = tpu.memref_slice %arg2[%add3A_55, %mul3A_14] : memref<89600x512xf32, #tpu.memory_space<hbm>> -> memref<160x128xf32, #tpu.memory_space<hbm>>
    tpu.wait_dma2 semaphore(%arg12 : memref<!tpu.dma_semaphore, #tpu.memory_space<semaphore_mem>>) src(%dma_wait3A_57 : memref<160x128xf32, #tpu.memory_space<hbm>>) dst(%arg8 : memref<160x128xf32, #tpu.memory_space<vmem>>)
    %dma_start3A_58 = arith.constant 34 : i32
    %dma_start3A_59 = arith.constant 0 : i32
    %dma_start3A_60 = arith.constant 0 : i32
    %dma_start3A_61 = arith.constant 0 : i32
    %dma_start3A_62 = tpu.memref_slice %arg8[%dma_start3A_60, %dma_start3A_61] : memref<160x128xf32, #tpu.memory_space<vmem>> -> memref<80x128xf32, #tpu.memory_space<vmem>>
    %dma_start3A_63 = arith.constant 0 : i32
    %dma_start3A_64 = tpu.memref_slice %arg7[%dma_start3A_58, %dma_start3A_59, %dma_start3A_63] : memref<35x2x80xi32, #tpu.memory_space<vmem>> -> memref<1x1x80xi32, #tpu.memory_space<vmem>>
    %dma_start3A_65 = tpu.memref_squeeze %dma_start3A_64 : memref<1x1x80xi32, #tpu.memory_space<vmem>> -> memref<80xi32, #tpu.memory_space<vmem>>
    %dma_start3A_66 = arith.constant 0 : i32
    %dma_start3A_67 = arith.constant 0 : i32
    %dma_start3A_68 = tpu.memref_slice %arg6[%dma_start3A_66, %dma_start3A_67] : memref<10000x128xf32, #tpu.memory_space<vmem_shared>> -> memref<10000x128xf32, #tpu.memory_space<vmem_shared>>
    tpu.enqueue_indirect_dma source(%dma_start3A_62 : memref<80x128xf32, #tpu.memory_space<vmem>>) target(%dma_start3A_68 : memref<10000x128xf32, #tpu.memory_space<vmem_shared>>) offsets(%dma_start3A_65 : memref<80xi32, #tpu.memory_space<vmem>>) semaphore(%arg14 : memref<!tpu.dma_semaphore, #tpu.memory_space<semaphore_mem>>) {add = true}
    %dma_start3A_69 = arith.constant 34 : i32
    %dma_start3A_70 = arith.constant 1 : i32
    %dma_start3A_71 = arith.constant 80 : i32
    %dma_start3A_72 = arith.constant 0 : i32
    %dma_start3A_73 = tpu.memref_slice %arg8[%dma_start3A_71, %dma_start3A_72] : memref<160x128xf32, #tpu.memory_space<vmem>> -> memref<80x128xf32, #tpu.memory_space<vmem>>
    %dma_start3A_74 = arith.constant 0 : i32
    %dma_start3A_75 = tpu.memref_slice %arg7[%dma_start3A_69, %dma_start3A_70, %dma_start3A_74] : memref<35x2x80xi32, #tpu.memory_space<vmem>> -> memref<1x1x80xi32, #tpu.memory_space<vmem>>
    %dma_start3A_76 = tpu.memref_squeeze %dma_start3A_75 : memref<1x1x80xi32, #tpu.memory_space<vmem>> -> memref<80xi32, #tpu.memory_space<vmem>>
    %dma_start3A_77 = arith.constant 0 : i32
    %dma_start3A_78 = arith.constant 0 : i32
    %dma_start3A_79 = tpu.memref_slice %arg6[%dma_start3A_77, %dma_start3A_78] : memref<10000x128xf32, #tpu.memory_space<vmem_shared>> -> memref<10000x128xf32, #tpu.memory_space<vmem_shared>>
    tpu.enqueue_indirect_dma source(%dma_start3A_73 : memref<80x128xf32, #tpu.memory_space<vmem>>) target(%dma_start3A_79 : memref<10000x128xf32, #tpu.memory_space<vmem_shared>>) offsets(%dma_start3A_76 : memref<80xi32, #tpu.memory_space<vmem>>) semaphore(%arg14 : memref<!tpu.dma_semaphore, #tpu.memory_space<semaphore_mem>>) {add = true}
    %dma_wait3A_80 = arith.constant 34 : i32
    %dma_wait3A_81 = arith.constant 0 : i32
    %dma_wait3A_82 = arith.constant 0 : i32
    %dma_wait3A_83 = arith.constant 0 : i32
    %dma_wait3A_84 = tpu.memref_slice %arg8[%dma_wait3A_82, %dma_wait3A_83] : memref<160x128xf32, #tpu.memory_space<vmem>> -> memref<80x128xf32, #tpu.memory_space<vmem>>
    %dma_wait3A_85 = arith.constant 0 : i32
    %dma_wait3A_86 = tpu.memref_slice %arg7[%dma_wait3A_80, %dma_wait3A_81, %dma_wait3A_85] : memref<35x2x80xi32, #tpu.memory_space<vmem>> -> memref<1x1x80xi32, #tpu.memory_space<vmem>>
    %dma_wait3A_87 = tpu.memref_squeeze %dma_wait3A_86 : memref<1x1x80xi32, #tpu.memory_space<vmem>> -> memref<80xi32, #tpu.memory_space<vmem>>
    %dma_wait3A_88 = arith.constant 0 : i32
    %dma_wait3A_89 = arith.constant 0 : i32
    %dma_wait3A_90 = tpu.memref_slice %arg6[%dma_wait3A_88, %dma_wait3A_89] : memref<10000x128xf32, #tpu.memory_space<vmem_shared>> -> memref<10000x128xf32, #tpu.memory_space<vmem_shared>>
    tpu.wait_indirect_dma semaphore(%arg14 : memref<!tpu.dma_semaphore, #tpu.memory_space<semaphore_mem>>) src(%dma_wait3A_84 : memref<80x128xf32, #tpu.memory_space<vmem>>) dst(%dma_wait3A_90 : memref<10000x128xf32, #tpu.memory_space<vmem_shared>>)
    %dma_wait3A_91 = arith.constant 34 : i32
    %dma_wait3A_92 = arith.constant 1 : i32
    %dma_wait3A_93 = arith.constant 80 : i32
    %dma_wait3A_94 = arith.constant 0 : i32
    %dma_wait3A_95 = tpu.memref_slice %arg8[%dma_wait3A_93, %dma_wait3A_94] : memref<160x128xf32, #tpu.memory_space<vmem>> -> memref<80x128xf32, #tpu.memory_space<vmem>>
    %dma_wait3A_96 = arith.constant 0 : i32
    %dma_wait3A_97 = tpu.memref_slice %arg7[%dma_wait3A_91, %dma_wait3A_92, %dma_wait3A_96] : memref<35x2x80xi32, #tpu.memory_space<vmem>> -> memref<1x1x80xi32, #tpu.memory_space<vmem>>
    %dma_wait3A_98 = tpu.memref_squeeze %dma_wait3A_97 : memref<1x1x80xi32, #tpu.memory_space<vmem>> -> memref<80xi32, #tpu.memory_space<vmem>>
    %dma_wait3A_99 = arith.constant 0 : i32
    %dma_wait3A_100 = arith.constant 0 : i32
    %dma_wait3A_101 = tpu.memref_slice %arg6[%dma_wait3A_99, %dma_wait3A_100] : memref<10000x128xf32, #tpu.memory_space<vmem_shared>> -> memref<10000x128xf32, #tpu.memory_space<vmem_shared>>
    tpu.wait_indirect_dma semaphore(%arg14 : memref<!tpu.dma_semaphore, #tpu.memory_space<semaphore_mem>>) src(%dma_wait3A_95 : memref<80x128xf32, #tpu.memory_space<vmem>>) dst(%dma_wait3A_101 : memref<10000x128xf32, #tpu.memory_space<vmem_shared>>)
    %barrier3A_102 = arith.constant 0 : index
    tpu.barrier barrier_id(%barrier3A_102)
    %mul3A_103 = arith.constant 624 : i32
    %mul3A_104 = arith.muli %arg1, %mul3A_103 : i32
    %mul3A_105 = arith.constant 624 : i32
    %mul3A_106 = arith.muli %arg1, %mul3A_105 : i32
    "tpu.region"() ({
      %run_scoped3A = tpu.sem_alloc : memref<!tpu.dma_semaphore, #tpu.memory_space<semaphore_mem>>
      %dma_start3A_211 = tpu.memref_slice %arg5[%mul3A_106, %mul3A_14] : memref<10000x512xf32, #tpu.memory_space<hbm>> -> memref<624x128xf32, #tpu.memory_space<hbm>>
      %dma_start3A_212 = arith.constant 0 : i32
      %dma_start3A_213 = tpu.memref_slice %arg6[%mul3A_104, %dma_start3A_212] : memref<10000x128xf32, #tpu.memory_space<vmem_shared>> -> memref<624x128xf32, #tpu.memory_space<vmem_shared>>
      tpu.enqueue_dma source(%dma_start3A_213 : memref<624x128xf32, #tpu.memory_space<vmem_shared>>) target(%dma_start3A_211 : memref<624x128xf32, #tpu.memory_space<hbm>>) target_semaphore(%run_scoped3A : memref<!tpu.dma_semaphore, #tpu.memory_space<semaphore_mem>>)
      %dma_wait3A_214 = tpu.memref_slice %arg5[%mul3A_106, %mul3A_14] : memref<10000x512xf32, #tpu.memory_space<hbm>> -> memref<624x128xf32, #tpu.memory_space<hbm>>
      %dma_wait3A_215 = arith.constant 0 : i32
      %dma_wait3A_216 = tpu.memref_slice %arg6[%mul3A_104, %dma_wait3A_215] : memref<10000x128xf32, #tpu.memory_space<vmem_shared>> -> memref<624x128xf32, #tpu.memory_space<vmem_shared>>
      tpu.wait_dma2 semaphore(%run_scoped3A : memref<!tpu.dma_semaphore, #tpu.memory_space<semaphore_mem>>) src(%dma_wait3A_216 : memref<624x128xf32, #tpu.memory_space<vmem_shared>>) dst(%dma_wait3A_214 : memref<624x128xf32, #tpu.memory_space<hbm>>)
      tpu.yield
    }) : () -> ()
    %eq3A_107 = arith.constant 15 : i32
    %eq3A_108 = arith.cmpi eq, %arg1, %eq3A_107 : i32
    %convert_element_type3A_109 = arith.extui %eq3A_108 : i1 to i32
    %cond3A_110 = arith.constant 0 : i32
    %cond3A_111 = arith.cmpi ne, %convert_element_type3A_109, %cond3A_110 : i32
    scf.if %cond3A_111 {
      "tpu.region"() ({
        %run_scoped3A = tpu.sem_alloc : memref<!tpu.dma_semaphore, #tpu.memory_space<semaphore_mem>>
        %dma_start3A_211 = arith.constant 9984 : i32
        %dma_start3A_212 = tpu.memref_slice %arg5[%dma_start3A_211, %mul3A_14] : memref<10000x512xf32, #tpu.memory_space<hbm>> -> memref<16x128xf32, #tpu.memory_space<hbm>>
        %dma_start3A_213 = arith.constant 9984 : i32
        %dma_start3A_214 = arith.constant 0 : i32
        %dma_start3A_215 = tpu.memref_slice %arg6[%dma_start3A_213, %dma_start3A_214] : memref<10000x128xf32, #tpu.memory_space<vmem_shared>> -> memref<16x128xf32, #tpu.memory_space<vmem_shared>>
        tpu.enqueue_dma source(%dma_start3A_215 : memref<16x128xf32, #tpu.memory_space<vmem_shared>>) target(%dma_start3A_212 : memref<16x128xf32, #tpu.memory_space<hbm>>) target_semaphore(%run_scoped3A : memref<!tpu.dma_semaphore, #tpu.memory_space<semaphore_mem>>)
        %dma_wait3A_216 = arith.constant 9984 : i32
        %dma_wait3A_217 = tpu.memref_slice %arg5[%dma_wait3A_216, %mul3A_14] : memref<10000x512xf32, #tpu.memory_space<hbm>> -> memref<16x128xf32, #tpu.memory_space<hbm>>
        %dma_wait3A_218 = arith.constant 9984 : i32
        %dma_wait3A_219 = arith.constant 0 : i32
        %dma_wait3A_220 = tpu.memref_slice %arg6[%dma_wait3A_218, %dma_wait3A_219] : memref<10000x128xf32, #tpu.memory_space<vmem_shared>> -> memref<16x128xf32, #tpu.memory_space<vmem_shared>>
        tpu.wait_dma2 semaphore(%run_scoped3A : memref<!tpu.dma_semaphore, #tpu.memory_space<semaphore_mem>>) src(%dma_wait3A_220 : memref<16x128xf32, #tpu.memory_space<vmem_shared>>) dst(%dma_wait3A_217 : memref<16x128xf32, #tpu.memory_space<hbm>>)
        tpu.yield
      }) : () -> ()
    } else {
    }
    %mul3A_112 = arith.constant 2 : i32
    %mul3A_113 = arith.muli %arg0, %mul3A_112 : i32
    %add3A_114 = arith.constant 1 : i32
    %add3A_115 = arith.addi %mul3A_113, %add3A_114 : i32
    %mul3A_116 = arith.constant 128 : i32
    %mul3A_117 = arith.muli %add3A_115, %mul3A_116 : i32
    %mul3A_118 = arith.constant 624 : i32
    %mul3A_119 = arith.muli %arg1, %mul3A_118 : i32
    %mul3A_120 = arith.constant 624 : i32
    %mul3A_121 = arith.muli %arg1, %mul3A_120 : i32
    %dma_start3A_122 = arith.constant 0 : i32
    %dma_start3A_123 = tpu.memref_slice %arg6[%mul3A_121, %dma_start3A_122] : memref<10000x128xf32, #tpu.memory_space<vmem_shared>> -> memref<624x128xf32, #tpu.memory_space<vmem_shared>>
    %dma_start3A_124 = tpu.memref_slice %arg4[%mul3A_119, %mul3A_117] : memref<10000x512xf32, #tpu.memory_space<hbm>> -> memref<624x128xf32, #tpu.memory_space<hbm>>
    tpu.enqueue_dma source(%dma_start3A_124 : memref<624x128xf32, #tpu.memory_space<hbm>>) target(%dma_start3A_123 : memref<624x128xf32, #tpu.memory_space<vmem_shared>>) target_semaphore(%arg11 : memref<!tpu.dma_semaphore, #tpu.memory_space<semaphore_mem>>)
    %eq3A_125 = arith.constant 15 : i32
    %eq3A_126 = arith.cmpi eq, %arg1, %eq3A_125 : i32
    %convert_element_type3A_127 = arith.extui %eq3A_126 : i1 to i32
    %cond3A_128 = arith.constant 0 : i32
    %cond3A_129 = arith.cmpi ne, %convert_element_type3A_127, %cond3A_128 : i32
    scf.if %cond3A_129 {
      %dma_start3A_211 = arith.constant 9984 : i32
      %dma_start3A_212 = arith.constant 0 : i32
      %dma_start3A_213 = tpu.memref_slice %arg6[%dma_start3A_211, %dma_start3A_212] : memref<10000x128xf32, #tpu.memory_space<vmem_shared>> -> memref<16x128xf32, #tpu.memory_space<vmem_shared>>
      %dma_start3A_214 = arith.constant 9984 : i32
      %dma_start3A_215 = tpu.memref_slice %arg4[%dma_start3A_214, %mul3A_117] : memref<10000x512xf32, #tpu.memory_space<hbm>> -> memref<16x128xf32, #tpu.memory_space<hbm>>
      tpu.enqueue_dma source(%dma_start3A_215 : memref<16x128xf32, #tpu.memory_space<hbm>>) target(%dma_start3A_213 : memref<16x128xf32, #tpu.memory_space<vmem_shared>>) target_semaphore(%arg11 : memref<!tpu.dma_semaphore, #tpu.memory_space<semaphore_mem>>)
    } else {
    }
    %add3A_130 = arith.constant 0 : i32
    %add3A_131 = arith.addi %mul3A_0, %add3A_130 : i32
    %dma_start3A_132 = tpu.memref_slice %arg2[%add3A_131, %mul3A_117] : memref<89600x512xf32, #tpu.memory_space<hbm>> -> memref<160x128xf32, #tpu.memory_space<hbm>>
    %dma_start3A_133 = tpu.memref_slice %arg2[%add3A_131, %mul3A_117] : memref<89600x512xf32, #tpu.memory_space<hbm>> -> memref<160x128xf32, #tpu.memory_space<hbm>>
    tpu.enqueue_dma source(%dma_start3A_133 : memref<160x128xf32, #tpu.memory_space<hbm>>) target(%arg8 : memref<160x128xf32, #tpu.memory_space<vmem>>) target_semaphore(%arg12 : memref<!tpu.dma_semaphore, #tpu.memory_space<semaphore_mem>>)
    %mul3A_134 = arith.constant 624 : i32
    %mul3A_135 = arith.muli %arg1, %mul3A_134 : i32
    %mul3A_136 = arith.constant 624 : i32
    %mul3A_137 = arith.muli %arg1, %mul3A_136 : i32
    %dma_wait3A_138 = arith.constant 0 : i32
    %dma_wait3A_139 = tpu.memref_slice %arg6[%mul3A_137, %dma_wait3A_138] : memref<10000x128xf32, #tpu.memory_space<vmem_shared>> -> memref<624x128xf32, #tpu.memory_space<vmem_shared>>
    %dma_wait3A_140 = tpu.memref_slice %arg4[%mul3A_135, %mul3A_117] : memref<10000x512xf32, #tpu.memory_space<hbm>> -> memref<624x128xf32, #tpu.memory_space<hbm>>
    tpu.wait_dma2 semaphore(%arg11 : memref<!tpu.dma_semaphore, #tpu.memory_space<semaphore_mem>>) src(%dma_wait3A_140 : memref<624x128xf32, #tpu.memory_space<hbm>>) dst(%dma_wait3A_139 : memref<624x128xf32, #tpu.memory_space<vmem_shared>>)
    %eq3A_141 = arith.constant 15 : i32
    %eq3A_142 = arith.cmpi eq, %arg1, %eq3A_141 : i32
    %convert_element_type3A_143 = arith.extui %eq3A_142 : i1 to i32
    %cond3A_144 = arith.constant 0 : i32
    %cond3A_145 = arith.cmpi ne, %convert_element_type3A_143, %cond3A_144 : i32
    scf.if %cond3A_145 {
      %dma_wait3A_211 = arith.constant 9984 : i32
      %dma_wait3A_212 = arith.constant 0 : i32
      %dma_wait3A_213 = tpu.memref_slice %arg6[%dma_wait3A_211, %dma_wait3A_212] : memref<10000x128xf32, #tpu.memory_space<vmem_shared>> -> memref<16x128xf32, #tpu.memory_space<vmem_shared>>
      %dma_wait3A_214 = arith.constant 9984 : i32
      %dma_wait3A_215 = tpu.memref_slice %arg4[%dma_wait3A_214, %mul3A_117] : memref<10000x512xf32, #tpu.memory_space<hbm>> -> memref<16x128xf32, #tpu.memory_space<hbm>>
      tpu.wait_dma2 semaphore(%arg11 : memref<!tpu.dma_semaphore, #tpu.memory_space<semaphore_mem>>) src(%dma_wait3A_215 : memref<16x128xf32, #tpu.memory_space<hbm>>) dst(%dma_wait3A_213 : memref<16x128xf32, #tpu.memory_space<vmem_shared>>)
    } else {
    }
    %barrier3A_146 = arith.constant 0 : index
    tpu.barrier barrier_id(%barrier3A_146)
    %scan3A_147 = arith.constant 0 : i32
    %scan3A_148 = arith.constant 0 : i32
    %scan3A_149 = arith.constant 17 : i32
    %scan3A_150 = arith.addi %scan3A_148, %scan3A_149 : i32
    %scan3A_151 = arith.constant 1 : i32
    scf.for %scan3A_211 = %scan3A_148 to %scan3A_150 step %scan3A_151  : i32 {
      %mul3A_212 = arith.constant 2 : i32
      %mul3A_213 = arith.muli %scan3A_211, %mul3A_212 : i32
      %add3A_214 = arith.constant 1 : i32
      %add3A_215 = arith.addi %mul3A_213, %add3A_214 : i32
      %mul3A_216 = arith.constant 160 : i32
      %mul3A_217 = arith.muli %add3A_215, %mul3A_216 : i32
      %add3A_218 = arith.addi %mul3A_0, %mul3A_217 : i32
      %dma_start3A_219 = tpu.memref_slice %arg2[%add3A_218, %mul3A_117] : memref<89600x512xf32, #tpu.memory_space<hbm>> -> memref<160x128xf32, #tpu.memory_space<hbm>>
      %dma_start3A_220 = tpu.memref_slice %arg2[%add3A_218, %mul3A_117] : memref<89600x512xf32, #tpu.memory_space<hbm>> -> memref<160x128xf32, #tpu.memory_space<hbm>>
      tpu.enqueue_dma source(%dma_start3A_220 : memref<160x128xf32, #tpu.memory_space<hbm>>) target(%arg9 : memref<160x128xf32, #tpu.memory_space<vmem>>) target_semaphore(%arg13 : memref<!tpu.dma_semaphore, #tpu.memory_space<semaphore_mem>>)
      %mul3A_221 = arith.constant 160 : i32
      %mul3A_222 = arith.muli %mul3A_213, %mul3A_221 : i32
      %add3A_223 = arith.addi %mul3A_0, %mul3A_222 : i32
      %dma_wait3A_224 = tpu.memref_slice %arg2[%add3A_223, %mul3A_117] : memref<89600x512xf32, #tpu.memory_space<hbm>> -> memref<160x128xf32, #tpu.memory_space<hbm>>
      %dma_wait3A_225 = tpu.memref_slice %arg2[%add3A_223, %mul3A_117] : memref<89600x512xf32, #tpu.memory_space<hbm>> -> memref<160x128xf32, #tpu.memory_space<hbm>>
      tpu.wait_dma2 semaphore(%arg12 : memref<!tpu.dma_semaphore, #tpu.memory_space<semaphore_mem>>) src(%dma_wait3A_225 : memref<160x128xf32, #tpu.memory_space<hbm>>) dst(%arg8 : memref<160x128xf32, #tpu.memory_space<vmem>>)
      %dma_start3A_226 = arith.constant 0 : i32
      %dma_start3A_227 = arith.constant 0 : i32
      %dma_start3A_228 = arith.constant 0 : i32
      %dma_start3A_229 = tpu.memref_slice %arg8[%dma_start3A_227, %dma_start3A_228] : memref<160x128xf32, #tpu.memory_space<vmem>> -> memref<80x128xf32, #tpu.memory_space<vmem>>
      %dma_start3A_230 = arith.constant 0 : i32
      %dma_start3A_231 = tpu.memref_slice %arg7[%mul3A_213, %dma_start3A_226, %dma_start3A_230] : memref<35x2x80xi32, #tpu.memory_space<vmem>> -> memref<1x1x80xi32, #tpu.memory_space<vmem>>
      %dma_start3A_232 = tpu.memref_squeeze %dma_start3A_231 : memref<1x1x80xi32, #tpu.memory_space<vmem>> -> memref<80xi32, #tpu.memory_space<vmem>>
      %dma_start3A_233 = arith.constant 0 : i32
      %dma_start3A_234 = arith.constant 0 : i32
      %dma_start3A_235 = tpu.memref_slice %arg6[%dma_start3A_233, %dma_start3A_234] : memref<10000x128xf32, #tpu.memory_space<vmem_shared>> -> memref<10000x128xf32, #tpu.memory_space<vmem_shared>>
      tpu.enqueue_indirect_dma source(%dma_start3A_229 : memref<80x128xf32, #tpu.memory_space<vmem>>) target(%dma_start3A_235 : memref<10000x128xf32, #tpu.memory_space<vmem_shared>>) offsets(%dma_start3A_232 : memref<80xi32, #tpu.memory_space<vmem>>) semaphore(%arg14 : memref<!tpu.dma_semaphore, #tpu.memory_space<semaphore_mem>>) {add = true}
      %dma_start3A_236 = arith.constant 1 : i32
      %dma_start3A_237 = arith.constant 80 : i32
      %dma_start3A_238 = arith.constant 0 : i32
      %dma_start3A_239 = tpu.memref_slice %arg8[%dma_start3A_237, %dma_start3A_238] : memref<160x128xf32, #tpu.memory_space<vmem>> -> memref<80x128xf32, #tpu.memory_space<vmem>>
      %dma_start3A_240 = arith.constant 0 : i32
      %dma_start3A_241 = tpu.memref_slice %arg7[%mul3A_213, %dma_start3A_236, %dma_start3A_240] : memref<35x2x80xi32, #tpu.memory_space<vmem>> -> memref<1x1x80xi32, #tpu.memory_space<vmem>>
      %dma_start3A_242 = tpu.memref_squeeze %dma_start3A_241 : memref<1x1x80xi32, #tpu.memory_space<vmem>> -> memref<80xi32, #tpu.memory_space<vmem>>
      %dma_start3A_243 = arith.constant 0 : i32
      %dma_start3A_244 = arith.constant 0 : i32
      %dma_start3A_245 = tpu.memref_slice %arg6[%dma_start3A_243, %dma_start3A_244] : memref<10000x128xf32, #tpu.memory_space<vmem_shared>> -> memref<10000x128xf32, #tpu.memory_space<vmem_shared>>
      tpu.enqueue_indirect_dma source(%dma_start3A_239 : memref<80x128xf32, #tpu.memory_space<vmem>>) target(%dma_start3A_245 : memref<10000x128xf32, #tpu.memory_space<vmem_shared>>) offsets(%dma_start3A_242 : memref<80xi32, #tpu.memory_space<vmem>>) semaphore(%arg14 : memref<!tpu.dma_semaphore, #tpu.memory_space<semaphore_mem>>) {add = true}
      %dma_wait3A_246 = arith.constant 0 : i32
      %dma_wait3A_247 = arith.constant 0 : i32
      %dma_wait3A_248 = arith.constant 0 : i32
      %dma_wait3A_249 = tpu.memref_slice %arg8[%dma_wait3A_247, %dma_wait3A_248] : memref<160x128xf32, #tpu.memory_space<vmem>> -> memref<80x128xf32, #tpu.memory_space<vmem>>
      %dma_wait3A_250 = arith.constant 0 : i32
      %dma_wait3A_251 = tpu.memref_slice %arg7[%mul3A_213, %dma_wait3A_246, %dma_wait3A_250] : memref<35x2x80xi32, #tpu.memory_space<vmem>> -> memref<1x1x80xi32, #tpu.memory_space<vmem>>
      %dma_wait3A_252 = tpu.memref_squeeze %dma_wait3A_251 : memref<1x1x80xi32, #tpu.memory_space<vmem>> -> memref<80xi32, #tpu.memory_space<vmem>>
      %dma_wait3A_253 = arith.constant 0 : i32
      %dma_wait3A_254 = arith.constant 0 : i32
      %dma_wait3A_255 = tpu.memref_slice %arg6[%dma_wait3A_253, %dma_wait3A_254] : memref<10000x128xf32, #tpu.memory_space<vmem_shared>> -> memref<10000x128xf32, #tpu.memory_space<vmem_shared>>
      tpu.wait_indirect_dma semaphore(%arg14 : memref<!tpu.dma_semaphore, #tpu.memory_space<semaphore_mem>>) src(%dma_wait3A_249 : memref<80x128xf32, #tpu.memory_space<vmem>>) dst(%dma_wait3A_255 : memref<10000x128xf32, #tpu.memory_space<vmem_shared>>)
      %dma_wait3A_256 = arith.constant 1 : i32
      %dma_wait3A_257 = arith.constant 80 : i32
      %dma_wait3A_258 = arith.constant 0 : i32
      %dma_wait3A_259 = tpu.memref_slice %arg8[%dma_wait3A_257, %dma_wait3A_258] : memref<160x128xf32, #tpu.memory_space<vmem>> -> memref<80x128xf32, #tpu.memory_space<vmem>>
      %dma_wait3A_260 = arith.constant 0 : i32
      %dma_wait3A_261 = tpu.memref_slice %arg7[%mul3A_213, %dma_wait3A_256, %dma_wait3A_260] : memref<35x2x80xi32, #tpu.memory_space<vmem>> -> memref<1x1x80xi32, #tpu.memory_space<vmem>>
      %dma_wait3A_262 = tpu.memref_squeeze %dma_wait3A_261 : memref<1x1x80xi32, #tpu.memory_space<vmem>> -> memref<80xi32, #tpu.memory_space<vmem>>
      %dma_wait3A_263 = arith.constant 0 : i32
      %dma_wait3A_264 = arith.constant 0 : i32
      %dma_wait3A_265 = tpu.memref_slice %arg6[%dma_wait3A_263, %dma_wait3A_264] : memref<10000x128xf32, #tpu.memory_space<vmem_shared>> -> memref<10000x128xf32, #tpu.memory_space<vmem_shared>>
      tpu.wait_indirect_dma semaphore(%arg14 : memref<!tpu.dma_semaphore, #tpu.memory_space<semaphore_mem>>) src(%dma_wait3A_259 : memref<80x128xf32, #tpu.memory_space<vmem>>) dst(%dma_wait3A_265 : memref<10000x128xf32, #tpu.memory_space<vmem_shared>>)
      %add3A_266 = arith.constant 2 : i32
      %add3A_267 = arith.addi %mul3A_213, %add3A_266 : i32
      %lt3A = arith.constant 35 : i32
      %lt3A_268 = arith.cmpi slt, %add3A_267, %lt3A : i32
      %convert_element_type3A_269 = arith.extui %lt3A_268 : i1 to i32
      %cond3A_270 = arith.constant 0 : i32
      %cond3A_271 = arith.cmpi ne, %convert_element_type3A_269, %cond3A_270 : i32
      scf.if %cond3A_271 {
        %add3A_321 = arith.constant 2 : i32
        %add3A_322 = arith.addi %mul3A_213, %add3A_321 : i32
        %mul3A_323 = arith.constant 160 : i32
        %mul3A_324 = arith.muli %add3A_322, %mul3A_323 : i32
        %add3A_325 = arith.addi %mul3A_0, %mul3A_324 : i32
        %dma_start3A_326 = tpu.memref_slice %arg2[%add3A_325, %mul3A_117] : memref<89600x512xf32, #tpu.memory_space<hbm>> -> memref<160x128xf32, #tpu.memory_space<hbm>>
        %dma_start3A_327 = tpu.memref_slice %arg2[%add3A_325, %mul3A_117] : memref<89600x512xf32, #tpu.memory_space<hbm>> -> memref<160x128xf32, #tpu.memory_space<hbm>>
        tpu.enqueue_dma source(%dma_start3A_327 : memref<160x128xf32, #tpu.memory_space<hbm>>) target(%arg8 : memref<160x128xf32, #tpu.memory_space<vmem>>) target_semaphore(%arg12 : memref<!tpu.dma_semaphore, #tpu.memory_space<semaphore_mem>>)
      } else {
      }
      %add3A_272 = arith.constant 1 : i32
      %add3A_273 = arith.addi %mul3A_213, %add3A_272 : i32
      %mul3A_274 = arith.constant 160 : i32
      %mul3A_275 = arith.muli %add3A_273, %mul3A_274 : i32
      %add3A_276 = arith.addi %mul3A_0, %mul3A_275 : i32
      %dma_wait3A_277 = tpu.memref_slice %arg2[%add3A_276, %mul3A_117] : memref<89600x512xf32, #tpu.memory_space<hbm>> -> memref<160x128xf32, #tpu.memory_space<hbm>>
      %dma_wait3A_278 = tpu.memref_slice %arg2[%add3A_276, %mul3A_117] : memref<89600x512xf32, #tpu.memory_space<hbm>> -> memref<160x128xf32, #tpu.memory_space<hbm>>
      tpu.wait_dma2 semaphore(%arg13 : memref<!tpu.dma_semaphore, #tpu.memory_space<semaphore_mem>>) src(%dma_wait3A_278 : memref<160x128xf32, #tpu.memory_space<hbm>>) dst(%arg9 : memref<160x128xf32, #tpu.memory_space<vmem>>)
      %add3A_279 = arith.constant 1 : i32
      %add3A_280 = arith.addi %mul3A_213, %add3A_279 : i32
      %dma_start3A_281 = arith.constant 0 : i32
      %dma_start3A_282 = arith.constant 0 : i32
      %dma_start3A_283 = arith.constant 0 : i32
      %dma_start3A_284 = tpu.memref_slice %arg9[%dma_start3A_282, %dma_start3A_283] : memref<160x128xf32, #tpu.memory_space<vmem>> -> memref<80x128xf32, #tpu.memory_space<vmem>>
      %dma_start3A_285 = arith.constant 0 : i32
      %dma_start3A_286 = tpu.memref_slice %arg7[%add3A_280, %dma_start3A_281, %dma_start3A_285] : memref<35x2x80xi32, #tpu.memory_space<vmem>> -> memref<1x1x80xi32, #tpu.memory_space<vmem>>
      %dma_start3A_287 = tpu.memref_squeeze %dma_start3A_286 : memref<1x1x80xi32, #tpu.memory_space<vmem>> -> memref<80xi32, #tpu.memory_space<vmem>>
      %dma_start3A_288 = arith.constant 0 : i32
      %dma_start3A_289 = arith.constant 0 : i32
      %dma_start3A_290 = tpu.memref_slice %arg6[%dma_start3A_288, %dma_start3A_289] : memref<10000x128xf32, #tpu.memory_space<vmem_shared>> -> memref<10000x128xf32, #tpu.memory_space<vmem_shared>>
      tpu.enqueue_indirect_dma source(%dma_start3A_284 : memref<80x128xf32, #tpu.memory_space<vmem>>) target(%dma_start3A_290 : memref<10000x128xf32, #tpu.memory_space<vmem_shared>>) offsets(%dma_start3A_287 : memref<80xi32, #tpu.memory_space<vmem>>) semaphore(%arg14 : memref<!tpu.dma_semaphore, #tpu.memory_space<semaphore_mem>>) {add = true}
      %dma_start3A_291 = arith.constant 1 : i32
      %dma_start3A_292 = arith.constant 80 : i32
      %dma_start3A_293 = arith.constant 0 : i32
      %dma_start3A_294 = tpu.memref_slice %arg9[%dma_start3A_292, %dma_start3A_293] : memref<160x128xf32, #tpu.memory_space<vmem>> -> memref<80x128xf32, #tpu.memory_space<vmem>>
      %dma_start3A_295 = arith.constant 0 : i32
      %dma_start3A_296 = tpu.memref_slice %arg7[%add3A_280, %dma_start3A_291, %dma_start3A_295] : memref<35x2x80xi32, #tpu.memory_space<vmem>> -> memref<1x1x80xi32, #tpu.memory_space<vmem>>
      %dma_start3A_297 = tpu.memref_squeeze %dma_start3A_296 : memref<1x1x80xi32, #tpu.memory_space<vmem>> -> memref<80xi32, #tpu.memory_space<vmem>>
      %dma_start3A_298 = arith.constant 0 : i32
      %dma_start3A_299 = arith.constant 0 : i32
      %dma_start3A_300 = tpu.memref_slice %arg6[%dma_start3A_298, %dma_start3A_299] : memref<10000x128xf32, #tpu.memory_space<vmem_shared>> -> memref<10000x128xf32, #tpu.memory_space<vmem_shared>>
      tpu.enqueue_indirect_dma source(%dma_start3A_294 : memref<80x128xf32, #tpu.memory_space<vmem>>) target(%dma_start3A_300 : memref<10000x128xf32, #tpu.memory_space<vmem_shared>>) offsets(%dma_start3A_297 : memref<80xi32, #tpu.memory_space<vmem>>) semaphore(%arg14 : memref<!tpu.dma_semaphore, #tpu.memory_space<semaphore_mem>>) {add = true}
      %dma_wait3A_301 = arith.constant 0 : i32
      %dma_wait3A_302 = arith.constant 0 : i32
      %dma_wait3A_303 = arith.constant 0 : i32
      %dma_wait3A_304 = tpu.memref_slice %arg9[%dma_wait3A_302, %dma_wait3A_303] : memref<160x128xf32, #tpu.memory_space<vmem>> -> memref<80x128xf32, #tpu.memory_space<vmem>>
      %dma_wait3A_305 = arith.constant 0 : i32
      %dma_wait3A_306 = tpu.memref_slice %arg7[%add3A_280, %dma_wait3A_301, %dma_wait3A_305] : memref<35x2x80xi32, #tpu.memory_space<vmem>> -> memref<1x1x80xi32, #tpu.memory_space<vmem>>
      %dma_wait3A_307 = tpu.memref_squeeze %dma_wait3A_306 : memref<1x1x80xi32, #tpu.memory_space<vmem>> -> memref<80xi32, #tpu.memory_space<vmem>>
      %dma_wait3A_308 = arith.constant 0 : i32
      %dma_wait3A_309 = arith.constant 0 : i32
      %dma_wait3A_310 = tpu.memref_slice %arg6[%dma_wait3A_308, %dma_wait3A_309] : memref<10000x128xf32, #tpu.memory_space<vmem_shared>> -> memref<10000x128xf32, #tpu.memory_space<vmem_shared>>
      tpu.wait_indirect_dma semaphore(%arg14 : memref<!tpu.dma_semaphore, #tpu.memory_space<semaphore_mem>>) src(%dma_wait3A_304 : memref<80x128xf32, #tpu.memory_space<vmem>>) dst(%dma_wait3A_310 : memref<10000x128xf32, #tpu.memory_space<vmem_shared>>)
      %dma_wait3A_311 = arith.constant 1 : i32
      %dma_wait3A_312 = arith.constant 80 : i32
      %dma_wait3A_313 = arith.constant 0 : i32
      %dma_wait3A_314 = tpu.memref_slice %arg9[%dma_wait3A_312, %dma_wait3A_313] : memref<160x128xf32, #tpu.memory_space<vmem>> -> memref<80x128xf32, #tpu.memory_space<vmem>>
      %dma_wait3A_315 = arith.constant 0 : i32
      %dma_wait3A_316 = tpu.memref_slice %arg7[%add3A_280, %dma_wait3A_311, %dma_wait3A_315] : memref<35x2x80xi32, #tpu.memory_space<vmem>> -> memref<1x1x80xi32, #tpu.memory_space<vmem>>
      %dma_wait3A_317 = tpu.memref_squeeze %dma_wait3A_316 : memref<1x1x80xi32, #tpu.memory_space<vmem>> -> memref<80xi32, #tpu.memory_space<vmem>>
      %dma_wait3A_318 = arith.constant 0 : i32
      %dma_wait3A_319 = arith.constant 0 : i32
      %dma_wait3A_320 = tpu.memref_slice %arg6[%dma_wait3A_318, %dma_wait3A_319] : memref<10000x128xf32, #tpu.memory_space<vmem_shared>> -> memref<10000x128xf32, #tpu.memory_space<vmem_shared>>
      tpu.wait_indirect_dma semaphore(%arg14 : memref<!tpu.dma_semaphore, #tpu.memory_space<semaphore_mem>>) src(%dma_wait3A_314 : memref<80x128xf32, #tpu.memory_space<vmem>>) dst(%dma_wait3A_320 : memref<10000x128xf32, #tpu.memory_space<vmem_shared>>)
    }
    %scan3A_152 = arith.constant 17 : i32
    %add3A_153 = arith.constant 5440 : i32
    %add3A_154 = arith.addi %mul3A_0, %add3A_153 : i32
    %dma_wait3A_155 = tpu.memref_slice %arg2[%add3A_154, %mul3A_117] : memref<89600x512xf32, #tpu.memory_space<hbm>> -> memref<160x128xf32, #tpu.memory_space<hbm>>
    %dma_wait3A_156 = tpu.memref_slice %arg2[%add3A_154, %mul3A_117] : memref<89600x512xf32, #tpu.memory_space<hbm>> -> memref<160x128xf32, #tpu.memory_space<hbm>>
    tpu.wait_dma2 semaphore(%arg12 : memref<!tpu.dma_semaphore, #tpu.memory_space<semaphore_mem>>) src(%dma_wait3A_156 : memref<160x128xf32, #tpu.memory_space<hbm>>) dst(%arg8 : memref<160x128xf32, #tpu.memory_space<vmem>>)
    %dma_start3A_157 = arith.constant 34 : i32
    %dma_start3A_158 = arith.constant 0 : i32
    %dma_start3A_159 = arith.constant 0 : i32
    %dma_start3A_160 = arith.constant 0 : i32
    %dma_start3A_161 = tpu.memref_slice %arg8[%dma_start3A_159, %dma_start3A_160] : memref<160x128xf32, #tpu.memory_space<vmem>> -> memref<80x128xf32, #tpu.memory_space<vmem>>
    %dma_start3A_162 = arith.constant 0 : i32
    %dma_start3A_163 = tpu.memref_slice %arg7[%dma_start3A_157, %dma_start3A_158, %dma_start3A_162] : memref<35x2x80xi32, #tpu.memory_space<vmem>> -> memref<1x1x80xi32, #tpu.memory_space<vmem>>
    %dma_start3A_164 = tpu.memref_squeeze %dma_start3A_163 : memref<1x1x80xi32, #tpu.memory_space<vmem>> -> memref<80xi32, #tpu.memory_space<vmem>>
    %dma_start3A_165 = arith.constant 0 : i32
    %dma_start3A_166 = arith.constant 0 : i32
    %dma_start3A_167 = tpu.memref_slice %arg6[%dma_start3A_165, %dma_start3A_166] : memref<10000x128xf32, #tpu.memory_space<vmem_shared>> -> memref<10000x128xf32, #tpu.memory_space<vmem_shared>>
    tpu.enqueue_indirect_dma source(%dma_start3A_161 : memref<80x128xf32, #tpu.memory_space<vmem>>) target(%dma_start3A_167 : memref<10000x128xf32, #tpu.memory_space<vmem_shared>>) offsets(%dma_start3A_164 : memref<80xi32, #tpu.memory_space<vmem>>) semaphore(%arg14 : memref<!tpu.dma_semaphore, #tpu.memory_space<semaphore_mem>>) {add = true}
    %dma_start3A_168 = arith.constant 34 : i32
    %dma_start3A_169 = arith.constant 1 : i32
    %dma_start3A_170 = arith.constant 80 : i32
    %dma_start3A_171 = arith.constant 0 : i32
    %dma_start3A_172 = tpu.memref_slice %arg8[%dma_start3A_170, %dma_start3A_171] : memref<160x128xf32, #tpu.memory_space<vmem>> -> memref<80x128xf32, #tpu.memory_space<vmem>>
    %dma_start3A_173 = arith.constant 0 : i32
    %dma_start3A_174 = tpu.memref_slice %arg7[%dma_start3A_168, %dma_start3A_169, %dma_start3A_173] : memref<35x2x80xi32, #tpu.memory_space<vmem>> -> memref<1x1x80xi32, #tpu.memory_space<vmem>>
    %dma_start3A_175 = tpu.memref_squeeze %dma_start3A_174 : memref<1x1x80xi32, #tpu.memory_space<vmem>> -> memref<80xi32, #tpu.memory_space<vmem>>
    %dma_start3A_176 = arith.constant 0 : i32
    %dma_start3A_177 = arith.constant 0 : i32
    %dma_start3A_178 = tpu.memref_slice %arg6[%dma_start3A_176, %dma_start3A_177] : memref<10000x128xf32, #tpu.memory_space<vmem_shared>> -> memref<10000x128xf32, #tpu.memory_space<vmem_shared>>
    tpu.enqueue_indirect_dma source(%dma_start3A_172 : memref<80x128xf32, #tpu.memory_space<vmem>>) target(%dma_start3A_178 : memref<10000x128xf32, #tpu.memory_space<vmem_shared>>) offsets(%dma_start3A_175 : memref<80xi32, #tpu.memory_space<vmem>>) semaphore(%arg14 : memref<!tpu.dma_semaphore, #tpu.memory_space<semaphore_mem>>) {add = true}
    %dma_wait3A_179 = arith.constant 34 : i32
    %dma_wait3A_180 = arith.constant 0 : i32
    %dma_wait3A_181 = arith.constant 0 : i32
    %dma_wait3A_182 = arith.constant 0 : i32
    %dma_wait3A_183 = tpu.memref_slice %arg8[%dma_wait3A_181, %dma_wait3A_182] : memref<160x128xf32, #tpu.memory_space<vmem>> -> memref<80x128xf32, #tpu.memory_space<vmem>>
    %dma_wait3A_184 = arith.constant 0 : i32
    %dma_wait3A_185 = tpu.memref_slice %arg7[%dma_wait3A_179, %dma_wait3A_180, %dma_wait3A_184] : memref<35x2x80xi32, #tpu.memory_space<vmem>> -> memref<1x1x80xi32, #tpu.memory_space<vmem>>
    %dma_wait3A_186 = tpu.memref_squeeze %dma_wait3A_185 : memref<1x1x80xi32, #tpu.memory_space<vmem>> -> memref<80xi32, #tpu.memory_space<vmem>>
    %dma_wait3A_187 = arith.constant 0 : i32
    %dma_wait3A_188 = arith.constant 0 : i32
    %dma_wait3A_189 = tpu.memref_slice %arg6[%dma_wait3A_187, %dma_wait3A_188] : memref<10000x128xf32, #tpu.memory_space<vmem_shared>> -> memref<10000x128xf32, #tpu.memory_space<vmem_shared>>
    tpu.wait_indirect_dma semaphore(%arg14 : memref<!tpu.dma_semaphore, #tpu.memory_space<semaphore_mem>>) src(%dma_wait3A_183 : memref<80x128xf32, #tpu.memory_space<vmem>>) dst(%dma_wait3A_189 : memref<10000x128xf32, #tpu.memory_space<vmem_shared>>)
    %dma_wait3A_190 = arith.constant 34 : i32
    %dma_wait3A_191 = arith.constant 1 : i32
    %dma_wait3A_192 = arith.constant 80 : i32
    %dma_wait3A_193 = arith.constant 0 : i32
    %dma_wait3A_194 = tpu.memref_slice %arg8[%dma_wait3A_192, %dma_wait3A_193] : memref<160x128xf32, #tpu.memory_space<vmem>> -> memref<80x128xf32, #tpu.memory_space<vmem>>
    %dma_wait3A_195 = arith.constant 0 : i32
    %dma_wait3A_196 = tpu.memref_slice %arg7[%dma_wait3A_190, %dma_wait3A_191, %dma_wait3A_195] : memref<35x2x80xi32, #tpu.memory_space<vmem>> -> memref<1x1x80xi32, #tpu.memory_space<vmem>>
    %dma_wait3A_197 = tpu.memref_squeeze %dma_wait3A_196 : memref<1x1x80xi32, #tpu.memory_space<vmem>> -> memref<80xi32, #tpu.memory_space<vmem>>
    %dma_wait3A_198 = arith.constant 0 : i32
    %dma_wait3A_199 = arith.constant 0 : i32
    %dma_wait3A_200 = tpu.memref_slice %arg6[%dma_wait3A_198, %dma_wait3A_199] : memref<10000x128xf32, #tpu.memory_space<vmem_shared>> -> memref<10000x128xf32, #tpu.memory_space<vmem_shared>>
    tpu.wait_indirect_dma semaphore(%arg14 : memref<!tpu.dma_semaphore, #tpu.memory_space<semaphore_mem>>) src(%dma_wait3A_194 : memref<80x128xf32, #tpu.memory_space<vmem>>) dst(%dma_wait3A_200 : memref<10000x128xf32, #tpu.memory_space<vmem_shared>>)
    %barrier3A_201 = arith.constant 0 : index
    tpu.barrier barrier_id(%barrier3A_201)
    %mul3A_202 = arith.constant 624 : i32
    %mul3A_203 = arith.muli %arg1, %mul3A_202 : i32
    %mul3A_204 = arith.constant 624 : i32
    %mul3A_205 = arith.muli %arg1, %mul3A_204 : i32
    "tpu.region"() ({
      %run_scoped3A = tpu.sem_alloc : memref<!tpu.dma_semaphore, #tpu.memory_space<semaphore_mem>>
      %dma_start3A_211 = tpu.memref_slice %arg5[%mul3A_205, %mul3A_117] : memref<10000x512xf32, #tpu.memory_space<hbm>> -> memref<624x128xf32, #tpu.memory_space<hbm>>
      %dma_start3A_212 = arith.constant 0 : i32
      %dma_start3A_213 = tpu.memref_slice %arg6[%mul3A_203, %dma_start3A_212] : memref<10000x128xf32, #tpu.memory_space<vmem_shared>> -> memref<624x128xf32, #tpu.memory_space<vmem_shared>>
      tpu.enqueue_dma source(%dma_start3A_213 : memref<624x128xf32, #tpu.memory_space<vmem_shared>>) target(%dma_start3A_211 : memref<624x128xf32, #tpu.memory_space<hbm>>) target_semaphore(%run_scoped3A : memref<!tpu.dma_semaphore, #tpu.memory_space<semaphore_mem>>)
      %dma_wait3A_214 = tpu.memref_slice %arg5[%mul3A_205, %mul3A_117] : memref<10000x512xf32, #tpu.memory_space<hbm>> -> memref<624x128xf32, #tpu.memory_space<hbm>>
      %dma_wait3A_215 = arith.constant 0 : i32
      %dma_wait3A_216 = tpu.memref_slice %arg6[%mul3A_203, %dma_wait3A_215] : memref<10000x128xf32, #tpu.memory_space<vmem_shared>> -> memref<624x128xf32, #tpu.memory_space<vmem_shared>>
      tpu.wait_dma2 semaphore(%run_scoped3A : memref<!tpu.dma_semaphore, #tpu.memory_space<semaphore_mem>>) src(%dma_wait3A_216 : memref<624x128xf32, #tpu.memory_space<vmem_shared>>) dst(%dma_wait3A_214 : memref<624x128xf32, #tpu.memory_space<hbm>>)
      tpu.yield
    }) : () -> ()
    %eq3A_206 = arith.constant 15 : i32
    %eq3A_207 = arith.cmpi eq, %arg1, %eq3A_206 : i32
    %convert_element_type3A_208 = arith.extui %eq3A_207 : i1 to i32
    %cond3A_209 = arith.constant 0 : i32
    %cond3A_210 = arith.cmpi ne, %convert_element_type3A_208, %cond3A_209 : i32
    scf.if %cond3A_210 {
      "tpu.region"() ({
        %run_scoped3A = tpu.sem_alloc : memref<!tpu.dma_semaphore, #tpu.memory_space<semaphore_mem>>
        %dma_start3A_211 = arith.constant 9984 : i32
        %dma_start3A_212 = tpu.memref_slice %arg5[%dma_start3A_211, %mul3A_117] : memref<10000x512xf32, #tpu.memory_space<hbm>> -> memref<16x128xf32, #tpu.memory_space<hbm>>
        %dma_start3A_213 = arith.constant 9984 : i32
        %dma_start3A_214 = arith.constant 0 : i32
        %dma_start3A_215 = tpu.memref_slice %arg6[%dma_start3A_213, %dma_start3A_214] : memref<10000x128xf32, #tpu.memory_space<vmem_shared>> -> memref<16x128xf32, #tpu.memory_space<vmem_shared>>
        tpu.enqueue_dma source(%dma_start3A_215 : memref<16x128xf32, #tpu.memory_space<vmem_shared>>) target(%dma_start3A_212 : memref<16x128xf32, #tpu.memory_space<hbm>>) target_semaphore(%run_scoped3A : memref<!tpu.dma_semaphore, #tpu.memory_space<semaphore_mem>>)
        %dma_wait3A_216 = arith.constant 9984 : i32
        %dma_wait3A_217 = tpu.memref_slice %arg5[%dma_wait3A_216, %mul3A_117] : memref<10000x512xf32, #tpu.memory_space<hbm>> -> memref<16x128xf32, #tpu.memory_space<hbm>>
        %dma_wait3A_218 = arith.constant 9984 : i32
        %dma_wait3A_219 = arith.constant 0 : i32
        %dma_wait3A_220 = tpu.memref_slice %arg6[%dma_wait3A_218, %dma_wait3A_219] : memref<10000x128xf32, #tpu.memory_space<vmem_shared>> -> memref<16x128xf32, #tpu.memory_space<vmem_shared>>
        tpu.wait_dma2 semaphore(%run_scoped3A : memref<!tpu.dma_semaphore, #tpu.memory_space<semaphore_mem>>) src(%dma_wait3A_220 : memref<16x128xf32, #tpu.memory_space<vmem_shared>>) dst(%dma_wait3A_217 : memref<16x128xf32, #tpu.memory_space<hbm>>)
        tpu.yield
      }) : () -> ()
    } else {
    }
    return
  }
}

#map = affine_map<(d0, d1) -> (0, 0)>
#map1 = affine_map<(d0, d1) -> (0, 0, 0, 0)>
module attributes {stable_mosaic.version = 14 : i64} {
  func.func @body(%arg0: i32, %arg1: i32, %arg2: memref<89600x512xf32, #tpu.memory_space<hbm>>, %arg3: memref<16x35x2x80xi32, #tpu.memory_space<hbm>>, %arg4: memref<10000x512xf32, #tpu.memory_space<hbm>>, %arg5: memref<10000x512xf32, #tpu.memory_space<hbm>>, %arg6: memref<10000x128xf32, #tpu.memory_space<vmem_shared>>, %arg7: memref<35x2x80xi32, #tpu.memory_space<vmem>>, %arg8: memref<160x128xf32, #tpu.memory_space<vmem>>, %arg9: memref<160x128xf32, #tpu.memory_space<vmem>>, %arg10: memref<!tpu.dma_semaphore, #tpu.memory_space<semaphore_mem>>, %arg11: memref<!tpu.dma_semaphore, #tpu.memory_space<semaphore_mem>>, %arg12: memref<!tpu.dma_semaphore, #tpu.memory_space<semaphore_mem>>, %arg13: memref<!tpu.dma_semaphore, #tpu.memory_space<semaphore_mem>>, %arg14: memref<!tpu.dma_semaphore, #tpu.memory_space<semaphore_mem>>) attributes {dimension_semantics = [#tpu.dimension_semantics<core_parallel>, #tpu.dimension_semantics<subcore_parallel>], iteration_bounds = array<i64: 2, 16>, scalar_prefetch = 0 : i64, scratch_operands = 9 : i64, tpu.core_type = #tpu.core_type<sc_vector_subcore>, window_params = [{transform_indices = #map}, {transform_indices = #map1}, {transform_indices = #map}, {transform_indices = #map}]} {
    %mul3A = arith.constant 5600 : i32
    %mul3A_0 = arith.muli %arg1, %mul3A : i32
    %dma_start3A = arith.constant 0 : i32
    %dma_start3A_1 = arith.constant 0 : i32
    %dma_start3A_2 = arith.constant 0 : i32
    %dma_start3A_3 = tpu.memref_slice %arg3[%arg1, %dma_start3A, %dma_start3A_1, %dma_start3A_2] : memref<16x35x2x80xi32, #tpu.memory_space<hbm>> -> memref<1x35x2x80xi32, #tpu.memory_space<hbm>>
    %dma_start3A_4 = tpu.memref_squeeze %dma_start3A_3 : memref<1x35x2x80xi32, #tpu.memory_space<hbm>> -> memref<35x2x80xi32, #tpu.memory_space<hbm>>
    %dma_start3A_5 = arith.constant 0 : i32
    %dma_start3A_6 = arith.constant 0 : i32
    %dma_start3A_7 = arith.constant 0 : i32
    %dma_start3A_8 = tpu.memref_slice %arg3[%arg1, %dma_start3A_5, %dma_start3A_6, %dma_start3A_7] : memref<16x35x2x80xi32, #tpu.memory_space<hbm>> -> memref<1x35x2x80xi32, #tpu.memory_space<hbm>>
    %dma_start3A_9 = tpu.memref_squeeze %dma_start3A_8 : memref<1x35x2x80xi32, #tpu.memory_space<hbm>> -> memref<35x2x80xi32, #tpu.memory_space<hbm>>
    tpu.enqueue_dma source(%dma_start3A_9 : memref<35x2x80xi32, #tpu.memory_space<hbm>>) target(%arg7 : memref<35x2x80xi32, #tpu.memory_space<vmem>>) target_semaphore(%arg10 : memref<!tpu.dma_semaphore, #tpu.memory_space<semaphore_mem>>)
    %mul3A_10 = arith.constant 2 : i32
    %mul3A_11 = arith.muli %arg0, %mul3A_10 : i32
    %add3A = arith.constant 0 : i32
    %add3A_12 = arith.addi %mul3A_11, %add3A : i32
    %mul3A_13 = arith.constant 128 : i32
    %mul3A_14 = arith.muli %add3A_12, %mul3A_13 : i32
    %mul3A_15 = arith.constant 624 : i32
    %mul3A_16 = arith.muli %arg1, %mul3A_15 : i32
    %mul3A_17 = arith.constant 624 : i32
    %mul3A_18 = arith.muli %arg1, %mul3A_17 : i32
    %dma_start3A_19 = arith.constant 0 : i32
    %dma_start3A_20 = tpu.memref_slice %arg6[%mul3A_18, %dma_start3A_19] : memref<10000x128xf32, #tpu.memory_space<vmem_shared>> -> memref<624x128xf32, #tpu.memory_space<vmem_shared>>
    %dma_start3A_21 = tpu.memref_slice %arg4[%mul3A_16, %mul3A_14] : memref<10000x512xf32, #tpu.memory_space<hbm>> -> memref<624x128xf32, #tpu.memory_space<hbm>>
    tpu.enqueue_dma source(%dma_start3A_21 : memref<624x128xf32, #tpu.memory_space<hbm>>) target(%dma_start3A_20 : memref<624x128xf32, #tpu.memory_space<vmem_shared>>) target_semaphore(%arg11 : memref<!tpu.dma_semaphore, #tpu.memory_space<semaphore_mem>>)
    %eq3A = arith.constant 15 : i32
    %eq3A_22 = arith.cmpi eq, %arg1, %eq3A : i32
    %convert_element_type3A = arith.extui %eq3A_22 : i1 to i32
    %cond3A = arith.constant 0 : i32
    %cond3A_23 = arith.cmpi ne, %convert_element_type3A, %cond3A : i32
    scf.if %cond3A_23 {
      %dma_start3A_211 = arith.constant 9984 : i32
      %dma_start3A_212 = arith.constant 0 : i32
      %dma_start3A_213 = tpu.memref_slice %arg6[%dma_start3A_211, %dma_start3A_212] : memref<10000x128xf32, #tpu.memory_space<vmem_shared>> -> memref<16x128xf32, #tpu.memory_space<vmem_shared>>
      %dma_start3A_214 = arith.constant 9984 : i32
      %dma_start3A_215 = tpu.memref_slice %arg4[%dma_start3A_214, %mul3A_14] : memref<10000x512xf32, #tpu.memory_space<hbm>> -> memref<16x128xf32, #tpu.memory_space<hbm>>
      tpu.enqueue_dma source(%dma_start3A_215 : memref<16x128xf32, #tpu.memory_space<hbm>>) target(%dma_start3A_213 : memref<16x128xf32, #tpu.memory_space<vmem_shared>>) target_semaphore(%arg11 : memref<!tpu.dma_semaphore, #tpu.memory_space<semaphore_mem>>)
    } else {
    }
    %add3A_24 = arith.constant 0 : i32
    %add3A_25 = arith.addi %mul3A_0, %add3A_24 : i32
    %dma_start3A_26 = tpu.memref_slice %arg2[%add3A_25, %mul3A_14] : memref<89600x512xf32, #tpu.memory_space<hbm>> -> memref<160x128xf32, #tpu.memory_space<hbm>>
    %dma_start3A_27 = tpu.memref_slice %arg2[%add3A_25, %mul3A_14] : memref<89600x512xf32, #tpu.memory_space<hbm>> -> memref<160x128xf32, #tpu.memory_space<hbm>>
    tpu.enqueue_dma source(%dma_start3A_27 : memref<160x128xf32, #tpu.memory_space<hbm>>) target(%arg8 : memref<160x128xf32, #tpu.memory_space<vmem>>) target_semaphore(%arg12 : memref<!tpu.dma_semaphore, #tpu.memory_space<semaphore_mem>>)
    %mul3A_28 = arith.constant 624 : i32
    %mul3A_29 = arith.muli %arg1, %mul3A_28 : i32
    %mul3A_30 = arith.constant 624 : i32
    %mul3A_31 = arith.muli %arg1, %mul3A_30 : i32
    %dma_wait3A = arith.constant 0 : i32
    %dma_wait3A_32 = tpu.memref_slice %arg6[%mul3A_31, %dma_wait3A] : memref<10000x128xf32, #tpu.memory_space<vmem_shared>> -> memref<624x128xf32, #tpu.memory_space<vmem_shared>>
    %dma_wait3A_33 = tpu.memref_slice %arg4[%mul3A_29, %mul3A_14] : memref<10000x512xf32, #tpu.memory_space<hbm>> -> memref<624x128xf32, #tpu.memory_space<hbm>>
    tpu.wait_dma2 semaphore(%arg11 : memref<!tpu.dma_semaphore, #tpu.memory_space<semaphore_mem>>) src(%dma_wait3A_33 : memref<624x128xf32, #tpu.memory_space<hbm>>) dst(%dma_wait3A_32 : memref<624x128xf32, #tpu.memory_space<vmem_shared>>)
    %eq3A_34 = arith.constant 15 : i32
    %eq3A_35 = arith.cmpi eq, %arg1, %eq3A_34 : i32
    %convert_element_type3A_36 = arith.extui %eq3A_35 : i1 to i32
    %cond3A_37 = arith.constant 0 : i32
    %cond3A_38 = arith.cmpi ne, %convert_element_type3A_36, %cond3A_37 : i32
    scf.if %cond3A_38 {
      %dma_wait3A_211 = arith.constant 9984 : i32
      %dma_wait3A_212 = arith.constant 0 : i32
      %dma_wait3A_213 = tpu.memref_slice %arg6[%dma_wait3A_211, %dma_wait3A_212] : memref<10000x128xf32, #tpu.memory_space<vmem_shared>> -> memref<16x128xf32, #tpu.memory_space<vmem_shared>>
      %dma_wait3A_214 = arith.constant 9984 : i32
      %dma_wait3A_215 = tpu.memref_slice %arg4[%dma_wait3A_214, %mul3A_14] : memref<10000x512xf32, #tpu.memory_space<hbm>> -> memref<16x128xf32, #tpu.memory_space<hbm>>
      tpu.wait_dma2 semaphore(%arg11 : memref<!tpu.dma_semaphore, #tpu.memory_space<semaphore_mem>>) src(%dma_wait3A_215 : memref<16x128xf32, #tpu.memory_space<hbm>>) dst(%dma_wait3A_213 : memref<16x128xf32, #tpu.memory_space<vmem_shared>>)
    } else {
    }
    %dma_wait3A_39 = arith.constant 0 : i32
    %dma_wait3A_40 = arith.constant 0 : i32
    %dma_wait3A_41 = arith.constant 0 : i32
    %dma_wait3A_42 = tpu.memref_slice %arg3[%arg1, %dma_wait3A_39, %dma_wait3A_40, %dma_wait3A_41] : memref<16x35x2x80xi32, #tpu.memory_space<hbm>> -> memref<1x35x2x80xi32, #tpu.memory_space<hbm>>
    %dma_wait3A_43 = tpu.memref_squeeze %dma_wait3A_42 : memref<1x35x2x80xi32, #tpu.memory_space<hbm>> -> memref<35x2x80xi32, #tpu.memory_space<hbm>>
    %dma_wait3A_44 = arith.constant 0 : i32
    %dma_wait3A_45 = arith.constant 0 : i32
    %dma_wait3A_46 = arith.constant 0 : i32
    %dma_wait3A_47 = tpu.memref_slice %arg3[%arg1, %dma_wait3A_44, %dma_wait3A_45, %dma_wait3A_46] : memref<16x35x2x80xi32, #tpu.memory_space<hbm>> -> memref<1x35x2x80xi32, #tpu.memory_space<hbm>>
    %dma_wait3A_48 = tpu.memref_squeeze %dma_wait3A_47 : memref<1x35x2x80xi32, #tpu.memory_space<hbm>> -> memref<35x2x80xi32, #tpu.memory_space<hbm>>
    tpu.wait_dma2 semaphore(%arg10 : memref<!tpu.dma_semaphore, #tpu.memory_space<semaphore_mem>>) src(%dma_wait3A_48 : memref<35x2x80xi32, #tpu.memory_space<hbm>>) dst(%arg7 : memref<35x2x80xi32, #tpu.memory_space<vmem>>)
    %barrier3A = arith.constant 0 : index
    tpu.barrier barrier_id(%barrier3A)
    %scan3A = arith.constant 0 : i32
    %scan3A_49 = arith.constant 0 : i32
    %scan3A_50 = arith.constant 17 : i32
    %scan3A_51 = arith.addi %scan3A_49, %scan3A_50 : i32
    %scan3A_52 = arith.constant 1 : i32
    scf.for %scan3A_211 = %scan3A_49 to %scan3A_51 step %scan3A_52  : i32 {
      %mul3A_212 = arith.constant 2 : i32
      %mul3A_213 = arith.muli %scan3A_211, %mul3A_212 : i32
      %add3A_214 = arith.constant 1 : i32
      %add3A_215 = arith.addi %mul3A_213, %add3A_214 : i32
      %mul3A_216 = arith.constant 160 : i32
      %mul3A_217 = arith.muli %add3A_215, %mul3A_216 : i32
      %add3A_218 = arith.addi %mul3A_0, %mul3A_217 : i32
      %dma_start3A_219 = tpu.memref_slice %arg2[%add3A_218, %mul3A_14] : memref<89600x512xf32, #tpu.memory_space<hbm>> -> memref<160x128xf32, #tpu.memory_space<hbm>>
      %dma_start3A_220 = tpu.memref_slice %arg2[%add3A_218, %mul3A_14] : memref<89600x512xf32, #tpu.memory_space<hbm>> -> memref<160x128xf32, #tpu.memory_space<hbm>>
      tpu.enqueue_dma source(%dma_start3A_220 : memref<160x128xf32, #tpu.memory_space<hbm>>) target(%arg9 : memref<160x128xf32, #tpu.memory_space<vmem>>) target_semaphore(%arg13 : memref<!tpu.dma_semaphore, #tpu.memory_space<semaphore_mem>>)
      %mul3A_221 = arith.constant 160 : i32
      %mul3A_222 = arith.muli %mul3A_213, %mul3A_221 : i32
      %add3A_223 = arith.addi %mul3A_0, %mul3A_222 : i32
      %dma_wait3A_224 = tpu.memref_slice %arg2[%add3A_223, %mul3A_14] : memref<89600x512xf32, #tpu.memory_space<hbm>> -> memref<160x128xf32, #tpu.memory_space<hbm>>
      %dma_wait3A_225 = tpu.memref_slice %arg2[%add3A_223, %mul3A_14] : memref<89600x512xf32, #tpu.memory_space<hbm>> -> memref<160x128xf32, #tpu.memory_space<hbm>>
      tpu.wait_dma2 semaphore(%arg12 : memref<!tpu.dma_semaphore, #tpu.memory_space<semaphore_mem>>) src(%dma_wait3A_225 : memref<160x128xf32, #tpu.memory_space<hbm>>) dst(%arg8 : memref<160x128xf32, #tpu.memory_space<vmem>>)
      %dma_start3A_226 = arith.constant 0 : i32
      %dma_start3A_227 = arith.constant 0 : i32
      %dma_start3A_228 = arith.constant 0 : i32
      %dma_start3A_229 = tpu.memref_slice %arg8[%dma_start3A_227, %dma_start3A_228] : memref<160x128xf32, #tpu.memory_space<vmem>> -> memref<80x128xf32, #tpu.memory_space<vmem>>
      %dma_start3A_230 = arith.constant 0 : i32
      %dma_start3A_231 = tpu.memref_slice %arg7[%mul3A_213, %dma_start3A_226, %dma_start3A_230] : memref<35x2x80xi32, #tpu.memory_space<vmem>> -> memref<1x1x80xi32, #tpu.memory_space<vmem>>
      %dma_start3A_232 = tpu.memref_squeeze %dma_start3A_231 : memref<1x1x80xi32, #tpu.memory_space<vmem>> -> memref<80xi32, #tpu.memory_space<vmem>>
      %dma_start3A_233 = arith.constant 0 : i32
      %dma_start3A_234 = arith.constant 0 : i32
      %dma_start3A_235 = tpu.memref_slice %arg6[%dma_start3A_233, %dma_start3A_234] : memref<10000x128xf32, #tpu.memory_space<vmem_shared>> -> memref<10000x128xf32, #tpu.memory_space<vmem_shared>>
      tpu.enqueue_indirect_dma source(%dma_start3A_229 : memref<80x128xf32, #tpu.memory_space<vmem>>) target(%dma_start3A_235 : memref<10000x128xf32, #tpu.memory_space<vmem_shared>>) offsets(%dma_start3A_232 : memref<80xi32, #tpu.memory_space<vmem>>) semaphore(%arg14 : memref<!tpu.dma_semaphore, #tpu.memory_space<semaphore_mem>>) {add = true}
      %dma_start3A_236 = arith.constant 1 : i32
      %dma_start3A_237 = arith.constant 80 : i32
      %dma_start3A_238 = arith.constant 0 : i32
      %dma_start3A_239 = tpu.memref_slice %arg8[%dma_start3A_237, %dma_start3A_238] : memref<160x128xf32, #tpu.memory_space<vmem>> -> memref<80x128xf32, #tpu.memory_space<vmem>>
      %dma_start3A_240 = arith.constant 0 : i32
      %dma_start3A_241 = tpu.memref_slice %arg7[%mul3A_213, %dma_start3A_236, %dma_start3A_240] : memref<35x2x80xi32, #tpu.memory_space<vmem>> -> memref<1x1x80xi32, #tpu.memory_space<vmem>>
      %dma_start3A_242 = tpu.memref_squeeze %dma_start3A_241 : memref<1x1x80xi32, #tpu.memory_space<vmem>> -> memref<80xi32, #tpu.memory_space<vmem>>
      %dma_start3A_243 = arith.constant 0 : i32
      %dma_start3A_244 = arith.constant 0 : i32
      %dma_start3A_245 = tpu.memref_slice %arg6[%dma_start3A_243, %dma_start3A_244] : memref<10000x128xf32, #tpu.memory_space<vmem_shared>> -> memref<10000x128xf32, #tpu.memory_space<vmem_shared>>
      tpu.enqueue_indirect_dma source(%dma_start3A_239 : memref<80x128xf32, #tpu.memory_space<vmem>>) target(%dma_start3A_245 : memref<10000x128xf32, #tpu.memory_space<vmem_shared>>) offsets(%dma_start3A_242 : memref<80xi32, #tpu.memory_space<vmem>>) semaphore(%arg14 : memref<!tpu.dma_semaphore, #tpu.memory_space<semaphore_mem>>) {add = true}
      %dma_wait3A_246 = arith.constant 0 : i32
      %dma_wait3A_247 = arith.constant 0 : i32
      %dma_wait3A_248 = arith.constant 0 : i32
      %dma_wait3A_249 = tpu.memref_slice %arg8[%dma_wait3A_247, %dma_wait3A_248] : memref<160x128xf32, #tpu.memory_space<vmem>> -> memref<80x128xf32, #tpu.memory_space<vmem>>
      %dma_wait3A_250 = arith.constant 0 : i32
      %dma_wait3A_251 = tpu.memref_slice %arg7[%mul3A_213, %dma_wait3A_246, %dma_wait3A_250] : memref<35x2x80xi32, #tpu.memory_space<vmem>> -> memref<1x1x80xi32, #tpu.memory_space<vmem>>
      %dma_wait3A_252 = tpu.memref_squeeze %dma_wait3A_251 : memref<1x1x80xi32, #tpu.memory_space<vmem>> -> memref<80xi32, #tpu.memory_space<vmem>>
      %dma_wait3A_253 = arith.constant 0 : i32
      %dma_wait3A_254 = arith.constant 0 : i32
      %dma_wait3A_255 = tpu.memref_slice %arg6[%dma_wait3A_253, %dma_wait3A_254] : memref<10000x128xf32, #tpu.memory_space<vmem_shared>> -> memref<10000x128xf32, #tpu.memory_space<vmem_shared>>
      tpu.wait_indirect_dma semaphore(%arg14 : memref<!tpu.dma_semaphore, #tpu.memory_space<semaphore_mem>>) src(%dma_wait3A_249 : memref<80x128xf32, #tpu.memory_space<vmem>>) dst(%dma_wait3A_255 : memref<10000x128xf32, #tpu.memory_space<vmem_shared>>)
      %dma_wait3A_256 = arith.constant 1 : i32
      %dma_wait3A_257 = arith.constant 80 : i32
      %dma_wait3A_258 = arith.constant 0 : i32
      %dma_wait3A_259 = tpu.memref_slice %arg8[%dma_wait3A_257, %dma_wait3A_258] : memref<160x128xf32, #tpu.memory_space<vmem>> -> memref<80x128xf32, #tpu.memory_space<vmem>>
      %dma_wait3A_260 = arith.constant 0 : i32
      %dma_wait3A_261 = tpu.memref_slice %arg7[%mul3A_213, %dma_wait3A_256, %dma_wait3A_260] : memref<35x2x80xi32, #tpu.memory_space<vmem>> -> memref<1x1x80xi32, #tpu.memory_space<vmem>>
      %dma_wait3A_262 = tpu.memref_squeeze %dma_wait3A_261 : memref<1x1x80xi32, #tpu.memory_space<vmem>> -> memref<80xi32, #tpu.memory_space<vmem>>
      %dma_wait3A_263 = arith.constant 0 : i32
      %dma_wait3A_264 = arith.constant 0 : i32
      %dma_wait3A_265 = tpu.memref_slice %arg6[%dma_wait3A_263, %dma_wait3A_264] : memref<10000x128xf32, #tpu.memory_space<vmem_shared>> -> memref<10000x128xf32, #tpu.memory_space<vmem_shared>>
      tpu.wait_indirect_dma semaphore(%arg14 : memref<!tpu.dma_semaphore, #tpu.memory_space<semaphore_mem>>) src(%dma_wait3A_259 : memref<80x128xf32, #tpu.memory_space<vmem>>) dst(%dma_wait3A_265 : memref<10000x128xf32, #tpu.memory_space<vmem_shared>>)
      %add3A_266 = arith.constant 2 : i32
      %add3A_267 = arith.addi %mul3A_213, %add3A_266 : i32
      %lt3A = arith.constant 35 : i32
      %lt3A_268 = arith.cmpi slt, %add3A_267, %lt3A : i32
      %convert_element_type3A_269 = arith.extui %lt3A_268 : i1 to i32
      %cond3A_270 = arith.constant 0 : i32
      %cond3A_271 = arith.cmpi ne, %convert_element_type3A_269, %cond3A_270 : i32
      scf.if %cond3A_271 {
        %add3A_321 = arith.constant 2 : i32
        %add3A_322 = arith.addi %mul3A_213, %add3A_321 : i32
        %mul3A_323 = arith.constant 160 : i32
        %mul3A_324 = arith.muli %add3A_322, %mul3A_323 : i32
        %add3A_325 = arith.addi %mul3A_0, %mul3A_324 : i32
        %dma_start3A_326 = tpu.memref_slice %arg2[%add3A_325, %mul3A_14] : memref<89600x512xf32, #tpu.memory_space<hbm>> -> memref<160x128xf32, #tpu.memory_space<hbm>>
        %dma_start3A_327 = tpu.memref_slice %arg2[%add3A_325, %mul3A_14] : memref<89600x512xf32, #tpu.memory_space<hbm>> -> memref<160x128xf32, #tpu.memory_space<hbm>>
        tpu.enqueue_dma source(%dma_start3A_327 : memref<160x128xf32, #tpu.memory_space<hbm>>) target(%arg8 : memref<160x128xf32, #tpu.memory_space<vmem>>) target_semaphore(%arg12 : memref<!tpu.dma_semaphore, #tpu.memory_space<semaphore_mem>>)
      } else {
      }
      %add3A_272 = arith.constant 1 : i32
      %add3A_273 = arith.addi %mul3A_213, %add3A_272 : i32
      %mul3A_274 = arith.constant 160 : i32
      %mul3A_275 = arith.muli %add3A_273, %mul3A_274 : i32
      %add3A_276 = arith.addi %mul3A_0, %mul3A_275 : i32
      %dma_wait3A_277 = tpu.memref_slice %arg2[%add3A_276, %mul3A_14] : memref<89600x512xf32, #tpu.memory_space<hbm>> -> memref<160x128xf32, #tpu.memory_space<hbm>>
      %dma_wait3A_278 = tpu.memref_slice %arg2[%add3A_276, %mul3A_14] : memref<89600x512xf32, #tpu.memory_space<hbm>> -> memref<160x128xf32, #tpu.memory_space<hbm>>
      tpu.wait_dma2 semaphore(%arg13 : memref<!tpu.dma_semaphore, #tpu.memory_space<semaphore_mem>>) src(%dma_wait3A_278 : memref<160x128xf32, #tpu.memory_space<hbm>>) dst(%arg9 : memref<160x128xf32, #tpu.memory_space<vmem>>)
      %add3A_279 = arith.constant 1 : i32
      %add3A_280 = arith.addi %mul3A_213, %add3A_279 : i32
      %dma_start3A_281 = arith.constant 0 : i32
      %dma_start3A_282 = arith.constant 0 : i32
      %dma_start3A_283 = arith.constant 0 : i32
      %dma_start3A_284 = tpu.memref_slice %arg9[%dma_start3A_282, %dma_start3A_283] : memref<160x128xf32, #tpu.memory_space<vmem>> -> memref<80x128xf32, #tpu.memory_space<vmem>>
      %dma_start3A_285 = arith.constant 0 : i32
      %dma_start3A_286 = tpu.memref_slice %arg7[%add3A_280, %dma_start3A_281, %dma_start3A_285] : memref<35x2x80xi32, #tpu.memory_space<vmem>> -> memref<1x1x80xi32, #tpu.memory_space<vmem>>
      %dma_start3A_287 = tpu.memref_squeeze %dma_start3A_286 : memref<1x1x80xi32, #tpu.memory_space<vmem>> -> memref<80xi32, #tpu.memory_space<vmem>>
      %dma_start3A_288 = arith.constant 0 : i32
      %dma_start3A_289 = arith.constant 0 : i32
      %dma_start3A_290 = tpu.memref_slice %arg6[%dma_start3A_288, %dma_start3A_289] : memref<10000x128xf32, #tpu.memory_space<vmem_shared>> -> memref<10000x128xf32, #tpu.memory_space<vmem_shared>>
      tpu.enqueue_indirect_dma source(%dma_start3A_284 : memref<80x128xf32, #tpu.memory_space<vmem>>) target(%dma_start3A_290 : memref<10000x128xf32, #tpu.memory_space<vmem_shared>>) offsets(%dma_start3A_287 : memref<80xi32, #tpu.memory_space<vmem>>) semaphore(%arg14 : memref<!tpu.dma_semaphore, #tpu.memory_space<semaphore_mem>>) {add = true}
      %dma_start3A_291 = arith.constant 1 : i32
      %dma_start3A_292 = arith.constant 80 : i32
      %dma_start3A_293 = arith.constant 0 : i32
      %dma_start3A_294 = tpu.memref_slice %arg9[%dma_start3A_292, %dma_start3A_293] : memref<160x128xf32, #tpu.memory_space<vmem>> -> memref<80x128xf32, #tpu.memory_space<vmem>>
      %dma_start3A_295 = arith.constant 0 : i32
      %dma_start3A_296 = tpu.memref_slice %arg7[%add3A_280, %dma_start3A_291, %dma_start3A_295] : memref<35x2x80xi32, #tpu.memory_space<vmem>> -> memref<1x1x80xi32, #tpu.memory_space<vmem>>
      %dma_start3A_297 = tpu.memref_squeeze %dma_start3A_296 : memref<1x1x80xi32, #tpu.memory_space<vmem>> -> memref<80xi32, #tpu.memory_space<vmem>>
      %dma_start3A_298 = arith.constant 0 : i32
      %dma_start3A_299 = arith.constant 0 : i32
      %dma_start3A_300 = tpu.memref_slice %arg6[%dma_start3A_298, %dma_start3A_299] : memref<10000x128xf32, #tpu.memory_space<vmem_shared>> -> memref<10000x128xf32, #tpu.memory_space<vmem_shared>>
      tpu.enqueue_indirect_dma source(%dma_start3A_294 : memref<80x128xf32, #tpu.memory_space<vmem>>) target(%dma_start3A_300 : memref<10000x128xf32, #tpu.memory_space<vmem_shared>>) offsets(%dma_start3A_297 : memref<80xi32, #tpu.memory_space<vmem>>) semaphore(%arg14 : memref<!tpu.dma_semaphore, #tpu.memory_space<semaphore_mem>>) {add = true}
      %dma_wait3A_301 = arith.constant 0 : i32
      %dma_wait3A_302 = arith.constant 0 : i32
      %dma_wait3A_303 = arith.constant 0 : i32
      %dma_wait3A_304 = tpu.memref_slice %arg9[%dma_wait3A_302, %dma_wait3A_303] : memref<160x128xf32, #tpu.memory_space<vmem>> -> memref<80x128xf32, #tpu.memory_space<vmem>>
      %dma_wait3A_305 = arith.constant 0 : i32
      %dma_wait3A_306 = tpu.memref_slice %arg7[%add3A_280, %dma_wait3A_301, %dma_wait3A_305] : memref<35x2x80xi32, #tpu.memory_space<vmem>> -> memref<1x1x80xi32, #tpu.memory_space<vmem>>
      %dma_wait3A_307 = tpu.memref_squeeze %dma_wait3A_306 : memref<1x1x80xi32, #tpu.memory_space<vmem>> -> memref<80xi32, #tpu.memory_space<vmem>>
      %dma_wait3A_308 = arith.constant 0 : i32
      %dma_wait3A_309 = arith.constant 0 : i32
      %dma_wait3A_310 = tpu.memref_slice %arg6[%dma_wait3A_308, %dma_wait3A_309] : memref<10000x128xf32, #tpu.memory_space<vmem_shared>> -> memref<10000x128xf32, #tpu.memory_space<vmem_shared>>
      tpu.wait_indirect_dma semaphore(%arg14 : memref<!tpu.dma_semaphore, #tpu.memory_space<semaphore_mem>>) src(%dma_wait3A_304 : memref<80x128xf32, #tpu.memory_space<vmem>>) dst(%dma_wait3A_310 : memref<10000x128xf32, #tpu.memory_space<vmem_shared>>)
      %dma_wait3A_311 = arith.constant 1 : i32
      %dma_wait3A_312 = arith.constant 80 : i32
      %dma_wait3A_313 = arith.constant 0 : i32
      %dma_wait3A_314 = tpu.memref_slice %arg9[%dma_wait3A_312, %dma_wait3A_313] : memref<160x128xf32, #tpu.memory_space<vmem>> -> memref<80x128xf32, #tpu.memory_space<vmem>>
      %dma_wait3A_315 = arith.constant 0 : i32
      %dma_wait3A_316 = tpu.memref_slice %arg7[%add3A_280, %dma_wait3A_311, %dma_wait3A_315] : memref<35x2x80xi32, #tpu.memory_space<vmem>> -> memref<1x1x80xi32, #tpu.memory_space<vmem>>
      %dma_wait3A_317 = tpu.memref_squeeze %dma_wait3A_316 : memref<1x1x80xi32, #tpu.memory_space<vmem>> -> memref<80xi32, #tpu.memory_space<vmem>>
      %dma_wait3A_318 = arith.constant 0 : i32
      %dma_wait3A_319 = arith.constant 0 : i32
      %dma_wait3A_320 = tpu.memref_slice %arg6[%dma_wait3A_318, %dma_wait3A_319] : memref<10000x128xf32, #tpu.memory_space<vmem_shared>> -> memref<10000x128xf32, #tpu.memory_space<vmem_shared>>
      tpu.wait_indirect_dma semaphore(%arg14 : memref<!tpu.dma_semaphore, #tpu.memory_space<semaphore_mem>>) src(%dma_wait3A_314 : memref<80x128xf32, #tpu.memory_space<vmem>>) dst(%dma_wait3A_320 : memref<10000x128xf32, #tpu.memory_space<vmem_shared>>)
    }
    %scan3A_53 = arith.constant 17 : i32
    %add3A_54 = arith.constant 5440 : i32
    %add3A_55 = arith.addi %mul3A_0, %add3A_54 : i32
    %dma_wait3A_56 = tpu.memref_slice %arg2[%add3A_55, %mul3A_14] : memref<89600x512xf32, #tpu.memory_space<hbm>> -> memref<160x128xf32, #tpu.memory_space<hbm>>
    %dma_wait3A_57 = tpu.memref_slice %arg2[%add3A_55, %mul3A_14] : memref<89600x512xf32, #tpu.memory_space<hbm>> -> memref<160x128xf32, #tpu.memory_space<hbm>>
    tpu.wait_dma2 semaphore(%arg12 : memref<!tpu.dma_semaphore, #tpu.memory_space<semaphore_mem>>) src(%dma_wait3A_57 : memref<160x128xf32, #tpu.memory_space<hbm>>) dst(%arg8 : memref<160x128xf32, #tpu.memory_space<vmem>>)
    %dma_start3A_58 = arith.constant 34 : i32
    %dma_start3A_59 = arith.constant 0 : i32
    %dma_start3A_60 = arith.constant 0 : i32
    %dma_start3A_61 = arith.constant 0 : i32
    %dma_start3A_62 = tpu.memref_slice %arg8[%dma_start3A_60, %dma_start3A_61] : memref<160x128xf32, #tpu.memory_space<vmem>> -> memref<80x128xf32, #tpu.memory_space<vmem>>
    %dma_start3A_63 = arith.constant 0 : i32
    %dma_start3A_64 = tpu.memref_slice %arg7[%dma_start3A_58, %dma_start3A_59, %dma_start3A_63] : memref<35x2x80xi32, #tpu.memory_space<vmem>> -> memref<1x1x80xi32, #tpu.memory_space<vmem>>
    %dma_start3A_65 = tpu.memref_squeeze %dma_start3A_64 : memref<1x1x80xi32, #tpu.memory_space<vmem>> -> memref<80xi32, #tpu.memory_space<vmem>>
    %dma_start3A_66 = arith.constant 0 : i32
    %dma_start3A_67 = arith.constant 0 : i32
    %dma_start3A_68 = tpu.memref_slice %arg6[%dma_start3A_66, %dma_start3A_67] : memref<10000x128xf32, #tpu.memory_space<vmem_shared>> -> memref<10000x128xf32, #tpu.memory_space<vmem_shared>>
    tpu.enqueue_indirect_dma source(%dma_start3A_62 : memref<80x128xf32, #tpu.memory_space<vmem>>) target(%dma_start3A_68 : memref<10000x128xf32, #tpu.memory_space<vmem_shared>>) offsets(%dma_start3A_65 : memref<80xi32, #tpu.memory_space<vmem>>) semaphore(%arg14 : memref<!tpu.dma_semaphore, #tpu.memory_space<semaphore_mem>>) {add = true}
    %dma_start3A_69 = arith.constant 34 : i32
    %dma_start3A_70 = arith.constant 1 : i32
    %dma_start3A_71 = arith.constant 80 : i32
    %dma_start3A_72 = arith.constant 0 : i32
    %dma_start3A_73 = tpu.memref_slice %arg8[%dma_start3A_71, %dma_start3A_72] : memref<160x128xf32, #tpu.memory_space<vmem>> -> memref<80x128xf32, #tpu.memory_space<vmem>>
    %dma_start3A_74 = arith.constant 0 : i32
    %dma_start3A_75 = tpu.memref_slice %arg7[%dma_start3A_69, %dma_start3A_70, %dma_start3A_74] : memref<35x2x80xi32, #tpu.memory_space<vmem>> -> memref<1x1x80xi32, #tpu.memory_space<vmem>>
    %dma_start3A_76 = tpu.memref_squeeze %dma_start3A_75 : memref<1x1x80xi32, #tpu.memory_space<vmem>> -> memref<80xi32, #tpu.memory_space<vmem>>
    %dma_start3A_77 = arith.constant 0 : i32
    %dma_start3A_78 = arith.constant 0 : i32
    %dma_start3A_79 = tpu.memref_slice %arg6[%dma_start3A_77, %dma_start3A_78] : memref<10000x128xf32, #tpu.memory_space<vmem_shared>> -> memref<10000x128xf32, #tpu.memory_space<vmem_shared>>
    tpu.enqueue_indirect_dma source(%dma_start3A_73 : memref<80x128xf32, #tpu.memory_space<vmem>>) target(%dma_start3A_79 : memref<10000x128xf32, #tpu.memory_space<vmem_shared>>) offsets(%dma_start3A_76 : memref<80xi32, #tpu.memory_space<vmem>>) semaphore(%arg14 : memref<!tpu.dma_semaphore, #tpu.memory_space<semaphore_mem>>) {add = true}
    %dma_wait3A_80 = arith.constant 34 : i32
    %dma_wait3A_81 = arith.constant 0 : i32
    %dma_wait3A_82 = arith.constant 0 : i32
    %dma_wait3A_83 = arith.constant 0 : i32
    %dma_wait3A_84 = tpu.memref_slice %arg8[%dma_wait3A_82, %dma_wait3A_83] : memref<160x128xf32, #tpu.memory_space<vmem>> -> memref<80x128xf32, #tpu.memory_space<vmem>>
    %dma_wait3A_85 = arith.constant 0 : i32
    %dma_wait3A_86 = tpu.memref_slice %arg7[%dma_wait3A_80, %dma_wait3A_81, %dma_wait3A_85] : memref<35x2x80xi32, #tpu.memory_space<vmem>> -> memref<1x1x80xi32, #tpu.memory_space<vmem>>
    %dma_wait3A_87 = tpu.memref_squeeze %dma_wait3A_86 : memref<1x1x80xi32, #tpu.memory_space<vmem>> -> memref<80xi32, #tpu.memory_space<vmem>>
    %dma_wait3A_88 = arith.constant 0 : i32
    %dma_wait3A_89 = arith.constant 0 : i32
    %dma_wait3A_90 = tpu.memref_slice %arg6[%dma_wait3A_88, %dma_wait3A_89] : memref<10000x128xf32, #tpu.memory_space<vmem_shared>> -> memref<10000x128xf32, #tpu.memory_space<vmem_shared>>
    tpu.wait_indirect_dma semaphore(%arg14 : memref<!tpu.dma_semaphore, #tpu.memory_space<semaphore_mem>>) src(%dma_wait3A_84 : memref<80x128xf32, #tpu.memory_space<vmem>>) dst(%dma_wait3A_90 : memref<10000x128xf32, #tpu.memory_space<vmem_shared>>)
    %dma_wait3A_91 = arith.constant 34 : i32
    %dma_wait3A_92 = arith.constant 1 : i32
    %dma_wait3A_93 = arith.constant 80 : i32
    %dma_wait3A_94 = arith.constant 0 : i32
    %dma_wait3A_95 = tpu.memref_slice %arg8[%dma_wait3A_93, %dma_wait3A_94] : memref<160x128xf32, #tpu.memory_space<vmem>> -> memref<80x128xf32, #tpu.memory_space<vmem>>
    %dma_wait3A_96 = arith.constant 0 : i32
    %dma_wait3A_97 = tpu.memref_slice %arg7[%dma_wait3A_91, %dma_wait3A_92, %dma_wait3A_96] : memref<35x2x80xi32, #tpu.memory_space<vmem>> -> memref<1x1x80xi32, #tpu.memory_space<vmem>>
    %dma_wait3A_98 = tpu.memref_squeeze %dma_wait3A_97 : memref<1x1x80xi32, #tpu.memory_space<vmem>> -> memref<80xi32, #tpu.memory_space<vmem>>
    %dma_wait3A_99 = arith.constant 0 : i32
    %dma_wait3A_100 = arith.constant 0 : i32
    %dma_wait3A_101 = tpu.memref_slice %arg6[%dma_wait3A_99, %dma_wait3A_100] : memref<10000x128xf32, #tpu.memory_space<vmem_shared>> -> memref<10000x128xf32, #tpu.memory_space<vmem_shared>>
    tpu.wait_indirect_dma semaphore(%arg14 : memref<!tpu.dma_semaphore, #tpu.memory_space<semaphore_mem>>) src(%dma_wait3A_95 : memref<80x128xf32, #tpu.memory_space<vmem>>) dst(%dma_wait3A_101 : memref<10000x128xf32, #tpu.memory_space<vmem_shared>>)
    %barrier3A_102 = arith.constant 0 : index
    tpu.barrier barrier_id(%barrier3A_102)
    %mul3A_103 = arith.constant 624 : i32
    %mul3A_104 = arith.muli %arg1, %mul3A_103 : i32
    %mul3A_105 = arith.constant 624 : i32
    %mul3A_106 = arith.muli %arg1, %mul3A_105 : i32
    "tpu.region"() ({
      %run_scoped3A = tpu.sem_alloc : memref<!tpu.dma_semaphore, #tpu.memory_space<semaphore_mem>>
      %dma_start3A_211 = tpu.memref_slice %arg5[%mul3A_106, %mul3A_14] : memref<10000x512xf32, #tpu.memory_space<hbm>> -> memref<624x128xf32, #tpu.memory_space<hbm>>
      %dma_start3A_212 = arith.constant 0 : i32
      %dma_start3A_213 = tpu.memref_slice %arg6[%mul3A_104, %dma_start3A_212] : memref<10000x128xf32, #tpu.memory_space<vmem_shared>> -> memref<624x128xf32, #tpu.memory_space<vmem_shared>>
      tpu.enqueue_dma source(%dma_start3A_213 : memref<624x128xf32, #tpu.memory_space<vmem_shared>>) target(%dma_start3A_211 : memref<624x128xf32, #tpu.memory_space<hbm>>) target_semaphore(%run_scoped3A : memref<!tpu.dma_semaphore, #tpu.memory_space<semaphore_mem>>)
      %dma_wait3A_214 = tpu.memref_slice %arg5[%mul3A_106, %mul3A_14] : memref<10000x512xf32, #tpu.memory_space<hbm>> -> memref<624x128xf32, #tpu.memory_space<hbm>>
      %dma_wait3A_215 = arith.constant 0 : i32
      %dma_wait3A_216 = tpu.memref_slice %arg6[%mul3A_104, %dma_wait3A_215] : memref<10000x128xf32, #tpu.memory_space<vmem_shared>> -> memref<624x128xf32, #tpu.memory_space<vmem_shared>>
      tpu.wait_dma2 semaphore(%run_scoped3A : memref<!tpu.dma_semaphore, #tpu.memory_space<semaphore_mem>>) src(%dma_wait3A_216 : memref<624x128xf32, #tpu.memory_space<vmem_shared>>) dst(%dma_wait3A_214 : memref<624x128xf32, #tpu.memory_space<hbm>>)
      tpu.yield
    }) : () -> ()
    %eq3A_107 = arith.constant 15 : i32
    %eq3A_108 = arith.cmpi eq, %arg1, %eq3A_107 : i32
    %convert_element_type3A_109 = arith.extui %eq3A_108 : i1 to i32
    %cond3A_110 = arith.constant 0 : i32
    %cond3A_111 = arith.cmpi ne, %convert_element_type3A_109, %cond3A_110 : i32
    scf.if %cond3A_111 {
      "tpu.region"() ({
        %run_scoped3A = tpu.sem_alloc : memref<!tpu.dma_semaphore, #tpu.memory_space<semaphore_mem>>
        %dma_start3A_211 = arith.constant 9984 : i32
        %dma_start3A_212 = tpu.memref_slice %arg5[%dma_start3A_211, %mul3A_14] : memref<10000x512xf32, #tpu.memory_space<hbm>> -> memref<16x128xf32, #tpu.memory_space<hbm>>
        %dma_start3A_213 = arith.constant 9984 : i32
        %dma_start3A_214 = arith.constant 0 : i32
        %dma_start3A_215 = tpu.memref_slice %arg6[%dma_start3A_213, %dma_start3A_214] : memref<10000x128xf32, #tpu.memory_space<vmem_shared>> -> memref<16x128xf32, #tpu.memory_space<vmem_shared>>
        tpu.enqueue_dma source(%dma_start3A_215 : memref<16x128xf32, #tpu.memory_space<vmem_shared>>) target(%dma_start3A_212 : memref<16x128xf32, #tpu.memory_space<hbm>>) target_semaphore(%run_scoped3A : memref<!tpu.dma_semaphore, #tpu.memory_space<semaphore_mem>>)
        %dma_wait3A_216 = arith.constant 9984 : i32
        %dma_wait3A_217 = tpu.memref_slice %arg5[%dma_wait3A_216, %mul3A_14] : memref<10000x512xf32, #tpu.memory_space<hbm>> -> memref<16x128xf32, #tpu.memory_space<hbm>>
        %dma_wait3A_218 = arith.constant 9984 : i32
        %dma_wait3A_219 = arith.constant 0 : i32
        %dma_wait3A_220 = tpu.memref_slice %arg6[%dma_wait3A_218, %dma_wait3A_219] : memref<10000x128xf32, #tpu.memory_space<vmem_shared>> -> memref<16x128xf32, #tpu.memory_space<vmem_shared>>
        tpu.wait_dma2 semaphore(%run_scoped3A : memref<!tpu.dma_semaphore, #tpu.memory_space<semaphore_mem>>) src(%dma_wait3A_220 : memref<16x128xf32, #tpu.memory_space<vmem_shared>>) dst(%dma_wait3A_217 : memref<16x128xf32, #tpu.memory_space<hbm>>)
        tpu.yield
      }) : () -> ()
    } else {
    }
    %mul3A_112 = arith.constant 2 : i32
    %mul3A_113 = arith.muli %arg0, %mul3A_112 : i32
    %add3A_114 = arith.constant 1 : i32
    %add3A_115 = arith.addi %mul3A_113, %add3A_114 : i32
    %mul3A_116 = arith.constant 128 : i32
    %mul3A_117 = arith.muli %add3A_115, %mul3A_116 : i32
    %mul3A_118 = arith.constant 624 : i32
    %mul3A_119 = arith.muli %arg1, %mul3A_118 : i32
    %mul3A_120 = arith.constant 624 : i32
    %mul3A_121 = arith.muli %arg1, %mul3A_120 : i32
    %dma_start3A_122 = arith.constant 0 : i32
    %dma_start3A_123 = tpu.memref_slice %arg6[%mul3A_121, %dma_start3A_122] : memref<10000x128xf32, #tpu.memory_space<vmem_shared>> -> memref<624x128xf32, #tpu.memory_space<vmem_shared>>
    %dma_start3A_124 = tpu.memref_slice %arg4[%mul3A_119, %mul3A_117] : memref<10000x512xf32, #tpu.memory_space<hbm>> -> memref<624x128xf32, #tpu.memory_space<hbm>>
    tpu.enqueue_dma source(%dma_start3A_124 : memref<624x128xf32, #tpu.memory_space<hbm>>) target(%dma_start3A_123 : memref<624x128xf32, #tpu.memory_space<vmem_shared>>) target_semaphore(%arg11 : memref<!tpu.dma_semaphore, #tpu.memory_space<semaphore_mem>>)
    %eq3A_125 = arith.constant 15 : i32
    %eq3A_126 = arith.cmpi eq, %arg1, %eq3A_125 : i32
    %convert_element_type3A_127 = arith.extui %eq3A_126 : i1 to i32
    %cond3A_128 = arith.constant 0 : i32
    %cond3A_129 = arith.cmpi ne, %convert_element_type3A_127, %cond3A_128 : i32
    scf.if %cond3A_129 {
      %dma_start3A_211 = arith.constant 9984 : i32
      %dma_start3A_212 = arith.constant 0 : i32
      %dma_start3A_213 = tpu.memref_slice %arg6[%dma_start3A_211, %dma_start3A_212] : memref<10000x128xf32, #tpu.memory_space<vmem_shared>> -> memref<16x128xf32, #tpu.memory_space<vmem_shared>>
      %dma_start3A_214 = arith.constant 9984 : i32
      %dma_start3A_215 = tpu.memref_slice %arg4[%dma_start3A_214, %mul3A_117] : memref<10000x512xf32, #tpu.memory_space<hbm>> -> memref<16x128xf32, #tpu.memory_space<hbm>>
      tpu.enqueue_dma source(%dma_start3A_215 : memref<16x128xf32, #tpu.memory_space<hbm>>) target(%dma_start3A_213 : memref<16x128xf32, #tpu.memory_space<vmem_shared>>) target_semaphore(%arg11 : memref<!tpu.dma_semaphore, #tpu.memory_space<semaphore_mem>>)
    } else {
    }
    %add3A_130 = arith.constant 0 : i32
    %add3A_131 = arith.addi %mul3A_0, %add3A_130 : i32
    %dma_start3A_132 = tpu.memref_slice %arg2[%add3A_131, %mul3A_117] : memref<89600x512xf32, #tpu.memory_space<hbm>> -> memref<160x128xf32, #tpu.memory_space<hbm>>
    %dma_start3A_133 = tpu.memref_slice %arg2[%add3A_131, %mul3A_117] : memref<89600x512xf32, #tpu.memory_space<hbm>> -> memref<160x128xf32, #tpu.memory_space<hbm>>
    tpu.enqueue_dma source(%dma_start3A_133 : memref<160x128xf32, #tpu.memory_space<hbm>>) target(%arg8 : memref<160x128xf32, #tpu.memory_space<vmem>>) target_semaphore(%arg12 : memref<!tpu.dma_semaphore, #tpu.memory_space<semaphore_mem>>)
    %mul3A_134 = arith.constant 624 : i32
    %mul3A_135 = arith.muli %arg1, %mul3A_134 : i32
    %mul3A_136 = arith.constant 624 : i32
    %mul3A_137 = arith.muli %arg1, %mul3A_136 : i32
    %dma_wait3A_138 = arith.constant 0 : i32
    %dma_wait3A_139 = tpu.memref_slice %arg6[%mul3A_137, %dma_wait3A_138] : memref<10000x128xf32, #tpu.memory_space<vmem_shared>> -> memref<624x128xf32, #tpu.memory_space<vmem_shared>>
    %dma_wait3A_140 = tpu.memref_slice %arg4[%mul3A_135, %mul3A_117] : memref<10000x512xf32, #tpu.memory_space<hbm>> -> memref<624x128xf32, #tpu.memory_space<hbm>>
    tpu.wait_dma2 semaphore(%arg11 : memref<!tpu.dma_semaphore, #tpu.memory_space<semaphore_mem>>) src(%dma_wait3A_140 : memref<624x128xf32, #tpu.memory_space<hbm>>) dst(%dma_wait3A_139 : memref<624x128xf32, #tpu.memory_space<vmem_shared>>)
    %eq3A_141 = arith.constant 15 : i32
    %eq3A_142 = arith.cmpi eq, %arg1, %eq3A_141 : i32
    %convert_element_type3A_143 = arith.extui %eq3A_142 : i1 to i32
    %cond3A_144 = arith.constant 0 : i32
    %cond3A_145 = arith.cmpi ne, %convert_element_type3A_143, %cond3A_144 : i32
    scf.if %cond3A_145 {
      %dma_wait3A_211 = arith.constant 9984 : i32
      %dma_wait3A_212 = arith.constant 0 : i32
      %dma_wait3A_213 = tpu.memref_slice %arg6[%dma_wait3A_211, %dma_wait3A_212] : memref<10000x128xf32, #tpu.memory_space<vmem_shared>> -> memref<16x128xf32, #tpu.memory_space<vmem_shared>>
      %dma_wait3A_214 = arith.constant 9984 : i32
      %dma_wait3A_215 = tpu.memref_slice %arg4[%dma_wait3A_214, %mul3A_117] : memref<10000x512xf32, #tpu.memory_space<hbm>> -> memref<16x128xf32, #tpu.memory_space<hbm>>
      tpu.wait_dma2 semaphore(%arg11 : memref<!tpu.dma_semaphore, #tpu.memory_space<semaphore_mem>>) src(%dma_wait3A_215 : memref<16x128xf32, #tpu.memory_space<hbm>>) dst(%dma_wait3A_213 : memref<16x128xf32, #tpu.memory_space<vmem_shared>>)
    } else {
    }
    %barrier3A_146 = arith.constant 0 : index
    tpu.barrier barrier_id(%barrier3A_146)
    %scan3A_147 = arith.constant 0 : i32
    %scan3A_148 = arith.constant 0 : i32
    %scan3A_149 = arith.constant 17 : i32
    %scan3A_150 = arith.addi %scan3A_148, %scan3A_149 : i32
    %scan3A_151 = arith.constant 1 : i32
    scf.for %scan3A_211 = %scan3A_148 to %scan3A_150 step %scan3A_151  : i32 {
      %mul3A_212 = arith.constant 2 : i32
      %mul3A_213 = arith.muli %scan3A_211, %mul3A_212 : i32
      %add3A_214 = arith.constant 1 : i32
      %add3A_215 = arith.addi %mul3A_213, %add3A_214 : i32
      %mul3A_216 = arith.constant 160 : i32
      %mul3A_217 = arith.muli %add3A_215, %mul3A_216 : i32
      %add3A_218 = arith.addi %mul3A_0, %mul3A_217 : i32
      %dma_start3A_219 = tpu.memref_slice %arg2[%add3A_218, %mul3A_117] : memref<89600x512xf32, #tpu.memory_space<hbm>> -> memref<160x128xf32, #tpu.memory_space<hbm>>
      %dma_start3A_220 = tpu.memref_slice %arg2[%add3A_218, %mul3A_117] : memref<89600x512xf32, #tpu.memory_space<hbm>> -> memref<160x128xf32, #tpu.memory_space<hbm>>
      tpu.enqueue_dma source(%dma_start3A_220 : memref<160x128xf32, #tpu.memory_space<hbm>>) target(%arg9 : memref<160x128xf32, #tpu.memory_space<vmem>>) target_semaphore(%arg13 : memref<!tpu.dma_semaphore, #tpu.memory_space<semaphore_mem>>)
      %mul3A_221 = arith.constant 160 : i32
      %mul3A_222 = arith.muli %mul3A_213, %mul3A_221 : i32
      %add3A_223 = arith.addi %mul3A_0, %mul3A_222 : i32
      %dma_wait3A_224 = tpu.memref_slice %arg2[%add3A_223, %mul3A_117] : memref<89600x512xf32, #tpu.memory_space<hbm>> -> memref<160x128xf32, #tpu.memory_space<hbm>>
      %dma_wait3A_225 = tpu.memref_slice %arg2[%add3A_223, %mul3A_117] : memref<89600x512xf32, #tpu.memory_space<hbm>> -> memref<160x128xf32, #tpu.memory_space<hbm>>
      tpu.wait_dma2 semaphore(%arg12 : memref<!tpu.dma_semaphore, #tpu.memory_space<semaphore_mem>>) src(%dma_wait3A_225 : memref<160x128xf32, #tpu.memory_space<hbm>>) dst(%arg8 : memref<160x128xf32, #tpu.memory_space<vmem>>)
      %dma_start3A_226 = arith.constant 0 : i32
      %dma_start3A_227 = arith.constant 0 : i32
      %dma_start3A_228 = arith.constant 0 : i32
      %dma_start3A_229 = tpu.memref_slice %arg8[%dma_start3A_227, %dma_start3A_228] : memref<160x128xf32, #tpu.memory_space<vmem>> -> memref<80x128xf32, #tpu.memory_space<vmem>>
      %dma_start3A_230 = arith.constant 0 : i32
      %dma_start3A_231 = tpu.memref_slice %arg7[%mul3A_213, %dma_start3A_226, %dma_start3A_230] : memref<35x2x80xi32, #tpu.memory_space<vmem>> -> memref<1x1x80xi32, #tpu.memory_space<vmem>>
      %dma_start3A_232 = tpu.memref_squeeze %dma_start3A_231 : memref<1x1x80xi32, #tpu.memory_space<vmem>> -> memref<80xi32, #tpu.memory_space<vmem>>
      %dma_start3A_233 = arith.constant 0 : i32
      %dma_start3A_234 = arith.constant 0 : i32
      %dma_start3A_235 = tpu.memref_slice %arg6[%dma_start3A_233, %dma_start3A_234] : memref<10000x128xf32, #tpu.memory_space<vmem_shared>> -> memref<10000x128xf32, #tpu.memory_space<vmem_shared>>
      tpu.enqueue_indirect_dma source(%dma_start3A_229 : memref<80x128xf32, #tpu.memory_space<vmem>>) target(%dma_start3A_235 : memref<10000x128xf32, #tpu.memory_space<vmem_shared>>) offsets(%dma_start3A_232 : memref<80xi32, #tpu.memory_space<vmem>>) semaphore(%arg14 : memref<!tpu.dma_semaphore, #tpu.memory_space<semaphore_mem>>) {add = true}
      %dma_start3A_236 = arith.constant 1 : i32
      %dma_start3A_237 = arith.constant 80 : i32
      %dma_start3A_238 = arith.constant 0 : i32
      %dma_start3A_239 = tpu.memref_slice %arg8[%dma_start3A_237, %dma_start3A_238] : memref<160x128xf32, #tpu.memory_space<vmem>> -> memref<80x128xf32, #tpu.memory_space<vmem>>
      %dma_start3A_240 = arith.constant 0 : i32
      %dma_start3A_241 = tpu.memref_slice %arg7[%mul3A_213, %dma_start3A_236, %dma_start3A_240] : memref<35x2x80xi32, #tpu.memory_space<vmem>> -> memref<1x1x80xi32, #tpu.memory_space<vmem>>
      %dma_start3A_242 = tpu.memref_squeeze %dma_start3A_241 : memref<1x1x80xi32, #tpu.memory_space<vmem>> -> memref<80xi32, #tpu.memory_space<vmem>>
      %dma_start3A_243 = arith.constant 0 : i32
      %dma_start3A_244 = arith.constant 0 : i32
      %dma_start3A_245 = tpu.memref_slice %arg6[%dma_start3A_243, %dma_start3A_244] : memref<10000x128xf32, #tpu.memory_space<vmem_shared>> -> memref<10000x128xf32, #tpu.memory_space<vmem_shared>>
      tpu.enqueue_indirect_dma source(%dma_start3A_239 : memref<80x128xf32, #tpu.memory_space<vmem>>) target(%dma_start3A_245 : memref<10000x128xf32, #tpu.memory_space<vmem_shared>>) offsets(%dma_start3A_242 : memref<80xi32, #tpu.memory_space<vmem>>) semaphore(%arg14 : memref<!tpu.dma_semaphore, #tpu.memory_space<semaphore_mem>>) {add = true}
      %dma_wait3A_246 = arith.constant 0 : i32
      %dma_wait3A_247 = arith.constant 0 : i32
      %dma_wait3A_248 = arith.constant 0 : i32
      %dma_wait3A_249 = tpu.memref_slice %arg8[%dma_wait3A_247, %dma_wait3A_248] : memref<160x128xf32, #tpu.memory_space<vmem>> -> memref<80x128xf32, #tpu.memory_space<vmem>>
      %dma_wait3A_250 = arith.constant 0 : i32
      %dma_wait3A_251 = tpu.memref_slice %arg7[%mul3A_213, %dma_wait3A_246, %dma_wait3A_250] : memref<35x2x80xi32, #tpu.memory_space<vmem>> -> memref<1x1x80xi32, #tpu.memory_space<vmem>>
      %dma_wait3A_252 = tpu.memref_squeeze %dma_wait3A_251 : memref<1x1x80xi32, #tpu.memory_space<vmem>> -> memref<80xi32, #tpu.memory_space<vmem>>
      %dma_wait3A_253 = arith.constant 0 : i32
      %dma_wait3A_254 = arith.constant 0 : i32
      %dma_wait3A_255 = tpu.memref_slice %arg6[%dma_wait3A_253, %dma_wait3A_254] : memref<10000x128xf32, #tpu.memory_space<vmem_shared>> -> memref<10000x128xf32, #tpu.memory_space<vmem_shared>>
      tpu.wait_indirect_dma semaphore(%arg14 : memref<!tpu.dma_semaphore, #tpu.memory_space<semaphore_mem>>) src(%dma_wait3A_249 : memref<80x128xf32, #tpu.memory_space<vmem>>) dst(%dma_wait3A_255 : memref<10000x128xf32, #tpu.memory_space<vmem_shared>>)
      %dma_wait3A_256 = arith.constant 1 : i32
      %dma_wait3A_257 = arith.constant 80 : i32
      %dma_wait3A_258 = arith.constant 0 : i32
      %dma_wait3A_259 = tpu.memref_slice %arg8[%dma_wait3A_257, %dma_wait3A_258] : memref<160x128xf32, #tpu.memory_space<vmem>> -> memref<80x128xf32, #tpu.memory_space<vmem>>
      %dma_wait3A_260 = arith.constant 0 : i32
      %dma_wait3A_261 = tpu.memref_slice %arg7[%mul3A_213, %dma_wait3A_256, %dma_wait3A_260] : memref<35x2x80xi32, #tpu.memory_space<vmem>> -> memref<1x1x80xi32, #tpu.memory_space<vmem>>
      %dma_wait3A_262 = tpu.memref_squeeze %dma_wait3A_261 : memref<1x1x80xi32, #tpu.memory_space<vmem>> -> memref<80xi32, #tpu.memory_space<vmem>>
      %dma_wait3A_263 = arith.constant 0 : i32
      %dma_wait3A_264 = arith.constant 0 : i32
      %dma_wait3A_265 = tpu.memref_slice %arg6[%dma_wait3A_263, %dma_wait3A_264] : memref<10000x128xf32, #tpu.memory_space<vmem_shared>> -> memref<10000x128xf32, #tpu.memory_space<vmem_shared>>
      tpu.wait_indirect_dma semaphore(%arg14 : memref<!tpu.dma_semaphore, #tpu.memory_space<semaphore_mem>>) src(%dma_wait3A_259 : memref<80x128xf32, #tpu.memory_space<vmem>>) dst(%dma_wait3A_265 : memref<10000x128xf32, #tpu.memory_space<vmem_shared>>)
      %add3A_266 = arith.constant 2 : i32
      %add3A_267 = arith.addi %mul3A_213, %add3A_266 : i32
      %lt3A = arith.constant 35 : i32
      %lt3A_268 = arith.cmpi slt, %add3A_267, %lt3A : i32
      %convert_element_type3A_269 = arith.extui %lt3A_268 : i1 to i32
      %cond3A_270 = arith.constant 0 : i32
      %cond3A_271 = arith.cmpi ne, %convert_element_type3A_269, %cond3A_270 : i32
      scf.if %cond3A_271 {
        %add3A_321 = arith.constant 2 : i32
        %add3A_322 = arith.addi %mul3A_213, %add3A_321 : i32
        %mul3A_323 = arith.constant 160 : i32
        %mul3A_324 = arith.muli %add3A_322, %mul3A_323 : i32
        %add3A_325 = arith.addi %mul3A_0, %mul3A_324 : i32
        %dma_start3A_326 = tpu.memref_slice %arg2[%add3A_325, %mul3A_117] : memref<89600x512xf32, #tpu.memory_space<hbm>> -> memref<160x128xf32, #tpu.memory_space<hbm>>
        %dma_start3A_327 = tpu.memref_slice %arg2[%add3A_325, %mul3A_117] : memref<89600x512xf32, #tpu.memory_space<hbm>> -> memref<160x128xf32, #tpu.memory_space<hbm>>
        tpu.enqueue_dma source(%dma_start3A_327 : memref<160x128xf32, #tpu.memory_space<hbm>>) target(%arg8 : memref<160x128xf32, #tpu.memory_space<vmem>>) target_semaphore(%arg12 : memref<!tpu.dma_semaphore, #tpu.memory_space<semaphore_mem>>)
      } else {
      }
      %add3A_272 = arith.constant 1 : i32
      %add3A_273 = arith.addi %mul3A_213, %add3A_272 : i32
      %mul3A_274 = arith.constant 160 : i32
      %mul3A_275 = arith.muli %add3A_273, %mul3A_274 : i32
      %add3A_276 = arith.addi %mul3A_0, %mul3A_275 : i32
      %dma_wait3A_277 = tpu.memref_slice %arg2[%add3A_276, %mul3A_117] : memref<89600x512xf32, #tpu.memory_space<hbm>> -> memref<160x128xf32, #tpu.memory_space<hbm>>
      %dma_wait3A_278 = tpu.memref_slice %arg2[%add3A_276, %mul3A_117] : memref<89600x512xf32, #tpu.memory_space<hbm>> -> memref<160x128xf32, #tpu.memory_space<hbm>>
      tpu.wait_dma2 semaphore(%arg13 : memref<!tpu.dma_semaphore, #tpu.memory_space<semaphore_mem>>) src(%dma_wait3A_278 : memref<160x128xf32, #tpu.memory_space<hbm>>) dst(%arg9 : memref<160x128xf32, #tpu.memory_space<vmem>>)
      %add3A_279 = arith.constant 1 : i32
      %add3A_280 = arith.addi %mul3A_213, %add3A_279 : i32
      %dma_start3A_281 = arith.constant 0 : i32
      %dma_start3A_282 = arith.constant 0 : i32
      %dma_start3A_283 = arith.constant 0 : i32
      %dma_start3A_284 = tpu.memref_slice %arg9[%dma_start3A_282, %dma_start3A_283] : memref<160x128xf32, #tpu.memory_space<vmem>> -> memref<80x128xf32, #tpu.memory_space<vmem>>
      %dma_start3A_285 = arith.constant 0 : i32
      %dma_start3A_286 = tpu.memref_slice %arg7[%add3A_280, %dma_start3A_281, %dma_start3A_285] : memref<35x2x80xi32, #tpu.memory_space<vmem>> -> memref<1x1x80xi32, #tpu.memory_space<vmem>>
      %dma_start3A_287 = tpu.memref_squeeze %dma_start3A_286 : memref<1x1x80xi32, #tpu.memory_space<vmem>> -> memref<80xi32, #tpu.memory_space<vmem>>
      %dma_start3A_288 = arith.constant 0 : i32
      %dma_start3A_289 = arith.constant 0 : i32
      %dma_start3A_290 = tpu.memref_slice %arg6[%dma_start3A_288, %dma_start3A_289] : memref<10000x128xf32, #tpu.memory_space<vmem_shared>> -> memref<10000x128xf32, #tpu.memory_space<vmem_shared>>
      tpu.enqueue_indirect_dma source(%dma_start3A_284 : memref<80x128xf32, #tpu.memory_space<vmem>>) target(%dma_start3A_290 : memref<10000x128xf32, #tpu.memory_space<vmem_shared>>) offsets(%dma_start3A_287 : memref<80xi32, #tpu.memory_space<vmem>>) semaphore(%arg14 : memref<!tpu.dma_semaphore, #tpu.memory_space<semaphore_mem>>) {add = true}
      %dma_start3A_291 = arith.constant 1 : i32
      %dma_start3A_292 = arith.constant 80 : i32
      %dma_start3A_293 = arith.constant 0 : i32
      %dma_start3A_294 = tpu.memref_slice %arg9[%dma_start3A_292, %dma_start3A_293] : memref<160x128xf32, #tpu.memory_space<vmem>> -> memref<80x128xf32, #tpu.memory_space<vmem>>
      %dma_start3A_295 = arith.constant 0 : i32
      %dma_start3A_296 = tpu.memref_slice %arg7[%add3A_280, %dma_start3A_291, %dma_start3A_295] : memref<35x2x80xi32, #tpu.memory_space<vmem>> -> memref<1x1x80xi32, #tpu.memory_space<vmem>>
      %dma_start3A_297 = tpu.memref_squeeze %dma_start3A_296 : memref<1x1x80xi32, #tpu.memory_space<vmem>> -> memref<80xi32, #tpu.memory_space<vmem>>
      %dma_start3A_298 = arith.constant 0 : i32
      %dma_start3A_299 = arith.constant 0 : i32
      %dma_start3A_300 = tpu.memref_slice %arg6[%dma_start3A_298, %dma_start3A_299] : memref<10000x128xf32, #tpu.memory_space<vmem_shared>> -> memref<10000x128xf32, #tpu.memory_space<vmem_shared>>
      tpu.enqueue_indirect_dma source(%dma_start3A_294 : memref<80x128xf32, #tpu.memory_space<vmem>>) target(%dma_start3A_300 : memref<10000x128xf32, #tpu.memory_space<vmem_shared>>) offsets(%dma_start3A_297 : memref<80xi32, #tpu.memory_space<vmem>>) semaphore(%arg14 : memref<!tpu.dma_semaphore, #tpu.memory_space<semaphore_mem>>) {add = true}
      %dma_wait3A_301 = arith.constant 0 : i32
      %dma_wait3A_302 = arith.constant 0 : i32
      %dma_wait3A_303 = arith.constant 0 : i32
      %dma_wait3A_304 = tpu.memref_slice %arg9[%dma_wait3A_302, %dma_wait3A_303] : memref<160x128xf32, #tpu.memory_space<vmem>> -> memref<80x128xf32, #tpu.memory_space<vmem>>
      %dma_wait3A_305 = arith.constant 0 : i32
      %dma_wait3A_306 = tpu.memref_slice %arg7[%add3A_280, %dma_wait3A_301, %dma_wait3A_305] : memref<35x2x80xi32, #tpu.memory_space<vmem>> -> memref<1x1x80xi32, #tpu.memory_space<vmem>>
      %dma_wait3A_307 = tpu.memref_squeeze %dma_wait3A_306 : memref<1x1x80xi32, #tpu.memory_space<vmem>> -> memref<80xi32, #tpu.memory_space<vmem>>
      %dma_wait3A_308 = arith.constant 0 : i32
      %dma_wait3A_309 = arith.constant 0 : i32
      %dma_wait3A_310 = tpu.memref_slice %arg6[%dma_wait3A_308, %dma_wait3A_309] : memref<10000x128xf32, #tpu.memory_space<vmem_shared>> -> memref<10000x128xf32, #tpu.memory_space<vmem_shared>>
      tpu.wait_indirect_dma semaphore(%arg14 : memref<!tpu.dma_semaphore, #tpu.memory_space<semaphore_mem>>) src(%dma_wait3A_304 : memref<80x128xf32, #tpu.memory_space<vmem>>) dst(%dma_wait3A_310 : memref<10000x128xf32, #tpu.memory_space<vmem_shared>>)
      %dma_wait3A_311 = arith.constant 1 : i32
      %dma_wait3A_312 = arith.constant 80 : i32
      %dma_wait3A_313 = arith.constant 0 : i32
      %dma_wait3A_314 = tpu.memref_slice %arg9[%dma_wait3A_312, %dma_wait3A_313] : memref<160x128xf32, #tpu.memory_space<vmem>> -> memref<80x128xf32, #tpu.memory_space<vmem>>
      %dma_wait3A_315 = arith.constant 0 : i32
      %dma_wait3A_316 = tpu.memref_slice %arg7[%add3A_280, %dma_wait3A_311, %dma_wait3A_315] : memref<35x2x80xi32, #tpu.memory_space<vmem>> -> memref<1x1x80xi32, #tpu.memory_space<vmem>>
      %dma_wait3A_317 = tpu.memref_squeeze %dma_wait3A_316 : memref<1x1x80xi32, #tpu.memory_space<vmem>> -> memref<80xi32, #tpu.memory_space<vmem>>
      %dma_wait3A_318 = arith.constant 0 : i32
      %dma_wait3A_319 = arith.constant 0 : i32
      %dma_wait3A_320 = tpu.memref_slice %arg6[%dma_wait3A_318, %dma_wait3A_319] : memref<10000x128xf32, #tpu.memory_space<vmem_shared>> -> memref<10000x128xf32, #tpu.memory_space<vmem_shared>>
      tpu.wait_indirect_dma semaphore(%arg14 : memref<!tpu.dma_semaphore, #tpu.memory_space<semaphore_mem>>) src(%dma_wait3A_314 : memref<80x128xf32, #tpu.memory_space<vmem>>) dst(%dma_wait3A_320 : memref<10000x128xf32, #tpu.memory_space<vmem_shared>>)
    }
    %scan3A_152 = arith.constant 17 : i32
    %add3A_153 = arith.constant 5440 : i32
    %add3A_154 = arith.addi %mul3A_0, %add3A_153 : i32
    %dma_wait3A_155 = tpu.memref_slice %arg2[%add3A_154, %mul3A_117] : memref<89600x512xf32, #tpu.memory_space<hbm>> -> memref<160x128xf32, #tpu.memory_space<hbm>>
    %dma_wait3A_156 = tpu.memref_slice %arg2[%add3A_154, %mul3A_117] : memref<89600x512xf32, #tpu.memory_space<hbm>> -> memref<160x128xf32, #tpu.memory_space<hbm>>
    tpu.wait_dma2 semaphore(%arg12 : memref<!tpu.dma_semaphore, #tpu.memory_space<semaphore_mem>>) src(%dma_wait3A_156 : memref<160x128xf32, #tpu.memory_space<hbm>>) dst(%arg8 : memref<160x128xf32, #tpu.memory_space<vmem>>)
    %dma_start3A_157 = arith.constant 34 : i32
    %dma_start3A_158 = arith.constant 0 : i32
    %dma_start3A_159 = arith.constant 0 : i32
    %dma_start3A_160 = arith.constant 0 : i32
    %dma_start3A_161 = tpu.memref_slice %arg8[%dma_start3A_159, %dma_start3A_160] : memref<160x128xf32, #tpu.memory_space<vmem>> -> memref<80x128xf32, #tpu.memory_space<vmem>>
    %dma_start3A_162 = arith.constant 0 : i32
    %dma_start3A_163 = tpu.memref_slice %arg7[%dma_start3A_157, %dma_start3A_158, %dma_start3A_162] : memref<35x2x80xi32, #tpu.memory_space<vmem>> -> memref<1x1x80xi32, #tpu.memory_space<vmem>>
    %dma_start3A_164 = tpu.memref_squeeze %dma_start3A_163 : memref<1x1x80xi32, #tpu.memory_space<vmem>> -> memref<80xi32, #tpu.memory_space<vmem>>
    %dma_start3A_165 = arith.constant 0 : i32
    %dma_start3A_166 = arith.constant 0 : i32
    %dma_start3A_167 = tpu.memref_slice %arg6[%dma_start3A_165, %dma_start3A_166] : memref<10000x128xf32, #tpu.memory_space<vmem_shared>> -> memref<10000x128xf32, #tpu.memory_space<vmem_shared>>
    tpu.enqueue_indirect_dma source(%dma_start3A_161 : memref<80x128xf32, #tpu.memory_space<vmem>>) target(%dma_start3A_167 : memref<10000x128xf32, #tpu.memory_space<vmem_shared>>) offsets(%dma_start3A_164 : memref<80xi32, #tpu.memory_space<vmem>>) semaphore(%arg14 : memref<!tpu.dma_semaphore, #tpu.memory_space<semaphore_mem>>) {add = true}
    %dma_start3A_168 = arith.constant 34 : i32
    %dma_start3A_169 = arith.constant 1 : i32
    %dma_start3A_170 = arith.constant 80 : i32
    %dma_start3A_171 = arith.constant 0 : i32
    %dma_start3A_172 = tpu.memref_slice %arg8[%dma_start3A_170, %dma_start3A_171] : memref<160x128xf32, #tpu.memory_space<vmem>> -> memref<80x128xf32, #tpu.memory_space<vmem>>
    %dma_start3A_173 = arith.constant 0 : i32
    %dma_start3A_174 = tpu.memref_slice %arg7[%dma_start3A_168, %dma_start3A_169, %dma_start3A_173] : memref<35x2x80xi32, #tpu.memory_space<vmem>> -> memref<1x1x80xi32, #tpu.memory_space<vmem>>
    %dma_start3A_175 = tpu.memref_squeeze %dma_start3A_174 : memref<1x1x80xi32, #tpu.memory_space<vmem>> -> memref<80xi32, #tpu.memory_space<vmem>>
    %dma_start3A_176 = arith.constant 0 : i32
    %dma_start3A_177 = arith.constant 0 : i32
    %dma_start3A_178 = tpu.memref_slice %arg6[%dma_start3A_176, %dma_start3A_177] : memref<10000x128xf32, #tpu.memory_space<vmem_shared>> -> memref<10000x128xf32, #tpu.memory_space<vmem_shared>>
    tpu.enqueue_indirect_dma source(%dma_start3A_172 : memref<80x128xf32, #tpu.memory_space<vmem>>) target(%dma_start3A_178 : memref<10000x128xf32, #tpu.memory_space<vmem_shared>>) offsets(%dma_start3A_175 : memref<80xi32, #tpu.memory_space<vmem>>) semaphore(%arg14 : memref<!tpu.dma_semaphore, #tpu.memory_space<semaphore_mem>>) {add = true}
    %dma_wait3A_179 = arith.constant 34 : i32
    %dma_wait3A_180 = arith.constant 0 : i32
    %dma_wait3A_181 = arith.constant 0 : i32
    %dma_wait3A_182 = arith.constant 0 : i32
    %dma_wait3A_183 = tpu.memref_slice %arg8[%dma_wait3A_181, %dma_wait3A_182] : memref<160x128xf32, #tpu.memory_space<vmem>> -> memref<80x128xf32, #tpu.memory_space<vmem>>
    %dma_wait3A_184 = arith.constant 0 : i32
    %dma_wait3A_185 = tpu.memref_slice %arg7[%dma_wait3A_179, %dma_wait3A_180, %dma_wait3A_184] : memref<35x2x80xi32, #tpu.memory_space<vmem>> -> memref<1x1x80xi32, #tpu.memory_space<vmem>>
    %dma_wait3A_186 = tpu.memref_squeeze %dma_wait3A_185 : memref<1x1x80xi32, #tpu.memory_space<vmem>> -> memref<80xi32, #tpu.memory_space<vmem>>
    %dma_wait3A_187 = arith.constant 0 : i32
    %dma_wait3A_188 = arith.constant 0 : i32
    %dma_wait3A_189 = tpu.memref_slice %arg6[%dma_wait3A_187, %dma_wait3A_188] : memref<10000x128xf32, #tpu.memory_space<vmem_shared>> -> memref<10000x128xf32, #tpu.memory_space<vmem_shared>>
    tpu.wait_indirect_dma semaphore(%arg14 : memref<!tpu.dma_semaphore, #tpu.memory_space<semaphore_mem>>) src(%dma_wait3A_183 : memref<80x128xf32, #tpu.memory_space<vmem>>) dst(%dma_wait3A_189 : memref<10000x128xf32, #tpu.memory_space<vmem_shared>>)
    %dma_wait3A_190 = arith.constant 34 : i32
    %dma_wait3A_191 = arith.constant 1 : i32
    %dma_wait3A_192 = arith.constant 80 : i32
    %dma_wait3A_193 = arith.constant 0 : i32
    %dma_wait3A_194 = tpu.memref_slice %arg8[%dma_wait3A_192, %dma_wait3A_193] : memref<160x128xf32, #tpu.memory_space<vmem>> -> memref<80x128xf32, #tpu.memory_space<vmem>>
    %dma_wait3A_195 = arith.constant 0 : i32
    %dma_wait3A_196 = tpu.memref_slice %arg7[%dma_wait3A_190, %dma_wait3A_191, %dma_wait3A_195] : memref<35x2x80xi32, #tpu.memory_space<vmem>> -> memref<1x1x80xi32, #tpu.memory_space<vmem>>
    %dma_wait3A_197 = tpu.memref_squeeze %dma_wait3A_196 : memref<1x1x80xi32, #tpu.memory_space<vmem>> -> memref<80xi32, #tpu.memory_space<vmem>>
    %dma_wait3A_198 = arith.constant 0 : i32
    %dma_wait3A_199 = arith.constant 0 : i32
    %dma_wait3A_200 = tpu.memref_slice %arg6[%dma_wait3A_198, %dma_wait3A_199] : memref<10000x128xf32, #tpu.memory_space<vmem_shared>> -> memref<10000x128xf32, #tpu.memory_space<vmem_shared>>
    tpu.wait_indirect_dma semaphore(%arg14 : memref<!tpu.dma_semaphore, #tpu.memory_space<semaphore_mem>>) src(%dma_wait3A_194 : memref<80x128xf32, #tpu.memory_space<vmem>>) dst(%dma_wait3A_200 : memref<10000x128xf32, #tpu.memory_space<vmem_shared>>)
    %barrier3A_201 = arith.constant 0 : index
    tpu.barrier barrier_id(%barrier3A_201)
    %mul3A_202 = arith.constant 624 : i32
    %mul3A_203 = arith.muli %arg1, %mul3A_202 : i32
    %mul3A_204 = arith.constant 624 : i32
    %mul3A_205 = arith.muli %arg1, %mul3A_204 : i32
    "tpu.region"() ({
      %run_scoped3A = tpu.sem_alloc : memref<!tpu.dma_semaphore, #tpu.memory_space<semaphore_mem>>
      %dma_start3A_211 = tpu.memref_slice %arg5[%mul3A_205, %mul3A_117] : memref<10000x512xf32, #tpu.memory_space<hbm>> -> memref<624x128xf32, #tpu.memory_space<hbm>>
      %dma_start3A_212 = arith.constant 0 : i32
      %dma_start3A_213 = tpu.memref_slice %arg6[%mul3A_203, %dma_start3A_212] : memref<10000x128xf32, #tpu.memory_space<vmem_shared>> -> memref<624x128xf32, #tpu.memory_space<vmem_shared>>
      tpu.enqueue_dma source(%dma_start3A_213 : memref<624x128xf32, #tpu.memory_space<vmem_shared>>) target(%dma_start3A_211 : memref<624x128xf32, #tpu.memory_space<hbm>>) target_semaphore(%run_scoped3A : memref<!tpu.dma_semaphore, #tpu.memory_space<semaphore_mem>>)
      %dma_wait3A_214 = tpu.memref_slice %arg5[%mul3A_205, %mul3A_117] : memref<10000x512xf32, #tpu.memory_space<hbm>> -> memref<624x128xf32, #tpu.memory_space<hbm>>
      %dma_wait3A_215 = arith.constant 0 : i32
      %dma_wait3A_216 = tpu.memref_slice %arg6[%mul3A_203, %dma_wait3A_215] : memref<10000x128xf32, #tpu.memory_space<vmem_shared>> -> memref<624x128xf32, #tpu.memory_space<vmem_shared>>
      tpu.wait_dma2 semaphore(%run_scoped3A : memref<!tpu.dma_semaphore, #tpu.memory_space<semaphore_mem>>) src(%dma_wait3A_216 : memref<624x128xf32, #tpu.memory_space<vmem_shared>>) dst(%dma_wait3A_214 : memref<624x128xf32, #tpu.memory_space<hbm>>)
      tpu.yield
    }) : () -> ()
    %eq3A_206 = arith.constant 15 : i32
    %eq3A_207 = arith.cmpi eq, %arg1, %eq3A_206 : i32
    %convert_element_type3A_208 = arith.extui %eq3A_207 : i1 to i32
    %cond3A_209 = arith.constant 0 : i32
    %cond3A_210 = arith.cmpi ne, %convert_element_type3A_208, %cond3A_209 : i32
    scf.if %cond3A_210 {
      "tpu.region"() ({
        %run_scoped3A = tpu.sem_alloc : memref<!tpu.dma_semaphore, #tpu.memory_space<semaphore_mem>>
        %dma_start3A_211 = arith.constant 9984 : i32
        %dma_start3A_212 = tpu.memref_slice %arg5[%dma_start3A_211, %mul3A_117] : memref<10000x512xf32, #tpu.memory_space<hbm>> -> memref<16x128xf32, #tpu.memory_space<hbm>>
        %dma_start3A_213 = arith.constant 9984 : i32
        %dma_start3A_214 = arith.constant 0 : i32
        %dma_start3A_215 = tpu.memref_slice %arg6[%dma_start3A_213, %dma_start3A_214] : memref<10000x128xf32, #tpu.memory_space<vmem_shared>> -> memref<16x128xf32, #tpu.memory_space<vmem_shared>>
        tpu.enqueue_dma source(%dma_start3A_215 : memref<16x128xf32, #tpu.memory_space<vmem_shared>>) target(%dma_start3A_212 : memref<16x128xf32, #tpu.memory_space<hbm>>) target_semaphore(%run_scoped3A : memref<!tpu.dma_semaphore, #tpu.memory_space<semaphore_mem>>)
        %dma_wait3A_216 = arith.constant 9984 : i32
        %dma_wait3A_217 = tpu.memref_slice %arg5[%dma_wait3A_216, %mul3A_117] : memref<10000x512xf32, #tpu.memory_space<hbm>> -> memref<16x128xf32, #tpu.memory_space<hbm>>
        %dma_wait3A_218 = arith.constant 9984 : i32
        %dma_wait3A_219 = arith.constant 0 : i32
        %dma_wait3A_220 = tpu.memref_slice %arg6[%dma_wait3A_218, %dma_wait3A_219] : memref<10000x128xf32, #tpu.memory_space<vmem_shared>> -> memref<16x128xf32, #tpu.memory_space<vmem_shared>>
        tpu.wait_dma2 semaphore(%run_scoped3A : memref<!tpu.dma_semaphore, #tpu.memory_space<semaphore_mem>>) src(%dma_wait3A_220 : memref<16x128xf32, #tpu.memory_space<vmem_shared>>) dst(%dma_wait3A_217 : memref<16x128xf32, #tpu.memory_space<hbm>>)
        tpu.yield
      }) : () -> ()
    } else {
    }
    return
  }
}

module attributes {stable_mosaic.version = 14 : i64} {
  func.func @_edge_mlp_body(%arg0: i32, %arg1: memref<800x128xf32, #tpu.memory_space<vmem>>, %arg2: memref<800x128xf32, #tpu.memory_space<vmem>>, %arg3: memref<128x256xf32, #tpu.memory_space<vmem>>, %arg4: memref<1x256xf32, #tpu.memory_space<vmem>>, %arg5: memref<256x512xf32, #tpu.memory_space<vmem>>, %arg6: memref<1x512xf32, #tpu.memory_space<vmem>>, %arg7: memref<800x512xf32, #tpu.memory_space<vmem>>) attributes {dimension_semantics = [#tpu.dimension_semantics<arbitrary>], iteration_bounds = array<i64: 64>, scalar_prefetch = 0 : i64, scratch_operands = 0 : i64, tpu.core_type = #tpu.core_type<tc>, window_params = [{transform_indices = @transform_0, window_bounds = array<i64: 800, 128>}, {transform_indices = @transform_1, window_bounds = array<i64: 800, 128>}, {pipeline_mode = #tpu.pipeline_mode<synchronous>, transform_indices = @transform_2, window_bounds = array<i64: 128, 256>}, {pipeline_mode = #tpu.pipeline_mode<synchronous>, transform_indices = @transform_3, window_bounds = array<i64: 1, 256>}, {pipeline_mode = #tpu.pipeline_mode<synchronous>, transform_indices = @transform_4, window_bounds = array<i64: 256, 512>}, {pipeline_mode = #tpu.pipeline_mode<synchronous>, transform_indices = @transform_5, window_bounds = array<i64: 1, 512>}, {transform_indices = @transform_6, window_bounds = array<i64: 800, 512>}]} {
    %get3A = arith.constant 0 : index
    %get3A_0 = arith.constant 0 : index
    %get3A_1 = vector.load %arg1[%get3A, %get3A_0] : memref<800x128xf32, #tpu.memory_space<vmem>>, vector<800x128xf32>
    %get3A_2 = arith.constant 0 : index
    %get3A_3 = arith.constant 0 : index
    %get3A_4 = vector.load %arg2[%get3A_2, %get3A_3] : memref<800x128xf32, #tpu.memory_space<vmem>>, vector<800x128xf32>
    %mul3A = arith.mulf %get3A_1, %get3A_4 : vector<800x128xf32>
    %get3A_5 = arith.constant 0 : index
    %get3A_6 = arith.constant 0 : index
    %get3A_7 = vector.load %arg3[%get3A_5, %get3A_6] : memref<128x256xf32, #tpu.memory_space<vmem>>, vector<128x256xf32>
    %dot_general3A = arith.constant dense<0.000000e+00> : vector<800x256xf32>
    %dot_general3A_8 = tpu.matmul %mul3A, %get3A_7, %dot_general3A {dimension_numbers = #tpu.dot_dimension_numbers<[1], [0], [0], [1], [0, 0, 1, 1], [], []>, transpose_lhs_hint = false} : vector<800x128xf32>, vector<128x256xf32>, vector<800x256xf32> -> vector<800x256xf32>
    %get3A_9 = arith.constant 0 : index
    %get3A_10 = arith.constant 0 : index
    %get3A_11 = vector.load %arg4[%get3A_9, %get3A_10] : memref<1x256xf32, #tpu.memory_space<vmem>>, vector<1x256xf32>
    %add3A = vector.broadcast %get3A_11 : vector<1x256xf32> to vector<800x256xf32>
    %add3A_12 = arith.addf %dot_general3A_8, %add3A : vector<800x256xf32>
    %gt3A = arith.constant 0.000000e+00 : f32
    %gt3A_13 = vector.broadcast %gt3A : f32 to vector<800x256xf32>
    %gt3A_14 = arith.cmpf ogt, %add3A_12, %gt3A_13 : vector<800x256xf32>
    %mul3A_15 = arith.constant 0.00999999977 : f32
    %mul3A_16 = vector.broadcast %mul3A_15 : f32 to vector<800x256xf32>
    %mul3A_17 = arith.mulf %mul3A_16, %add3A_12 : vector<800x256xf32>
    %select_n3A = arith.select %gt3A_14, %add3A_12, %mul3A_17 : vector<800x256xi1>, vector<800x256xf32>
    %get3A_18 = arith.constant 0 : index
    %get3A_19 = arith.constant 0 : index
    %get3A_20 = vector.load %arg5[%get3A_18, %get3A_19] : memref<256x512xf32, #tpu.memory_space<vmem>>, vector<256x512xf32>
    %dot_general3A_21 = arith.constant dense<0.000000e+00> : vector<800x512xf32>
    %dot_general3A_22 = tpu.matmul %select_n3A, %get3A_20, %dot_general3A_21 {dimension_numbers = #tpu.dot_dimension_numbers<[1], [0], [0], [1], [0, 0, 1, 1], [], []>, transpose_lhs_hint = false} : vector<800x256xf32>, vector<256x512xf32>, vector<800x512xf32> -> vector<800x512xf32>
    %get3A_23 = arith.constant 0 : index
    %get3A_24 = arith.constant 0 : index
    %get3A_25 = vector.load %arg6[%get3A_23, %get3A_24] : memref<1x512xf32, #tpu.memory_space<vmem>>, vector<1x512xf32>
    %add3A_26 = vector.broadcast %get3A_25 : vector<1x512xf32> to vector<800x512xf32>
    %add3A_27 = arith.addf %dot_general3A_22, %add3A_26 : vector<800x512xf32>
    %gt3A_28 = arith.constant 0.000000e+00 : f32
    %gt3A_29 = vector.broadcast %gt3A_28 : f32 to vector<800x512xf32>
    %gt3A_30 = arith.cmpf ogt, %add3A_27, %gt3A_29 : vector<800x512xf32>
    %mul3A_31 = arith.constant 0.00999999977 : f32
    %mul3A_32 = vector.broadcast %mul3A_31 : f32 to vector<800x512xf32>
    %mul3A_33 = arith.mulf %mul3A_32, %add3A_27 : vector<800x512xf32>
    %select_n3A_34 = arith.select %gt3A_30, %add3A_27, %mul3A_33 : vector<800x512xi1>, vector<800x512xf32>
    %swap3A = arith.constant 0 : index
    %swap3A_35 = arith.constant 0 : index
    %swap3A_36 = vector.load %arg7[%swap3A, %swap3A_35] : memref<800x512xf32, #tpu.memory_space<vmem>>, vector<800x512xf32>
    tpu.vector_store %arg7[%swap3A, %swap3A_35], %select_n3A_34 {strides = array<i32>} : memref<800x512xf32, #tpu.memory_space<vmem>>, vector<800x512xf32>,
    return
  }
  func.func @transform_0(%arg0: i32) -> (i32, i32) {
    %add3A = arith.constant 0 : i32
    %add3A_0 = arith.addi %add3A, %arg0 : i32
    %c0_i32 = arith.constant 0 : i32
    %c0_i32_1 = arith.constant 0 : i32
    return %add3A_0, %c0_i32 : i32, i32
  }
  func.func @transform_1(%arg0: i32) -> (i32, i32) {
    %add3A = arith.constant 0 : i32
    %add3A_0 = arith.addi %add3A, %arg0 : i32
    %c0_i32 = arith.constant 0 : i32
    %c0_i32_1 = arith.constant 0 : i32
    return %add3A_0, %c0_i32 : i32, i32
  }
  func.func @transform_2(%arg0: i32) -> (i32, i32) {
    %c0_i32 = arith.constant 0 : i32
    %c0_i32_0 = arith.constant 0 : i32
    %c0_i32_1 = arith.constant 0 : i32
    return %c0_i32, %c0_i32_0 : i32, i32
  }
  func.func @transform_3(%arg0: i32) -> (i32, i32) {
    %c0_i32 = arith.constant 0 : i32
    %c0_i32_0 = arith.constant 0 : i32
    %c0_i32_1 = arith.constant 0 : i32
    return %c0_i32, %c0_i32_0 : i32, i32
  }
  func.func @transform_4(%arg0: i32) -> (i32, i32) {
    %c0_i32 = arith.constant 0 : i32
    %c0_i32_0 = arith.constant 0 : i32
    %c0_i32_1 = arith.constant 0 : i32
    return %c0_i32, %c0_i32_0 : i32, i32
  }
  func.func @transform_5(%arg0: i32) -> (i32, i32) {
    %c0_i32 = arith.constant 0 : i32
    %c0_i32_0 = arith.constant 0 : i32
    %c0_i32_1 = arith.constant 0 : i32
    return %c0_i32, %c0_i32_0 : i32, i32
  }
  func.func @transform_6(%arg0: i32) -> (i32, i32) {
    %c0_i32 = arith.constant 0 : i32
    %c0_i32_0 = arith.constant 0 : i32
    return %arg0, %c0_i32 : i32, i32
  }
}

module attributes {stable_mosaic.version = 14 : i64} {
  func.func @_edge_mlp_body(%arg0: i32, %arg1: memref<800x128xf32, #tpu.memory_space<vmem>>, %arg2: memref<800x128xf32, #tpu.memory_space<vmem>>, %arg3: memref<128x256xf32, #tpu.memory_space<vmem>>, %arg4: memref<1x256xf32, #tpu.memory_space<vmem>>, %arg5: memref<256x512xf32, #tpu.memory_space<vmem>>, %arg6: memref<1x512xf32, #tpu.memory_space<vmem>>, %arg7: memref<800x512xf32, #tpu.memory_space<vmem>>) attributes {dimension_semantics = [#tpu.dimension_semantics<arbitrary>], iteration_bounds = array<i64: 112>, scalar_prefetch = 0 : i64, scratch_operands = 0 : i64, tpu.core_type = #tpu.core_type<tc>, window_params = [{transform_indices = @transform_0, window_bounds = array<i64: 800, 128>}, {transform_indices = @transform_1, window_bounds = array<i64: 800, 128>}, {pipeline_mode = #tpu.pipeline_mode<synchronous>, transform_indices = @transform_2, window_bounds = array<i64: 128, 256>}, {pipeline_mode = #tpu.pipeline_mode<synchronous>, transform_indices = @transform_3, window_bounds = array<i64: 1, 256>}, {pipeline_mode = #tpu.pipeline_mode<synchronous>, transform_indices = @transform_4, window_bounds = array<i64: 256, 512>}, {pipeline_mode = #tpu.pipeline_mode<synchronous>, transform_indices = @transform_5, window_bounds = array<i64: 1, 512>}, {transform_indices = @transform_6, window_bounds = array<i64: 800, 512>}]} {
    %get3A = arith.constant 0 : index
    %get3A_0 = arith.constant 0 : index
    %get3A_1 = vector.load %arg1[%get3A, %get3A_0] : memref<800x128xf32, #tpu.memory_space<vmem>>, vector<800x128xf32>
    %get3A_2 = arith.constant 0 : index
    %get3A_3 = arith.constant 0 : index
    %get3A_4 = vector.load %arg2[%get3A_2, %get3A_3] : memref<800x128xf32, #tpu.memory_space<vmem>>, vector<800x128xf32>
    %mul3A = arith.mulf %get3A_1, %get3A_4 : vector<800x128xf32>
    %get3A_5 = arith.constant 0 : index
    %get3A_6 = arith.constant 0 : index
    %get3A_7 = vector.load %arg3[%get3A_5, %get3A_6] : memref<128x256xf32, #tpu.memory_space<vmem>>, vector<128x256xf32>
    %dot_general3A = arith.constant dense<0.000000e+00> : vector<800x256xf32>
    %dot_general3A_8 = tpu.matmul %mul3A, %get3A_7, %dot_general3A {dimension_numbers = #tpu.dot_dimension_numbers<[1], [0], [0], [1], [0, 0, 1, 1], [], []>, transpose_lhs_hint = false} : vector<800x128xf32>, vector<128x256xf32>, vector<800x256xf32> -> vector<800x256xf32>
    %get3A_9 = arith.constant 0 : index
    %get3A_10 = arith.constant 0 : index
    %get3A_11 = vector.load %arg4[%get3A_9, %get3A_10] : memref<1x256xf32, #tpu.memory_space<vmem>>, vector<1x256xf32>
    %add3A = vector.broadcast %get3A_11 : vector<1x256xf32> to vector<800x256xf32>
    %add3A_12 = arith.addf %dot_general3A_8, %add3A : vector<800x256xf32>
    %gt3A = arith.constant 0.000000e+00 : f32
    %gt3A_13 = vector.broadcast %gt3A : f32 to vector<800x256xf32>
    %gt3A_14 = arith.cmpf ogt, %add3A_12, %gt3A_13 : vector<800x256xf32>
    %mul3A_15 = arith.constant 0.00999999977 : f32
    %mul3A_16 = vector.broadcast %mul3A_15 : f32 to vector<800x256xf32>
    %mul3A_17 = arith.mulf %mul3A_16, %add3A_12 : vector<800x256xf32>
    %select_n3A = arith.select %gt3A_14, %add3A_12, %mul3A_17 : vector<800x256xi1>, vector<800x256xf32>
    %get3A_18 = arith.constant 0 : index
    %get3A_19 = arith.constant 0 : index
    %get3A_20 = vector.load %arg5[%get3A_18, %get3A_19] : memref<256x512xf32, #tpu.memory_space<vmem>>, vector<256x512xf32>
    %dot_general3A_21 = arith.constant dense<0.000000e+00> : vector<800x512xf32>
    %dot_general3A_22 = tpu.matmul %select_n3A, %get3A_20, %dot_general3A_21 {dimension_numbers = #tpu.dot_dimension_numbers<[1], [0], [0], [1], [0, 0, 1, 1], [], []>, transpose_lhs_hint = false} : vector<800x256xf32>, vector<256x512xf32>, vector<800x512xf32> -> vector<800x512xf32>
    %get3A_23 = arith.constant 0 : index
    %get3A_24 = arith.constant 0 : index
    %get3A_25 = vector.load %arg6[%get3A_23, %get3A_24] : memref<1x512xf32, #tpu.memory_space<vmem>>, vector<1x512xf32>
    %add3A_26 = vector.broadcast %get3A_25 : vector<1x512xf32> to vector<800x512xf32>
    %add3A_27 = arith.addf %dot_general3A_22, %add3A_26 : vector<800x512xf32>
    %gt3A_28 = arith.constant 0.000000e+00 : f32
    %gt3A_29 = vector.broadcast %gt3A_28 : f32 to vector<800x512xf32>
    %gt3A_30 = arith.cmpf ogt, %add3A_27, %gt3A_29 : vector<800x512xf32>
    %mul3A_31 = arith.constant 0.00999999977 : f32
    %mul3A_32 = vector.broadcast %mul3A_31 : f32 to vector<800x512xf32>
    %mul3A_33 = arith.mulf %mul3A_32, %add3A_27 : vector<800x512xf32>
    %select_n3A_34 = arith.select %gt3A_30, %add3A_27, %mul3A_33 : vector<800x512xi1>, vector<800x512xf32>
    %swap3A = arith.constant 0 : index
    %swap3A_35 = arith.constant 0 : index
    %swap3A_36 = vector.load %arg7[%swap3A, %swap3A_35] : memref<800x512xf32, #tpu.memory_space<vmem>>, vector<800x512xf32>
    tpu.vector_store %arg7[%swap3A, %swap3A_35], %select_n3A_34 {strides = array<i32>} : memref<800x512xf32, #tpu.memory_space<vmem>>, vector<800x512xf32>,
    return
  }
  func.func @transform_0(%arg0: i32) -> (i32, i32) {
    %add3A = arith.constant 0 : i32
    %add3A_0 = arith.addi %add3A, %arg0 : i32
    %c0_i32 = arith.constant 0 : i32
    %c0_i32_1 = arith.constant 0 : i32
    return %add3A_0, %c0_i32 : i32, i32
  }
  func.func @transform_1(%arg0: i32) -> (i32, i32) {
    %add3A = arith.constant 64 : i32
    %add3A_0 = arith.addi %add3A, %arg0 : i32
    %c0_i32 = arith.constant 0 : i32
    %c0_i32_1 = arith.constant 0 : i32
    return %add3A_0, %c0_i32 : i32, i32
  }
  func.func @transform_2(%arg0: i32) -> (i32, i32) {
    %c0_i32 = arith.constant 0 : i32
    %c0_i32_0 = arith.constant 0 : i32
    %c0_i32_1 = arith.constant 0 : i32
    return %c0_i32, %c0_i32_0 : i32, i32
  }
  func.func @transform_3(%arg0: i32) -> (i32, i32) {
    %c0_i32 = arith.constant 0 : i32
    %c0_i32_0 = arith.constant 0 : i32
    %c0_i32_1 = arith.constant 0 : i32
    return %c0_i32, %c0_i32_0 : i32, i32
  }
  func.func @transform_4(%arg0: i32) -> (i32, i32) {
    %c0_i32 = arith.constant 0 : i32
    %c0_i32_0 = arith.constant 0 : i32
    %c0_i32_1 = arith.constant 0 : i32
    return %c0_i32, %c0_i32_0 : i32, i32
  }
  func.func @transform_5(%arg0: i32) -> (i32, i32) {
    %c0_i32 = arith.constant 0 : i32
    %c0_i32_0 = arith.constant 0 : i32
    %c0_i32_1 = arith.constant 0 : i32
    return %c0_i32, %c0_i32_0 : i32, i32
  }
  func.func @transform_6(%arg0: i32) -> (i32, i32) {
    %c0_i32 = arith.constant 0 : i32
    %c0_i32_0 = arith.constant 0 : i32
    return %arg0, %c0_i32 : i32, i32
  }
}

module attributes {stable_mosaic.version = 14 : i64} {
  func.func @_edge_mlp_body(%arg0: i32, %arg1: memref<800x128xf32, #tpu.memory_space<vmem>>, %arg2: memref<800x128xf32, #tpu.memory_space<vmem>>, %arg3: memref<128x256xf32, #tpu.memory_space<vmem>>, %arg4: memref<1x256xf32, #tpu.memory_space<vmem>>, %arg5: memref<256x512xf32, #tpu.memory_space<vmem>>, %arg6: memref<1x512xf32, #tpu.memory_space<vmem>>, %arg7: memref<800x512xf32, #tpu.memory_space<vmem>>) attributes {dimension_semantics = [#tpu.dimension_semantics<arbitrary>], iteration_bounds = array<i64: 112>, scalar_prefetch = 0 : i64, scratch_operands = 0 : i64, tpu.core_type = #tpu.core_type<tc>, window_params = [{transform_indices = @transform_0, window_bounds = array<i64: 800, 128>}, {transform_indices = @transform_1, window_bounds = array<i64: 800, 128>}, {pipeline_mode = #tpu.pipeline_mode<synchronous>, transform_indices = @transform_2, window_bounds = array<i64: 128, 256>}, {pipeline_mode = #tpu.pipeline_mode<synchronous>, transform_indices = @transform_3, window_bounds = array<i64: 1, 256>}, {pipeline_mode = #tpu.pipeline_mode<synchronous>, transform_indices = @transform_4, window_bounds = array<i64: 256, 512>}, {pipeline_mode = #tpu.pipeline_mode<synchronous>, transform_indices = @transform_5, window_bounds = array<i64: 1, 512>}, {transform_indices = @transform_6, window_bounds = array<i64: 800, 512>}]} {
    %get3A = arith.constant 0 : index
    %get3A_0 = arith.constant 0 : index
    %get3A_1 = vector.load %arg1[%get3A, %get3A_0] : memref<800x128xf32, #tpu.memory_space<vmem>>, vector<800x128xf32>
    %get3A_2 = arith.constant 0 : index
    %get3A_3 = arith.constant 0 : index
    %get3A_4 = vector.load %arg2[%get3A_2, %get3A_3] : memref<800x128xf32, #tpu.memory_space<vmem>>, vector<800x128xf32>
    %mul3A = arith.mulf %get3A_1, %get3A_4 : vector<800x128xf32>
    %get3A_5 = arith.constant 0 : index
    %get3A_6 = arith.constant 0 : index
    %get3A_7 = vector.load %arg3[%get3A_5, %get3A_6] : memref<128x256xf32, #tpu.memory_space<vmem>>, vector<128x256xf32>
    %dot_general3A = arith.constant dense<0.000000e+00> : vector<800x256xf32>
    %dot_general3A_8 = tpu.matmul %mul3A, %get3A_7, %dot_general3A {dimension_numbers = #tpu.dot_dimension_numbers<[1], [0], [0], [1], [0, 0, 1, 1], [], []>, transpose_lhs_hint = false} : vector<800x128xf32>, vector<128x256xf32>, vector<800x256xf32> -> vector<800x256xf32>
    %get3A_9 = arith.constant 0 : index
    %get3A_10 = arith.constant 0 : index
    %get3A_11 = vector.load %arg4[%get3A_9, %get3A_10] : memref<1x256xf32, #tpu.memory_space<vmem>>, vector<1x256xf32>
    %add3A = vector.broadcast %get3A_11 : vector<1x256xf32> to vector<800x256xf32>
    %add3A_12 = arith.addf %dot_general3A_8, %add3A : vector<800x256xf32>
    %gt3A = arith.constant 0.000000e+00 : f32
    %gt3A_13 = vector.broadcast %gt3A : f32 to vector<800x256xf32>
    %gt3A_14 = arith.cmpf ogt, %add3A_12, %gt3A_13 : vector<800x256xf32>
    %mul3A_15 = arith.constant 0.00999999977 : f32
    %mul3A_16 = vector.broadcast %mul3A_15 : f32 to vector<800x256xf32>
    %mul3A_17 = arith.mulf %mul3A_16, %add3A_12 : vector<800x256xf32>
    %select_n3A = arith.select %gt3A_14, %add3A_12, %mul3A_17 : vector<800x256xi1>, vector<800x256xf32>
    %get3A_18 = arith.constant 0 : index
    %get3A_19 = arith.constant 0 : index
    %get3A_20 = vector.load %arg5[%get3A_18, %get3A_19] : memref<256x512xf32, #tpu.memory_space<vmem>>, vector<256x512xf32>
    %dot_general3A_21 = arith.constant dense<0.000000e+00> : vector<800x512xf32>
    %dot_general3A_22 = tpu.matmul %select_n3A, %get3A_20, %dot_general3A_21 {dimension_numbers = #tpu.dot_dimension_numbers<[1], [0], [0], [1], [0, 0, 1, 1], [], []>, transpose_lhs_hint = false} : vector<800x256xf32>, vector<256x512xf32>, vector<800x512xf32> -> vector<800x512xf32>
    %get3A_23 = arith.constant 0 : index
    %get3A_24 = arith.constant 0 : index
    %get3A_25 = vector.load %arg6[%get3A_23, %get3A_24] : memref<1x512xf32, #tpu.memory_space<vmem>>, vector<1x512xf32>
    %add3A_26 = vector.broadcast %get3A_25 : vector<1x512xf32> to vector<800x512xf32>
    %add3A_27 = arith.addf %dot_general3A_22, %add3A_26 : vector<800x512xf32>
    %gt3A_28 = arith.constant 0.000000e+00 : f32
    %gt3A_29 = vector.broadcast %gt3A_28 : f32 to vector<800x512xf32>
    %gt3A_30 = arith.cmpf ogt, %add3A_27, %gt3A_29 : vector<800x512xf32>
    %mul3A_31 = arith.constant 0.00999999977 : f32
    %mul3A_32 = vector.broadcast %mul3A_31 : f32 to vector<800x512xf32>
    %mul3A_33 = arith.mulf %mul3A_32, %add3A_27 : vector<800x512xf32>
    %select_n3A_34 = arith.select %gt3A_30, %add3A_27, %mul3A_33 : vector<800x512xi1>, vector<800x512xf32>
    %swap3A = arith.constant 0 : index
    %swap3A_35 = arith.constant 0 : index
    %swap3A_36 = vector.load %arg7[%swap3A, %swap3A_35] : memref<800x512xf32, #tpu.memory_space<vmem>>, vector<800x512xf32>
    tpu.vector_store %arg7[%swap3A, %swap3A_35], %select_n3A_34 {strides = array<i32>} : memref<800x512xf32, #tpu.memory_space<vmem>>, vector<800x512xf32>,
    return
  }
  func.func @transform_0(%arg0: i32) -> (i32, i32) {
    %add3A = arith.constant 112 : i32
    %add3A_0 = arith.addi %add3A, %arg0 : i32
    %c0_i32 = arith.constant 0 : i32
    %c0_i32_1 = arith.constant 0 : i32
    return %add3A_0, %c0_i32 : i32, i32
  }
  func.func @transform_1(%arg0: i32) -> (i32, i32) {
    %add3A = arith.constant 176 : i32
    %add3A_0 = arith.addi %add3A, %arg0 : i32
    %c0_i32 = arith.constant 0 : i32
    %c0_i32_1 = arith.constant 0 : i32
    return %add3A_0, %c0_i32 : i32, i32
  }
  func.func @transform_2(%arg0: i32) -> (i32, i32) {
    %c0_i32 = arith.constant 0 : i32
    %c0_i32_0 = arith.constant 0 : i32
    %c0_i32_1 = arith.constant 0 : i32
    return %c0_i32, %c0_i32_0 : i32, i32
  }
  func.func @transform_3(%arg0: i32) -> (i32, i32) {
    %c0_i32 = arith.constant 0 : i32
    %c0_i32_0 = arith.constant 0 : i32
    %c0_i32_1 = arith.constant 0 : i32
    return %c0_i32, %c0_i32_0 : i32, i32
  }
  func.func @transform_4(%arg0: i32) -> (i32, i32) {
    %c0_i32 = arith.constant 0 : i32
    %c0_i32_0 = arith.constant 0 : i32
    %c0_i32_1 = arith.constant 0 : i32
    return %c0_i32, %c0_i32_0 : i32, i32
  }
  func.func @transform_5(%arg0: i32) -> (i32, i32) {
    %c0_i32 = arith.constant 0 : i32
    %c0_i32_0 = arith.constant 0 : i32
    %c0_i32_1 = arith.constant 0 : i32
    return %c0_i32, %c0_i32_0 : i32, i32
  }
  func.func @transform_6(%arg0: i32) -> (i32, i32) {
    %c0_i32 = arith.constant 0 : i32
    %c0_i32_0 = arith.constant 0 : i32
    return %arg0, %c0_i32 : i32, i32
  }
}

module attributes {stable_mosaic.version = 14 : i64} {
  func.func @_edge_mlp_body(%arg0: i32, %arg1: memref<800x128xf32, #tpu.memory_space<vmem>>, %arg2: memref<800x128xf32, #tpu.memory_space<vmem>>, %arg3: memref<128x256xf32, #tpu.memory_space<vmem>>, %arg4: memref<1x256xf32, #tpu.memory_space<vmem>>, %arg5: memref<256x512xf32, #tpu.memory_space<vmem>>, %arg6: memref<1x512xf32, #tpu.memory_space<vmem>>, %arg7: memref<800x512xf32, #tpu.memory_space<vmem>>) attributes {dimension_semantics = [#tpu.dimension_semantics<arbitrary>], iteration_bounds = array<i64: 112>, scalar_prefetch = 0 : i64, scratch_operands = 0 : i64, tpu.core_type = #tpu.core_type<tc>, window_params = [{transform_indices = @transform_0, window_bounds = array<i64: 800, 128>}, {transform_indices = @transform_1, window_bounds = array<i64: 800, 128>}, {pipeline_mode = #tpu.pipeline_mode<synchronous>, transform_indices = @transform_2, window_bounds = array<i64: 128, 256>}, {pipeline_mode = #tpu.pipeline_mode<synchronous>, transform_indices = @transform_3, window_bounds = array<i64: 1, 256>}, {pipeline_mode = #tpu.pipeline_mode<synchronous>, transform_indices = @transform_4, window_bounds = array<i64: 256, 512>}, {pipeline_mode = #tpu.pipeline_mode<synchronous>, transform_indices = @transform_5, window_bounds = array<i64: 1, 512>}, {transform_indices = @transform_6, window_bounds = array<i64: 800, 512>}]} {
    %get3A = arith.constant 0 : index
    %get3A_0 = arith.constant 0 : index
    %get3A_1 = vector.load %arg1[%get3A, %get3A_0] : memref<800x128xf32, #tpu.memory_space<vmem>>, vector<800x128xf32>
    %get3A_2 = arith.constant 0 : index
    %get3A_3 = arith.constant 0 : index
    %get3A_4 = vector.load %arg2[%get3A_2, %get3A_3] : memref<800x128xf32, #tpu.memory_space<vmem>>, vector<800x128xf32>
    %mul3A = arith.mulf %get3A_1, %get3A_4 : vector<800x128xf32>
    %get3A_5 = arith.constant 0 : index
    %get3A_6 = arith.constant 0 : index
    %get3A_7 = vector.load %arg3[%get3A_5, %get3A_6] : memref<128x256xf32, #tpu.memory_space<vmem>>, vector<128x256xf32>
    %dot_general3A = arith.constant dense<0.000000e+00> : vector<800x256xf32>
    %dot_general3A_8 = tpu.matmul %mul3A, %get3A_7, %dot_general3A {dimension_numbers = #tpu.dot_dimension_numbers<[1], [0], [0], [1], [0, 0, 1, 1], [], []>, transpose_lhs_hint = false} : vector<800x128xf32>, vector<128x256xf32>, vector<800x256xf32> -> vector<800x256xf32>
    %get3A_9 = arith.constant 0 : index
    %get3A_10 = arith.constant 0 : index
    %get3A_11 = vector.load %arg4[%get3A_9, %get3A_10] : memref<1x256xf32, #tpu.memory_space<vmem>>, vector<1x256xf32>
    %add3A = vector.broadcast %get3A_11 : vector<1x256xf32> to vector<800x256xf32>
    %add3A_12 = arith.addf %dot_general3A_8, %add3A : vector<800x256xf32>
    %gt3A = arith.constant 0.000000e+00 : f32
    %gt3A_13 = vector.broadcast %gt3A : f32 to vector<800x256xf32>
    %gt3A_14 = arith.cmpf ogt, %add3A_12, %gt3A_13 : vector<800x256xf32>
    %mul3A_15 = arith.constant 0.00999999977 : f32
    %mul3A_16 = vector.broadcast %mul3A_15 : f32 to vector<800x256xf32>
    %mul3A_17 = arith.mulf %mul3A_16, %add3A_12 : vector<800x256xf32>
    %select_n3A = arith.select %gt3A_14, %add3A_12, %mul3A_17 : vector<800x256xi1>, vector<800x256xf32>
    %get3A_18 = arith.constant 0 : index
    %get3A_19 = arith.constant 0 : index
    %get3A_20 = vector.load %arg5[%get3A_18, %get3A_19] : memref<256x512xf32, #tpu.memory_space<vmem>>, vector<256x512xf32>
    %dot_general3A_21 = arith.constant dense<0.000000e+00> : vector<800x512xf32>
    %dot_general3A_22 = tpu.matmul %select_n3A, %get3A_20, %dot_general3A_21 {dimension_numbers = #tpu.dot_dimension_numbers<[1], [0], [0], [1], [0, 0, 1, 1], [], []>, transpose_lhs_hint = false} : vector<800x256xf32>, vector<256x512xf32>, vector<800x512xf32> -> vector<800x512xf32>
    %get3A_23 = arith.constant 0 : index
    %get3A_24 = arith.constant 0 : index
    %get3A_25 = vector.load %arg6[%get3A_23, %get3A_24] : memref<1x512xf32, #tpu.memory_space<vmem>>, vector<1x512xf32>
    %add3A_26 = vector.broadcast %get3A_25 : vector<1x512xf32> to vector<800x512xf32>
    %add3A_27 = arith.addf %dot_general3A_22, %add3A_26 : vector<800x512xf32>
    %gt3A_28 = arith.constant 0.000000e+00 : f32
    %gt3A_29 = vector.broadcast %gt3A_28 : f32 to vector<800x512xf32>
    %gt3A_30 = arith.cmpf ogt, %add3A_27, %gt3A_29 : vector<800x512xf32>
    %mul3A_31 = arith.constant 0.00999999977 : f32
    %mul3A_32 = vector.broadcast %mul3A_31 : f32 to vector<800x512xf32>
    %mul3A_33 = arith.mulf %mul3A_32, %add3A_27 : vector<800x512xf32>
    %select_n3A_34 = arith.select %gt3A_30, %add3A_27, %mul3A_33 : vector<800x512xi1>, vector<800x512xf32>
    %swap3A = arith.constant 0 : index
    %swap3A_35 = arith.constant 0 : index
    %swap3A_36 = vector.load %arg7[%swap3A, %swap3A_35] : memref<800x512xf32, #tpu.memory_space<vmem>>, vector<800x512xf32>
    tpu.vector_store %arg7[%swap3A, %swap3A_35], %select_n3A_34 {strides = array<i32>} : memref<800x512xf32, #tpu.memory_space<vmem>>, vector<800x512xf32>,
    return
  }
  func.func @transform_0(%arg0: i32) -> (i32, i32) {
    %add3A = arith.constant 224 : i32
    %add3A_0 = arith.addi %add3A, %arg0 : i32
    %c0_i32 = arith.constant 0 : i32
    %c0_i32_1 = arith.constant 0 : i32
    return %add3A_0, %c0_i32 : i32, i32
  }
  func.func @transform_1(%arg0: i32) -> (i32, i32) {
    %add3A = arith.constant 288 : i32
    %add3A_0 = arith.addi %add3A, %arg0 : i32
    %c0_i32 = arith.constant 0 : i32
    %c0_i32_1 = arith.constant 0 : i32
    return %add3A_0, %c0_i32 : i32, i32
  }
  func.func @transform_2(%arg0: i32) -> (i32, i32) {
    %c0_i32 = arith.constant 0 : i32
    %c0_i32_0 = arith.constant 0 : i32
    %c0_i32_1 = arith.constant 0 : i32
    return %c0_i32, %c0_i32_0 : i32, i32
  }
  func.func @transform_3(%arg0: i32) -> (i32, i32) {
    %c0_i32 = arith.constant 0 : i32
    %c0_i32_0 = arith.constant 0 : i32
    %c0_i32_1 = arith.constant 0 : i32
    return %c0_i32, %c0_i32_0 : i32, i32
  }
  func.func @transform_4(%arg0: i32) -> (i32, i32) {
    %c0_i32 = arith.constant 0 : i32
    %c0_i32_0 = arith.constant 0 : i32
    %c0_i32_1 = arith.constant 0 : i32
    return %c0_i32, %c0_i32_0 : i32, i32
  }
  func.func @transform_5(%arg0: i32) -> (i32, i32) {
    %c0_i32 = arith.constant 0 : i32
    %c0_i32_0 = arith.constant 0 : i32
    %c0_i32_1 = arith.constant 0 : i32
    return %c0_i32, %c0_i32_0 : i32, i32
  }
  func.func @transform_6(%arg0: i32) -> (i32, i32) {
    %c0_i32 = arith.constant 0 : i32
    %c0_i32_0 = arith.constant 0 : i32
    return %arg0, %c0_i32 : i32, i32
  }
}

module attributes {stable_mosaic.version = 14 : i64} {
  func.func @_node_mlp_body(%arg0: i32, %arg1: memref<2000x128xf32, #tpu.memory_space<vmem>>, %arg2: memref<2000x512xf32, #tpu.memory_space<vmem>>, %arg3: memref<128x1024xf32, #tpu.memory_space<vmem>>, %arg4: memref<512x1024xf32, #tpu.memory_space<vmem>>, %arg5: memref<1x1024xf32, #tpu.memory_space<vmem>>, %arg6: memref<1024x128xf32, #tpu.memory_space<vmem>>, %arg7: memref<1x128xf32, #tpu.memory_space<vmem>>, %arg8: memref<2000x128xf32, #tpu.memory_space<vmem>>) attributes {dimension_semantics = [#tpu.dimension_semantics<arbitrary>], iteration_bounds = array<i64: 5>, scalar_prefetch = 0 : i64, scratch_operands = 0 : i64, tpu.core_type = #tpu.core_type<tc>, window_params = [{transform_indices = @transform_0, window_bounds = array<i64: 2000, 128>}, {transform_indices = @transform_1, window_bounds = array<i64: 2000, 512>}, {pipeline_mode = #tpu.pipeline_mode<synchronous>, transform_indices = @transform_2, window_bounds = array<i64: 128, 1024>}, {pipeline_mode = #tpu.pipeline_mode<synchronous>, transform_indices = @transform_3, window_bounds = array<i64: 512, 1024>}, {pipeline_mode = #tpu.pipeline_mode<synchronous>, transform_indices = @transform_4, window_bounds = array<i64: 1, 1024>}, {pipeline_mode = #tpu.pipeline_mode<synchronous>, transform_indices = @transform_5, window_bounds = array<i64: 1024, 128>}, {pipeline_mode = #tpu.pipeline_mode<synchronous>, transform_indices = @transform_6, window_bounds = array<i64: 1, 128>}, {transform_indices = @transform_7, window_bounds = array<i64: 2000, 128>}]} {
    %get3A = arith.constant 0 : index
    %get3A_0 = arith.constant 0 : index
    %get3A_1 = vector.load %arg1[%get3A, %get3A_0] : memref<2000x128xf32, #tpu.memory_space<vmem>>, vector<2000x128xf32>
    %convert_element_type3A = arith.truncf %get3A_1 : vector<2000x128xf32> to vector<2000x128xbf16>
    %get3A_2 = arith.constant 0 : index
    %get3A_3 = arith.constant 0 : index
    %get3A_4 = vector.load %arg3[%get3A_2, %get3A_3] : memref<128x1024xf32, #tpu.memory_space<vmem>>, vector<128x1024xf32>
    %convert_element_type3A_5 = arith.truncf %get3A_4 : vector<128x1024xf32> to vector<128x1024xbf16>
    %dot_general3A = arith.constant dense<0.000000e+00> : vector<2000x1024xf32>
    %dot_general3A_6 = tpu.matmul %convert_element_type3A, %convert_element_type3A_5, %dot_general3A {dimension_numbers = #tpu.dot_dimension_numbers<[1], [0], [0], [1], [0, 0, 1, 1], [], []>, transpose_lhs_hint = false} : vector<2000x128xbf16>, vector<128x1024xbf16>, vector<2000x1024xf32> -> vector<2000x1024xf32>
    %get3A_7 = arith.constant 0 : index
    %get3A_8 = arith.constant 0 : index
    %get3A_9 = vector.load %arg2[%get3A_7, %get3A_8] : memref<2000x512xf32, #tpu.memory_space<vmem>>, vector<2000x512xf32>
    %convert_element_type3A_10 = arith.truncf %get3A_9 : vector<2000x512xf32> to vector<2000x512xbf16>
    %get3A_11 = arith.constant 0 : index
    %get3A_12 = arith.constant 0 : index
    %get3A_13 = vector.load %arg4[%get3A_11, %get3A_12] : memref<512x1024xf32, #tpu.memory_space<vmem>>, vector<512x1024xf32>
    %convert_element_type3A_14 = arith.truncf %get3A_13 : vector<512x1024xf32> to vector<512x1024xbf16>
    %dot_general3A_15 = arith.constant dense<0.000000e+00> : vector<2000x1024xf32>
    %dot_general3A_16 = tpu.matmul %convert_element_type3A_10, %convert_element_type3A_14, %dot_general3A_15 {dimension_numbers = #tpu.dot_dimension_numbers<[1], [0], [0], [1], [0, 0, 1, 1], [], []>, transpose_lhs_hint = false} : vector<2000x512xbf16>, vector<512x1024xbf16>, vector<2000x1024xf32> -> vector<2000x1024xf32>
    %add3A = arith.addf %dot_general3A_6, %dot_general3A_16 : vector<2000x1024xf32>
    %get3A_17 = arith.constant 0 : index
    %get3A_18 = arith.constant 0 : index
    %get3A_19 = vector.load %arg5[%get3A_17, %get3A_18] : memref<1x1024xf32, #tpu.memory_space<vmem>>, vector<1x1024xf32>
    %add3A_20 = vector.broadcast %get3A_19 : vector<1x1024xf32> to vector<2000x1024xf32>
    %add3A_21 = arith.addf %add3A, %add3A_20 : vector<2000x1024xf32>
    %gt3A = arith.constant 0.000000e+00 : f32
    %gt3A_22 = vector.broadcast %gt3A : f32 to vector<2000x1024xf32>
    %gt3A_23 = arith.cmpf ogt, %add3A_21, %gt3A_22 : vector<2000x1024xf32>
    %mul3A = arith.constant 0.00999999977 : f32
    %mul3A_24 = vector.broadcast %mul3A : f32 to vector<2000x1024xf32>
    %mul3A_25 = arith.mulf %mul3A_24, %add3A_21 : vector<2000x1024xf32>
    %select_n3A = arith.select %gt3A_23, %add3A_21, %mul3A_25 : vector<2000x1024xi1>, vector<2000x1024xf32>
    %convert_element_type3A_26 = arith.truncf %select_n3A : vector<2000x1024xf32> to vector<2000x1024xbf16>
    %get3A_27 = arith.constant 0 : index
    %get3A_28 = arith.constant 0 : index
    %get3A_29 = vector.load %arg6[%get3A_27, %get3A_28] : memref<1024x128xf32, #tpu.memory_space<vmem>>, vector<1024x128xf32>
    %convert_element_type3A_30 = arith.truncf %get3A_29 : vector<1024x128xf32> to vector<1024x128xbf16>
    %dot_general3A_31 = arith.constant dense<0.000000e+00> : vector<2000x128xf32>
    %dot_general3A_32 = tpu.matmul %convert_element_type3A_26, %convert_element_type3A_30, %dot_general3A_31 {dimension_numbers = #tpu.dot_dimension_numbers<[1], [0], [0], [1], [0, 0, 1, 1], [], []>, transpose_lhs_hint = false} : vector<2000x1024xbf16>, vector<1024x128xbf16>, vector<2000x128xf32> -> vector<2000x128xf32>
    %get3A_33 = arith.constant 0 : index
    %get3A_34 = arith.constant 0 : index
    %get3A_35 = vector.load %arg7[%get3A_33, %get3A_34] : memref<1x128xf32, #tpu.memory_space<vmem>>, vector<1x128xf32>
    %add3A_36 = vector.broadcast %get3A_35 : vector<1x128xf32> to vector<2000x128xf32>
    %add3A_37 = arith.addf %dot_general3A_32, %add3A_36 : vector<2000x128xf32>
    %get3A_38 = arith.constant 0 : index
    %get3A_39 = arith.constant 0 : index
    %get3A_40 = vector.load %arg1[%get3A_38, %get3A_39] : memref<2000x128xf32, #tpu.memory_space<vmem>>, vector<2000x128xf32>
    %add3A_41 = arith.addf %add3A_37, %get3A_40 : vector<2000x128xf32>
    %mul3A_42 = arith.constant 5.000000e-01 : f32
    %mul3A_43 = vector.broadcast %mul3A_42 : f32 to vector<2000x128xf32>
    %mul3A_44 = arith.mulf %add3A_41, %mul3A_43 : vector<2000x128xf32>
    %swap3A = arith.constant 0 : index
    %swap3A_45 = arith.constant 0 : index
    %swap3A_46 = vector.load %arg8[%swap3A, %swap3A_45] : memref<2000x128xf32, #tpu.memory_space<vmem>>, vector<2000x128xf32>
    tpu.vector_store %arg8[%swap3A, %swap3A_45], %mul3A_44 {strides = array<i32>} : memref<2000x128xf32, #tpu.memory_space<vmem>>, vector<2000x128xf32>,
    return
  }
  func.func @transform_0(%arg0: i32) -> (i32, i32) {
    %c0_i32 = arith.constant 0 : i32
    %c0_i32_0 = arith.constant 0 : i32
    return %arg0, %c0_i32 : i32, i32
  }
  func.func @transform_1(%arg0: i32) -> (i32, i32) {
    %c0_i32 = arith.constant 0 : i32
    %c0_i32_0 = arith.constant 0 : i32
    return %arg0, %c0_i32 : i32, i32
  }
  func.func @transform_2(%arg0: i32) -> (i32, i32) {
    %c0_i32 = arith.constant 0 : i32
    %c0_i32_0 = arith.constant 0 : i32
    %c0_i32_1 = arith.constant 0 : i32
    return %c0_i32, %c0_i32_0 : i32, i32
  }
  func.func @transform_3(%arg0: i32) -> (i32, i32) {
    %c0_i32 = arith.constant 0 : i32
    %c0_i32_0 = arith.constant 0 : i32
    %c0_i32_1 = arith.constant 0 : i32
    return %c0_i32, %c0_i32_0 : i32, i32
  }
  func.func @transform_4(%arg0: i32) -> (i32, i32) {
    %c0_i32 = arith.constant 0 : i32
    %c0_i32_0 = arith.constant 0 : i32
    %c0_i32_1 = arith.constant 0 : i32
    return %c0_i32, %c0_i32_0 : i32, i32
  }
  func.func @transform_5(%arg0: i32) -> (i32, i32) {
    %c0_i32 = arith.constant 0 : i32
    %c0_i32_0 = arith.constant 0 : i32
    %c0_i32_1 = arith.constant 0 : i32
    return %c0_i32, %c0_i32_0 : i32, i32
  }
  func.func @transform_6(%arg0: i32) -> (i32, i32) {
    %c0_i32 = arith.constant 0 : i32
    %c0_i32_0 = arith.constant 0 : i32
    %c0_i32_1 = arith.constant 0 : i32
    return %c0_i32, %c0_i32_0 : i32, i32
  }
  func.func @transform_7(%arg0: i32) -> (i32, i32) {
    %c0_i32 = arith.constant 0 : i32
    %c0_i32_0 = arith.constant 0 : i32
    return %arg0, %c0_i32 : i32, i32
  }
}

</mosaic_0001>

<sc_bundles>
// kernel: kernel.13.cloned.1.call-start
scs
__scs_entry_jumppad:
0x0: {  	(pc) =	sbr.rel $0x88, $3  }
0x1: {  	(tag) =	ssettag $0x0;
	lr =	simm.s32 $0x1  }
0x2: {  	[smem:$0x3F92] =	sst lr;
	_ =	strace $0xD0000000  }
0x3: {  	_ = 	snop  }
0x4: {  	_ = 	snop  }
0x5: {  	_ = 	snop  }
0x6: {  	_ = 	snop  }
0x7: {  	_ = 	snop  }
__scs_overlays_trampoline_lowered:
0x8: {  	[smem:$0x3FA1] =	sst s0  }
0x9: {  	[smem:$0x3FA2] =	sst s1  }
0xa: {  	[smem:$0x3FA3] =	sst s2  }
0xb: {  	[smem:$0x3FA4] =	sst s3  }
0xc: {  	[smem:$0x3FA5] =	sst s4  }
0xd: {  	[smem:$0x3FA6] =	sst s5  }
0xe: {  	[smem:$0x3FA7] =	sst s6  }
0xf: {  	[smem:$0x3FA8] =	sst s7  }
0x10: {  	[smem:$0x3FA9] =	sst s8  }
0x11: {  	[smem:$0x3FAA] =	sst s9;
	s0 =	simm.s32 @!p0 $0x0  }
0x12: {  	s1 =	sld [smem:$0x3F90];
	s0 =	simm.s32 @p0 $0x1  }
0x13: {  	[smem:$0x3FAB] =	sst s0;
	s0 =	simm.s32 @!p1 $0x0  }
0x14: {  	s2 =	sld [smem:$0x3F8F];
	s0 =	simm.s32 @p1 $0x1  }
0x15: {  	[smem:$0x3FAC] =	sst s0;
	s0 =	simm.s32 @!p2 $0x0  }
0x16: {  	s3 =	sld [smem:$0x3FDB];
	s0 =	simm.s32 @p2 $0x1  }
0x17: {  	s4 =	simm.s32 $0x1BF5;
	[smem:$0x3FAE] =	sst s0  }
0x18: {  	s0 =	sld [smem:$0x3F91];
	_ =	swait.ge [sflag:s4], $0x0  }
0x19: {  	s7 =	sld [smem:$0x3F92]  }
0x1a: {  	s8 =	sadd.s32 $0xFFFFE003, lr  }
0x1b: {  	s9 =	sadd.s32 $0xFFFFFEF7, lr;
	s5 =	simm.s32 $0xFFFFFFFF;
	p2 =	slt.u32 s8, $0xFFFFF086  }
0x1c: {  	p1 =	slt.u32 s9, $0xF7A;
	s5 =	simm.s32 @!p2 $0x0  }
0x1d: {  	s5 =	simm.s32 @p1 $0x1;
	p0 =	seq.s32 s7, s2  }
0x1e: {  	s7 =	smul.u32 @!p0 $0xF7A, s2;
	p2 =	seq.s32 @!p0 s5, $0x0  }
0x1f: {  	s9 =	smul.u32 $0xF7A, s1;
	s8 =	simm.s32 @!p0 $0x1BF5;
	p2 =	por !p2, p0  }
0x20: {  	[sflag:s8] =	ssyncset.s32 @!p0 $0xFFFFF086;
	s6 =	sadd.s32 @!p0 s3, s7;
	s7 =	simm.s32 @!p0 $0x108  }
0x21: {  	s3 =	sadd.s32 s3, s9;
	s6 =	sadd.s32 @!p0 $0x88, s6;
	s7 =	simm.s32 @p2 $0x1082  }
0x22: {  	[simem:s7], [sflag:s8] =	dma.local @!p0 [hbm:s6], $0xF7A  }
0x23: {  	s9 =	sor.u32 $0xD0000000, s2;
	s6 =	simm.s32 $0x108;
	_ =	swait.ge @!p0 [sflag:s8], $0x0  }
0x24: {  	s3 =	sadd.s32 $0x88, s3;
	s6 =	simm.s32 @!p1 $0x1082;
	[sflag:s4] =	ssyncset.s32 $0xFFFFF086  }
0x25: {  	[simem:s6], [sflag:s4] =	dma.local [hbm:s3], $0xF7A  }
0x26: {  	[smem:$0x3F92] =	sst s1;
	(tag) =	ssettag s2;
	_ =	strace s9  }
0x27: {  	s1 =	sld [smem:$0x3FA2]  }
0x28: {  	s2 =	sld [smem:$0x3FA3]  }
0x29: {  	s4 =	sld [smem:$0x3FA5]  }
0x2a: {  	p0 =	seq.s32 s5, $0x0;
	s5 =	sld [smem:$0x3FA6]  }
0x2b: {  	s6 =	sld [smem:$0x3FA7]  }
0x2c: {  	s7 =	sld [smem:$0x3FA8]  }
0x2d: {  	s3 =	simm.s32 $0x108;
	s8 =	sld [smem:$0x3FA9]  }
0x2e: {  	s3 =	simm.s32 @!p0 $0x1082;
	s9 =	sld [smem:$0x3FAA]  }
0x2f: {  	lr =	sadd.s32 s0, s3;
	s0 =	sld [smem:$0x3FA1]  }
0x30: {  	s3 =	sld [smem:$0x3FA4]  }
0x31: {  	[smem:$0x3FAD] =	sst s10  }
0x32: {  	s10 =	sld [smem:$0x3FAB];
	_ =	sdelay $0x3  }
0x33: {  	p0 =	seq.s32 s10, $0x1;
	s10 =	sld [smem:$0x3FAD];
	_ =	sdelay $0x3  }
0x34: {  	[smem:$0x3FAD] =	sst s10  }
0x35: {  	s10 =	sld [smem:$0x3FAC];
	_ =	sdelay $0x3  }
0x36: {  	p1 =	seq.s32 s10, $0x1;
	s10 =	sld [smem:$0x3FAD];
	_ =	sdelay $0x3  }
0x37: {  	[smem:$0x3FAD] =	sst s10  }
0x38: {  	s10 =	sld [smem:$0x3FAE]  }
0x39: {  	_ = 	snop;
	(pc) =	sbr.ind lr, $3  }
0x3a: {  	_ = 	snop  }
0x3b: {  	_ = 	snop  }
0x3c: {  	p2 =	seq.s32 s10, $0x1;
	s10 =	sld [smem:$0x3FAD]  }
0x3d: {  	_ =	shalt  }
0x3e: {  	_ =	shalt  }
0x3f: {  	_ =	shalt  }
0x40: {  	_ =	shalt  }
0x41: {  	_ =	shalt  }
0x42: {  	_ =	shalt  }
0x43: {  	_ =	shalt  }
0x44: {  	_ =	shalt  }
0x45: {  	_ =	shalt  }
0x46: {  	_ =	shalt  }
0x47: {  	_ =	shalt  }
0x48: {  	_ =	shalt  }
0x49: {  	_ =	shalt  }
0x4a: {  	_ =	shalt  }
0x4b: {  	_ =	shalt  }
0x4c: {  	_ =	shalt  }
0x4d: {  	_ =	shalt  }
0x4e: {  	_ =	shalt  }
0x4f: {  	_ =	shalt  }
0x50: {  	_ =	shalt  }
0x51: {  	_ =	shalt  }
0x52: {  	_ =	shalt  }
0x53: {  	_ =	shalt  }
0x54: {  	_ =	shalt  }
0x55: {  	_ =	shalt  }
0x56: {  	_ =	shalt  }
0x57: {  	_ =	shalt  }
0x58: {  	_ =	shalt  }
0x59: {  	_ =	shalt  }
0x5a: {  	_ =	shalt  }
0x5b: {  	_ =	shalt  }
0x5c: {  	_ =	shalt  }
0x5d: {  	_ =	shalt  }
0x5e: {  	_ =	shalt  }
0x5f: {  	_ =	shalt  }
0x60: {  	_ =	shalt  }
0x61: {  	_ =	shalt  }
0x62: {  	_ =	shalt  }
0x63: {  	_ =	shalt  }
0x64: {  	_ =	shalt  }
0x65: {  	_ =	shalt  }
0x66: {  	_ =	shalt  }
0x67: {  	_ =	shalt  }
0x68: {  	_ =	shalt  }
0x69: {  	_ =	shalt  }
0x6a: {  	_ =	shalt  }
0x6b: {  	_ =	shalt  }
0x6c: {  	_ =	shalt  }
0x6d: {  	_ =	shalt  }
0x6e: {  	_ =	shalt  }
0x6f: {  	_ =	shalt  }
0x70: {  	_ =	shalt  }
0x71: {  	_ =	shalt  }
0x72: {  	_ =	shalt  }
0x73: {  	_ =	shalt  }
0x74: {  	_ =	shalt  }
0x75: {  	_ =	shalt  }
0x76: {  	_ =	shalt  }
0x77: {  	_ =	shalt  }
0x78: {  	_ =	shalt  }
0x79: {  	_ =	shalt  }
0x7a: {  	_ =	shalt  }
0x7b: {  	_ =	shalt  }
0x7c: {  	_ =	shalt  }
0x7d: {  	_ =	shalt  }
0x7e: {  	_ =	shalt  }
0x7f: {  	_ =	shalt  }
0x80: {  	_ =	shalt  }
0x81: {  	_ =	shalt  }
0x82: {  	_ =	shalt  }
0x83: {  	_ =	shalt  }
0x84: {  	_ =	shalt  }
0x85: {  	_ =	shalt  }
0x86: {  	_ =	shalt  }
0x87: {  	_ =	shalt  }
.Lfunc_end0:
.L_simem_size_0:
called_computation_lowered:
.L_overlay_start_0:
0x88: {  	s2 =	sld [smem:$0x3FD9]  }
0x89: {  	s3 =	sld [smem:$0x3FFE];
	_ =	sdelay $0x1  }
0x8a: {  	s1 =	srdreg.scid  }
0x8b: {  	s0 =	sand.u32 $0x1, s1  }
0x8c: {  	s17 =	sshll.u32 s0, $0xA;
	s2 =	sadd.s32 s3, s2  }
0x8d: {  	s2 =	sadd.s32 s2, s17  }
0x8e: {  	[smem:$0x3FB9] =	sst s2  }
0x8f: {  	_ = 	snop  }
0x90: {  	s2 =	sld [smem:$0x3FC9];
	(tm) =	ssettm $0x1  }
0x91: {  	s18 =	sld [smem:$0x3FFB];
	_ =	sdelay $0x3  }
0x92: {  	_ =	strace s18  }
0x93: {  	s3 =	sld [smem:$0x3FFC];
	_ =	sdelay $0x3  }
0x94: {  	_ =	strace s3  }
0x95: {  	s3 =	sld [smem:$0x3FFD];
	_ =	sdelay $0x3  }
0x96: {  	_ =	strace s3  }
0x97: {  	_ =	strace $0x8FFFFFFF  }
0x98: {  	s19 =	sld [smem:$0x3FDB];
	_ =	sdelay $0x1  }
0x99: {  	s4 =	simm.s32 $_scs_section_size  }
0x9a: {  	s5 =	simm.s32 $_size__tile_overlayer_lowered;
	s6 =	simm.s32 $_tile_overlayer_lowered  }
0x9b: {  	s22 =	simm.s32 $0x1BFF;
	s21 =	sshll.u32 s6, $0x1;
	s3 =	sadd.s32 s4, s19  }
0x9c: {  	s7 =	simm.s32 $0x0;
	s20 =	sshll.u32 s5, $0x1;
	s5 =	sadd.s32 s21, s3  }
0x9d: {  	[timem:s7], [sflag:s22] =	dma.local [hbm:s5], s20  }
0x9e: {  	_ =	swait.ge [sflag:s22], s20  }
0x9f: {  	s4 =	ssub.s32 $0x0, s20;
	[sflag:s22] =	ssyncset.done $0x0  }
0xa0: {  	[sflag:s22] =	ssyncadd.s32 s4;
	_ =	sdelay $0x1  }
0xa1: {  	s23 =	simm.s32 $0x1B8B  }
0xa2: {  	_ =	swait.ge [sflag:s23], $0x1  }
0xa3: {  	[sflag:s23] =	ssyncset.done $0x0  }
0xa4: {  	s25 =	simm.s32 $0x1B8E;
	s24 =	sld [smem:$0x3FFE];
	[sflag:s23] =	ssyncadd.s32 $0xFFFFFFFF  }
0xa5: {  	s26 =	simm.s32 $execute0_lowered;
	[smem:$0x3FD2] =	sst s25  }
0xa6: {  	s5 =	sshll.u32 s26, $0x1;
	_ =	strace $0x80000046;
	[dreg:$0x1] =	wrdreg $0xFFFFFFFF  }
0xa7: {  	s28 =	simm.s32 $_size_execute0_lowered;
	s3 =	sadd.s32 s3, s5;
	[dreg:$0x0] =	wrdreg $0x0  }
0xa8: {  	s5 =	sshll.u32 s28, $0x1;
	[dreg:$0x2] =	wrdreg s3  }
0xa9: {  	[dreg:$0x3] =	wrdreg s5  }
0xaa: {  	[dreg:$0x4] =	wrdreg $0xC0  }
0xab: {  	_ =	task [dreg:s7], $0x5FFFF  }
0xac: {  	[dreg:$0x1] =	wrdreg $0xFFFFFFFF  }
0xad: {  	[dreg:$0x0] =	wrdreg $0x60  }
0xae: {  	[dreg:$0x2] =	wrdreg s2  }
0xaf: {  	[dreg:$0x3] =	wrdreg s24  }
0xb0: {  	[dreg:$0x4] =	wrdreg $0x0  }
0xb1: {  	[dreg:$0x5] =	wrdreg $0xA  }
0xb2: {  	_ =	task.clear_ibuf [dreg:s7], $0x6FFFF;
	_ =	strace $0x90000046  }
0xb3: {  	s29 =	simm.s32 $0xA;
	_ =	strace $0x80000048  }
0xb4: {  	_ =	swait.ge [sflag:s29], $0x1  }
0xb5: {  	[sflag:s29] =	ssyncadd.s32 $0xFFFFFFFF  }
0xb6: {  	_ =	strace $0x90000048  }
0xb7: {  	_ =	sfence  }
0xb8: {  	s30 =	sld [smem:$0x0];
	_ =	sdelay $0x2  }
0xb9: {  	s31 =	sshll.u32 s1, $0xD;
	s1 =	sshrl.u32 s1, $0x2  }
0xba: {  	s3 =	sand.u32 $0x4000, s31;
	s1 =	sadd.s32 s1, s30  }
0xbb: {  	s0 =	sor.u32 s3, s0;
	s1 =	sshll.u32 s1, $0x11  }
0xbc: {  	s0 =	sor.u32 s1, s0  }
0xbd: {  	s0 =	sadd.s32 $0x8F2B, s0  }
0xbe: {  	[sflag:s0] =	ssyncadd.remote.s32 $0x1  }
0xbf: {  	_ =	sfence.sel $0xFFFF  }
0xc0: {  	[dreg:$0x0] =	wrdreg $0xFFFFFFFF;
	(pc) =	sbr.abs _section_cstart, $3  }
0xc1: {  	[dreg:$0x1] =	wrdreg $0xFFFFFFFF  }
0xc2: {  	_ =	task.clear_ibuf [dreg:s7], $0x2FFFF;
	_ =	strace $0x9FFFFFFF  }
0xc3: {  	(tm) =	ssettm $0x7FFFFFFF  }
tec
execute0_lowered:
.L_overlay_start_1:
0x0: {  	(tag) =	ssettag $0x1  }
0x1: {  	s0 =	rddreg [dreg:$0x0]  }
0x2: {  	s3 =	rddreg [dreg:$0x1]  }
0x3: {  	s1 =	rddreg [dreg:$0x2]  }
0x4: {  	s2 =	simm.s32 $0x0;
	s5 =	srdreg.scid;
	s18 =	stileid.u32  }
0x5: {  	s28 =	simm.s32 $0x2;
	s29 =	simm.s32 $0x16180;
	s30 =	simm.s32 $0x4  }
0x6: {  	s31 =	simm.s32 $0x5;
	[smem:$0x7FF] =	sst s2;
	s8 =	smul.u32 $0x4E000, s18  }
0x7: {  	s4 =	sadd.s32 $0x5C00, s3;
	s3 =	sadd.s32 $0x7600, s3;
	s10 =	smul.u32 $0x2700, s18  }
0x8: {  	s6 =	sand.u32 $0x1, s5;
	s7 =	sshll.u32 s18, $0x1;
	s12 =	smul.u32 $0xC800, s18  }
0x9: {  	s25 =	sshll.u32 s18, $0x6;
	s20 =	sadd.s32 $0x138000, s1;
	s15 =	smul.u32 $0xC80, s18  }
0xa: {  	p0 =	sne.s32 s18, $0xF;
	_ =	strace $0x80000047;
	s13 =	smul.u32 $0x6400, s6  }
0xb: {  	s5 =	ssub.s32 $0x2, s6;
	s7 =	sor.u32 s6, s7;
	s6 =	smul.u32 $0x640, s6  }
0xc: {  	s20 =	sshrl.u32 @!p0 s20, $0x3;
	s9 =	sshrl.u32 s5, $0x1;
	s11 =	smul.u32 $0x640, s7  }
0xd: {  	s23 =	sshrl.u32 s8, $0x2;
	s24 =	sadd.s32 s0, s10;
	s26 =	smul.u32 $0x6400, s7  }
0xe: {  	s0 =	sadd.s32 $0x27000, s0;
	s9 =	ssub.s32 s5, s9;
	[dreg:$0x4] =	wrdreg s24  }
0xf: {  	s14 =	sadd.s32 s23, s1;
	s5 =	sor.u32 $0x1C06, s25;
	[dreg:$0x5] =	wrdreg s0  }
0x10: {  	s24 =	sadd.s32 s6, s15;
	s16 =	sshrl.u32 s11, $0x3;
	s17 =	sadd.s32 $0x50, s11  }
0x11: {  	s19 =	smax.u32 s9, $0x1;
	s10 =	sadd.s32 s3, s26;
	s25 =	sadd.s32 $0x190, s24  }
0x12: {  	s15 =	sadd.s32 $0x140, s24;
	s18 =	sshrl.u32 s14, $0x3;
	s7 =	sadd.s32 s4, s16  }
0x13: {  	[dreg:$0x6] =	wrdreg s19;
	s21 =	sshrl.u32 s17, $0x3;
	s0 =	sshll.u32 s17, $0x4  }
0x14: {  	s16 =	sadd.s32 s12, s3;
	s26 =	sshrl.u32 s15, $0x3;
	s19 =	simm.s32 $0x6  }
0x15: {  	s22 =	sadd.s32 s4, s21;
	s11 =	sadd.s32 $0x14, s7;
	s12 =	sadd.s32 s3, s0  }
0x16: {  	s23 =	sadd.s32 s13, s16;
	s13 =	sadd.s32 $0x5A00, s10;
	s0 =	sshrl.u32 s25, $0x3  }
0x17: {  	s3 =	sadd.s32 $0xF0, s24;
	s16 =	sadd.s32 s26, s4;
	s21 =	simm.s32 $0x13880  }
0x18: {  	s24 =	simm.s32 $0x50;
	s25 =	simm.s32 $0x13980;
	s26 =	simm.s32 $0x3  }
0x19: {  	[dreg:$0x7] =	wrdreg s22;
	s6 =	sadd.s32 $0xF00, s23;
	s0 =	sadd.s32 s0, s4  }
0x1a: {  	s3 =	sshrl.u32 s3, $0x3;
	s22 =	simm.s32 $0x13900;
	s23 =	simm.s32 $0x1  }
0x1b: {  	s15 =	sadd.s32 $0xFFFFFFEC, s0;
	s17 =	sadd.s32 s3, s4;
	s0 =	simm.s32 $0x0  }
.LBB2_1:
0x1c: {  	s3 =	rddreg [dreg:$0x4]  }
0x1d: {  	[spmem:s18], [sflag:s5] =	dma.local [hbm:s3], $0x2700  }
0x1e: {  	_ =	swait.ge [sflag:s19], $0x2700  }
0x1f: {  	[sflag:s19] =	ssyncset.done $0x0  }
0x20: {  	s3 =	rddreg [dreg:$0x5];
	[sflag:s19] =	ssyncadd.s32 $0xFFFFD900  }
0x21: {  	[spmem:s20], [sflag:s5] =	dma.local @!p0 [hbm:s3], $0x100  }
0x22: {  	s3 =	simm.s32 @!p0 $0x6  }
0x23: {  	_ =	swait.ge @!p0 [sflag:s3], $0x100  }
0x24: {  	[sflag:s3] =	ssyncset.done @!p0 $0x0  }
0x25: {  	[sflag:s3] =	ssyncadd.s32 @!p0 $0xFFFFFF00  }
0x26: {  	[bflag:$0x0] =	sbarrier.arrive $0xFFFF  }
0x27: {  	[tilespmem:s21], [sflag:$0x1] =	stream.linear.gather [hbm4b:s7+s2], $0x50, $0x38;
	[tilespmem:$0x18980] =	vst v63  }
0x28: {  	s4 =	rddreg [dreg:$0x7]  }
0x29: {  	[tilespmem:s22], [sflag:$0x2] =	stream.linear.gather [hbm4b:s4+s2], $0x50, $0x38;
	[tilespmem:$0x18980] =	vst v63  }
0x2a: {  	_ =	swait.ge [sflag:s23], $0x50  }
0x2b: {  	[sflag:s23] =	ssyncset.done $0x0  }
0x2c: {  	[sflag:s23] =	ssyncadd.s32 $0xFFFFFFB0  }
0x2d: {  	[tilespmem:s25], [sflag:$0x3] =	stream.indirect.gather [spmem:s1], $0x80, s21, s24, $0xb8;
	[tilespmem:$0x18980] =	vst v63  }
0x2e: {  	_ =	swait.ge [sflag:s26], $0x2800  }
0x2f: {  	[sflag:s26] =	ssyncset.done $0x0  }
0x30: {  	[sflag:s26] =	ssyncadd.s32 $0xFFFFD800  }
0x31: {  	[hbm4b:s10+s2] =	stream.linear.scatter [tilespmem:s25], [sflag:$0x4], $0x2800, $0x38;
	[tilespmem:$0x18980] =	vst v63  }
0x32: {  	_ = 	snop  }
0x33: {  	[tilespmem:s21], [sflag:$0x1] =	stream.linear.gather [hbm4b:s11+s2], $0x50, $0x38;
	[tilespmem:$0x18980] =	vst v63  }
0x34: {  	_ =	swait.ge [sflag:s28], $0x50  }
0x35: {  	[sflag:s28] =	ssyncset.done $0x0  }
0x36: {  	[sflag:s28] =	ssyncadd.s32 $0xFFFFFFB0  }
0x37: {  	[tilespmem:s29], [sflag:$0x3] =	stream.indirect.gather [spmem:s1], $0x80, s22, s24, $0xb8;
	[tilespmem:$0x18980] =	vst v63  }
0x38: {  	_ =	swait.ge [sflag:s26], $0x2800  }
0x39: {  	[sflag:s26] =	ssyncset.done $0x0  }
0x3a: {  	[sflag:s26] =	ssyncadd.s32 $0xFFFFD800  }
0x3b: {  	[hbm4b:s12+s2] =	stream.linear.scatter [tilespmem:s29], [sflag:$0x5], $0x2800, $0x38;
	[tilespmem:$0x18980] =	vst v63  }
0x3c: {  	s8 =	sadd.s32 $0x0, s17  }
0x3d: {  	[tilespmem:s22], [sflag:$0x2] =	stream.linear.gather [hbm4b:s8+s2], $0x50, $0x38;
	[tilespmem:$0x18980] =	vst v63  }
0x3e: {  	_ =	swait.ge [sflag:s23], $0x50  }
0x3f: {  	[sflag:s23] =	ssyncset.done $0x0  }
0x40: {  	[sflag:s23] =	ssyncadd.s32 $0xFFFFFFB0  }
0x41: {  	_ =	swait.ge [sflag:s30], $0x2800  }
0x42: {  	[sflag:s30] =	ssyncset.done $0x0  }
0x43: {  	[sflag:s30] =	ssyncadd.s32 $0xFFFFD800  }
0x44: {  	[tilespmem:s25], [sflag:$0x3] =	stream.indirect.gather [spmem:s1], $0x80, s21, s24, $0xb8;
	[tilespmem:$0x18980] =	vst v63  }
0x45: {  	_ =	swait.ge [sflag:s26], $0x2800  }
0x46: {  	[sflag:s26] =	ssyncset.done $0x0  }
0x47: {  	s9 =	sadd.s32 $0xFFFFFB00, s6;
	[sflag:s26] =	ssyncadd.s32 $0xFFFFD800  }
0x48: {  	[hbm4b:s9+s2] =	stream.linear.scatter [tilespmem:s25], [sflag:$0x4], $0x2800, $0x38;
	[tilespmem:$0x18980] =	vst v63  }
0x49: {  	s14 =	sadd.s32 $0x0, s16  }
0x4a: {  	[tilespmem:s21], [sflag:$0x1] =	stream.linear.gather [hbm4b:s14+s2], $0x50, $0x38;
	[tilespmem:$0x18980] =	vst v63  }
0x4b: {  	_ =	swait.ge [sflag:s28], $0x50  }
0x4c: {  	[sflag:s28] =	ssyncset.done $0x0  }
0x4d: {  	[sflag:s28] =	ssyncadd.s32 $0xFFFFFFB0  }
0x4e: {  	_ =	swait.ge [sflag:s31], $0x2800  }
0x4f: {  	[sflag:s31] =	ssyncset.done $0x0  }
0x50: {  	[sflag:s31] =	ssyncadd.s32 $0xFFFFD800  }
0x51: {  	[tilespmem:s29], [sflag:$0x3] =	stream.indirect.gather [spmem:s1], $0x80, s22, s24, $0xb8;
	[tilespmem:$0x18980] =	vst v63  }
0x52: {  	_ =	swait.ge [sflag:s26], $0x2800  }
0x53: {  	s3 =	sadd.s32 $0xA00, s6;
	[sflag:s26] =	ssyncset.done $0x0  }
0x54: {  	s4 =	simm.s32 $0x14;
	s14 =	smov.u32 s6;
	[sflag:s26] =	ssyncadd.s32 $0xFFFFD800  }
.LBB2_2:
0x55: {  	[hbm4b:s14+s2] =	stream.linear.scatter [tilespmem:s29], [sflag:$0x5], $0x2800, $0x38;
	[tilespmem:$0x18980] =	vst v63  }
0x56: {  	s14 =	sadd.s32 s4, s17;
	s8 =	smov.u32 s4;
	s4 =	sadd.s32 $0x14, s4  }
0x57: {  	[tilespmem:s22], [sflag:$0x2] =	stream.linear.gather [hbm4b:s14+s2], $0x50, $0x38;
	[tilespmem:$0x18980] =	vst v63  }
0x58: {  	p1 =	sne.s32 s4, $0xA0;
	s14 =	smov.u32 s3;
	_ =	swait.ge [sflag:s23], $0x50  }
0x59: {  	[sflag:s23] =	ssyncset.done $0x0  }
0x5a: {  	[sflag:s23] =	ssyncadd.s32 $0xFFFFFFB0  }
0x5b: {  	_ =	swait.ge [sflag:s30], $0x2800  }
0x5c: {  	[sflag:s30] =	ssyncset.done $0x0  }
0x5d: {  	[sflag:s30] =	ssyncadd.s32 $0xFFFFD800  }
0x5e: {  	[tilespmem:s25], [sflag:$0x3] =	stream.indirect.gather [spmem:s1], $0x80, s21, s24, $0xb8;
	[tilespmem:$0x18980] =	vst v63  }
0x5f: {  	_ =	swait.ge [sflag:s26], $0x2800  }
0x60: {  	[sflag:s26] =	ssyncset.done $0x0  }
0x61: {  	s9 =	sadd.s32 $0xFFFFFB00, s3;
	[sflag:s26] =	ssyncadd.s32 $0xFFFFD800  }
0x62: {  	[hbm4b:s9+s2] =	stream.linear.scatter [tilespmem:s25], [sflag:$0x4], $0x2800, $0x38;
	[tilespmem:$0x18980] =	vst v63  }
0x63: {  	s8 =	sadd.s32 s8, s16  }
0x64: {  	[tilespmem:s21], [sflag:$0x1] =	stream.linear.gather [hbm4b:s8+s2], $0x50, $0x38;
	[tilespmem:$0x18980] =	vst v63  }
0x65: {  	_ =	swait.ge [sflag:s28], $0x50  }
0x66: {  	[sflag:s28] =	ssyncset.done $0x0  }
0x67: {  	[sflag:s28] =	ssyncadd.s32 $0xFFFFFFB0  }
0x68: {  	_ =	swait.ge [sflag:s31], $0x2800  }
0x69: {  	[sflag:s31] =	ssyncset.done $0x0  }
.Ltmp0:
0x6a: {  	[sflag:s31] =	ssyncadd.s32 $0xFFFFD800;
	(pc) =	sbr.rel @p1 .LBB2_2-.Ltmp0, $4  }
0x6b: {  	[tilespmem:s29], [sflag:$0x3] =	stream.indirect.gather [spmem:s1], $0x80, s22, s24, $0xb8;
	[tilespmem:$0x18980] =	vst v63  }
0x6c: {  	_ =	swait.ge [sflag:s26], $0x2800  }
0x6d: {  	[sflag:s26] =	ssyncset.done $0x0  }
0x6e: {  	s3 =	sadd.s32 $0xA00, s3;
	[sflag:s26] =	ssyncadd.s32 $0xFFFFD800  }
0x6f: {  	[hbm4b:s14+s2] =	stream.linear.scatter [tilespmem:s29], [sflag:$0x5], $0x2800, $0x38;
	[tilespmem:$0x18980] =	vst v63  }
0x70: {  	s4 =	sadd.s32 s4, s15  }
0x71: {  	[tilespmem:s22], [sflag:$0x2] =	stream.linear.gather [hbm4b:s4+s2], $0x50, $0x38;
	[tilespmem:$0x18980] =	vst v63  }
0x72: {  	_ =	swait.ge [sflag:s23], $0x50  }
0x73: {  	[sflag:s23] =	ssyncset.done $0x0  }
0x74: {  	[sflag:s23] =	ssyncadd.s32 $0xFFFFFFB0  }
0x75: {  	_ =	swait.ge [sflag:s30], $0x2800  }
0x76: {  	[sflag:s30] =	ssyncset.done $0x0  }
0x77: {  	[sflag:s30] =	ssyncadd.s32 $0xFFFFD800  }
0x78: {  	[tilespmem:s25], [sflag:$0x3] =	stream.indirect.gather [spmem:s1], $0x80, s21, s24, $0xb8;
	[tilespmem:$0x18980] =	vst v63  }
0x79: {  	_ =	swait.ge [sflag:s26], $0x2800  }
0x7a: {  	[sflag:s26] =	ssyncset.done $0x0  }
0x7b: {  	[sflag:s26] =	ssyncadd.s32 $0xFFFFD800  }
0x7c: {  	[hbm4b:s13+s2] =	stream.linear.scatter [tilespmem:s25], [sflag:$0x4], $0x2800, $0x38;
	[tilespmem:$0x18980] =	vst v63  }
0x7d: {  	_ =	swait.ge [sflag:s28], $0x50  }
0x7e: {  	[sflag:s28] =	ssyncset.done $0x0  }
0x7f: {  	[sflag:s28] =	ssyncadd.s32 $0xFFFFFFB0  }
0x80: {  	_ =	swait.ge [sflag:s31], $0x2800  }
0x81: {  	[sflag:s31] =	ssyncset.done $0x0  }
0x82: {  	[sflag:s31] =	ssyncadd.s32 $0xFFFFD800  }
0x83: {  	[tilespmem:s29], [sflag:$0x3] =	stream.indirect.gather [spmem:s1], $0x80, s22, s24, $0xb8;
	[tilespmem:$0x18980] =	vst v63  }
0x84: {  	_ =	swait.ge [sflag:s26], $0x2800  }
0x85: {  	[sflag:s26] =	ssyncset.done $0x0  }
0x86: {  	[sflag:s26] =	ssyncadd.s32 $0xFFFFD800  }
0x87: {  	[hbm4b:s3+s2] =	stream.linear.scatter [tilespmem:s29], [sflag:$0x5], $0x2800, $0x38;
	[tilespmem:$0x18980] =	vst v63  }
0x88: {  	_ =	swait.ge [sflag:s30], $0x2800  }
0x89: {  	[sflag:s30] =	ssyncset.done $0x0  }
0x8a: {  	[sflag:s30] =	ssyncadd.s32 $0xFFFFD800  }
0x8b: {  	_ =	swait.ge [sflag:s31], $0x2800  }
0x8c: {  	s0 =	sadd.s32 $0x1, s0;
	s14 =	rddreg [dreg:$0x6]  }
0x8d: {  	p1 =	sne.s32 s0, s14  }
.Ltmp1:
0x8e: {  	_ = 	snop;
	(pc) =	sbr.rel @p1 .LBB2_1-.Ltmp1, $3  }
0x8f: {  	_ =	sdelay $0x1  }
0x90: {  	[sflag:s31] =	ssyncset.done $0x0  }
0x91: {  	[sflag:s31] =	ssyncadd.s32 $0xFFFFD800  }
0x92: {  	_ =	sfence.sel $0x180000  }
0x93: {  	[bflag:$0x0] =	sbarrier.arrive $0xFFFF  }
0x94: {  	_ =	strace $0x90000047  }
0x95: {  	s0 =	stileid.u32;
	[bflag:$0x2] =	sbarrier.arrive $0xFFFF  }
0x96: {  	p0 =	sne.s32 s0, $0x0;
	s0 =	rddreg [dreg:$0x3]  }
0x97: {  	s0 =	sadd.s32 @!p0 $0x100000, s0  }
0x98: {  	[sflag:s0] =	ssyncadd.tile.s32 @!p0 $0x1;
	_ =	shalt  }
.Lfunc_end2:
_tile_overlayer_lowered:
.L_overlay_start_2:
0x99: {  	(tag) =	ssettag $0x2  }
0x9a: {  	s0 =	rddreg [dreg:$0x0];
	s2 =	stileid.u32  }
0x9b: {  	s1 =	rddreg [dreg:$0x1];
	p0 =	sne.s32 s2, $0x0  }
0x9c: {  	s3 =	rddreg [dreg:$0x2];
	[bflag:$0x3] =	sbarrier.arrive $0xFFFF;
	s2 =	simm.s32 @!p0 $0x1C06  }
0x9d: {  	[timem:s3], [sflag:s2] =	dma.local @!p0 [hbm:s0], s1  }
0x9e: {  	s0 =	simm.s32 @!p0 $0x6  }
0x9f: {  	_ =	swait.ge @!p0 [sflag:s0], s1  }
0xa0: {  	s1 =	ssub.s32 @!p0 $0x0, s1;
	[sflag:s0] =	ssyncset.done @!p0 $0x0  }
0xa1: {  	[sflag:s0] =	ssyncadd.s32 @!p0 s1  }
0xa2: {  	[bflag:$0x3] =	sbarrier.arrive $0xFFFF  }
0xa3: {  	_ =	shalt  }

// kernel: kernel.16.cloned.1.call-start
scs
__scs_entry_jumppad:
0x0: {  	(pc) =	sbr.rel $0x88, $3  }
0x1: {  	(tag) =	ssettag $0x0;
	lr =	simm.s32 $0x1  }
0x2: {  	[smem:$0x3F92] =	sst lr;
	_ =	strace $0xD0000000  }
0x3: {  	_ = 	snop  }
0x4: {  	_ = 	snop  }
0x5: {  	_ = 	snop  }
0x6: {  	_ = 	snop  }
0x7: {  	_ = 	snop  }
__scs_overlays_trampoline_lowered:
0x8: {  	[smem:$0x3FA1] =	sst s0  }
0x9: {  	[smem:$0x3FA2] =	sst s1  }
0xa: {  	[smem:$0x3FA3] =	sst s2  }
0xb: {  	[smem:$0x3FA4] =	sst s3  }
0xc: {  	[smem:$0x3FA5] =	sst s4  }
0xd: {  	[smem:$0x3FA6] =	sst s5  }
0xe: {  	[smem:$0x3FA7] =	sst s6  }
0xf: {  	[smem:$0x3FA8] =	sst s7  }
0x10: {  	[smem:$0x3FA9] =	sst s8  }
0x11: {  	[smem:$0x3FAA] =	sst s9;
	s0 =	simm.s32 @!p0 $0x0  }
0x12: {  	s1 =	sld [smem:$0x3F90];
	s0 =	simm.s32 @p0 $0x1  }
0x13: {  	[smem:$0x3FAB] =	sst s0;
	s0 =	simm.s32 @!p1 $0x0  }
0x14: {  	s2 =	sld [smem:$0x3F8F];
	s0 =	simm.s32 @p1 $0x1  }
0x15: {  	[smem:$0x3FAC] =	sst s0;
	s0 =	simm.s32 @!p2 $0x0  }
0x16: {  	s3 =	sld [smem:$0x3FDB];
	s0 =	simm.s32 @p2 $0x1  }
0x17: {  	s4 =	simm.s32 $0x1BF5;
	[smem:$0x3FAE] =	sst s0  }
0x18: {  	s0 =	sld [smem:$0x3F91];
	_ =	swait.ge [sflag:s4], $0x0  }
0x19: {  	s7 =	sld [smem:$0x3F92]  }
0x1a: {  	s8 =	sadd.s32 $0xFFFFE003, lr  }
0x1b: {  	s9 =	sadd.s32 $0xFFFFFEF7, lr;
	s5 =	simm.s32 $0xFFFFFFFF;
	p2 =	slt.u32 s8, $0xFFFFF086  }
0x1c: {  	p1 =	slt.u32 s9, $0xF7A;
	s5 =	simm.s32 @!p2 $0x0  }
0x1d: {  	s5 =	simm.s32 @p1 $0x1;
	p0 =	seq.s32 s7, s2  }
0x1e: {  	s7 =	smul.u32 @!p0 $0xF7A, s2;
	p2 =	seq.s32 @!p0 s5, $0x0  }
0x1f: {  	s9 =	smul.u32 $0xF7A, s1;
	s8 =	simm.s32 @!p0 $0x1BF5;
	p2 =	por !p2, p0  }
0x20: {  	[sflag:s8] =	ssyncset.s32 @!p0 $0xFFFFF086;
	s6 =	sadd.s32 @!p0 s3, s7;
	s7 =	simm.s32 @!p0 $0x108  }
0x21: {  	s3 =	sadd.s32 s3, s9;
	s6 =	sadd.s32 @!p0 $0x88, s6;
	s7 =	simm.s32 @p2 $0x1082  }
0x22: {  	[simem:s7], [sflag:s8] =	dma.local @!p0 [hbm:s6], $0xF7A  }
0x23: {  	s9 =	sor.u32 $0xD0000000, s2;
	s6 =	simm.s32 $0x108;
	_ =	swait.ge @!p0 [sflag:s8], $0x0  }
0x24: {  	s3 =	sadd.s32 $0x88, s3;
	s6 =	simm.s32 @!p1 $0x1082;
	[sflag:s4] =	ssyncset.s32 $0xFFFFF086  }
0x25: {  	[simem:s6], [sflag:s4] =	dma.local [hbm:s3], $0xF7A  }
0x26: {  	[smem:$0x3F92] =	sst s1;
	(tag) =	ssettag s2;
	_ =	strace s9  }
0x27: {  	s1 =	sld [smem:$0x3FA2]  }
0x28: {  	s2 =	sld [smem:$0x3FA3]  }
0x29: {  	s4 =	sld [smem:$0x3FA5]  }
0x2a: {  	p0 =	seq.s32 s5, $0x0;
	s5 =	sld [smem:$0x3FA6]  }
0x2b: {  	s6 =	sld [smem:$0x3FA7]  }
0x2c: {  	s7 =	sld [smem:$0x3FA8]  }
0x2d: {  	s3 =	simm.s32 $0x108;
	s8 =	sld [smem:$0x3FA9]  }
0x2e: {  	s3 =	simm.s32 @!p0 $0x1082;
	s9 =	sld [smem:$0x3FAA]  }
0x2f: {  	lr =	sadd.s32 s0, s3;
	s0 =	sld [smem:$0x3FA1]  }
0x30: {  	s3 =	sld [smem:$0x3FA4]  }
0x31: {  	[smem:$0x3FAD] =	sst s10  }
0x32: {  	s10 =	sld [smem:$0x3FAB];
	_ =	sdelay $0x3  }
0x33: {  	p0 =	seq.s32 s10, $0x1;
	s10 =	sld [smem:$0x3FAD];
	_ =	sdelay $0x3  }
0x34: {  	[smem:$0x3FAD] =	sst s10  }
0x35: {  	s10 =	sld [smem:$0x3FAC];
	_ =	sdelay $0x3  }
0x36: {  	p1 =	seq.s32 s10, $0x1;
	s10 =	sld [smem:$0x3FAD];
	_ =	sdelay $0x3  }
0x37: {  	[smem:$0x3FAD] =	sst s10  }
0x38: {  	s10 =	sld [smem:$0x3FAE]  }
0x39: {  	_ = 	snop;
	(pc) =	sbr.ind lr, $3  }
0x3a: {  	_ = 	snop  }
0x3b: {  	_ = 	snop  }
0x3c: {  	p2 =	seq.s32 s10, $0x1;
	s10 =	sld [smem:$0x3FAD]  }
0x3d: {  	_ =	shalt  }
0x3e: {  	_ =	shalt  }
0x3f: {  	_ =	shalt  }
0x40: {  	_ =	shalt  }
0x41: {  	_ =	shalt  }
0x42: {  	_ =	shalt  }
0x43: {  	_ =	shalt  }
0x44: {  	_ =	shalt  }
0x45: {  	_ =	shalt  }
0x46: {  	_ =	shalt  }
0x47: {  	_ =	shalt  }
0x48: {  	_ =	shalt  }
0x49: {  	_ =	shalt  }
0x4a: {  	_ =	shalt  }
0x4b: {  	_ =	shalt  }
0x4c: {  	_ =	shalt  }
0x4d: {  	_ =	shalt  }
0x4e: {  	_ =	shalt  }
0x4f: {  	_ =	shalt  }
0x50: {  	_ =	shalt  }
0x51: {  	_ =	shalt  }
0x52: {  	_ =	shalt  }
0x53: {  	_ =	shalt  }
0x54: {  	_ =	shalt  }
0x55: {  	_ =	shalt  }
0x56: {  	_ =	shalt  }
0x57: {  	_ =	shalt  }
0x58: {  	_ =	shalt  }
0x59: {  	_ =	shalt  }
0x5a: {  	_ =	shalt  }
0x5b: {  	_ =	shalt  }
0x5c: {  	_ =	shalt  }
0x5d: {  	_ =	shalt  }
0x5e: {  	_ =	shalt  }
0x5f: {  	_ =	shalt  }
0x60: {  	_ =	shalt  }
0x61: {  	_ =	shalt  }
0x62: {  	_ =	shalt  }
0x63: {  	_ =	shalt  }
0x64: {  	_ =	shalt  }
0x65: {  	_ =	shalt  }
0x66: {  	_ =	shalt  }
0x67: {  	_ =	shalt  }
0x68: {  	_ =	shalt  }
0x69: {  	_ =	shalt  }
0x6a: {  	_ =	shalt  }
0x6b: {  	_ =	shalt  }
0x6c: {  	_ =	shalt  }
0x6d: {  	_ =	shalt  }
0x6e: {  	_ =	shalt  }
0x6f: {  	_ =	shalt  }
0x70: {  	_ =	shalt  }
0x71: {  	_ =	shalt  }
0x72: {  	_ =	shalt  }
0x73: {  	_ =	shalt  }
0x74: {  	_ =	shalt  }
0x75: {  	_ =	shalt  }
0x76: {  	_ =	shalt  }
0x77: {  	_ =	shalt  }
0x78: {  	_ =	shalt  }
0x79: {  	_ =	shalt  }
0x7a: {  	_ =	shalt  }
0x7b: {  	_ =	shalt  }
0x7c: {  	_ =	shalt  }
0x7d: {  	_ =	shalt  }
0x7e: {  	_ =	shalt  }
0x7f: {  	_ =	shalt  }
0x80: {  	_ =	shalt  }
0x81: {  	_ =	shalt  }
0x82: {  	_ =	shalt  }
0x83: {  	_ =	shalt  }
0x84: {  	_ =	shalt  }
0x85: {  	_ =	shalt  }
0x86: {  	_ =	shalt  }
0x87: {  	_ =	shalt  }
.Lfunc_end0:
.L_simem_size_0:
called_computation.1_lowered:
.L_overlay_start_0:
0x88: {  	s2 =	sld [smem:$0x3FD9]  }
0x89: {  	s3 =	sld [smem:$0x3FFE];
	_ =	sdelay $0x1  }
0x8a: {  	s1 =	srdreg.scid  }
0x8b: {  	s0 =	sand.u32 $0x1, s1  }
0x8c: {  	s17 =	sshll.u32 s0, $0xA;
	s2 =	sadd.s32 s3, s2  }
0x8d: {  	s2 =	sadd.s32 s2, s17  }
0x8e: {  	[smem:$0x3FB9] =	sst s2  }
0x8f: {  	_ = 	snop  }
0x90: {  	s18 =	sld [smem:$0x3FC9];
	(tm) =	ssettm $0x1  }
0x91: {  	s19 =	sld [smem:$0x3FFB];
	_ =	sdelay $0x3  }
0x92: {  	_ =	strace s19  }
0x93: {  	s2 =	sld [smem:$0x3FFC];
	_ =	sdelay $0x3  }
0x94: {  	_ =	strace s2  }
0x95: {  	s2 =	sld [smem:$0x3FFD];
	_ =	sdelay $0x3  }
0x96: {  	_ =	strace s2  }
0x97: {  	_ =	strace $0x8FFFFFFF  }
0x98: {  	s20 =	sld [smem:$0x3FDB];
	_ =	sdelay $0x1  }
0x99: {  	s4 =	simm.s32 $_scs_section_size  }
0x9a: {  	s5 =	simm.s32 $_size__tile_overlayer_lowered;
	s6 =	simm.s32 $_tile_overlayer_lowered  }
0x9b: {  	s7 =	simm.s32 $0x1BFF;
	s21 =	sshll.u32 s6, $0x1;
	s4 =	sadd.s32 s4, s20  }
0x9c: {  	s22 =	simm.s32 $0x0;
	s5 =	sshll.u32 s5, $0x1;
	s6 =	sadd.s32 s21, s4  }
0x9d: {  	[timem:s22], [sflag:s7] =	dma.local [hbm:s6], s5  }
0x9e: {  	_ =	swait.ge [sflag:s7], s5  }
0x9f: {  	s5 =	ssub.s32 $0x0, s5;
	[sflag:s7] =	ssyncset.done $0x0  }
0xa0: {  	[sflag:s7] =	ssyncadd.s32 s5;
	_ =	sdelay $0x1  }
0xa1: {  	s23 =	simm.s32 $0x1B8B  }
0xa2: {  	_ =	swait.ge [sflag:s23], $0x1  }
0xa3: {  	[sflag:s23] =	ssyncset.done $0x0  }
0xa4: {  	[sflag:s23] =	ssyncadd.s32 $0xFFFFFFFF  }
0xa5: {  	s5 =	sld [smem:$0x0]  }
0xa6: {  	s6 =	sand.u32 $0xFFFFFFFE, s1  }
0xa7: {  	p0 =	sne.s32 s1, s6  }
0xa8: {  	s6 =	sshll.u32 @p0 s6, $0xE  }
0xa9: {  	s6 =	sadd.s32 @p0 $0x11B8D, s6;
	s7 =	sshll.u32 @p0 s5, $0x11  }
0xaa: {  	s6 =	sor.u32 @p0 s7, s6  }
0xab: {  	[sflag:s6] =	ssyncadd.remote.s32 @p0 $0x1;
	_ =	sdelay $0x1  }
0xac: {  	s6 =	simm.s32 @p0 $0x1B8D  }
0xad: {  	_ =	swait.eq @p0 [sflag:s6], $0x1  }
0xae: {  	[sflag:s6] =	ssyncadd.s32 @p0 $0xFFFFFFFF  }
0xaf: {  	s7 =	sshll.u32 @!p0 s1, $0xE  }
0xb0: {  	s7 =	sor.u32 @!p0 $0x4000, s7;
	s6 =	simm.s32 @!p0 $0x1B8D  }
0xb1: {  	s5 =	sshll.u32 @!p0 s5, $0x11;
	s7 =	sadd.s32 @!p0 $0x11B8D, s7;
	_ =	swait.eq @!p0 [sflag:s6], $0x1  }
0xb2: {  	s5 =	sor.u32 @!p0 s5, s7;
	[sflag:s6] =	ssyncadd.s32 @!p0 $0xFFFFFFFF  }
0xb3: {  	s25 =	simm.s32 $0x1B8E;
	s24 =	sld [smem:$0x3FFE];
	[sflag:s5] =	ssyncadd.remote.s32 @!p0 $0x1  }
0xb4: {  	s26 =	simm.s32 $execute0_lowered;
	[smem:$0x3FD2] =	sst s25  }
0xb5: {  	s6 =	sshll.u32 s26, $0x1;
	_ =	strace $0x80000049;
	[dreg:$0x1] =	wrdreg $0xFFFFFFFF  }
0xb6: {  	s28 =	simm.s32 $_size_execute0_lowered;
	s4 =	sadd.s32 s4, s6;
	[dreg:$0x0] =	wrdreg $0x0  }
0xb7: {  	s6 =	sshll.u32 s28, $0x1;
	[dreg:$0x2] =	wrdreg s4  }
0xb8: {  	[dreg:$0x3] =	wrdreg s6  }
0xb9: {  	[dreg:$0x4] =	wrdreg $0xC0  }
0xba: {  	_ =	task [dreg:s22], $0x5FFFF  }
0xbb: {  	[dreg:$0x1] =	wrdreg $0xFFFFFFFF  }
0xbc: {  	[dreg:$0x0] =	wrdreg $0x60  }
0xbd: {  	[dreg:$0x2] =	wrdreg s18  }
0xbe: {  	[dreg:$0x3] =	wrdreg s24  }
0xbf: {  	[dreg:$0x4] =	wrdreg $0x0  }
0xc0: {  	[dreg:$0x5] =	wrdreg $0x9  }
0xc1: {  	_ =	task.clear_ibuf [dreg:s22], $0x6FFFF;
	_ =	strace $0x90000049  }
0xc2: {  	s29 =	simm.s32 $0x9;
	_ =	strace $0x8000004B  }
0xc3: {  	_ =	swait.ge [sflag:s29], $0x1  }
0xc4: {  	[sflag:s29] =	ssyncadd.s32 $0xFFFFFFFF  }
0xc5: {  	_ =	strace $0x9000004B  }
0xc6: {  	_ =	sfence  }
0xc7: {  	s30 =	sld [smem:$0x0];
	_ =	sdelay $0x2  }
0xc8: {  	s31 =	sshll.u32 s1, $0xD;
	s1 =	sshrl.u32 s1, $0x2  }
0xc9: {  	s4 =	sand.u32 $0x4000, s31;
	s1 =	sadd.s32 s1, s30  }
0xca: {  	s0 =	sor.u32 s4, s0;
	s1 =	sshll.u32 s1, $0x11  }
0xcb: {  	s0 =	sor.u32 s1, s0  }
0xcc: {  	s0 =	sadd.s32 $0x8F2B, s0  }
0xcd: {  	[sflag:s0] =	ssyncadd.remote.s32 $0x1  }
0xce: {  	_ =	sfence.sel $0xFFFF  }
0xcf: {  	[dreg:$0x0] =	wrdreg $0xFFFFFFFF;
	(pc) =	sbr.abs _section_cstart, $3  }
0xd0: {  	[dreg:$0x1] =	wrdreg $0xFFFFFFFF  }
0xd1: {  	_ =	task.clear_ibuf [dreg:s22], $0x2FFFF;
	_ =	strace $0x9FFFFFFF  }
0xd2: {  	(tm) =	ssettm $0x7FFFFFFF  }
0xd3: {  	_ =	shalt  }
tec
execute0_lowered:
.L_overlay_start_1:
0x0: {  	(tag) =	ssettag $0x1  }
0x1: {  	s0 =	rddreg [dreg:$0x0]  }
0x2: {  	s3 =	rddreg [dreg:$0x1]  }
0x3: {  	s1 =	rddreg [dreg:$0x2];
	s2 =	simm.s32 $0x0  }
0x4: {  	s4 =	srdreg.scid;
	s20 =	stileid.u32;
	s28 =	simm.s32 $0x16180  }
0x5: {  	s29 =	simm.s32 $0x4;
	s30 =	simm.s32 $0x5;
	s31 =	simm.s32 $0x0  }
0x6: {  	[smem:$0x7FF] =	sst s2;
	s4 =	sand.u32 $0x1, s4;
	s7 =	smul.u32 $0x4E000, s20  }
0x7: {  	s15 =	sadd.s32 $0xCF600, s3;
	s3 =	sadd.s32 $0xD7A00, s3;
	s21 =	smul.u32 $0x2700, s20  }
0x8: {  	s17 =	sshll.u32 s20, $0x1;
	s22 =	sshll.u32 s20, $0x6;
	s14 =	smul.u32 $0x41A0, s20  }
0x9: {  	p0 =	sne.s32 s20, $0xF;
	_ =	strace $0x8000004A;
	s16 =	smul.u32 $0x20D0, s4  }
0xa: {  	s5 =	ssub.s32 $0x2, s4;
	s18 =	sor.u32 s4, s17;
	s4 =	smul.u32 $0x20D00, s4  }
0xb: {  	s6 =	sshrl.u32 s5, $0x1;
	s19 =	sshrl.u32 s7, $0x2;
	s8 =	smul.u32 $0x20D0, s18  }
0xc: {  	s7 =	sadd.s32 s0, s21;
	s9 =	smul.u32 $0x20D00, s18;
	s0 =	sadd.s32 $0x27000, s0  }
0xd: {  	s18 =	smul.u32 $0x41A00, s20;
	s20 =	simm.s32 $0x13880;
	s21 =	simm.s32 $0x13900  }
0xe: {  	s10 =	ssub.s32 s5, s6;
	s17 =	sadd.s32 s19, s1;
	[dreg:$0x4] =	wrdreg s7  }
0xf: {  	s5 =	sor.u32 $0x1C06, s22;
	s19 =	sadd.s32 $0x138000, s1;
	[dreg:$0x5] =	wrdreg s0  }
0x10: {  	s26 =	sadd.s32 s16, s14;
	s22 =	simm.s32 $0x1;
	s23 =	sshrl.u32 s8, $0x3  }
0x11: {  	s24 =	sadd.s32 $0x50, s8;
	s8 =	sadd.s32 s3, s9;
	s10 =	smax.u32 s10, $0x1  }
0x12: {  	s14 =	sadd.s32 $0x140, s26;
	s17 =	sshrl.u32 s17, $0x3;
	s19 =	sshrl.u32 @!p0 s19, $0x3  }
0x13: {  	s7 =	sadd.s32 s15, s23;
	s25 =	sadd.s32 $0x20800, s8;
	s11 =	sshrl.u32 s24, $0x3  }
0x14: {  	s0 =	sshll.u32 s24, $0x4;
	s14 =	sshrl.u32 s14, $0x3;
	s23 =	simm.s32 $0x50  }
0x15: {  	s24 =	simm.s32 $0x13980;
	[dreg:$0x6] =	wrdreg s25;
	s11 =	sadd.s32 s15, s11  }
0x16: {  	s12 =	sadd.s32 $0x14, s7;
	s13 =	sadd.s32 s3, s0;
	s3 =	sadd.s32 s18, s3  }
0x17: {  	s0 =	sadd.s32 $0xF0, s26;
	s14 =	sadd.s32 s14, s15;
	s18 =	simm.s32 $0x6  }
0x18: {  	s25 =	simm.s32 $0x3;
	s3 =	sadd.s32 s4, s3;
	s0 =	sshrl.u32 s0, $0x3  }
0x19: {  	s26 =	simm.s32 $0x2;
	s4 =	sadd.s32 $0xF00, s3;
	s16 =	sadd.s32 s0, s15  }
.LBB2_1:
0x1a: {  	s0 =	rddreg [dreg:$0x4]  }
0x1b: {  	[spmem:s17], [sflag:s5] =	dma.local [hbm:s0], $0x2700  }
0x1c: {  	_ =	swait.ge [sflag:s18], $0x2700  }
0x1d: {  	[sflag:s18] =	ssyncset.done $0x0  }
0x1e: {  	s0 =	rddreg [dreg:$0x5];
	[sflag:s18] =	ssyncadd.s32 $0xFFFFD900  }
0x1f: {  	[spmem:s19], [sflag:s5] =	dma.local @!p0 [hbm:s0], $0x100  }
0x20: {  	s0 =	simm.s32 @!p0 $0x6  }
0x21: {  	_ =	swait.ge @!p0 [sflag:s0], $0x100  }
0x22: {  	[sflag:s0] =	ssyncset.done @!p0 $0x0  }
0x23: {  	[sflag:s0] =	ssyncadd.s32 @!p0 $0xFFFFFF00  }
0x24: {  	[bflag:$0x0] =	sbarrier.arrive $0xFFFF  }
0x25: {  	[tilespmem:s20], [sflag:$0x1] =	stream.linear.gather [hbm4b:s7+s2], $0x50, $0x38;
	[tilespmem:$0x18980] =	vst v63  }
0x26: {  	_ = 	snop  }
0x27: {  	[tilespmem:s21], [sflag:$0x2] =	stream.linear.gather [hbm4b:s11+s2], $0x50, $0x38;
	[tilespmem:$0x18980] =	vst v63  }
0x28: {  	_ =	swait.ge [sflag:s22], $0x50  }
0x29: {  	[sflag:s22] =	ssyncset.done $0x0  }
0x2a: {  	[sflag:s22] =	ssyncadd.s32 $0xFFFFFFB0  }
0x2b: {  	[tilespmem:s24], [sflag:$0x3] =	stream.indirect.gather [spmem:s1], $0x80, s20, s23, $0xb8;
	[tilespmem:$0x18980] =	vst v63  }
0x2c: {  	_ =	swait.ge [sflag:s25], $0x2800  }
0x2d: {  	[sflag:s25] =	ssyncset.done $0x0  }
0x2e: {  	[sflag:s25] =	ssyncadd.s32 $0xFFFFD800  }
0x2f: {  	[hbm4b:s8+s2] =	stream.linear.scatter [tilespmem:s24], [sflag:$0x4], $0x2800, $0x38;
	[tilespmem:$0x18980] =	vst v63  }
0x30: {  	_ = 	snop  }
0x31: {  	[tilespmem:s20], [sflag:$0x1] =	stream.linear.gather [hbm4b:s12+s2], $0x50, $0x38;
	[tilespmem:$0x18980] =	vst v63  }
0x32: {  	_ =	swait.ge [sflag:s26], $0x50  }
0x33: {  	[sflag:s26] =	ssyncset.done $0x0  }
0x34: {  	[sflag:s26] =	ssyncadd.s32 $0xFFFFFFB0  }
0x35: {  	[tilespmem:s28], [sflag:$0x3] =	stream.indirect.gather [spmem:s1], $0x80, s21, s23, $0xb8;
	[tilespmem:$0x18980] =	vst v63  }
0x36: {  	_ =	swait.ge [sflag:s25], $0x2800  }
0x37: {  	[sflag:s25] =	ssyncset.done $0x0  }
0x38: {  	[sflag:s25] =	ssyncadd.s32 $0xFFFFD800  }
0x39: {  	[hbm4b:s13+s2] =	stream.linear.scatter [tilespmem:s28], [sflag:$0x5], $0x2800, $0x38;
	[tilespmem:$0x18980] =	vst v63  }
0x3a: {  	s6 =	sadd.s32 $0x0, s16  }
0x3b: {  	[tilespmem:s21], [sflag:$0x2] =	stream.linear.gather [hbm4b:s6+s2], $0x50, $0x38;
	[tilespmem:$0x18980] =	vst v63  }
0x3c: {  	_ =	swait.ge [sflag:s22], $0x50  }
0x3d: {  	[sflag:s22] =	ssyncset.done $0x0  }
0x3e: {  	[sflag:s22] =	ssyncadd.s32 $0xFFFFFFB0  }
0x3f: {  	_ =	swait.ge [sflag:s29], $0x2800  }
0x40: {  	[sflag:s29] =	ssyncset.done $0x0  }
0x41: {  	[sflag:s29] =	ssyncadd.s32 $0xFFFFD800  }
0x42: {  	[tilespmem:s24], [sflag:$0x3] =	stream.indirect.gather [spmem:s1], $0x80, s20, s23, $0xb8;
	[tilespmem:$0x18980] =	vst v63  }
0x43: {  	_ =	swait.ge [sflag:s25], $0x2800  }
0x44: {  	[sflag:s25] =	ssyncset.done $0x0  }
0x45: {  	s9 =	sadd.s32 $0xFFFFFB00, s4;
	[sflag:s25] =	ssyncadd.s32 $0xFFFFD800  }
0x46: {  	[hbm4b:s9+s2] =	stream.linear.scatter [tilespmem:s24], [sflag:$0x4], $0x2800, $0x38;
	[tilespmem:$0x18980] =	vst v63  }
0x47: {  	s15 =	sadd.s32 $0x0, s14  }
0x48: {  	[tilespmem:s20], [sflag:$0x1] =	stream.linear.gather [hbm4b:s15+s2], $0x50, $0x38;
	[tilespmem:$0x18980] =	vst v63  }
0x49: {  	_ =	swait.ge [sflag:s26], $0x50  }
0x4a: {  	[sflag:s26] =	ssyncset.done $0x0  }
0x4b: {  	[sflag:s26] =	ssyncadd.s32 $0xFFFFFFB0  }
0x4c: {  	_ =	swait.ge [sflag:s30], $0x2800  }
0x4d: {  	[sflag:s30] =	ssyncset.done $0x0  }
0x4e: {  	[sflag:s30] =	ssyncadd.s32 $0xFFFFD800  }
0x4f: {  	[tilespmem:s28], [sflag:$0x3] =	stream.indirect.gather [spmem:s1], $0x80, s21, s23, $0xb8;
	[tilespmem:$0x18980] =	vst v63  }
0x50: {  	_ =	swait.ge [sflag:s25], $0x2800  }
0x51: {  	s3 =	sadd.s32 $0xA00, s4;
	[sflag:s25] =	ssyncset.done $0x0  }
0x52: {  	s0 =	simm.s32 $0x14;
	s15 =	smov.u32 s4;
	[sflag:s25] =	ssyncadd.s32 $0xFFFFD800  }
.LBB2_2:
0x53: {  	[hbm4b:s15+s2] =	stream.linear.scatter [tilespmem:s28], [sflag:$0x5], $0x2800, $0x38;
	[tilespmem:$0x18980] =	vst v63  }
0x54: {  	s6 =	smov.u32 s0;
	s15 =	smov.u32 s3  }
0x55: {  	p1 =	sne.s32 s0, $0x3E8;
	s0 =	sadd.s32 $0x14, s0;
	s9 =	sadd.s32 s6, s16  }
0x56: {  	[tilespmem:s21], [sflag:$0x2] =	stream.linear.gather [hbm4b:s9+s2], $0x50, $0x38;
	[tilespmem:$0x18980] =	vst v63  }
0x57: {  	_ =	swait.ge [sflag:s22], $0x50  }
0x58: {  	[sflag:s22] =	ssyncset.done $0x0  }
0x59: {  	[sflag:s22] =	ssyncadd.s32 $0xFFFFFFB0  }
0x5a: {  	_ =	swait.ge [sflag:s29], $0x2800  }
0x5b: {  	[sflag:s29] =	ssyncset.done $0x0  }
0x5c: {  	[sflag:s29] =	ssyncadd.s32 $0xFFFFD800  }
0x5d: {  	[tilespmem:s24], [sflag:$0x3] =	stream.indirect.gather [spmem:s1], $0x80, s20, s23, $0xb8;
	[tilespmem:$0x18980] =	vst v63  }
0x5e: {  	_ =	swait.ge [sflag:s25], $0x2800  }
0x5f: {  	[sflag:s25] =	ssyncset.done $0x0  }
0x60: {  	s9 =	sadd.s32 $0xFFFFFB00, s3;
	[sflag:s25] =	ssyncadd.s32 $0xFFFFD800  }
0x61: {  	[hbm4b:s9+s2] =	stream.linear.scatter [tilespmem:s24], [sflag:$0x4], $0x2800, $0x38;
	[tilespmem:$0x18980] =	vst v63  }
0x62: {  	s6 =	sadd.s32 s6, s14  }
0x63: {  	[tilespmem:s20], [sflag:$0x1] =	stream.linear.gather [hbm4b:s6+s2], $0x50, $0x38;
	[tilespmem:$0x18980] =	vst v63  }
0x64: {  	_ =	swait.ge [sflag:s26], $0x50  }
0x65: {  	[sflag:s26] =	ssyncset.done $0x0  }
0x66: {  	[sflag:s26] =	ssyncadd.s32 $0xFFFFFFB0  }
0x67: {  	_ =	swait.ge [sflag:s30], $0x2800  }
0x68: {  	[sflag:s30] =	ssyncset.done $0x0  }
.Ltmp0:
0x69: {  	[sflag:s30] =	ssyncadd.s32 $0xFFFFD800;
	(pc) =	sbr.rel @p1 .LBB2_2-.Ltmp0, $4  }
0x6a: {  	[tilespmem:s28], [sflag:$0x3] =	stream.indirect.gather [spmem:s1], $0x80, s21, s23, $0xb8;
	[tilespmem:$0x18980] =	vst v63  }
0x6b: {  	_ =	swait.ge [sflag:s25], $0x2800  }
0x6c: {  	[sflag:s25] =	ssyncset.done $0x0  }
0x6d: {  	s3 =	sadd.s32 $0xA00, s3;
	[sflag:s25] =	ssyncadd.s32 $0xFFFFD800  }
0x6e: {  	[hbm4b:s15+s2] =	stream.linear.scatter [tilespmem:s28], [sflag:$0x5], $0x2800, $0x38;
	[tilespmem:$0x18980] =	vst v63  }
0x6f: {  	_ =	swait.ge [sflag:s22], $0x50  }
0x70: {  	[sflag:s22] =	ssyncset.done $0x0  }
0x71: {  	[sflag:s22] =	ssyncadd.s32 $0xFFFFFFB0  }
0x72: {  	_ =	swait.ge [sflag:s29], $0x2800  }
0x73: {  	[sflag:s29] =	ssyncset.done $0x0  }
0x74: {  	[sflag:s29] =	ssyncadd.s32 $0xFFFFD800  }
0x75: {  	[tilespmem:s24], [sflag:$0x3] =	stream.indirect.gather [spmem:s1], $0x80, s20, s23, $0xb8;
	[tilespmem:$0x18980] =	vst v63  }
0x76: {  	_ =	swait.ge [sflag:s25], $0x2800  }
0x77: {  	[sflag:s25] =	ssyncset.done $0x0  }
0x78: {  	s31 =	sadd.s32 $0x1, s31;
	s0 =	rddreg [dreg:$0x6];
	[sflag:s25] =	ssyncadd.s32 $0xFFFFD800  }
0x79: {  	[hbm4b:s0+s2] =	stream.linear.scatter [tilespmem:s24], [sflag:$0x4], $0x2800, $0x38;
	[tilespmem:$0x18980] =	vst v63  }
0x7a: {  	p1 =	sne.s32 s31, s10;
	_ =	swait.ge [sflag:s30], $0x2800  }
.Ltmp1:
0x7b: {  	[sflag:s30] =	ssyncset.done $0x0;
	(pc) =	sbr.rel @p1 .LBB2_1-.Ltmp1, $4  }
0x7c: {  	[sflag:s30] =	ssyncadd.s32 $0xFFFFD800  }
0x7d: {  	_ =	swait.ge [sflag:s29], $0x2800  }
0x7e: {  	[sflag:s29] =	ssyncset.done $0x0  }
0x7f: {  	[sflag:s29] =	ssyncadd.s32 $0xFFFFD800  }
0x80: {  	_ =	sfence.sel $0x180000  }
0x81: {  	[bflag:$0x0] =	sbarrier.arrive $0xFFFF  }
0x82: {  	_ =	strace $0x9000004A  }
0x83: {  	s0 =	stileid.u32;
	[bflag:$0x2] =	sbarrier.arrive $0xFFFF  }
0x84: {  	p0 =	sne.s32 s0, $0x0;
	s0 =	rddreg [dreg:$0x3]  }
0x85: {  	s0 =	sadd.s32 @!p0 $0x100000, s0  }
0x86: {  	[sflag:s0] =	ssyncadd.tile.s32 @!p0 $0x1;
	_ =	shalt  }
.Lfunc_end2:
_tile_overlayer_lowered:
.L_overlay_start_2:
0x87: {  	(tag) =	ssettag $0x2  }
0x88: {  	s0 =	rddreg [dreg:$0x0];
	s2 =	stileid.u32  }
0x89: {  	s1 =	rddreg [dreg:$0x1];
	p0 =	sne.s32 s2, $0x0  }
0x8a: {  	s3 =	rddreg [dreg:$0x2];
	[bflag:$0x3] =	sbarrier.arrive $0xFFFF;
	s2 =	simm.s32 @!p0 $0x1C06  }
0x8b: {  	[timem:s3], [sflag:s2] =	dma.local @!p0 [hbm:s0], s1  }
0x8c: {  	s0 =	simm.s32 @!p0 $0x6  }
0x8d: {  	_ =	swait.ge @!p0 [sflag:s0], s1  }
0x8e: {  	s1 =	ssub.s32 @!p0 $0x0, s1;
	[sflag:s0] =	ssyncset.done @!p0 $0x0  }
0x8f: {  	[sflag:s0] =	ssyncadd.s32 @!p0 s1  }
0x90: {  	[bflag:$0x3] =	sbarrier.arrive $0xFFFF  }
0x91: {  	_ =	shalt  }

// kernel: kernel.19.cloned.1.call-start
scs
__scs_entry_jumppad:
0x0: {  	(pc) =	sbr.rel $0x88, $3  }
0x1: {  	(tag) =	ssettag $0x0;
	lr =	simm.s32 $0x1  }
0x2: {  	[smem:$0x3F92] =	sst lr;
	_ =	strace $0xD0000000  }
0x3: {  	_ = 	snop  }
0x4: {  	_ = 	snop  }
0x5: {  	_ = 	snop  }
0x6: {  	_ = 	snop  }
0x7: {  	_ = 	snop  }
__scs_overlays_trampoline_lowered:
0x8: {  	[smem:$0x3FA1] =	sst s0  }
0x9: {  	[smem:$0x3FA2] =	sst s1  }
0xa: {  	[smem:$0x3FA3] =	sst s2  }
0xb: {  	[smem:$0x3FA4] =	sst s3  }
0xc: {  	[smem:$0x3FA5] =	sst s4  }
0xd: {  	[smem:$0x3FA6] =	sst s5  }
0xe: {  	[smem:$0x3FA7] =	sst s6  }
0xf: {  	[smem:$0x3FA8] =	sst s7  }
0x10: {  	[smem:$0x3FA9] =	sst s8  }
0x11: {  	[smem:$0x3FAA] =	sst s9;
	s0 =	simm.s32 @!p0 $0x0  }
0x12: {  	s1 =	sld [smem:$0x3F90];
	s0 =	simm.s32 @p0 $0x1  }
0x13: {  	[smem:$0x3FAB] =	sst s0;
	s0 =	simm.s32 @!p1 $0x0  }
0x14: {  	s2 =	sld [smem:$0x3F8F];
	s0 =	simm.s32 @p1 $0x1  }
0x15: {  	[smem:$0x3FAC] =	sst s0;
	s0 =	simm.s32 @!p2 $0x0  }
0x16: {  	s3 =	sld [smem:$0x3FDB];
	s0 =	simm.s32 @p2 $0x1  }
0x17: {  	s4 =	simm.s32 $0x1BF5;
	[smem:$0x3FAE] =	sst s0  }
0x18: {  	s0 =	sld [smem:$0x3F91];
	_ =	swait.ge [sflag:s4], $0x0  }
0x19: {  	s7 =	sld [smem:$0x3F92]  }
0x1a: {  	s8 =	sadd.s32 $0xFFFFE003, lr  }
0x1b: {  	s9 =	sadd.s32 $0xFFFFFEF7, lr;
	s5 =	simm.s32 $0xFFFFFFFF;
	p2 =	slt.u32 s8, $0xFFFFF086  }
0x1c: {  	p1 =	slt.u32 s9, $0xF7A;
	s5 =	simm.s32 @!p2 $0x0  }
0x1d: {  	s5 =	simm.s32 @p1 $0x1;
	p0 =	seq.s32 s7, s2  }
0x1e: {  	s7 =	smul.u32 @!p0 $0xF7A, s2;
	p2 =	seq.s32 @!p0 s5, $0x0  }
0x1f: {  	s9 =	smul.u32 $0xF7A, s1;
	s8 =	simm.s32 @!p0 $0x1BF5;
	p2 =	por !p2, p0  }
0x20: {  	[sflag:s8] =	ssyncset.s32 @!p0 $0xFFFFF086;
	s6 =	sadd.s32 @!p0 s3, s7;
	s7 =	simm.s32 @!p0 $0x108  }
0x21: {  	s3 =	sadd.s32 s3, s9;
	s6 =	sadd.s32 @!p0 $0x88, s6;
	s7 =	simm.s32 @p2 $0x1082  }
0x22: {  	[simem:s7], [sflag:s8] =	dma.local @!p0 [hbm:s6], $0xF7A  }
0x23: {  	s9 =	sor.u32 $0xD0000000, s2;
	s6 =	simm.s32 $0x108;
	_ =	swait.ge @!p0 [sflag:s8], $0x0  }
0x24: {  	s3 =	sadd.s32 $0x88, s3;
	s6 =	simm.s32 @!p1 $0x1082;
	[sflag:s4] =	ssyncset.s32 $0xFFFFF086  }
0x25: {  	[simem:s6], [sflag:s4] =	dma.local [hbm:s3], $0xF7A  }
0x26: {  	[smem:$0x3F92] =	sst s1;
	(tag) =	ssettag s2;
	_ =	strace s9  }
0x27: {  	s1 =	sld [smem:$0x3FA2]  }
0x28: {  	s2 =	sld [smem:$0x3FA3]  }
0x29: {  	s4 =	sld [smem:$0x3FA5]  }
0x2a: {  	p0 =	seq.s32 s5, $0x0;
	s5 =	sld [smem:$0x3FA6]  }
0x2b: {  	s6 =	sld [smem:$0x3FA7]  }
0x2c: {  	s7 =	sld [smem:$0x3FA8]  }
0x2d: {  	s3 =	simm.s32 $0x108;
	s8 =	sld [smem:$0x3FA9]  }
0x2e: {  	s3 =	simm.s32 @!p0 $0x1082;
	s9 =	sld [smem:$0x3FAA]  }
0x2f: {  	lr =	sadd.s32 s0, s3;
	s0 =	sld [smem:$0x3FA1]  }
0x30: {  	s3 =	sld [smem:$0x3FA4]  }
0x31: {  	[smem:$0x3FAD] =	sst s10  }
0x32: {  	s10 =	sld [smem:$0x3FAB];
	_ =	sdelay $0x3  }
0x33: {  	p0 =	seq.s32 s10, $0x1;
	s10 =	sld [smem:$0x3FAD];
	_ =	sdelay $0x3  }
0x34: {  	[smem:$0x3FAD] =	sst s10  }
0x35: {  	s10 =	sld [smem:$0x3FAC];
	_ =	sdelay $0x3  }
0x36: {  	p1 =	seq.s32 s10, $0x1;
	s10 =	sld [smem:$0x3FAD];
	_ =	sdelay $0x3  }
0x37: {  	[smem:$0x3FAD] =	sst s10  }
0x38: {  	s10 =	sld [smem:$0x3FAE]  }
0x39: {  	_ = 	snop;
	(pc) =	sbr.ind lr, $3  }
0x3a: {  	_ = 	snop  }
0x3b: {  	_ = 	snop  }
0x3c: {  	p2 =	seq.s32 s10, $0x1;
	s10 =	sld [smem:$0x3FAD]  }
0x3d: {  	_ =	shalt  }
0x3e: {  	_ =	shalt  }
0x3f: {  	_ =	shalt  }
0x40: {  	_ =	shalt  }
0x41: {  	_ =	shalt  }
0x42: {  	_ =	shalt  }
0x43: {  	_ =	shalt  }
0x44: {  	_ =	shalt  }
0x45: {  	_ =	shalt  }
0x46: {  	_ =	shalt  }
0x47: {  	_ =	shalt  }
0x48: {  	_ =	shalt  }
0x49: {  	_ =	shalt  }
0x4a: {  	_ =	shalt  }
0x4b: {  	_ =	shalt  }
0x4c: {  	_ =	shalt  }
0x4d: {  	_ =	shalt  }
0x4e: {  	_ =	shalt  }
0x4f: {  	_ =	shalt  }
0x50: {  	_ =	shalt  }
0x51: {  	_ =	shalt  }
0x52: {  	_ =	shalt  }
0x53: {  	_ =	shalt  }
0x54: {  	_ =	shalt  }
0x55: {  	_ =	shalt  }
0x56: {  	_ =	shalt  }
0x57: {  	_ =	shalt  }
0x58: {  	_ =	shalt  }
0x59: {  	_ =	shalt  }
0x5a: {  	_ =	shalt  }
0x5b: {  	_ =	shalt  }
0x5c: {  	_ =	shalt  }
0x5d: {  	_ =	shalt  }
0x5e: {  	_ =	shalt  }
0x5f: {  	_ =	shalt  }
0x60: {  	_ =	shalt  }
0x61: {  	_ =	shalt  }
0x62: {  	_ =	shalt  }
0x63: {  	_ =	shalt  }
0x64: {  	_ =	shalt  }
0x65: {  	_ =	shalt  }
0x66: {  	_ =	shalt  }
0x67: {  	_ =	shalt  }
0x68: {  	_ =	shalt  }
0x69: {  	_ =	shalt  }
0x6a: {  	_ =	shalt  }
0x6b: {  	_ =	shalt  }
0x6c: {  	_ =	shalt  }
0x6d: {  	_ =	shalt  }
0x6e: {  	_ =	shalt  }
0x6f: {  	_ =	shalt  }
0x70: {  	_ =	shalt  }
0x71: {  	_ =	shalt  }
0x72: {  	_ =	shalt  }
0x73: {  	_ =	shalt  }
0x74: {  	_ =	shalt  }
0x75: {  	_ =	shalt  }
0x76: {  	_ =	shalt  }
0x77: {  	_ =	shalt  }
0x78: {  	_ =	shalt  }
0x79: {  	_ =	shalt  }
0x7a: {  	_ =	shalt  }
0x7b: {  	_ =	shalt  }
0x7c: {  	_ =	shalt  }
0x7d: {  	_ =	shalt  }
0x7e: {  	_ =	shalt  }
0x7f: {  	_ =	shalt  }
0x80: {  	_ =	shalt  }
0x81: {  	_ =	shalt  }
0x82: {  	_ =	shalt  }
0x83: {  	_ =	shalt  }
0x84: {  	_ =	shalt  }
0x85: {  	_ =	shalt  }
0x86: {  	_ =	shalt  }
0x87: {  	_ =	shalt  }
.Lfunc_end0:
.L_simem_size_0:
called_computation.2_lowered:
.L_overlay_start_0:
0x88: {  	s2 =	sld [smem:$0x3FD9]  }
0x89: {  	s3 =	sld [smem:$0x3FFE];
	_ =	sdelay $0x1  }
0x8a: {  	s1 =	srdreg.scid  }
0x8b: {  	s0 =	sand.u32 $0x1, s1  }
0x8c: {  	s17 =	sshll.u32 s0, $0xA;
	s2 =	sadd.s32 s3, s2  }
0x8d: {  	s2 =	sadd.s32 s2, s17  }
0x8e: {  	[smem:$0x3FB9] =	sst s2  }
0x8f: {  	_ = 	snop  }
0x90: {  	(tm) =	ssettm $0x1  }
0x91: {  	s18 =	sld [smem:$0x3FFB];
	_ =	sdelay $0x3  }
0x92: {  	_ =	strace s18  }
0x93: {  	s2 =	sld [smem:$0x3FFC];
	_ =	sdelay $0x3  }
0x94: {  	_ =	strace s2  }
0x95: {  	s2 =	sld [smem:$0x3FFD];
	_ =	sdelay $0x3  }
0x96: {  	_ =	strace s2  }
0x97: {  	_ =	strace $0x8FFFFFFF  }
0x98: {  	s19 =	sld [smem:$0x3FDB];
	_ =	sdelay $0x1  }
0x99: {  	s20 =	simm.s32 $_scs_section_size  }
0x9a: {  	s4 =	simm.s32 $_size__tile_overlayer_lowered;
	s5 =	simm.s32 $_tile_overlayer_lowered  }
0x9b: {  	s6 =	simm.s32 $0x1BFF;
	s21 =	sshll.u32 s5, $0x1;
	s3 =	sadd.s32 s20, s19  }
0x9c: {  	s22 =	simm.s32 $0x0;
	s4 =	sshll.u32 s4, $0x1;
	s5 =	sadd.s32 s21, s3  }
0x9d: {  	[timem:s22], [sflag:s6] =	dma.local [hbm:s5], s4  }
0x9e: {  	_ =	swait.ge [sflag:s6], s4  }
0x9f: {  	s4 =	ssub.s32 $0x0, s4;
	[sflag:s6] =	ssyncset.done $0x0  }
0xa0: {  	[sflag:s6] =	ssyncadd.s32 s4;
	_ =	sdelay $0x1  }
0xa1: {  	s23 =	simm.s32 $0x1B8B  }
0xa2: {  	_ =	swait.ge [sflag:s23], $0x1  }
0xa3: {  	[sflag:s23] =	ssyncset.done $0x0  }
0xa4: {  	[sflag:s23] =	ssyncadd.s32 $0xFFFFFFFF  }
0xa5: {  	s4 =	sld [smem:$0x0]  }
0xa6: {  	s5 =	sand.u32 $0xFFFFFFFE, s1  }
0xa7: {  	p0 =	sne.s32 s1, s5  }
0xa8: {  	s5 =	sshll.u32 @p0 s5, $0xE  }
0xa9: {  	s5 =	sadd.s32 @p0 $0x11B8D, s5;
	s6 =	sshll.u32 @p0 s4, $0x11  }
0xaa: {  	s5 =	sor.u32 @p0 s6, s5  }
0xab: {  	[sflag:s5] =	ssyncadd.remote.s32 @p0 $0x1;
	_ =	sdelay $0x1  }
0xac: {  	s5 =	simm.s32 @p0 $0x1B8D  }
0xad: {  	_ =	swait.eq @p0 [sflag:s5], $0x1  }
0xae: {  	[sflag:s5] =	ssyncadd.s32 @p0 $0xFFFFFFFF  }
0xaf: {  	s6 =	sshll.u32 @!p0 s1, $0xE  }
0xb0: {  	s6 =	sor.u32 @!p0 $0x4000, s6;
	s5 =	simm.s32 @!p0 $0x1B8D  }
0xb1: {  	s4 =	sshll.u32 @!p0 s4, $0x11;
	s6 =	sadd.s32 @!p0 $0x11B8D, s6;
	_ =	swait.eq @!p0 [sflag:s5], $0x1  }
0xb2: {  	s4 =	sor.u32 @!p0 s4, s6;
	[sflag:s5] =	ssyncadd.s32 @!p0 $0xFFFFFFFF  }
0xb3: {  	s25 =	simm.s32 $0x1B8E;
	s24 =	sld [smem:$0x3FFE];
	[sflag:s4] =	ssyncadd.remote.s32 @!p0 $0x1  }
0xb4: {  	s26 =	simm.s32 $execute0_lowered;
	[smem:$0x3FD2] =	sst s25  }
0xb5: {  	s5 =	sshll.u32 s26, $0x1;
	_ =	strace $0x8000004C;
	[dreg:$0x1] =	wrdreg $0xFFFFFFFF  }
0xb6: {  	s28 =	simm.s32 $_size_execute0_lowered;
	s3 =	sadd.s32 s3, s5;
	[dreg:$0x0] =	wrdreg $0x0  }
0xb7: {  	s5 =	sshll.u32 s28, $0x1;
	[dreg:$0x2] =	wrdreg s3  }
0xb8: {  	[dreg:$0x3] =	wrdreg s5  }
0xb9: {  	[dreg:$0x4] =	wrdreg $0xC0  }
0xba: {  	_ =	task [dreg:s22], $0x5FFFF  }
0xbb: {  	[dreg:$0x1] =	wrdreg $0xFFFFFFFF  }
0xbc: {  	[dreg:$0x0] =	wrdreg $0x60  }
0xbd: {  	[dreg:$0x2] =	wrdreg s24  }
0xbe: {  	[dreg:$0x3] =	wrdreg $0x0  }
0xbf: {  	[dreg:$0x4] =	wrdreg $0xA  }
0xc0: {  	_ =	task.clear_ibuf [dreg:s22], $0x5FFFF;
	_ =	strace $0x9000004C  }
0xc1: {  	s29 =	simm.s32 $0xA;
	_ =	strace $0x8000004E  }
0xc2: {  	_ =	swait.ge [sflag:s29], $0x1  }
0xc3: {  	[sflag:s29] =	ssyncadd.s32 $0xFFFFFFFF  }
0xc4: {  	_ =	strace $0x9000004E  }
0xc5: {  	_ =	sfence  }
0xc6: {  	s30 =	sld [smem:$0x0];
	_ =	sdelay $0x2  }
0xc7: {  	s31 =	sshll.u32 s1, $0xD;
	s1 =	sshrl.u32 s1, $0x2  }
0xc8: {  	s4 =	sand.u32 $0x4000, s31;
	s1 =	sadd.s32 s1, s30  }
0xc9: {  	s0 =	sor.u32 s4, s0;
	s1 =	sshll.u32 s1, $0x11  }
0xca: {  	s0 =	sor.u32 s1, s0  }
0xcb: {  	s0 =	sadd.s32 $0x8F2B, s0  }
0xcc: {  	[sflag:s0] =	ssyncadd.remote.s32 $0x1  }
0xcd: {  	_ =	sfence.sel $0xFFFF  }
0xce: {  	[dreg:$0x0] =	wrdreg $0xFFFFFFFF;
	(pc) =	sbr.abs _section_cstart, $3  }
0xcf: {  	[dreg:$0x1] =	wrdreg $0xFFFFFFFF  }
0xd0: {  	_ =	task.clear_ibuf [dreg:s22], $0x2FFFF;
	_ =	strace $0x9FFFFFFF  }
0xd1: {  	(tm) =	ssettm $0x7FFFFFFF  }
tec
execute0_lowered:
.L_overlay_start_1:
0x0: {  	(tag) =	ssettag $0x1  }
0x1: {  	s0 =	rddreg [dreg:$0x0]  }
0x2: {  	s2 =	rddreg [dreg:$0x1];
	s1 =	simm.s32 $0x0;
	s17 =	stileid.u32  }
0x3: {  	s3 =	srdreg.scid;
	s31 =	simm.s32 $0x8;
	s29 =	simm.s32 $0x1000  }
0x4: {  	[smem:$0x7FF] =	sst s1;
	s21 =	smul.u32 $0x280, s17;
	s4 =	sadd.s32 $0x4F4200, s0  }
0x5: {  	s3 =	sand.u32 $0x1, s3;
	s5 =	sadd.s32 $0x4200, s0;
	s7 =	smul.u32 $0x4E000, s17  }
0x6: {  	s11 =	smul.u32 $0x190000, s17;
	s20 =	sshll.u32 s17, $0x6;
	p0 =	sne.s32 s17, $0xF  }
0x7: {  	_ =	strace $0x8000004D;
	s6 =	ssub.s32 $0x2, s3;
	s9 =	sshll.u32 s3, $0xB  }
0x8: {  	s3 =	sshll.u32 s3, $0x8;
	[dreg:$0x5] =	wrdreg s20;
	s1 =	sadd.s32 s21, s0  }
0x9: {  	s0 =	sadd.s32 $0x814200, s0;
	s8 =	sshrl.u32 s6, $0x1;
	s22 =	sor.u32 s9, s7  }
0xa: {  	s23 =	sshrl.u32 s7, $0x2;
	s12 =	sadd.s32 s3, s5;
	s14 =	sor.u32 s9, s11  }
0xb: {  	s15 =	sor.u32 $0x400, s9;
	s8 =	ssub.s32 s6, s8;
	s1 =	sadd.s32 $0x4F1A00, s1  }
0xc: {  	s6 =	sadd.s32 s23, s2;
	s24 =	sadd.s32 $0x9C000, s12;
	s25 =	sshrl.u32 s14, $0x3  }
0xd: {  	s26 =	sor.u32 s7, s15;
	s28 =	sadd.s32 s3, s0;
	s16 =	sor.u32 s11, s15  }
0xe: {  	s12 =	sadd.s32 $0x9C080, s12;
	s3 =	sadd.s32 s3, s4;
	[dreg:$0x3] =	wrdreg s1  }
0xf: {  	s23 =	sadd.s32 $0x14400, s14;
	s7 =	simm.s32 $0x3;
	[dreg:$0x6] =	wrdreg s24  }
0x10: {  	s1 =	sshrl.u32 s22, $0x3;
	s13 =	sadd.s32 $0x9C000, s28;
	[dreg:$0xa] =	wrdreg s12  }
0x11: {  	s3 =	sadd.s32 $0x2EE080, s3;
	s18 =	sadd.s32 $0x9C080, s28;
	[dreg:$0x8] =	wrdreg s13  }
0x12: {  	s21 =	smax.u32 s8, $0x1;
	s22 =	sadd.s32 $0x14000, s14;
	[dreg:$0xb] =	wrdreg s3  }
0x13: {  	s24 =	sadd.s32 $0x28400, s14;
	s28 =	sadd.s32 $0x138000, s2;
	[dreg:$0xd] =	wrdreg s18  }
0x14: {  	s12 =	simm.s32 $0x17480;
	s8 =	simm.s32 $0x5;
	[dreg:$0xe] =	wrdreg s21  }
0x15: {  	s10 =	sadd.s32 s5, s1;
	s1 =	sadd.s32 s0, s1;
	[dreg:$0x11] =	wrdreg s28  }
0x16: {  	s3 =	simm.s32 $0x400;
	s21 =	simm.s32 $0x0;
	[dreg:$0x4] =	wrdreg s10  }
0x17: {  	s10 =	sadd.s32 s4, s25;
	[dreg:$0x7] =	wrdreg s1;
	s1 =	sshrl.u32 s26, $0x3  }
0x18: {  	s25 =	sshrl.u32 s23, $0x3;
	s26 =	sshrl.u32 s24, $0x3;
	[dreg:$0x12] =	wrdreg s10  }
0x19: {  	s13 =	sadd.s32 s5, s1;
	s10 =	sshrl.u32 s16, $0x3;
	s0 =	sadd.s32 s0, s1  }
0x1a: {  	s16 =	sadd.s32 $0x17C000, s11;
	s24 =	sadd.s32 s25, s4;
	s30 =	sadd.s32 s26, s4  }
0x1b: {  	s26 =	sor.u32 $0x1C02, s20;
	s11 =	simm.s32 $0x14C80;
	s20 =	simm.s32 $0x6  }
0x1c: {  	s5 =	sadd.s32 s4, s10;
	[dreg:$0xc] =	wrdreg s0;
	s19 =	sor.u32 s9, s16  }
0x1d: {  	s0 =	sor.u32 s15, s16;
	s9 =	simm.s32 $0x50;
	s15 =	simm.s32 $0x1C480  }
0x1e: {  	[dreg:$0x9] =	wrdreg s5;
	s1 =	sshrl.u32 s19, $0x3;
	s0 =	sshrl.u32 s0, $0x3  }
0x1f: {  	s19 =	sadd.s32 $0x28000, s14;
	s5 =	simm.s32 $0x19C80;
	s0 =	sadd.s32 s4, s0  }
0x20: {  	s1 =	sadd.s32 s4, s1;
	[dreg:$0x10] =	wrdreg s0;
	s0 =	sshrl.u32 s22, $0x3  }
0x21: {  	s14 =	simm.s32 $0x4;
	[dreg:$0xf] =	wrdreg s1;
	s18 =	sadd.s32 s0, s4  }
.LBB2_1:
0x22: {  	s0 =	simm.s32 $0x0;
	s16 =	rddreg [dreg:$0x3]  }
0x23: {  	s17 =	simm.s32 $0x13880;
	s28 =	sshrl.u32 s6, $0x3;
	s22 =	rddreg [dreg:$0x4]  }
0x24: {  	[tilespmem:s17], [sflag:$0x1] =	stream.linear.gather [hbm4b:s16+s0], $0x1400, $0x38;
	[tilespmem:$0x1EC80] =	vst v63  }
0x25: {  	s23 =	simm.s32 $0x80;
	s25 =	simm.s32 $0x200;
	s16 =	simm.s32 @p0 $0x400  }
0x26: {  	[spmem:s28@s23], [sflag:s26] =	dma.strided [hbm:s22@s25], $0x2700, s31, $0x10   }
0x27: {  	s17 =	simm.s32 @p0 $0x1000;
	s22 =	simm.s32 @p0 $0x14C80;
	s25 =	rddreg [dreg:$0x12]  }
0x28: {  	[tilespmem:s22], [sflag:$0x3] =	stream.strided.gather @p0 [hbm4b:s25+s16], $0x5000, s17, s16, $0x38;
	[tilespmem:$0x1EC80] =	vst v63  }
0x29: {  	s16 =	simm.s32 @p0 $0x2  }
0x2a: {  	s23 =	simm.s32 @!p0 $0x200;
	s17 =	simm.s32 @!p0 $0x8;
	_ =	swait.ge @p0 [sflag:s16], $0x2700  }
0x2b: {  	s22 =	simm.s32 @!p0 $0x80;
	[sflag:s16] =	ssyncset.done @p0 $0x0;
	s0 =	rddreg [dreg:$0x11]  }
0x2c: {  	[sflag:s16] =	ssyncadd.s32 @p0 $0xFFFFD900;
	s16 =	sshrl.u32 @!p0 s0, $0x3;
	s0 =	rddreg [dreg:$0x6]  }
0x2d: {  	[spmem:s16@s22], [sflag:s26] =	dma.strided @!p0 [hbm:s0@s23], $0x100, s17, $0x10   }
0x2e: {  	s17 =	simm.s32 @!p0 $0x400;
	s22 =	simm.s32 @!p0 $0x1000;
	s23 =	simm.s32 @!p0 $0x14C80  }
0x2f: {  	[tilespmem:s23], [sflag:$0x3] =	stream.strided.gather @!p0 [hbm4b:s25+s17], $0x5000, s22, s17, $0x38;
	[tilespmem:$0x1EC80] =	vst v63  }
0x30: {  	s17 =	simm.s32 @!p0 $0x2  }
0x31: {  	_ =	swait.ge @!p0 [sflag:s17], $0x2700  }
0x32: {  	[sflag:s17] =	ssyncset.done @!p0 $0x0  }
0x33: {  	[sflag:s17] =	ssyncadd.s32 @!p0 $0xFFFFD900  }
0x34: {  	_ =	swait.ge @!p0 [sflag:s17], $0x100  }
0x35: {  	[sflag:s17] =	ssyncset.done @!p0 $0x0  }
0x36: {  	s31 =	simm.s32 $0x1;
	[sflag:s17] =	ssyncadd.s32 @!p0 $0xFFFFFF00  }
0x37: {  	_ =	swait.ge [sflag:s31], $0x1400  }
0x38: {  	[sflag:s31] =	ssyncset.done $0x0  }
0x39: {  	[sflag:s31] =	ssyncadd.s32 $0xFFFFEC00  }
0x3a: {  	[bflag:$0x0] =	sbarrier.arrive $0xFFFF  }
0x3b: {  	[tilespmem:s5], [sflag:$0x4] =	stream.strided.gather [hbm4b:s18+s3], $0x5000, s29, s3, $0x38;
	[tilespmem:$0x1EC80] =	vst v63  }
0x3c: {  	_ =	swait.ge [sflag:s7], $0x5000  }
0x3d: {  	[sflag:s7] =	ssyncset.done $0x0  }
0x3e: {  	s0 =	simm.s32 $0x13880;
	[sflag:s7] =	ssyncadd.s32 $0xFFFFB000  }
0x3f: {  	[spmem:s2] =	stream.indirect.scatter.add.f32 [tilespmem:s11], [sflag:$0x5], $0x80, s0, s9, $0xb8;
	[tilespmem:$0x1EC80] =	vst v63  }
0x40: {  	s22 =	simm.s32 $0x13900  }
0x41: {  	[spmem:s2] =	stream.indirect.scatter.add.f32 [tilespmem:s12], [sflag:$0x5], $0x80, s22, s9, $0xb8;
	[tilespmem:$0x1EC80] =	vst v63  }
0x42: {  	_ =	swait.ge [sflag:s8], $0x2800  }
0x43: {  	[sflag:s8] =	ssyncset.done $0x0  }
0x44: {  	[sflag:s8] =	ssyncadd.s32 $0xFFFFD800  }
0x45: {  	_ =	swait.ge [sflag:s8], $0x2800  }
0x46: {  	s23 =	sshrl.u32 s19, $0x3;
	[sflag:s8] =	ssyncset.done $0x0  }
0x47: {  	s17 =	sadd.s32 s4, s23;
	[sflag:s8] =	ssyncadd.s32 $0xFFFFD800  }
0x48: {  	[tilespmem:s11], [sflag:$0x3] =	stream.strided.gather [hbm4b:s17+s3], $0x5000, s29, s3, $0x38;
	[tilespmem:$0x1EC80] =	vst v63  }
0x49: {  	_ =	swait.ge [sflag:s14], $0x5000  }
0x4a: {  	[sflag:s14] =	ssyncset.done $0x0  }
0x4b: {  	s25 =	simm.s32 $0x13980;
	[sflag:s14] =	ssyncadd.s32 $0xFFFFB000  }
0x4c: {  	[spmem:s2] =	stream.indirect.scatter.add.f32 [tilespmem:s5], [sflag:$0x5], $0x80, s25, s9, $0xb8;
	[tilespmem:$0x1EC80] =	vst v63  }
0x4d: {  	s31 =	simm.s32 $0x13A00  }
0x4e: {  	[spmem:s2] =	stream.indirect.scatter.add.f32 [tilespmem:s15], [sflag:$0x5], $0x80, s31, s9, $0xb8;
	[tilespmem:$0x1EC80] =	vst v63  }
0x4f: {  	_ =	swait.ge [sflag:s8], $0x2800  }
0x50: {  	[sflag:s8] =	ssyncset.done $0x0  }
0x51: {  	s1 =	simm.s32 $0x8;
	[sflag:s8] =	ssyncadd.s32 $0xFFFFD800  }
0x52: {  	s10 =	simm.s32 $0x200;
	s23 =	smov.u32 s19;
	_ =	swait.ge [sflag:s8], $0x2800  }
0x53: {  	s22 =	smov.u32 s18;
	s17 =	simm.s32 $0x800;
	[sflag:s8] =	ssyncset.done $0x0  }
.LBB2_2:
0x54: {  	[sflag:s8] =	ssyncadd.s32 $0xFFFFD800  }
0x55: {  	s22 =	sadd.s32 $0x5000, s22;
	s23 =	sadd.s32 $0x28000, s23;
	s25 =	smov.u32 s17  }
0x56: {  	[tilespmem:s5], [sflag:$0x4] =	stream.strided.gather [hbm4b:s22+s3], $0x5000, s29, s3, $0x38;
	[tilespmem:$0x1EC80] =	vst v63  }
0x57: {  	p1 =	sne.s32 s17, $0x4000;
	s17 =	sadd.s32 $0x800, s17;
	_ =	swait.ge [sflag:s7], $0x5000  }
0x58: {  	s25 =	sshra.s32 s25, $0x2;
	[sflag:s7] =	ssyncset.done $0x0  }
0x59: {  	s31 =	sadd.s32 $0x13880, s25;
	[sflag:s7] =	ssyncadd.s32 $0xFFFFB000  }
0x5a: {  	[spmem:s2] =	stream.indirect.scatter.add.f32 [tilespmem:s11], [sflag:$0x5], $0x80, s31, s9, $0xb8;
	[tilespmem:$0x1EC80] =	vst v63  }
0x5b: {  	s31 =	sadd.s32 $0x13900, s25  }
0x5c: {  	[spmem:s2] =	stream.indirect.scatter.add.f32 [tilespmem:s12], [sflag:$0x5], $0x80, s31, s9, $0xb8;
	[tilespmem:$0x1EC80] =	vst v63  }
0x5d: {  	_ =	swait.ge [sflag:s8], $0x2800  }
0x5e: {  	[sflag:s8] =	ssyncset.done $0x0  }
0x5f: {  	[sflag:s8] =	ssyncadd.s32 $0xFFFFD800  }
0x60: {  	_ =	swait.ge [sflag:s8], $0x2800  }
0x61: {  	s31 =	sshrl.u32 s23, $0x3;
	[sflag:s8] =	ssyncset.done $0x0  }
0x62: {  	s31 =	sadd.s32 s4, s31;
	[sflag:s8] =	ssyncadd.s32 $0xFFFFD800  }
0x63: {  	[tilespmem:s11], [sflag:$0x3] =	stream.strided.gather [hbm4b:s31+s3], $0x5000, s29, s3, $0x38;
	[tilespmem:$0x1EC80] =	vst v63  }
0x64: {  	_ =	swait.ge [sflag:s14], $0x5000  }
0x65: {  	[sflag:s14] =	ssyncset.done $0x0  }
0x66: {  	s31 =	sadd.s32 $0x13980, s25;
	[sflag:s14] =	ssyncadd.s32 $0xFFFFB000  }
0x67: {  	[spmem:s2] =	stream.indirect.scatter.add.f32 [tilespmem:s5], [sflag:$0x5], $0x80, s31, s9, $0xb8;
	[tilespmem:$0x1EC80] =	vst v63  }
0x68: {  	s25 =	sadd.s32 $0x13A00, s25  }
0x69: {  	[spmem:s2] =	stream.indirect.scatter.add.f32 [tilespmem:s15], [sflag:$0x5], $0x80, s25, s9, $0xb8;
	[tilespmem:$0x1EC80] =	vst v63  }
.Ltmp0:
0x6a: {  	_ =	swait.ge [sflag:s8], $0x2800;
	(pc) =	sbr.rel @p1 .LBB2_2-.Ltmp0, $4  }
0x6b: {  	[sflag:s8] =	ssyncset.done $0x0  }
0x6c: {  	[sflag:s8] =	ssyncadd.s32 $0xFFFFD800  }
0x6d: {  	_ =	swait.ge [sflag:s8], $0x2800  }
0x6e: {  	[sflag:s8] =	ssyncset.done $0x0  }
0x6f: {  	[sflag:s8] =	ssyncadd.s32 $0xFFFFD800;
	s0 =	rddreg [dreg:$0xf]  }
0x70: {  	[tilespmem:s5], [sflag:$0x4] =	stream.strided.gather [hbm4b:s0+s3], $0x5000, s29, s3, $0x38;
	[tilespmem:$0x1EC80] =	vst v63  }
0x71: {  	_ =	swait.ge [sflag:s7], $0x5000  }
0x72: {  	[sflag:s7] =	ssyncset.done $0x0  }
0x73: {  	s31 =	simm.s32 $0x14A80;
	[sflag:s7] =	ssyncadd.s32 $0xFFFFB000  }
0x74: {  	[spmem:s2] =	stream.indirect.scatter.add.f32 [tilespmem:s11], [sflag:$0x5], $0x80, s31, s9, $0xb8;
	[tilespmem:$0x1EC80] =	vst v63  }
0x75: {  	s17 =	simm.s32 $0x14B00  }
0x76: {  	[spmem:s2] =	stream.indirect.scatter.add.f32 [tilespmem:s12], [sflag:$0x5], $0x80, s17, s9, $0xb8;
	[tilespmem:$0x1EC80] =	vst v63  }
0x77: {  	_ =	swait.ge [sflag:s8], $0x2800  }
0x78: {  	[sflag:s8] =	ssyncset.done $0x0  }
0x79: {  	[sflag:s8] =	ssyncadd.s32 $0xFFFFD800  }
0x7a: {  	_ =	swait.ge [sflag:s8], $0x2800  }
0x7b: {  	[sflag:s8] =	ssyncset.done $0x0  }
0x7c: {  	[sflag:s8] =	ssyncadd.s32 $0xFFFFD800  }
0x7d: {  	_ =	swait.ge [sflag:s14], $0x5000  }
0x7e: {  	[sflag:s14] =	ssyncset.done $0x0  }
0x7f: {  	s22 =	simm.s32 $0x14B80;
	[sflag:s14] =	ssyncadd.s32 $0xFFFFB000  }
0x80: {  	[spmem:s2] =	stream.indirect.scatter.add.f32 [tilespmem:s5], [sflag:$0x5], $0x80, s22, s9, $0xb8;
	[tilespmem:$0x1EC80] =	vst v63  }
0x81: {  	s23 =	simm.s32 $0x14C00  }
0x82: {  	[spmem:s2] =	stream.indirect.scatter.add.f32 [tilespmem:s15], [sflag:$0x5], $0x80, s23, s9, $0xb8;
	[tilespmem:$0x1EC80] =	vst v63  }
0x83: {  	_ =	swait.ge [sflag:s8], $0x2800  }
0x84: {  	[sflag:s8] =	ssyncset.done $0x0  }
0x85: {  	[sflag:s8] =	ssyncadd.s32 $0xFFFFD800  }
0x86: {  	_ =	swait.ge [sflag:s8], $0x2800  }
0x87: {  	[sflag:s8] =	ssyncset.done $0x0  }
0x88: {  	[sflag:s8] =	ssyncadd.s32 $0xFFFFD800  }
0x89: {  	[bflag:$0x0] =	sbarrier.arrive $0xFFFF  }
0x8a: {  	s25 =	rddreg [dreg:$0x5]  }
0x8b: {  	s22 =	simm.s32 $0x80;
	s31 =	rddreg [dreg:$0x7];
	s17 =	sor.u32 $0x1C06, s25  }
0x8c: {  	[hbm:s31@s10], [sflag:s17] =	dma.strided [spmem:s28@s22], $0x2700, s1, $0x10   }
0x8d: {  	_ =	swait.ge [sflag:s20], $0x2700  }
0x8e: {  	s23 =	simm.s32 @p0 $0x8;
	s25 =	simm.s32 @p0 $0x80;
	[sflag:s20] =	ssyncset.done $0x0  }
0x8f: {  	s22 =	sshrl.u32 @p0 s6, $0x3;
	s31 =	simm.s32 @p0 $0x200;
	[sflag:s20] =	ssyncadd.s32 $0xFFFFD900  }
0x90: {  	[spmem:s22@s25], [sflag:s26] =	dma.strided @p0 [hbm:s13@s31], $0x2700, s23, $0x10   }
0x91: {  	s22 =	simm.s32 @p0 $0x400  }
0x92: {  	s23 =	simm.s32 @p0 $0x1000;
	s25 =	simm.s32 @p0 $0x14C80;
	s0 =	rddreg [dreg:$0x9]  }
0x93: {  	[tilespmem:s25], [sflag:$0x3] =	stream.strided.gather @p0 [hbm4b:s0+s22], $0x5000, s23, s22, $0x38;
	[tilespmem:$0x1EC80] =	vst v63  }
0x94: {  	s22 =	simm.s32 @p0 $0x2  }
0x95: {  	s31 =	simm.s32 @!p0 $0x6;
	_ =	swait.ge @p0 [sflag:s22], $0x2700  }
0x96: {  	s23 =	simm.s32 @!p0 $0x200;
	s25 =	simm.s32 @!p0 $0x80;
	[sflag:s22] =	ssyncset.done @p0 $0x0  }
0x97: {  	s0 =	rddreg [dreg:$0x8];
	[sflag:s22] =	ssyncadd.s32 @p0 $0xFFFFD900;
	s22 =	simm.s32 @!p0 $0x8  }
0x98: {  	[hbm:s0@s23], [sflag:s17] =	dma.strided @!p0 [spmem:s16@s25], $0x100, s22, $0x10   }
0x99: {  	_ =	swait.ge @!p0 [sflag:s31], $0x100  }
0x9a: {  	[sflag:s31] =	ssyncset.done @!p0 $0x0  }
0x9b: {  	[sflag:s31] =	ssyncadd.s32 @!p0 $0xFFFFFF00;
	s31 =	sshrl.u32 @!p0 s6, $0x3  }
0x9c: {  	[spmem:s31@s25], [sflag:s26] =	dma.strided @!p0 [hbm:s13@s23], $0x2700, s22, $0x10   }
0x9d: {  	s0 =	rddreg [dreg:$0xa]  }
0x9e: {  	[spmem:s16@s25], [sflag:s26] =	dma.strided @!p0 [hbm:s0@s23], $0x100, s22, $0x10   }
0x9f: {  	s22 =	simm.s32 @!p0 $0x400  }
0xa0: {  	s23 =	simm.s32 @!p0 $0x1000;
	s25 =	simm.s32 @!p0 $0x14C80;
	s0 =	rddreg [dreg:$0xb]  }
0xa1: {  	[tilespmem:s25], [sflag:$0x3] =	stream.strided.gather @!p0 [hbm4b:s0+s22], $0x5000, s23, s22, $0x38;
	[tilespmem:$0x1EC80] =	vst v63  }
0xa2: {  	s22 =	simm.s32 @!p0 $0x2  }
0xa3: {  	_ =	swait.ge @!p0 [sflag:s22], $0x2700  }
0xa4: {  	[sflag:s22] =	ssyncset.done @!p0 $0x0  }
0xa5: {  	[sflag:s22] =	ssyncadd.s32 @!p0 $0xFFFFD900  }
0xa6: {  	_ =	swait.ge @!p0 [sflag:s22], $0x100  }
0xa7: {  	[sflag:s22] =	ssyncset.done @!p0 $0x0  }
0xa8: {  	[sflag:s22] =	ssyncadd.s32 @!p0 $0xFFFFFF00  }
0xa9: {  	[bflag:$0x0] =	sbarrier.arrive $0xFFFF  }
0xaa: {  	[tilespmem:s5], [sflag:$0x4] =	stream.strided.gather [hbm4b:s24+s3], $0x5000, s29, s3, $0x38;
	[tilespmem:$0x1EC80] =	vst v63  }
0xab: {  	_ =	swait.ge [sflag:s7], $0x5000  }
0xac: {  	[sflag:s7] =	ssyncset.done $0x0  }
0xad: {  	s10 =	simm.s32 $0x13880;
	[sflag:s7] =	ssyncadd.s32 $0xFFFFB000  }
0xae: {  	[spmem:s2] =	stream.indirect.scatter.add.f32 [tilespmem:s11], [sflag:$0x5], $0x80, s10, s9, $0xb8;
	[tilespmem:$0x1EC80] =	vst v63  }
0xaf: {  	s23 =	simm.s32 $0x13900  }
0xb0: {  	[spmem:s2] =	stream.indirect.scatter.add.f32 [tilespmem:s12], [sflag:$0x5], $0x80, s23, s9, $0xb8;
	[tilespmem:$0x1EC80] =	vst v63  }
0xb1: {  	_ =	swait.ge [sflag:s8], $0x2800  }
0xb2: {  	[sflag:s8] =	ssyncset.done $0x0  }
0xb3: {  	[sflag:s8] =	ssyncadd.s32 $0xFFFFD800  }
0xb4: {  	_ =	swait.ge [sflag:s8], $0x2800  }
0xb5: {  	[sflag:s8] =	ssyncset.done $0x0  }
0xb6: {  	[sflag:s8] =	ssyncadd.s32 $0xFFFFD800  }
0xb7: {  	[tilespmem:s11], [sflag:$0x3] =	stream.strided.gather [hbm4b:s30+s3], $0x5000, s29, s3, $0x38;
	[tilespmem:$0x1EC80] =	vst v63  }
0xb8: {  	_ =	swait.ge [sflag:s14], $0x5000  }
0xb9: {  	[sflag:s14] =	ssyncset.done $0x0  }
0xba: {  	s25 =	simm.s32 $0x13980;
	[sflag:s14] =	ssyncadd.s32 $0xFFFFB000  }
0xbb: {  	[spmem:s2] =	stream.indirect.scatter.add.f32 [tilespmem:s5], [sflag:$0x5], $0x80, s25, s9, $0xb8;
	[tilespmem:$0x1EC80] =	vst v63  }
0xbc: {  	s31 =	simm.s32 $0x13A00  }
0xbd: {  	[spmem:s2] =	stream.indirect.scatter.add.f32 [tilespmem:s15], [sflag:$0x5], $0x80, s31, s9, $0xb8;
	[tilespmem:$0x1EC80] =	vst v63  }
0xbe: {  	_ =	swait.ge [sflag:s8], $0x2800  }
0xbf: {  	[sflag:s8] =	ssyncset.done $0x0  }
0xc0: {  	[sflag:s8] =	ssyncadd.s32 $0xFFFFD800  }
0xc1: {  	s1 =	simm.s32 $0x80;
	s22 =	simm.s32 $0x800;
	_ =	swait.ge [sflag:s8], $0x2800  }
0xc2: {  	s23 =	smov.u32 s24;
	s25 =	smov.u32 s30;
	[sflag:s8] =	ssyncset.done $0x0  }
.LBB2_4:
0xc3: {  	[sflag:s8] =	ssyncadd.s32 $0xFFFFD800  }
0xc4: {  	s23 =	sadd.s32 $0x5000, s23;
	s25 =	sadd.s32 $0x5000, s25;
	s31 =	smov.u32 s22  }
0xc5: {  	[tilespmem:s5], [sflag:$0x4] =	stream.strided.gather [hbm4b:s23+s3], $0x5000, s29, s3, $0x38;
	[tilespmem:$0x1EC80] =	vst v63  }
0xc6: {  	p1 =	sne.s32 s22, $0x4000;
	s22 =	sadd.s32 $0x800, s22;
	_ =	swait.ge [sflag:s7], $0x5000  }
0xc7: {  	s31 =	sshra.s32 s31, $0x2;
	[sflag:s7] =	ssyncset.done $0x0  }
0xc8: {  	s0 =	sadd.s32 $0x13880, s31;
	[sflag:s7] =	ssyncadd.s32 $0xFFFFB000  }
0xc9: {  	[spmem:s2] =	stream.indirect.scatter.add.f32 [tilespmem:s11], [sflag:$0x5], $0x80, s0, s9, $0xb8;
	[tilespmem:$0x1EC80] =	vst v63  }
0xca: {  	s0 =	sadd.s32 $0x13900, s31  }
0xcb: {  	[spmem:s2] =	stream.indirect.scatter.add.f32 [tilespmem:s12], [sflag:$0x5], $0x80, s0, s9, $0xb8;
	[tilespmem:$0x1EC80] =	vst v63  }
0xcc: {  	_ =	swait.ge [sflag:s8], $0x2800  }
0xcd: {  	[sflag:s8] =	ssyncset.done $0x0  }
0xce: {  	[sflag:s8] =	ssyncadd.s32 $0xFFFFD800  }
0xcf: {  	_ =	swait.ge [sflag:s8], $0x2800  }
0xd0: {  	[sflag:s8] =	ssyncset.done $0x0  }
0xd1: {  	[sflag:s8] =	ssyncadd.s32 $0xFFFFD800  }
0xd2: {  	[tilespmem:s11], [sflag:$0x3] =	stream.strided.gather [hbm4b:s25+s3], $0x5000, s29, s3, $0x38;
	[tilespmem:$0x1EC80] =	vst v63  }
0xd3: {  	_ =	swait.ge [sflag:s14], $0x5000  }
0xd4: {  	[sflag:s14] =	ssyncset.done $0x0  }
0xd5: {  	s0 =	sadd.s32 $0x13980, s31;
	[sflag:s14] =	ssyncadd.s32 $0xFFFFB000  }
0xd6: {  	[spmem:s2] =	stream.indirect.scatter.add.f32 [tilespmem:s5], [sflag:$0x5], $0x80, s0, s9, $0xb8;
	[tilespmem:$0x1EC80] =	vst v63  }
0xd7: {  	s0 =	sadd.s32 $0x13A00, s31  }
0xd8: {  	[spmem:s2] =	stream.indirect.scatter.add.f32 [tilespmem:s15], [sflag:$0x5], $0x80, s0, s9, $0xb8;
	[tilespmem:$0x1EC80] =	vst v63  }
.Ltmp1:
0xd9: {  	_ =	swait.ge [sflag:s8], $0x2800;
	(pc) =	sbr.rel @p1 .LBB2_4-.Ltmp1, $4  }
0xda: {  	[sflag:s8] =	ssyncset.done $0x0  }
0xdb: {  	[sflag:s8] =	ssyncadd.s32 $0xFFFFD800  }
0xdc: {  	_ =	swait.ge [sflag:s8], $0x2800  }
0xdd: {  	[sflag:s8] =	ssyncset.done $0x0  }
0xde: {  	[sflag:s8] =	ssyncadd.s32 $0xFFFFD800;
	s0 =	rddreg [dreg:$0x10]  }
0xdf: {  	[tilespmem:s5], [sflag:$0x4] =	stream.strided.gather [hbm4b:s0+s3], $0x5000, s29, s3, $0x38;
	[tilespmem:$0x1EC80] =	vst v63  }
0xe0: {  	_ =	swait.ge [sflag:s7], $0x5000  }
0xe1: {  	[sflag:s7] =	ssyncset.done $0x0  }
0xe2: {  	s25 =	simm.s32 $0x14A80;
	[sflag:s7] =	ssyncadd.s32 $0xFFFFB000  }
0xe3: {  	[spmem:s2] =	stream.indirect.scatter.add.f32 [tilespmem:s11], [sflag:$0x5], $0x80, s25, s9, $0xb8;
	[tilespmem:$0x1EC80] =	vst v63  }
0xe4: {  	s10 =	simm.s32 $0x14B00  }
0xe5: {  	[spmem:s2] =	stream.indirect.scatter.add.f32 [tilespmem:s12], [sflag:$0x5], $0x80, s10, s9, $0xb8;
	[tilespmem:$0x1EC80] =	vst v63  }
0xe6: {  	_ =	swait.ge [sflag:s8], $0x2800  }
0xe7: {  	[sflag:s8] =	ssyncset.done $0x0  }
0xe8: {  	[sflag:s8] =	ssyncadd.s32 $0xFFFFD800  }
0xe9: {  	_ =	swait.ge [sflag:s8], $0x2800  }
0xea: {  	[sflag:s8] =	ssyncset.done $0x0  }
0xeb: {  	[sflag:s8] =	ssyncadd.s32 $0xFFFFD800  }
0xec: {  	_ =	swait.ge [sflag:s14], $0x5000  }
0xed: {  	[sflag:s14] =	ssyncset.done $0x0  }
0xee: {  	s22 =	simm.s32 $0x14B80;
	[sflag:s14] =	ssyncadd.s32 $0xFFFFB000  }
0xef: {  	[spmem:s2] =	stream.indirect.scatter.add.f32 [tilespmem:s5], [sflag:$0x5], $0x80, s22, s9, $0xb8;
	[tilespmem:$0x1EC80] =	vst v63  }
0xf0: {  	s23 =	simm.s32 $0x14C00  }
0xf1: {  	[spmem:s2] =	stream.indirect.scatter.add.f32 [tilespmem:s15], [sflag:$0x5], $0x80, s23, s9, $0xb8;
	[tilespmem:$0x1EC80] =	vst v63  }
0xf2: {  	_ =	swait.ge [sflag:s8], $0x2800  }
0xf3: {  	[sflag:s8] =	ssyncset.done $0x0  }
0xf4: {  	[sflag:s8] =	ssyncadd.s32 $0xFFFFD800  }
0xf5: {  	_ =	swait.ge [sflag:s8], $0x2800  }
0xf6: {  	[sflag:s8] =	ssyncset.done $0x0  }
0xf7: {  	[sflag:s8] =	ssyncadd.s32 $0xFFFFD800  }
0xf8: {  	[bflag:$0x0] =	sbarrier.arrive $0xFFFF  }
0xf9: {  	s31 =	simm.s32 $0x8;
	s10 =	simm.s32 $0x200;
	s25 =	rddreg [dreg:$0xc]  }
0xfa: {  	[hbm:s25@s10], [sflag:s17] =	dma.strided [spmem:s28@s1], $0x2700, s31, $0x10   }
0xfb: {  	_ =	swait.ge [sflag:s20], $0x2700  }
0xfc: {  	s0 =	simm.s32 @!p0 $0x8;
	s22 =	simm.s32 @!p0 $0x200;
	[sflag:s20] =	ssyncset.done $0x0  }
0xfd: {  	s23 =	simm.s32 @!p0 $0x80;
	s25 =	rddreg [dreg:$0xd];
	[sflag:s20] =	ssyncadd.s32 $0xFFFFD900  }
0xfe: {  	[hbm:s25@s22], [sflag:s17] =	dma.strided @!p0 [spmem:s16@s23], $0x100, s0, $0x10   }
0xff: {  	s0 =	simm.s32 @!p0 $0x6  }
0x100: {  	_ =	swait.ge @!p0 [sflag:s0], $0x100  }
0x101: {  	s21 =	sadd.s32 $0x1, s21;
	s28 =	rddreg [dreg:$0xe]  }
0x102: {  	p1 =	sne.s32 s21, s28  }
.Ltmp2:
0x103: {  	_ = 	snop;
	(pc) =	sbr.rel @p1 .LBB2_1-.Ltmp2, $3  }
0x104: {  	_ =	sdelay $0x1  }
0x105: {  	[sflag:s0] =	ssyncset.done @!p0 $0x0  }
0x106: {  	[sflag:s0] =	ssyncadd.s32 @!p0 $0xFFFFFF00  }
0x107: {  	_ =	sfence.sel $0x180000  }
0x108: {  	[bflag:$0x0] =	sbarrier.arrive $0xFFFF  }
0x109: {  	_ =	strace $0x9000004D  }
0x10a: {  	s0 =	stileid.u32;
	[bflag:$0x2] =	sbarrier.arrive $0xFFFF  }
0x10b: {  	p0 =	sne.s32 s0, $0x0;
	s0 =	rddreg [dreg:$0x2]  }
0x10c: {  	s0 =	sadd.s32 @!p0 $0x100000, s0  }
0x10d: {  	[sflag:s0] =	ssyncadd.tile.s32 @!p0 $0x1;
	_ =	shalt  }
.Lfunc_end2:
_tile_overlayer_lowered:
.L_overlay_start_2:
0x10e: {  	(tag) =	ssettag $0x2  }
0x10f: {  	s0 =	rddreg [dreg:$0x0];
	s2 =	stileid.u32  }
0x110: {  	s1 =	rddreg [dreg:$0x1];
	p0 =	sne.s32 s2, $0x0  }
0x111: {  	s3 =	rddreg [dreg:$0x2];
	[bflag:$0x3] =	sbarrier.arrive $0xFFFF;
	s2 =	simm.s32 @!p0 $0x1C06  }
0x112: {  	[timem:s3], [sflag:s2] =	dma.local @!p0 [hbm:s0], s1  }
0x113: {  	s0 =	simm.s32 @!p0 $0x6  }
0x114: {  	_ =	swait.ge @!p0 [sflag:s0], s1  }
0x115: {  	s1 =	ssub.s32 @!p0 $0x0, s1;
	[sflag:s0] =	ssyncset.done @!p0 $0x0  }
0x116: {  	[sflag:s0] =	ssyncadd.s32 @!p0 s1  }
0x117: {  	[bflag:$0x3] =	sbarrier.arrive $0xFFFF  }
0x118: {  	_ =	shalt  }

// kernel: kernel.22.cloned.1.call-start
scs
__scs_entry_jumppad:
0x0: {  	(pc) =	sbr.rel $0x88, $3  }
0x1: {  	(tag) =	ssettag $0x0;
	lr =	simm.s32 $0x1  }
0x2: {  	[smem:$0x3F92] =	sst lr;
	_ =	strace $0xD0000000  }
0x3: {  	_ = 	snop  }
0x4: {  	_ = 	snop  }
0x5: {  	_ = 	snop  }
0x6: {  	_ = 	snop  }
0x7: {  	_ = 	snop  }
__scs_overlays_trampoline_lowered:
0x8: {  	[smem:$0x3FA1] =	sst s0  }
0x9: {  	[smem:$0x3FA2] =	sst s1  }
0xa: {  	[smem:$0x3FA3] =	sst s2  }
0xb: {  	[smem:$0x3FA4] =	sst s3  }
0xc: {  	[smem:$0x3FA5] =	sst s4  }
0xd: {  	[smem:$0x3FA6] =	sst s5  }
0xe: {  	[smem:$0x3FA7] =	sst s6  }
0xf: {  	[smem:$0x3FA8] =	sst s7  }
0x10: {  	[smem:$0x3FA9] =	sst s8  }
0x11: {  	[smem:$0x3FAA] =	sst s9;
	s0 =	simm.s32 @!p0 $0x0  }
0x12: {  	s1 =	sld [smem:$0x3F90];
	s0 =	simm.s32 @p0 $0x1  }
0x13: {  	[smem:$0x3FAB] =	sst s0;
	s0 =	simm.s32 @!p1 $0x0  }
0x14: {  	s2 =	sld [smem:$0x3F8F];
	s0 =	simm.s32 @p1 $0x1  }
0x15: {  	[smem:$0x3FAC] =	sst s0;
	s0 =	simm.s32 @!p2 $0x0  }
0x16: {  	s3 =	sld [smem:$0x3FDB];
	s0 =	simm.s32 @p2 $0x1  }
0x17: {  	s4 =	simm.s32 $0x1BF5;
	[smem:$0x3FAE] =	sst s0  }
0x18: {  	s0 =	sld [smem:$0x3F91];
	_ =	swait.ge [sflag:s4], $0x0  }
0x19: {  	s7 =	sld [smem:$0x3F92]  }
0x1a: {  	s8 =	sadd.s32 $0xFFFFE003, lr  }
0x1b: {  	s9 =	sadd.s32 $0xFFFFFEF7, lr;
	s5 =	simm.s32 $0xFFFFFFFF;
	p2 =	slt.u32 s8, $0xFFFFF086  }
0x1c: {  	p1 =	slt.u32 s9, $0xF7A;
	s5 =	simm.s32 @!p2 $0x0  }
0x1d: {  	s5 =	simm.s32 @p1 $0x1;
	p0 =	seq.s32 s7, s2  }
0x1e: {  	s7 =	smul.u32 @!p0 $0xF7A, s2;
	p2 =	seq.s32 @!p0 s5, $0x0  }
0x1f: {  	s9 =	smul.u32 $0xF7A, s1;
	s8 =	simm.s32 @!p0 $0x1BF5;
	p2 =	por !p2, p0  }
0x20: {  	[sflag:s8] =	ssyncset.s32 @!p0 $0xFFFFF086;
	s6 =	sadd.s32 @!p0 s3, s7;
	s7 =	simm.s32 @!p0 $0x108  }
0x21: {  	s3 =	sadd.s32 s3, s9;
	s6 =	sadd.s32 @!p0 $0x88, s6;
	s7 =	simm.s32 @p2 $0x1082  }
0x22: {  	[simem:s7], [sflag:s8] =	dma.local @!p0 [hbm:s6], $0xF7A  }
0x23: {  	s9 =	sor.u32 $0xD0000000, s2;
	s6 =	simm.s32 $0x108;
	_ =	swait.ge @!p0 [sflag:s8], $0x0  }
0x24: {  	s3 =	sadd.s32 $0x88, s3;
	s6 =	simm.s32 @!p1 $0x1082;
	[sflag:s4] =	ssyncset.s32 $0xFFFFF086  }
0x25: {  	[simem:s6], [sflag:s4] =	dma.local [hbm:s3], $0xF7A  }
0x26: {  	[smem:$0x3F92] =	sst s1;
	(tag) =	ssettag s2;
	_ =	strace s9  }
0x27: {  	s1 =	sld [smem:$0x3FA2]  }
0x28: {  	s2 =	sld [smem:$0x3FA3]  }
0x29: {  	s4 =	sld [smem:$0x3FA5]  }
0x2a: {  	p0 =	seq.s32 s5, $0x0;
	s5 =	sld [smem:$0x3FA6]  }
0x2b: {  	s6 =	sld [smem:$0x3FA7]  }
0x2c: {  	s7 =	sld [smem:$0x3FA8]  }
0x2d: {  	s3 =	simm.s32 $0x108;
	s8 =	sld [smem:$0x3FA9]  }
0x2e: {  	s3 =	simm.s32 @!p0 $0x1082;
	s9 =	sld [smem:$0x3FAA]  }
0x2f: {  	lr =	sadd.s32 s0, s3;
	s0 =	sld [smem:$0x3FA1]  }
0x30: {  	s3 =	sld [smem:$0x3FA4]  }
0x31: {  	[smem:$0x3FAD] =	sst s10  }
0x32: {  	s10 =	sld [smem:$0x3FAB];
	_ =	sdelay $0x3  }
0x33: {  	p0 =	seq.s32 s10, $0x1;
	s10 =	sld [smem:$0x3FAD];
	_ =	sdelay $0x3  }
0x34: {  	[smem:$0x3FAD] =	sst s10  }
0x35: {  	s10 =	sld [smem:$0x3FAC];
	_ =	sdelay $0x3  }
0x36: {  	p1 =	seq.s32 s10, $0x1;
	s10 =	sld [smem:$0x3FAD];
	_ =	sdelay $0x3  }
0x37: {  	[smem:$0x3FAD] =	sst s10  }
0x38: {  	s10 =	sld [smem:$0x3FAE]  }
0x39: {  	_ = 	snop;
	(pc) =	sbr.ind lr, $3  }
0x3a: {  	_ = 	snop  }
0x3b: {  	_ = 	snop  }
0x3c: {  	p2 =	seq.s32 s10, $0x1;
	s10 =	sld [smem:$0x3FAD]  }
0x3d: {  	_ =	shalt  }
0x3e: {  	_ =	shalt  }
0x3f: {  	_ =	shalt  }
0x40: {  	_ =	shalt  }
0x41: {  	_ =	shalt  }
0x42: {  	_ =	shalt  }
0x43: {  	_ =	shalt  }
0x44: {  	_ =	shalt  }
0x45: {  	_ =	shalt  }
0x46: {  	_ =	shalt  }
0x47: {  	_ =	shalt  }
0x48: {  	_ =	shalt  }
0x49: {  	_ =	shalt  }
0x4a: {  	_ =	shalt  }
0x4b: {  	_ =	shalt  }
0x4c: {  	_ =	shalt  }
0x4d: {  	_ =	shalt  }
0x4e: {  	_ =	shalt  }
0x4f: {  	_ =	shalt  }
0x50: {  	_ =	shalt  }
0x51: {  	_ =	shalt  }
0x52: {  	_ =	shalt  }
0x53: {  	_ =	shalt  }
0x54: {  	_ =	shalt  }
0x55: {  	_ =	shalt  }
0x56: {  	_ =	shalt  }
0x57: {  	_ =	shalt  }
0x58: {  	_ =	shalt  }
0x59: {  	_ =	shalt  }
0x5a: {  	_ =	shalt  }
0x5b: {  	_ =	shalt  }
0x5c: {  	_ =	shalt  }
0x5d: {  	_ =	shalt  }
0x5e: {  	_ =	shalt  }
0x5f: {  	_ =	shalt  }
0x60: {  	_ =	shalt  }
0x61: {  	_ =	shalt  }
0x62: {  	_ =	shalt  }
0x63: {  	_ =	shalt  }
0x64: {  	_ =	shalt  }
0x65: {  	_ =	shalt  }
0x66: {  	_ =	shalt  }
0x67: {  	_ =	shalt  }
0x68: {  	_ =	shalt  }
0x69: {  	_ =	shalt  }
0x6a: {  	_ =	shalt  }
0x6b: {  	_ =	shalt  }
0x6c: {  	_ =	shalt  }
0x6d: {  	_ =	shalt  }
0x6e: {  	_ =	shalt  }
0x6f: {  	_ =	shalt  }
0x70: {  	_ =	shalt  }
0x71: {  	_ =	shalt  }
0x72: {  	_ =	shalt  }
0x73: {  	_ =	shalt  }
0x74: {  	_ =	shalt  }
0x75: {  	_ =	shalt  }
0x76: {  	_ =	shalt  }
0x77: {  	_ =	shalt  }
0x78: {  	_ =	shalt  }
0x79: {  	_ =	shalt  }
0x7a: {  	_ =	shalt  }
0x7b: {  	_ =	shalt  }
0x7c: {  	_ =	shalt  }
0x7d: {  	_ =	shalt  }
0x7e: {  	_ =	shalt  }
0x7f: {  	_ =	shalt  }
0x80: {  	_ =	shalt  }
0x81: {  	_ =	shalt  }
0x82: {  	_ =	shalt  }
0x83: {  	_ =	shalt  }
0x84: {  	_ =	shalt  }
0x85: {  	_ =	shalt  }
0x86: {  	_ =	shalt  }
0x87: {  	_ =	shalt  }
.Lfunc_end0:
.L_simem_size_0:
called_computation.3_lowered:
.L_overlay_start_0:
0x88: {  	s2 =	sld [smem:$0x3FD9]  }
0x89: {  	s3 =	sld [smem:$0x3FFE];
	_ =	sdelay $0x1  }
0x8a: {  	s1 =	srdreg.scid  }
0x8b: {  	s0 =	sand.u32 $0x1, s1  }
0x8c: {  	s17 =	sshll.u32 s0, $0xA;
	s2 =	sadd.s32 s3, s2  }
0x8d: {  	s2 =	sadd.s32 s2, s17  }
0x8e: {  	[smem:$0x3FB9] =	sst s2  }
0x8f: {  	_ = 	snop  }
0x90: {  	s2 =	sld [smem:$0x3FD0];
	(tm) =	ssettm $0x1  }
0x91: {  	s18 =	sld [smem:$0x3FFB];
	_ =	sdelay $0x3  }
0x92: {  	_ =	strace s18  }
0x93: {  	s3 =	sld [smem:$0x3FFC];
	_ =	sdelay $0x3  }
0x94: {  	_ =	strace s3  }
0x95: {  	s3 =	sld [smem:$0x3FFD];
	_ =	sdelay $0x3  }
0x96: {  	_ =	strace s3  }
0x97: {  	_ =	strace $0x8FFFFFFF  }
0x98: {  	s19 =	sld [smem:$0x3FDB];
	_ =	sdelay $0x1  }
0x99: {  	s4 =	simm.s32 $_scs_section_size  }
0x9a: {  	s5 =	simm.s32 $_size__tile_overlayer_lowered;
	s6 =	simm.s32 $_tile_overlayer_lowered  }
0x9b: {  	s22 =	simm.s32 $0x1BFF;
	s21 =	sshll.u32 s6, $0x1;
	s3 =	sadd.s32 s4, s19  }
0x9c: {  	s7 =	simm.s32 $0x0;
	s20 =	sshll.u32 s5, $0x1;
	s5 =	sadd.s32 s21, s3  }
0x9d: {  	[timem:s7], [sflag:s22] =	dma.local [hbm:s5], s20  }
0x9e: {  	_ =	swait.ge [sflag:s22], s20  }
0x9f: {  	s4 =	ssub.s32 $0x0, s20;
	[sflag:s22] =	ssyncset.done $0x0  }
0xa0: {  	[sflag:s22] =	ssyncadd.s32 s4;
	_ =	sdelay $0x1  }
0xa1: {  	s23 =	simm.s32 $0x1B8B  }
0xa2: {  	_ =	swait.ge [sflag:s23], $0x1  }
0xa3: {  	[sflag:s23] =	ssyncset.done $0x0  }
0xa4: {  	s25 =	simm.s32 $0x1B8E;
	s24 =	sld [smem:$0x3FFE];
	[sflag:s23] =	ssyncadd.s32 $0xFFFFFFFF  }
0xa5: {  	s26 =	simm.s32 $execute0_lowered;
	[smem:$0x3FD2] =	sst s25  }
0xa6: {  	s5 =	sshll.u32 s26, $0x1;
	_ =	strace $0x8000004F;
	[dreg:$0x1] =	wrdreg $0xFFFFFFFF  }
0xa7: {  	s28 =	simm.s32 $_size_execute0_lowered;
	s3 =	sadd.s32 s3, s5;
	[dreg:$0x0] =	wrdreg $0x0  }
0xa8: {  	s5 =	sshll.u32 s28, $0x1;
	[dreg:$0x2] =	wrdreg s3  }
0xa9: {  	[dreg:$0x3] =	wrdreg s5  }
0xaa: {  	[dreg:$0x4] =	wrdreg $0xC0  }
0xab: {  	_ =	task [dreg:s7], $0x5FFFF  }
0xac: {  	[dreg:$0x1] =	wrdreg $0xFFFFFFFF  }
0xad: {  	[dreg:$0x0] =	wrdreg $0x60  }
0xae: {  	[dreg:$0x2] =	wrdreg s24  }
0xaf: {  	[dreg:$0x3] =	wrdreg s2  }
0xb0: {  	[dreg:$0x4] =	wrdreg $0x0  }
0xb1: {  	[dreg:$0x5] =	wrdreg $0x9  }
0xb2: {  	_ =	task.clear_ibuf [dreg:s7], $0x6FFFF;
	_ =	strace $0x9000004F  }
0xb3: {  	s29 =	simm.s32 $0x9;
	_ =	strace $0x80000051  }
0xb4: {  	_ =	swait.ge [sflag:s29], $0x1  }
0xb5: {  	[sflag:s29] =	ssyncadd.s32 $0xFFFFFFFF  }
0xb6: {  	_ =	strace $0x90000051  }
0xb7: {  	_ =	sfence  }
0xb8: {  	s30 =	sld [smem:$0x0];
	_ =	sdelay $0x2  }
0xb9: {  	s31 =	sshll.u32 s1, $0xD;
	s1 =	sshrl.u32 s1, $0x2  }
0xba: {  	s3 =	sand.u32 $0x4000, s31;
	s1 =	sadd.s32 s1, s30  }
0xbb: {  	s0 =	sor.u32 s3, s0;
	s1 =	sshll.u32 s1, $0x11  }
0xbc: {  	s0 =	sor.u32 s1, s0  }
0xbd: {  	s0 =	sadd.s32 $0x8F2B, s0  }
0xbe: {  	[sflag:s0] =	ssyncadd.remote.s32 $0x1  }
0xbf: {  	_ =	sfence.sel $0xFFFF  }
0xc0: {  	[dreg:$0x0] =	wrdreg $0xFFFFFFFF;
	(pc) =	sbr.abs _section_cstart, $3  }
0xc1: {  	[dreg:$0x1] =	wrdreg $0xFFFFFFFF  }
0xc2: {  	_ =	task.clear_ibuf [dreg:s7], $0x2FFFF;
	_ =	strace $0x9FFFFFFF  }
0xc3: {  	(tm) =	ssettm $0x7FFFFFFF  }
tec
execute0_lowered:
.L_overlay_start_1:
0x0: {  	(tag) =	ssettag $0x1  }
0x1: {  	s0 =	rddreg [dreg:$0x0]  }
0x2: {  	s2 =	rddreg [dreg:$0x1]  }
0x3: {  	s1 =	rddreg [dreg:$0x2];
	s3 =	simm.s32 $0x0  }
0x4: {  	s22 =	srdreg.scid;
	s17 =	stileid.u32;
	s30 =	simm.s32 $0x8  }
0x5: {  	s29 =	simm.s32 $0x80;
	[smem:$0x7FF] =	sst s3;
	s5 =	smul.u32 $0x460, s17  }
0x6: {  	s4 =	sadd.s32 $0x8B0600, s0;
	s3 =	sand.u32 $0x1, s22;
	s8 =	smul.u32 $0x4E000, s17  }
0x7: {  	s7 =	sadd.s32 $0x814200, s0;
	s0 =	sadd.s32 $0x4200, s0;
	s13 =	smul.u32 $0x2BC000, s17  }
0x8: {  	s26 =	sshll.u32 s17, $0x6;
	s12 =	sadd.s32 $0x138000, s1;
	p0 =	sne.s32 s17, $0xF  }
0x9: {  	s17 =	simm.s32 $0x6;
	_ =	strace $0x80000050;
	s6 =	ssub.s32 $0x2, s3  }
0xa: {  	s10 =	sshll.u32 s3, $0xB;
	[dreg:$0x6] =	wrdreg s26;
	s3 =	sshll.u32 s3, $0x8  }
0xb: {  	[dreg:$0x7] =	wrdreg s12;
	s9 =	sshrl.u32 s6, $0x1;
	s2 =	sadd.s32 s2, s5  }
0xc: {  	s23 =	sor.u32 s10, s8;
	s24 =	sshrl.u32 s8, $0x2;
	s5 =	sor.u32 s10, s13  }
0xd: {  	s14 =	sadd.s32 s3, s7;
	s10 =	sor.u32 $0x400, s10;
	s16 =	sadd.s32 s3, s0  }
0xe: {  	s3 =	sadd.s32 s3, s4;
	s11 =	ssub.s32 s6, s9;
	[dreg:$0x4] =	wrdreg s2  }
0xf: {  	s2 =	sshrl.u32 s23, $0x3;
	s6 =	sadd.s32 s24, s1;
	s9 =	sor.u32 $0x1C02, s26  }
0x10: {  	s31 =	sshrl.u32 s5, $0x3;
	s15 =	sadd.s32 $0x9C000, s14;
	s8 =	sor.u32 s8, s10  }
0x11: {  	s18 =	sadd.s32 $0x9C000, s16;
	s10 =	sor.u32 s13, s10;
	s20 =	sadd.s32 $0x9C080, s14  }
0x12: {  	s3 =	sadd.s32 $0x520880, s3;
	s21 =	sadd.s32 $0x9C080, s16;
	s22 =	sadd.s32 $0x14000, s5  }
0x13: {  	s24 =	sadd.s32 $0x14400, s5;
	s26 =	sadd.s32 $0x28400, s5;
	[dreg:$0x8] =	wrdreg s15  }
0x14: {  	s16 =	sadd.s32 $0x28000, s5;
	s5 =	simm.s32 $0x50;
	[dreg:$0xa] =	wrdreg s18  }
0x15: {  	s13 =	simm.s32 $0x4;
	s25 =	sadd.s32 s7, s2;
	[dreg:$0xc] =	wrdreg s20  }
0x16: {  	s12 =	sadd.s32 s4, s31;
	s2 =	sadd.s32 s0, s2;
	[dreg:$0xd] =	wrdreg s3  }
0x17: {  	s8 =	sshrl.u32 s8, $0x3;
	s19 =	sshrl.u32 s10, $0x3;
	[dreg:$0xf] =	wrdreg s21  }
0x18: {  	s23 =	smax.u32 s11, $0x1;
	s31 =	sshrl.u32 s26, $0x3;
	s3 =	simm.s32 $0x1AB80  }
0x19: {  	s26 =	simm.s32 $0x3;
	s10 =	simm.s32 $0x18380;
	[dreg:$0x5] =	wrdreg s25  }
0x1a: {  	s11 =	simm.s32 $0x5;
	s18 =	simm.s32 $0x0;
	[dreg:$0x9] =	wrdreg s2  }
0x1b: {  	s15 =	sadd.s32 s7, s8;
	s7 =	sadd.s32 s4, s19;
	s0 =	sadd.s32 s0, s8  }
0x1c: {  	[dreg:$0x10] =	wrdreg s23;
	s25 =	sshrl.u32 s24, $0x3;
	s28 =	sadd.s32 s31, s4  }
0x1d: {  	s2 =	simm.s32 $0x1000;
	s8 =	simm.s32 $0x1D380;
	[dreg:$0xb] =	wrdreg s7  }
0x1e: {  	[dreg:$0xe] =	wrdreg s0;
	s0 =	sshrl.u32 s22, $0x3;
	s24 =	sadd.s32 s25, s4  }
0x1f: {  	s7 =	simm.s32 $0x15B80;
	s14 =	sadd.s32 s0, s4;
	s0 =	simm.s32 $0x400  }
.LBB2_1:
0x20: {  	s19 =	simm.s32 $0x0;
	s20 =	rddreg [dreg:$0x4];
	s21 =	simm.s32 $0x13880  }
0x21: {  	[tilespmem:s21], [sflag:$0x1] =	stream.linear.gather [hbm4b:s20+s19], $0x2300, $0x38;
	[tilespmem:$0x1FB80] =	vst v63  }
0x22: {  	s22 =	rddreg [dreg:$0x5];
	s23 =	simm.s32 $0x200;
	s19 =	sshrl.u32 s6, $0x3  }
0x23: {  	[spmem:s19@s29], [sflag:s9] =	dma.strided [hbm:s22@s23], $0x2700, s30, $0x10   }
0x24: {  	s20 =	simm.s32 @p0 $0x400;
	s21 =	simm.s32 @p0 $0x1000;
	s22 =	simm.s32 @p0 $0x15B80  }
0x25: {  	[tilespmem:s22], [sflag:$0x3] =	stream.strided.gather @p0 [hbm4b:s12+s20], $0x5000, s21, s20, $0x38;
	[tilespmem:$0x1FB80] =	vst v63  }
0x26: {  	s20 =	simm.s32 @p0 $0x2  }
0x27: {  	_ =	swait.ge @p0 [sflag:s20], $0x2700  }
0x28: {  	s23 =	simm.s32 @!p0 $0x200;
	[sflag:s20] =	ssyncset.done @p0 $0x0  }
0x29: {  	s21 =	simm.s32 @!p0 $0x8;
	[sflag:s20] =	ssyncadd.s32 @p0 $0xFFFFD900;
	s20 =	rddreg [dreg:$0x7]  }
0x2a: {  	s22 =	simm.s32 @!p0 $0x80;
	s25 =	rddreg [dreg:$0x8];
	s20 =	sshrl.u32 @!p0 s20, $0x3  }
0x2b: {  	[spmem:s20@s22], [sflag:s9] =	dma.strided @!p0 [hbm:s25@s23], $0x100, s21, $0x10   }
0x2c: {  	s21 =	simm.s32 @!p0 $0x400;
	s22 =	simm.s32 @!p0 $0x1000;
	s23 =	simm.s32 @!p0 $0x15B80  }
0x2d: {  	[tilespmem:s23], [sflag:$0x3] =	stream.strided.gather @!p0 [hbm4b:s12+s21], $0x5000, s22, s21, $0x38;
	[tilespmem:$0x1FB80] =	vst v63  }
0x2e: {  	s21 =	simm.s32 @!p0 $0x2  }
0x2f: {  	_ =	swait.ge @!p0 [sflag:s21], $0x2700  }
0x30: {  	[sflag:s21] =	ssyncset.done @!p0 $0x0  }
0x31: {  	[sflag:s21] =	ssyncadd.s32 @!p0 $0xFFFFD900  }
0x32: {  	_ =	swait.ge @!p0 [sflag:s21], $0x100  }
0x33: {  	[sflag:s21] =	ssyncset.done @!p0 $0x0  }
0x34: {  	s25 =	simm.s32 $0x1;
	[sflag:s21] =	ssyncadd.s32 @!p0 $0xFFFFFF00  }
0x35: {  	_ =	swait.ge [sflag:s25], $0x2300  }
0x36: {  	[sflag:s25] =	ssyncset.done $0x0  }
0x37: {  	[sflag:s25] =	ssyncadd.s32 $0xFFFFDD00  }
0x38: {  	[bflag:$0x0] =	sbarrier.arrive $0xFFFF  }
0x39: {  	[tilespmem:s3], [sflag:$0x4] =	stream.strided.gather [hbm4b:s14+s0], $0x5000, s2, s0, $0x38;
	[tilespmem:$0x1FB80] =	vst v63  }
0x3a: {  	_ =	swait.ge [sflag:s26], $0x5000  }
0x3b: {  	[sflag:s26] =	ssyncset.done $0x0  }
0x3c: {  	s29 =	simm.s32 $0x13880;
	[sflag:s26] =	ssyncadd.s32 $0xFFFFB000  }
0x3d: {  	[spmem:s1] =	stream.indirect.scatter.add.f32 [tilespmem:s7], [sflag:$0x5], $0x80, s29, s5, $0xb8;
	[tilespmem:$0x1FB80] =	vst v63  }
0x3e: {  	s22 =	simm.s32 $0x13900  }
0x3f: {  	[spmem:s1] =	stream.indirect.scatter.add.f32 [tilespmem:s10], [sflag:$0x5], $0x80, s22, s5, $0xb8;
	[tilespmem:$0x1FB80] =	vst v63  }
0x40: {  	_ =	swait.ge [sflag:s11], $0x2800  }
0x41: {  	[sflag:s11] =	ssyncset.done $0x0  }
0x42: {  	[sflag:s11] =	ssyncadd.s32 $0xFFFFD800  }
0x43: {  	_ =	swait.ge [sflag:s11], $0x2800  }
0x44: {  	s23 =	sshrl.u32 s16, $0x3;
	[sflag:s11] =	ssyncset.done $0x0  }
0x45: {  	s21 =	sadd.s32 s4, s23;
	[sflag:s11] =	ssyncadd.s32 $0xFFFFD800  }
0x46: {  	[tilespmem:s7], [sflag:$0x3] =	stream.strided.gather [hbm4b:s21+s0], $0x5000, s2, s0, $0x38;
	[tilespmem:$0x1FB80] =	vst v63  }
0x47: {  	_ =	swait.ge [sflag:s13], $0x5000  }
0x48: {  	[sflag:s13] =	ssyncset.done $0x0  }
0x49: {  	s25 =	simm.s32 $0x13980;
	[sflag:s13] =	ssyncadd.s32 $0xFFFFB000  }
0x4a: {  	[spmem:s1] =	stream.indirect.scatter.add.f32 [tilespmem:s3], [sflag:$0x5], $0x80, s25, s5, $0xb8;
	[tilespmem:$0x1FB80] =	vst v63  }
0x4b: {  	s29 =	simm.s32 $0x13A00  }
0x4c: {  	[spmem:s1] =	stream.indirect.scatter.add.f32 [tilespmem:s8], [sflag:$0x5], $0x80, s29, s5, $0xb8;
	[tilespmem:$0x1FB80] =	vst v63  }
0x4d: {  	_ =	swait.ge [sflag:s11], $0x2800  }
0x4e: {  	[sflag:s11] =	ssyncset.done $0x0  }
0x4f: {  	[sflag:s11] =	ssyncadd.s32 $0xFFFFD800  }
0x50: {  	s31 =	simm.s32 $0x80;
	s23 =	smov.u32 s16;
	_ =	swait.ge [sflag:s11], $0x2800  }
0x51: {  	s22 =	smov.u32 s14;
	s21 =	simm.s32 $0x800;
	[sflag:s11] =	ssyncset.done $0x0  }
.LBB2_2:
0x52: {  	[sflag:s11] =	ssyncadd.s32 $0xFFFFD800  }
0x53: {  	s22 =	sadd.s32 $0x5000, s22;
	s23 =	sadd.s32 $0x28000, s23;
	s25 =	smov.u32 s21  }
0x54: {  	[tilespmem:s3], [sflag:$0x4] =	stream.strided.gather [hbm4b:s22+s0], $0x5000, s2, s0, $0x38;
	[tilespmem:$0x1FB80] =	vst v63  }
0x55: {  	p1 =	sne.s32 s21, $0x8000;
	s21 =	sadd.s32 $0x800, s21;
	_ =	swait.ge [sflag:s26], $0x5000  }
0x56: {  	s25 =	sshra.s32 s25, $0x2;
	[sflag:s26] =	ssyncset.done $0x0  }
0x57: {  	s29 =	sadd.s32 $0x13880, s25;
	[sflag:s26] =	ssyncadd.s32 $0xFFFFB000  }
0x58: {  	[spmem:s1] =	stream.indirect.scatter.add.f32 [tilespmem:s7], [sflag:$0x5], $0x80, s29, s5, $0xb8;
	[tilespmem:$0x1FB80] =	vst v63  }
0x59: {  	s29 =	sadd.s32 $0x13900, s25  }
0x5a: {  	[spmem:s1] =	stream.indirect.scatter.add.f32 [tilespmem:s10], [sflag:$0x5], $0x80, s29, s5, $0xb8;
	[tilespmem:$0x1FB80] =	vst v63  }
0x5b: {  	_ =	swait.ge [sflag:s11], $0x2800  }
0x5c: {  	[sflag:s11] =	ssyncset.done $0x0  }
0x5d: {  	[sflag:s11] =	ssyncadd.s32 $0xFFFFD800  }
0x5e: {  	_ =	swait.ge [sflag:s11], $0x2800  }
0x5f: {  	s29 =	sshrl.u32 s23, $0x3;
	[sflag:s11] =	ssyncset.done $0x0  }
0x60: {  	s29 =	sadd.s32 s4, s29;
	[sflag:s11] =	ssyncadd.s32 $0xFFFFD800  }
0x61: {  	[tilespmem:s7], [sflag:$0x3] =	stream.strided.gather [hbm4b:s29+s0], $0x5000, s2, s0, $0x38;
	[tilespmem:$0x1FB80] =	vst v63  }
0x62: {  	_ =	swait.ge [sflag:s13], $0x5000  }
0x63: {  	[sflag:s13] =	ssyncset.done $0x0  }
0x64: {  	s29 =	sadd.s32 $0x13980, s25;
	[sflag:s13] =	ssyncadd.s32 $0xFFFFB000  }
0x65: {  	[spmem:s1] =	stream.indirect.scatter.add.f32 [tilespmem:s3], [sflag:$0x5], $0x80, s29, s5, $0xb8;
	[tilespmem:$0x1FB80] =	vst v63  }
0x66: {  	s25 =	sadd.s32 $0x13A00, s25  }
0x67: {  	[spmem:s1] =	stream.indirect.scatter.add.f32 [tilespmem:s8], [sflag:$0x5], $0x80, s25, s5, $0xb8;
	[tilespmem:$0x1FB80] =	vst v63  }
.Ltmp0:
0x68: {  	_ =	swait.ge [sflag:s11], $0x2800;
	(pc) =	sbr.rel @p1 .LBB2_2-.Ltmp0, $4  }
0x69: {  	[sflag:s11] =	ssyncset.done $0x0  }
0x6a: {  	[sflag:s11] =	ssyncadd.s32 $0xFFFFD800  }
0x6b: {  	_ =	swait.ge [sflag:s11], $0x2800  }
0x6c: {  	[sflag:s11] =	ssyncset.done $0x0  }
0x6d: {  	[sflag:s11] =	ssyncadd.s32 $0xFFFFD800  }
0x6e: {  	_ =	swait.ge [sflag:s26], $0x5000  }
0x6f: {  	[sflag:s26] =	ssyncset.done $0x0  }
0x70: {  	s21 =	simm.s32 $0x15A80;
	[sflag:s26] =	ssyncadd.s32 $0xFFFFB000  }
0x71: {  	[spmem:s1] =	stream.indirect.scatter.add.f32 [tilespmem:s7], [sflag:$0x5], $0x80, s21, s5, $0xb8;
	[tilespmem:$0x1FB80] =	vst v63  }
0x72: {  	s29 =	simm.s32 $0x15B00  }
0x73: {  	[spmem:s1] =	stream.indirect.scatter.add.f32 [tilespmem:s10], [sflag:$0x5], $0x80, s29, s5, $0xb8;
	[tilespmem:$0x1FB80] =	vst v63  }
0x74: {  	_ =	swait.ge [sflag:s11], $0x2800  }
0x75: {  	[sflag:s11] =	ssyncset.done $0x0  }
0x76: {  	[sflag:s11] =	ssyncadd.s32 $0xFFFFD800  }
0x77: {  	_ =	swait.ge [sflag:s11], $0x2800  }
0x78: {  	[sflag:s11] =	ssyncset.done $0x0  }
0x79: {  	[sflag:s11] =	ssyncadd.s32 $0xFFFFD800  }
0x7a: {  	[bflag:$0x0] =	sbarrier.arrive $0xFFFF  }
0x7b: {  	s22 =	rddreg [dreg:$0x6]  }
0x7c: {  	s23 =	simm.s32 $0x200;
	s21 =	sor.u32 $0x1C06, s22;
	s22 =	rddreg [dreg:$0x9]  }
0x7d: {  	[hbm:s22@s23], [sflag:s21] =	dma.strided [spmem:s19@s31], $0x2700, s30, $0x10   }
0x7e: {  	_ =	swait.ge [sflag:s17], $0x2700  }
0x7f: {  	s25 =	simm.s32 @p0 $0x80;
	s29 =	simm.s32 @p0 $0x200;
	[sflag:s17] =	ssyncset.done $0x0  }
0x80: {  	s22 =	sshrl.u32 @p0 s6, $0x3;
	s23 =	simm.s32 @p0 $0x8;
	[sflag:s17] =	ssyncadd.s32 $0xFFFFD900  }
0x81: {  	[spmem:s22@s25], [sflag:s9] =	dma.strided @p0 [hbm:s15@s29], $0x2700, s23, $0x10   }
0x82: {  	s22 =	simm.s32 @p0 $0x400  }
0x83: {  	s23 =	simm.s32 @p0 $0x1000;
	s25 =	simm.s32 @p0 $0x15B80;
	s29 =	rddreg [dreg:$0xb]  }
0x84: {  	[tilespmem:s25], [sflag:$0x3] =	stream.strided.gather @p0 [hbm4b:s29+s22], $0x5000, s23, s22, $0x38;
	[tilespmem:$0x1FB80] =	vst v63  }
0x85: {  	s22 =	simm.s32 @p0 $0x2  }
0x86: {  	_ =	swait.ge @p0 [sflag:s22], $0x2700  }
0x87: {  	s23 =	simm.s32 @!p0 $0x200;
	s25 =	simm.s32 @!p0 $0x80;
	[sflag:s22] =	ssyncset.done @p0 $0x0  }
0x88: {  	s29 =	rddreg [dreg:$0xa];
	[sflag:s22] =	ssyncadd.s32 @p0 $0xFFFFD900;
	s22 =	simm.s32 @!p0 $0x8  }
0x89: {  	[hbm:s29@s23], [sflag:s21] =	dma.strided @!p0 [spmem:s20@s25], $0x100, s22, $0x10   }
0x8a: {  	s29 =	simm.s32 @!p0 $0x6  }
0x8b: {  	_ =	swait.ge @!p0 [sflag:s29], $0x100  }
0x8c: {  	[sflag:s29] =	ssyncset.done @!p0 $0x0  }
0x8d: {  	[sflag:s29] =	ssyncadd.s32 @!p0 $0xFFFFFF00;
	s29 =	sshrl.u32 @!p0 s6, $0x3  }
0x8e: {  	[spmem:s29@s25], [sflag:s9] =	dma.strided @!p0 [hbm:s15@s23], $0x2700, s22, $0x10   }
0x8f: {  	s29 =	rddreg [dreg:$0xc]  }
0x90: {  	[spmem:s20@s25], [sflag:s9] =	dma.strided @!p0 [hbm:s29@s23], $0x100, s22, $0x10   }
0x91: {  	s22 =	simm.s32 @!p0 $0x400  }
0x92: {  	s23 =	simm.s32 @!p0 $0x1000;
	s25 =	simm.s32 @!p0 $0x15B80;
	s29 =	rddreg [dreg:$0xd]  }
0x93: {  	[tilespmem:s25], [sflag:$0x3] =	stream.strided.gather @!p0 [hbm4b:s29+s22], $0x5000, s23, s22, $0x38;
	[tilespmem:$0x1FB80] =	vst v63  }
0x94: {  	s22 =	simm.s32 @!p0 $0x2  }
0x95: {  	_ =	swait.ge @!p0 [sflag:s22], $0x2700  }
0x96: {  	[sflag:s22] =	ssyncset.done @!p0 $0x0  }
0x97: {  	[sflag:s22] =	ssyncadd.s32 @!p0 $0xFFFFD900  }
0x98: {  	_ =	swait.ge @!p0 [sflag:s22], $0x100  }
0x99: {  	[sflag:s22] =	ssyncset.done @!p0 $0x0  }
0x9a: {  	[sflag:s22] =	ssyncadd.s32 @!p0 $0xFFFFFF00  }
0x9b: {  	[bflag:$0x0] =	sbarrier.arrive $0xFFFF  }
0x9c: {  	[tilespmem:s3], [sflag:$0x4] =	stream.strided.gather [hbm4b:s24+s0], $0x5000, s2, s0, $0x38;
	[tilespmem:$0x1FB80] =	vst v63  }
0x9d: {  	_ =	swait.ge [sflag:s26], $0x5000  }
0x9e: {  	[sflag:s26] =	ssyncset.done $0x0  }
0x9f: {  	s23 =	simm.s32 $0x13880;
	[sflag:s26] =	ssyncadd.s32 $0xFFFFB000  }
0xa0: {  	[spmem:s1] =	stream.indirect.scatter.add.f32 [tilespmem:s7], [sflag:$0x5], $0x80, s23, s5, $0xb8;
	[tilespmem:$0x1FB80] =	vst v63  }
0xa1: {  	s25 =	simm.s32 $0x13900  }
0xa2: {  	[spmem:s1] =	stream.indirect.scatter.add.f32 [tilespmem:s10], [sflag:$0x5], $0x80, s25, s5, $0xb8;
	[tilespmem:$0x1FB80] =	vst v63  }
0xa3: {  	_ =	swait.ge [sflag:s11], $0x2800  }
0xa4: {  	[sflag:s11] =	ssyncset.done $0x0  }
0xa5: {  	[sflag:s11] =	ssyncadd.s32 $0xFFFFD800  }
0xa6: {  	_ =	swait.ge [sflag:s11], $0x2800  }
0xa7: {  	[sflag:s11] =	ssyncset.done $0x0  }
0xa8: {  	[sflag:s11] =	ssyncadd.s32 $0xFFFFD800  }
0xa9: {  	[tilespmem:s7], [sflag:$0x3] =	stream.strided.gather [hbm4b:s28+s0], $0x5000, s2, s0, $0x38;
	[tilespmem:$0x1FB80] =	vst v63  }
0xaa: {  	_ =	swait.ge [sflag:s13], $0x5000  }
0xab: {  	[sflag:s13] =	ssyncset.done $0x0  }
0xac: {  	s29 =	simm.s32 $0x13980;
	[sflag:s13] =	ssyncadd.s32 $0xFFFFB000  }
0xad: {  	[spmem:s1] =	stream.indirect.scatter.add.f32 [tilespmem:s3], [sflag:$0x5], $0x80, s29, s5, $0xb8;
	[tilespmem:$0x1FB80] =	vst v63  }
0xae: {  	s30 =	simm.s32 $0x13A00  }
0xaf: {  	[spmem:s1] =	stream.indirect.scatter.add.f32 [tilespmem:s8], [sflag:$0x5], $0x80, s30, s5, $0xb8;
	[tilespmem:$0x1FB80] =	vst v63  }
0xb0: {  	_ =	swait.ge [sflag:s11], $0x2800  }
0xb1: {  	[sflag:s11] =	ssyncset.done $0x0  }
0xb2: {  	[sflag:s11] =	ssyncadd.s32 $0xFFFFD800  }
0xb3: {  	s31 =	simm.s32 $0x200;
	s22 =	simm.s32 $0x800;
	_ =	swait.ge [sflag:s11], $0x2800  }
0xb4: {  	s23 =	smov.u32 s24;
	s25 =	smov.u32 s28;
	[sflag:s11] =	ssyncset.done $0x0  }
.LBB2_4:
0xb5: {  	[sflag:s11] =	ssyncadd.s32 $0xFFFFD800  }
0xb6: {  	s23 =	sadd.s32 $0x5000, s23;
	s25 =	sadd.s32 $0x5000, s25;
	s29 =	smov.u32 s22  }
0xb7: {  	[tilespmem:s3], [sflag:$0x4] =	stream.strided.gather [hbm4b:s23+s0], $0x5000, s2, s0, $0x38;
	[tilespmem:$0x1FB80] =	vst v63  }
0xb8: {  	p1 =	sne.s32 s22, $0x8000;
	s22 =	sadd.s32 $0x800, s22;
	_ =	swait.ge [sflag:s26], $0x5000  }
0xb9: {  	s29 =	sshra.s32 s29, $0x2;
	[sflag:s26] =	ssyncset.done $0x0  }
0xba: {  	s30 =	sadd.s32 $0x13880, s29;
	[sflag:s26] =	ssyncadd.s32 $0xFFFFB000  }
0xbb: {  	[spmem:s1] =	stream.indirect.scatter.add.f32 [tilespmem:s7], [sflag:$0x5], $0x80, s30, s5, $0xb8;
	[tilespmem:$0x1FB80] =	vst v63  }
0xbc: {  	s30 =	sadd.s32 $0x13900, s29  }
0xbd: {  	[spmem:s1] =	stream.indirect.scatter.add.f32 [tilespmem:s10], [sflag:$0x5], $0x80, s30, s5, $0xb8;
	[tilespmem:$0x1FB80] =	vst v63  }
0xbe: {  	_ =	swait.ge [sflag:s11], $0x2800  }
0xbf: {  	[sflag:s11] =	ssyncset.done $0x0  }
0xc0: {  	[sflag:s11] =	ssyncadd.s32 $0xFFFFD800  }
0xc1: {  	_ =	swait.ge [sflag:s11], $0x2800  }
0xc2: {  	[sflag:s11] =	ssyncset.done $0x0  }
0xc3: {  	[sflag:s11] =	ssyncadd.s32 $0xFFFFD800  }
0xc4: {  	[tilespmem:s7], [sflag:$0x3] =	stream.strided.gather [hbm4b:s25+s0], $0x5000, s2, s0, $0x38;
	[tilespmem:$0x1FB80] =	vst v63  }
0xc5: {  	_ =	swait.ge [sflag:s13], $0x5000  }
0xc6: {  	[sflag:s13] =	ssyncset.done $0x0  }
0xc7: {  	s30 =	sadd.s32 $0x13980, s29;
	[sflag:s13] =	ssyncadd.s32 $0xFFFFB000  }
0xc8: {  	[spmem:s1] =	stream.indirect.scatter.add.f32 [tilespmem:s3], [sflag:$0x5], $0x80, s30, s5, $0xb8;
	[tilespmem:$0x1FB80] =	vst v63  }
0xc9: {  	s29 =	sadd.s32 $0x13A00, s29  }
0xca: {  	[spmem:s1] =	stream.indirect.scatter.add.f32 [tilespmem:s8], [sflag:$0x5], $0x80, s29, s5, $0xb8;
	[tilespmem:$0x1FB80] =	vst v63  }
.Ltmp1:
0xcb: {  	_ =	swait.ge [sflag:s11], $0x2800;
	(pc) =	sbr.rel @p1 .LBB2_4-.Ltmp1, $4  }
0xcc: {  	[sflag:s11] =	ssyncset.done $0x0  }
0xcd: {  	[sflag:s11] =	ssyncadd.s32 $0xFFFFD800  }
0xce: {  	_ =	swait.ge [sflag:s11], $0x2800  }
0xcf: {  	[sflag:s11] =	ssyncset.done $0x0  }
0xd0: {  	[sflag:s11] =	ssyncadd.s32 $0xFFFFD800  }
0xd1: {  	_ =	swait.ge [sflag:s26], $0x5000  }
0xd2: {  	[sflag:s26] =	ssyncset.done $0x0  }
0xd3: {  	s22 =	simm.s32 $0x15A80;
	[sflag:s26] =	ssyncadd.s32 $0xFFFFB000  }
0xd4: {  	[spmem:s1] =	stream.indirect.scatter.add.f32 [tilespmem:s7], [sflag:$0x5], $0x80, s22, s5, $0xb8;
	[tilespmem:$0x1FB80] =	vst v63  }
0xd5: {  	s23 =	simm.s32 $0x15B00  }
0xd6: {  	[spmem:s1] =	stream.indirect.scatter.add.f32 [tilespmem:s10], [sflag:$0x5], $0x80, s23, s5, $0xb8;
	[tilespmem:$0x1FB80] =	vst v63  }
0xd7: {  	_ =	swait.ge [sflag:s11], $0x2800  }
0xd8: {  	[sflag:s11] =	ssyncset.done $0x0  }
0xd9: {  	[sflag:s11] =	ssyncadd.s32 $0xFFFFD800  }
0xda: {  	_ =	swait.ge [sflag:s11], $0x2800  }
0xdb: {  	[sflag:s11] =	ssyncset.done $0x0  }
0xdc: {  	[sflag:s11] =	ssyncadd.s32 $0xFFFFD800  }
0xdd: {  	[bflag:$0x0] =	sbarrier.arrive $0xFFFF  }
0xde: {  	s30 =	simm.s32 $0x8;
	s29 =	simm.s32 $0x80;
	s25 =	rddreg [dreg:$0xe]  }
0xdf: {  	[hbm:s25@s31], [sflag:s21] =	dma.strided [spmem:s19@s29], $0x2700, s30, $0x10   }
0xe0: {  	_ =	swait.ge [sflag:s17], $0x2700  }
0xe1: {  	s22 =	simm.s32 @!p0 $0x200;
	s23 =	simm.s32 @!p0 $0x80;
	[sflag:s17] =	ssyncset.done $0x0  }
0xe2: {  	s19 =	simm.s32 @!p0 $0x8;
	s25 =	rddreg [dreg:$0xf];
	[sflag:s17] =	ssyncadd.s32 $0xFFFFD900  }
0xe3: {  	[hbm:s25@s22], [sflag:s21] =	dma.strided @!p0 [spmem:s20@s23], $0x100, s19, $0x10   }
0xe4: {  	s19 =	simm.s32 @!p0 $0x6  }
0xe5: {  	_ =	swait.ge @!p0 [sflag:s19], $0x100  }
0xe6: {  	s18 =	sadd.s32 $0x1, s18;
	s31 =	rddreg [dreg:$0x10]  }
0xe7: {  	p1 =	sne.s32 s18, s31  }
.Ltmp2:
0xe8: {  	_ = 	snop;
	(pc) =	sbr.rel @p1 .LBB2_1-.Ltmp2, $3  }
0xe9: {  	_ =	sdelay $0x1  }
0xea: {  	[sflag:s19] =	ssyncset.done @!p0 $0x0  }
0xeb: {  	[sflag:s19] =	ssyncadd.s32 @!p0 $0xFFFFFF00  }
0xec: {  	_ =	sfence.sel $0x180000  }
0xed: {  	[bflag:$0x0] =	sbarrier.arrive $0xFFFF  }
0xee: {  	_ =	strace $0x90000050  }
0xef: {  	s0 =	stileid.u32;
	[bflag:$0x2] =	sbarrier.arrive $0xFFFF  }
0xf0: {  	p0 =	sne.s32 s0, $0x0;
	s0 =	rddreg [dreg:$0x3]  }
0xf1: {  	s0 =	sadd.s32 @!p0 $0x100000, s0  }
0xf2: {  	[sflag:s0] =	ssyncadd.tile.s32 @!p0 $0x1;
	_ =	shalt  }
.Lfunc_end2:
_tile_overlayer_lowered:
.L_overlay_start_2:
0xf3: {  	(tag) =	ssettag $0x2  }
0xf4: {  	s0 =	rddreg [dreg:$0x0];
	s2 =	stileid.u32  }
0xf5: {  	s1 =	rddreg [dreg:$0x1];
	p0 =	sne.s32 s2, $0x0  }
0xf6: {  	s3 =	rddreg [dreg:$0x2];
	[bflag:$0x3] =	sbarrier.arrive $0xFFFF;
	s2 =	simm.s32 @!p0 $0x1C06  }
0xf7: {  	[timem:s3], [sflag:s2] =	dma.local @!p0 [hbm:s0], s1  }
0xf8: {  	s0 =	simm.s32 @!p0 $0x6  }
0xf9: {  	_ =	swait.ge @!p0 [sflag:s0], s1  }
0xfa: {  	s1 =	ssub.s32 @!p0 $0x0, s1;
	[sflag:s0] =	ssyncset.done @!p0 $0x0  }
0xfb: {  	[sflag:s0] =	ssyncadd.s32 @!p0 s1  }
0xfc: {  	[bflag:$0x3] =	sbarrier.arrive $0xFFFF  }
0xfd: {  	_ =	shalt  }

// kernel: kernel.25.cloned.1.call-start
scs
__scs_entry_jumppad:
0x0: {  	(pc) =	sbr.rel $0x88, $3  }
0x1: {  	(tag) =	ssettag $0x0;
	lr =	simm.s32 $0x1  }
0x2: {  	[smem:$0x3F92] =	sst lr;
	_ =	strace $0xD0000000  }
0x3: {  	_ = 	snop  }
0x4: {  	_ = 	snop  }
0x5: {  	_ = 	snop  }
0x6: {  	_ = 	snop  }
0x7: {  	_ = 	snop  }
__scs_overlays_trampoline_lowered:
0x8: {  	[smem:$0x3FA1] =	sst s0  }
0x9: {  	[smem:$0x3FA2] =	sst s1  }
0xa: {  	[smem:$0x3FA3] =	sst s2  }
0xb: {  	[smem:$0x3FA4] =	sst s3  }
0xc: {  	[smem:$0x3FA5] =	sst s4  }
0xd: {  	[smem:$0x3FA6] =	sst s5  }
0xe: {  	[smem:$0x3FA7] =	sst s6  }
0xf: {  	[smem:$0x3FA8] =	sst s7  }
0x10: {  	[smem:$0x3FA9] =	sst s8  }
0x11: {  	[smem:$0x3FAA] =	sst s9;
	s0 =	simm.s32 @!p0 $0x0  }
0x12: {  	s1 =	sld [smem:$0x3F90];
	s0 =	simm.s32 @p0 $0x1  }
0x13: {  	[smem:$0x3FAB] =	sst s0;
	s0 =	simm.s32 @!p1 $0x0  }
0x14: {  	s2 =	sld [smem:$0x3F8F];
	s0 =	simm.s32 @p1 $0x1  }
0x15: {  	[smem:$0x3FAC] =	sst s0;
	s0 =	simm.s32 @!p2 $0x0  }
0x16: {  	s3 =	sld [smem:$0x3FDB];
	s0 =	simm.s32 @p2 $0x1  }
0x17: {  	s4 =	simm.s32 $0x1BF5;
	[smem:$0x3FAE] =	sst s0  }
0x18: {  	s0 =	sld [smem:$0x3F91];
	_ =	swait.ge [sflag:s4], $0x0  }
0x19: {  	s7 =	sld [smem:$0x3F92]  }
0x1a: {  	s8 =	sadd.s32 $0xFFFFE003, lr  }
0x1b: {  	s9 =	sadd.s32 $0xFFFFFEF7, lr;
	s5 =	simm.s32 $0xFFFFFFFF;
	p2 =	slt.u32 s8, $0xFFFFF086  }
0x1c: {  	p1 =	slt.u32 s9, $0xF7A;
	s5 =	simm.s32 @!p2 $0x0  }
0x1d: {  	s5 =	simm.s32 @p1 $0x1;
	p0 =	seq.s32 s7, s2  }
0x1e: {  	s7 =	smul.u32 @!p0 $0xF7A, s2;
	p2 =	seq.s32 @!p0 s5, $0x0  }
0x1f: {  	s9 =	smul.u32 $0xF7A, s1;
	s8 =	simm.s32 @!p0 $0x1BF5;
	p2 =	por !p2, p0  }
0x20: {  	[sflag:s8] =	ssyncset.s32 @!p0 $0xFFFFF086;
	s6 =	sadd.s32 @!p0 s3, s7;
	s7 =	simm.s32 @!p0 $0x108  }
0x21: {  	s3 =	sadd.s32 s3, s9;
	s6 =	sadd.s32 @!p0 $0x88, s6;
	s7 =	simm.s32 @p2 $0x1082  }
0x22: {  	[simem:s7], [sflag:s8] =	dma.local @!p0 [hbm:s6], $0xF7A  }
0x23: {  	s9 =	sor.u32 $0xD0000000, s2;
	s6 =	simm.s32 $0x108;
	_ =	swait.ge @!p0 [sflag:s8], $0x0  }
0x24: {  	s3 =	sadd.s32 $0x88, s3;
	s6 =	simm.s32 @!p1 $0x1082;
	[sflag:s4] =	ssyncset.s32 $0xFFFFF086  }
0x25: {  	[simem:s6], [sflag:s4] =	dma.local [hbm:s3], $0xF7A  }
0x26: {  	[smem:$0x3F92] =	sst s1;
	(tag) =	ssettag s2;
	_ =	strace s9  }
0x27: {  	s1 =	sld [smem:$0x3FA2]  }
0x28: {  	s2 =	sld [smem:$0x3FA3]  }
0x29: {  	s4 =	sld [smem:$0x3FA5]  }
0x2a: {  	p0 =	seq.s32 s5, $0x0;
	s5 =	sld [smem:$0x3FA6]  }
0x2b: {  	s6 =	sld [smem:$0x3FA7]  }
0x2c: {  	s7 =	sld [smem:$0x3FA8]  }
0x2d: {  	s3 =	simm.s32 $0x108;
	s8 =	sld [smem:$0x3FA9]  }
0x2e: {  	s3 =	simm.s32 @!p0 $0x1082;
	s9 =	sld [smem:$0x3FAA]  }
0x2f: {  	lr =	sadd.s32 s0, s3;
	s0 =	sld [smem:$0x3FA1]  }
0x30: {  	s3 =	sld [smem:$0x3FA4]  }
0x31: {  	[smem:$0x3FAD] =	sst s10  }
0x32: {  	s10 =	sld [smem:$0x3FAB];
	_ =	sdelay $0x3  }
0x33: {  	p0 =	seq.s32 s10, $0x1;
	s10 =	sld [smem:$0x3FAD];
	_ =	sdelay $0x3  }
0x34: {  	[smem:$0x3FAD] =	sst s10  }
0x35: {  	s10 =	sld [smem:$0x3FAC];
	_ =	sdelay $0x3  }
0x36: {  	p1 =	seq.s32 s10, $0x1;
	s10 =	sld [smem:$0x3FAD];
	_ =	sdelay $0x3  }
0x37: {  	[smem:$0x3FAD] =	sst s10  }
0x38: {  	s10 =	sld [smem:$0x3FAE]  }
0x39: {  	_ = 	snop;
	(pc) =	sbr.ind lr, $3  }
0x3a: {  	_ = 	snop  }
0x3b: {  	_ = 	snop  }
0x3c: {  	p2 =	seq.s32 s10, $0x1;
	s10 =	sld [smem:$0x3FAD]  }
0x3d: {  	_ =	shalt  }
0x3e: {  	_ =	shalt  }
0x3f: {  	_ =	shalt  }
0x40: {  	_ =	shalt  }
0x41: {  	_ =	shalt  }
0x42: {  	_ =	shalt  }
0x43: {  	_ =	shalt  }
0x44: {  	_ =	shalt  }
0x45: {  	_ =	shalt  }
0x46: {  	_ =	shalt  }
0x47: {  	_ =	shalt  }
0x48: {  	_ =	shalt  }
0x49: {  	_ =	shalt  }
0x4a: {  	_ =	shalt  }
0x4b: {  	_ =	shalt  }
0x4c: {  	_ =	shalt  }
0x4d: {  	_ =	shalt  }
0x4e: {  	_ =	shalt  }
0x4f: {  	_ =	shalt  }
0x50: {  	_ =	shalt  }
0x51: {  	_ =	shalt  }
0x52: {  	_ =	shalt  }
0x53: {  	_ =	shalt  }
0x54: {  	_ =	shalt  }
0x55: {  	_ =	shalt  }
0x56: {  	_ =	shalt  }
0x57: {  	_ =	shalt  }
0x58: {  	_ =	shalt  }
0x59: {  	_ =	shalt  }
0x5a: {  	_ =	shalt  }
0x5b: {  	_ =	shalt  }
0x5c: {  	_ =	shalt  }
0x5d: {  	_ =	shalt  }
0x5e: {  	_ =	shalt  }
0x5f: {  	_ =	shalt  }
0x60: {  	_ =	shalt  }
0x61: {  	_ =	shalt  }
0x62: {  	_ =	shalt  }
0x63: {  	_ =	shalt  }
0x64: {  	_ =	shalt  }
0x65: {  	_ =	shalt  }
0x66: {  	_ =	shalt  }
0x67: {  	_ =	shalt  }
0x68: {  	_ =	shalt  }
0x69: {  	_ =	shalt  }
0x6a: {  	_ =	shalt  }
0x6b: {  	_ =	shalt  }
0x6c: {  	_ =	shalt  }
0x6d: {  	_ =	shalt  }
0x6e: {  	_ =	shalt  }
0x6f: {  	_ =	shalt  }
0x70: {  	_ =	shalt  }
0x71: {  	_ =	shalt  }
0x72: {  	_ =	shalt  }
0x73: {  	_ =	shalt  }
0x74: {  	_ =	shalt  }
0x75: {  	_ =	shalt  }
0x76: {  	_ =	shalt  }
0x77: {  	_ =	shalt  }
0x78: {  	_ =	shalt  }
0x79: {  	_ =	shalt  }
0x7a: {  	_ =	shalt  }
0x7b: {  	_ =	shalt  }
0x7c: {  	_ =	shalt  }
0x7d: {  	_ =	shalt  }
0x7e: {  	_ =	shalt  }
0x7f: {  	_ =	shalt  }
0x80: {  	_ =	shalt  }
0x81: {  	_ =	shalt  }
0x82: {  	_ =	shalt  }
0x83: {  	_ =	shalt  }
0x84: {  	_ =	shalt  }
0x85: {  	_ =	shalt  }
0x86: {  	_ =	shalt  }
0x87: {  	_ =	shalt  }
.Lfunc_end0:
.L_simem_size_0:
called_computation.4_lowered:
.L_overlay_start_0:
0x88: {  	s2 =	sld [smem:$0x3FD9]  }
0x89: {  	s3 =	sld [smem:$0x3FFE];
	_ =	sdelay $0x1  }
0x8a: {  	s1 =	srdreg.scid  }
0x8b: {  	s0 =	sand.u32 $0x1, s1  }
0x8c: {  	s16 =	sshll.u32 s0, $0xA;
	s2 =	sadd.s32 s3, s2  }
0x8d: {  	s2 =	sadd.s32 s2, s16  }
0x8e: {  	[smem:$0x3FB9] =	sst s2  }
0x8f: {  	_ = 	snop  }
0x90: {  	(tm) =	ssettm $0x1  }
0x91: {  	s17 =	sld [smem:$0x3FFB];
	_ =	sdelay $0x3  }
0x92: {  	_ =	strace s17  }
0x93: {  	s2 =	sld [smem:$0x3FFC];
	_ =	sdelay $0x3  }
0x94: {  	_ =	strace s2  }
0x95: {  	s2 =	sld [smem:$0x3FFD];
	_ =	sdelay $0x3  }
0x96: {  	_ =	strace s2  }
0x97: {  	_ =	strace $0x8FFFFFFF  }
0x98: {  	s18 =	sld [smem:$0x3FDB];
	_ =	sdelay $0x1  }
0x99: {  	s19 =	simm.s32 $_scs_section_size  }
0x9a: {  	s4 =	simm.s32 $_size__tile_overlayer_lowered;
	s5 =	simm.s32 $_tile_overlayer_lowered  }
0x9b: {  	s22 =	simm.s32 $0x1BFF;
	s21 =	sshll.u32 s5, $0x1;
	s2 =	sadd.s32 s19, s18  }
0x9c: {  	s6 =	simm.s32 $0x0;
	s20 =	sshll.u32 s4, $0x1;
	s4 =	sadd.s32 s21, s2  }
0x9d: {  	[timem:s6], [sflag:s22] =	dma.local [hbm:s4], s20  }
0x9e: {  	_ =	swait.ge [sflag:s22], s20  }
0x9f: {  	s3 =	ssub.s32 $0x0, s20;
	[sflag:s22] =	ssyncset.done $0x0  }
0xa0: {  	[sflag:s22] =	ssyncadd.s32 s3;
	_ =	sdelay $0x1  }
0xa1: {  	s23 =	simm.s32 $0x1B8B  }
0xa2: {  	_ =	swait.ge [sflag:s23], $0x1  }
0xa3: {  	[sflag:s23] =	ssyncset.done $0x0  }
0xa4: {  	s25 =	simm.s32 $0x1B8E;
	s24 =	sld [smem:$0x3FFE];
	[sflag:s23] =	ssyncadd.s32 $0xFFFFFFFF  }
0xa5: {  	s26 =	simm.s32 $execute0_lowered;
	[smem:$0x3FD2] =	sst s25  }
0xa6: {  	s4 =	sshll.u32 s26, $0x1;
	_ =	strace $0x80000052;
	[dreg:$0x1] =	wrdreg $0xFFFFFFFF  }
0xa7: {  	s28 =	simm.s32 $_size_execute0_lowered;
	s2 =	sadd.s32 s2, s4;
	[dreg:$0x0] =	wrdreg $0x0  }
0xa8: {  	s4 =	sshll.u32 s28, $0x1;
	[dreg:$0x2] =	wrdreg s2  }
0xa9: {  	[dreg:$0x3] =	wrdreg s4  }
0xaa: {  	[dreg:$0x4] =	wrdreg $0xC0  }
0xab: {  	_ =	task [dreg:s6], $0x5FFFF  }
0xac: {  	[dreg:$0x1] =	wrdreg $0xFFFFFFFF  }
0xad: {  	[dreg:$0x0] =	wrdreg $0x60  }
0xae: {  	[dreg:$0x2] =	wrdreg s24  }
0xaf: {  	[dreg:$0x3] =	wrdreg $0x0  }
0xb0: {  	[dreg:$0x4] =	wrdreg $0x9  }
0xb1: {  	_ =	task.clear_ibuf [dreg:s6], $0x5FFFF;
	_ =	strace $0x90000052  }
0xb2: {  	s29 =	simm.s32 $0x9;
	_ =	strace $0x80000054  }
0xb3: {  	_ =	swait.ge [sflag:s29], $0x1  }
0xb4: {  	[sflag:s29] =	ssyncadd.s32 $0xFFFFFFFF  }
0xb5: {  	_ =	strace $0x90000054  }
0xb6: {  	_ =	sfence  }
0xb7: {  	s30 =	sld [smem:$0x0];
	_ =	sdelay $0x2  }
0xb8: {  	s31 =	sshll.u32 s1, $0xD;
	s1 =	sshrl.u32 s1, $0x2  }
0xb9: {  	s3 =	sand.u32 $0x4000, s31;
	s1 =	sadd.s32 s1, s30  }
0xba: {  	s0 =	sor.u32 s3, s0;
	s1 =	sshll.u32 s1, $0x11  }
0xbb: {  	s0 =	sor.u32 s1, s0  }
0xbc: {  	s0 =	sadd.s32 $0x8F2B, s0  }
0xbd: {  	[sflag:s0] =	ssyncadd.remote.s32 $0x1  }
0xbe: {  	_ =	sfence.sel $0xFFFF  }
0xbf: {  	[dreg:$0x0] =	wrdreg $0xFFFFFFFF;
	(pc) =	sbr.abs _section_cstart, $3  }
0xc0: {  	[dreg:$0x1] =	wrdreg $0xFFFFFFFF  }
0xc1: {  	_ =	task.clear_ibuf [dreg:s6], $0x2FFFF;
	_ =	strace $0x9FFFFFFF  }
0xc2: {  	(tm) =	ssettm $0x7FFFFFFF  }
0xc3: {  	_ =	shalt  }
tec
execute0_lowered:
.L_overlay_start_1:
0x0: {  	(tag) =	ssettag $0x1  }
0x1: {  	s0 =	rddreg [dreg:$0x0]  }
0x2: {  	s2 =	rddreg [dreg:$0x1];
	s1 =	simm.s32 $0x0;
	s17 =	stileid.u32  }
0x3: {  	s3 =	srdreg.scid;
	s30 =	simm.s32 $0x8;
	s29 =	simm.s32 $0x80  }
0x4: {  	[smem:$0x7FF] =	sst s1;
	s23 =	smul.u32 $0x460, s17;
	s4 =	sadd.s32 $0xE28600, s0  }
0x5: {  	s3 =	sand.u32 $0x1, s3;
	s5 =	sadd.s32 $0x4200, s0;
	s7 =	smul.u32 $0x4E000, s17  }
0x6: {  	s11 =	smul.u32 $0x2BC000, s17;
	s26 =	sshll.u32 s17, $0x6;
	s12 =	sadd.s32 $0x138000, s2  }
0x7: {  	p0 =	sne.s32 s17, $0xF;
	s17 =	simm.s32 $0x6;
	_ =	strace $0x80000053  }
0x8: {  	s6 =	ssub.s32 $0x2, s3;
	s10 =	sshll.u32 s3, $0xB;
	[dreg:$0x5] =	wrdreg s26  }
0x9: {  	s3 =	sshll.u32 s3, $0x8;
	[dreg:$0x6] =	wrdreg s12;
	s1 =	sadd.s32 s23, s0  }
0xa: {  	s0 =	sadd.s32 $0x4F1A00, s0;
	s8 =	sshrl.u32 s6, $0x1;
	s24 =	sor.u32 s10, s7  }
0xb: {  	s25 =	sshrl.u32 s7, $0x2;
	s13 =	sor.u32 s10, s11;
	s14 =	sadd.s32 s3, s5  }
0xc: {  	s10 =	sor.u32 $0x400, s10;
	s8 =	ssub.s32 s6, s8;
	s1 =	sadd.s32 $0xA5E00, s1  }
0xd: {  	s6 =	sadd.s32 s25, s2;
	s31 =	sshrl.u32 s13, $0x3;
	s15 =	sadd.s32 $0x9C000, s14  }
0xe: {  	s16 =	sadd.s32 s3, s0;
	s7 =	sor.u32 s7, s10;
	s10 =	sor.u32 s11, s10  }
0xf: {  	s3 =	sadd.s32 s3, s4;
	s20 =	sadd.s32 $0x9C080, s14;
	s22 =	sadd.s32 $0x14000, s13  }
0x10: {  	s11 =	simm.s32 $0x5;
	[dreg:$0x3] =	wrdreg s1;
	s1 =	sshrl.u32 s24, $0x3  }
0x11: {  	[dreg:$0x7] =	wrdreg s15;
	s12 =	sadd.s32 s4, s31;
	s18 =	sadd.s32 $0x9C000, s16  }
0x12: {  	s7 =	sshrl.u32 s7, $0x3;
	s19 =	sshrl.u32 s10, $0x3;
	[dreg:$0xb] =	wrdreg s20  }
0x13: {  	s3 =	sadd.s32 $0x520880, s3;
	s21 =	sadd.s32 $0x9C080, s16;
	s23 =	smax.u32 s8, $0x1  }
0x14: {  	s24 =	sadd.s32 $0x14400, s13;
	s16 =	sadd.s32 $0x28000, s13;
	[dreg:$0x9] =	wrdreg s18  }
0x15: {  	s10 =	simm.s32 $0x18380;
	s8 =	simm.s32 $0x1D380;
	[dreg:$0xc] =	wrdreg s3  }
0x16: {  	s9 =	sadd.s32 s5, s1;
	s1 =	sadd.s32 s0, s1;
	[dreg:$0xe] =	wrdreg s21  }
0x17: {  	s15 =	sadd.s32 s5, s7;
	s5 =	sadd.s32 s4, s19;
	[dreg:$0xf] =	wrdreg s23  }
0x18: {  	s0 =	sadd.s32 s0, s7;
	s25 =	sshrl.u32 s24, $0x3;
	[dreg:$0x4] =	wrdreg s9  }
0x19: {  	s3 =	simm.s32 $0x1AB80;
	s7 =	simm.s32 $0x15B80;
	[dreg:$0x8] =	wrdreg s1  }
0x1a: {  	s18 =	simm.s32 $0x0;
	s9 =	sor.u32 $0x1C02, s26;
	[dreg:$0xa] =	wrdreg s5  }
0x1b: {  	[dreg:$0xd] =	wrdreg s0;
	s0 =	sshrl.u32 s22, $0x3;
	s26 =	sadd.s32 $0x28400, s13  }
0x1c: {  	s24 =	sadd.s32 s25, s4;
	s1 =	simm.s32 $0x1000;
	s5 =	simm.s32 $0x50  }
0x1d: {  	s13 =	simm.s32 $0x4;
	s14 =	sadd.s32 s0, s4;
	s31 =	sshrl.u32 s26, $0x3  }
0x1e: {  	s0 =	simm.s32 $0x400;
	s26 =	simm.s32 $0x3;
	s28 =	sadd.s32 s31, s4  }
.LBB2_1:
0x1f: {  	s19 =	simm.s32 $0x0;
	s20 =	rddreg [dreg:$0x3];
	s21 =	simm.s32 $0x13880  }
0x20: {  	[tilespmem:s21], [sflag:$0x1] =	stream.linear.gather [hbm4b:s20+s19], $0x2300, $0x38;
	[tilespmem:$0x1FB80] =	vst v63  }
0x21: {  	s22 =	rddreg [dreg:$0x4];
	s23 =	simm.s32 $0x200;
	s19 =	sshrl.u32 s6, $0x3  }
0x22: {  	[spmem:s19@s29], [sflag:s9] =	dma.strided [hbm:s22@s23], $0x2700, s30, $0x10   }
0x23: {  	s20 =	simm.s32 @p0 $0x400;
	s21 =	simm.s32 @p0 $0x1000;
	s22 =	simm.s32 @p0 $0x15B80  }
0x24: {  	[tilespmem:s22], [sflag:$0x3] =	stream.strided.gather @p0 [hbm4b:s12+s20], $0x5000, s21, s20, $0x38;
	[tilespmem:$0x1FB80] =	vst v63  }
0x25: {  	s20 =	simm.s32 @p0 $0x2  }
0x26: {  	_ =	swait.ge @p0 [sflag:s20], $0x2700  }
0x27: {  	s23 =	simm.s32 @!p0 $0x200;
	[sflag:s20] =	ssyncset.done @p0 $0x0  }
0x28: {  	s21 =	simm.s32 @!p0 $0x8;
	[sflag:s20] =	ssyncadd.s32 @p0 $0xFFFFD900;
	s20 =	rddreg [dreg:$0x6]  }
0x29: {  	s22 =	simm.s32 @!p0 $0x80;
	s25 =	rddreg [dreg:$0x7];
	s20 =	sshrl.u32 @!p0 s20, $0x3  }
0x2a: {  	[spmem:s20@s22], [sflag:s9] =	dma.strided @!p0 [hbm:s25@s23], $0x100, s21, $0x10   }
0x2b: {  	s21 =	simm.s32 @!p0 $0x400;
	s22 =	simm.s32 @!p0 $0x1000;
	s23 =	simm.s32 @!p0 $0x15B80  }
0x2c: {  	[tilespmem:s23], [sflag:$0x3] =	stream.strided.gather @!p0 [hbm4b:s12+s21], $0x5000, s22, s21, $0x38;
	[tilespmem:$0x1FB80] =	vst v63  }
0x2d: {  	s21 =	simm.s32 @!p0 $0x2  }
0x2e: {  	_ =	swait.ge @!p0 [sflag:s21], $0x2700  }
0x2f: {  	[sflag:s21] =	ssyncset.done @!p0 $0x0  }
0x30: {  	[sflag:s21] =	ssyncadd.s32 @!p0 $0xFFFFD900  }
0x31: {  	_ =	swait.ge @!p0 [sflag:s21], $0x100  }
0x32: {  	[sflag:s21] =	ssyncset.done @!p0 $0x0  }
0x33: {  	s25 =	simm.s32 $0x1;
	[sflag:s21] =	ssyncadd.s32 @!p0 $0xFFFFFF00  }
0x34: {  	_ =	swait.ge [sflag:s25], $0x2300  }
0x35: {  	[sflag:s25] =	ssyncset.done $0x0  }
0x36: {  	[sflag:s25] =	ssyncadd.s32 $0xFFFFDD00  }
0x37: {  	[bflag:$0x0] =	sbarrier.arrive $0xFFFF  }
0x38: {  	[tilespmem:s3], [sflag:$0x4] =	stream.strided.gather [hbm4b:s14+s0], $0x5000, s1, s0, $0x38;
	[tilespmem:$0x1FB80] =	vst v63  }
0x39: {  	_ =	swait.ge [sflag:s26], $0x5000  }
0x3a: {  	[sflag:s26] =	ssyncset.done $0x0  }
0x3b: {  	s29 =	simm.s32 $0x13880;
	[sflag:s26] =	ssyncadd.s32 $0xFFFFB000  }
0x3c: {  	[spmem:s2] =	stream.indirect.scatter.add.f32 [tilespmem:s7], [sflag:$0x5], $0x80, s29, s5, $0xb8;
	[tilespmem:$0x1FB80] =	vst v63  }
0x3d: {  	s22 =	simm.s32 $0x13900  }
0x3e: {  	[spmem:s2] =	stream.indirect.scatter.add.f32 [tilespmem:s10], [sflag:$0x5], $0x80, s22, s5, $0xb8;
	[tilespmem:$0x1FB80] =	vst v63  }
0x3f: {  	_ =	swait.ge [sflag:s11], $0x2800  }
0x40: {  	[sflag:s11] =	ssyncset.done $0x0  }
0x41: {  	[sflag:s11] =	ssyncadd.s32 $0xFFFFD800  }
0x42: {  	_ =	swait.ge [sflag:s11], $0x2800  }
0x43: {  	s23 =	sshrl.u32 s16, $0x3;
	[sflag:s11] =	ssyncset.done $0x0  }
0x44: {  	s21 =	sadd.s32 s4, s23;
	[sflag:s11] =	ssyncadd.s32 $0xFFFFD800  }
0x45: {  	[tilespmem:s7], [sflag:$0x3] =	stream.strided.gather [hbm4b:s21+s0], $0x5000, s1, s0, $0x38;
	[tilespmem:$0x1FB80] =	vst v63  }
0x46: {  	_ =	swait.ge [sflag:s13], $0x5000  }
0x47: {  	[sflag:s13] =	ssyncset.done $0x0  }
0x48: {  	s25 =	simm.s32 $0x13980;
	[sflag:s13] =	ssyncadd.s32 $0xFFFFB000  }
0x49: {  	[spmem:s2] =	stream.indirect.scatter.add.f32 [tilespmem:s3], [sflag:$0x5], $0x80, s25, s5, $0xb8;
	[tilespmem:$0x1FB80] =	vst v63  }
0x4a: {  	s29 =	simm.s32 $0x13A00  }
0x4b: {  	[spmem:s2] =	stream.indirect.scatter.add.f32 [tilespmem:s8], [sflag:$0x5], $0x80, s29, s5, $0xb8;
	[tilespmem:$0x1FB80] =	vst v63  }
0x4c: {  	_ =	swait.ge [sflag:s11], $0x2800  }
0x4d: {  	[sflag:s11] =	ssyncset.done $0x0  }
0x4e: {  	[sflag:s11] =	ssyncadd.s32 $0xFFFFD800  }
0x4f: {  	s31 =	simm.s32 $0x80;
	s23 =	smov.u32 s16;
	_ =	swait.ge [sflag:s11], $0x2800  }
0x50: {  	s22 =	smov.u32 s14;
	s21 =	simm.s32 $0x800;
	[sflag:s11] =	ssyncset.done $0x0  }
.LBB2_2:
0x51: {  	[sflag:s11] =	ssyncadd.s32 $0xFFFFD800  }
0x52: {  	s22 =	sadd.s32 $0x5000, s22;
	s23 =	sadd.s32 $0x28000, s23;
	s25 =	smov.u32 s21  }
0x53: {  	[tilespmem:s3], [sflag:$0x4] =	stream.strided.gather [hbm4b:s22+s0], $0x5000, s1, s0, $0x38;
	[tilespmem:$0x1FB80] =	vst v63  }
0x54: {  	p1 =	sne.s32 s21, $0x8000;
	s21 =	sadd.s32 $0x800, s21;
	_ =	swait.ge [sflag:s26], $0x5000  }
0x55: {  	s25 =	sshra.s32 s25, $0x2;
	[sflag:s26] =	ssyncset.done $0x0  }
0x56: {  	s29 =	sadd.s32 $0x13880, s25;
	[sflag:s26] =	ssyncadd.s32 $0xFFFFB000  }
0x57: {  	[spmem:s2] =	stream.indirect.scatter.add.f32 [tilespmem:s7], [sflag:$0x5], $0x80, s29, s5, $0xb8;
	[tilespmem:$0x1FB80] =	vst v63  }
0x58: {  	s29 =	sadd.s32 $0x13900, s25  }
0x59: {  	[spmem:s2] =	stream.indirect.scatter.add.f32 [tilespmem:s10], [sflag:$0x5], $0x80, s29, s5, $0xb8;
	[tilespmem:$0x1FB80] =	vst v63  }
0x5a: {  	_ =	swait.ge [sflag:s11], $0x2800  }
0x5b: {  	[sflag:s11] =	ssyncset.done $0x0  }
0x5c: {  	[sflag:s11] =	ssyncadd.s32 $0xFFFFD800  }
0x5d: {  	_ =	swait.ge [sflag:s11], $0x2800  }
0x5e: {  	s29 =	sshrl.u32 s23, $0x3;
	[sflag:s11] =	ssyncset.done $0x0  }
0x5f: {  	s29 =	sadd.s32 s4, s29;
	[sflag:s11] =	ssyncadd.s32 $0xFFFFD800  }
0x60: {  	[tilespmem:s7], [sflag:$0x3] =	stream.strided.gather [hbm4b:s29+s0], $0x5000, s1, s0, $0x38;
	[tilespmem:$0x1FB80] =	vst v63  }
0x61: {  	_ =	swait.ge [sflag:s13], $0x5000  }
0x62: {  	[sflag:s13] =	ssyncset.done $0x0  }
0x63: {  	s29 =	sadd.s32 $0x13980, s25;
	[sflag:s13] =	ssyncadd.s32 $0xFFFFB000  }
0x64: {  	[spmem:s2] =	stream.indirect.scatter.add.f32 [tilespmem:s3], [sflag:$0x5], $0x80, s29, s5, $0xb8;
	[tilespmem:$0x1FB80] =	vst v63  }
0x65: {  	s25 =	sadd.s32 $0x13A00, s25  }
0x66: {  	[spmem:s2] =	stream.indirect.scatter.add.f32 [tilespmem:s8], [sflag:$0x5], $0x80, s25, s5, $0xb8;
	[tilespmem:$0x1FB80] =	vst v63  }
.Ltmp0:
0x67: {  	_ =	swait.ge [sflag:s11], $0x2800;
	(pc) =	sbr.rel @p1 .LBB2_2-.Ltmp0, $4  }
0x68: {  	[sflag:s11] =	ssyncset.done $0x0  }
0x69: {  	[sflag:s11] =	ssyncadd.s32 $0xFFFFD800  }
0x6a: {  	_ =	swait.ge [sflag:s11], $0x2800  }
0x6b: {  	[sflag:s11] =	ssyncset.done $0x0  }
0x6c: {  	[sflag:s11] =	ssyncadd.s32 $0xFFFFD800  }
0x6d: {  	_ =	swait.ge [sflag:s26], $0x5000  }
0x6e: {  	[sflag:s26] =	ssyncset.done $0x0  }
0x6f: {  	s21 =	simm.s32 $0x15A80;
	[sflag:s26] =	ssyncadd.s32 $0xFFFFB000  }
0x70: {  	[spmem:s2] =	stream.indirect.scatter.add.f32 [tilespmem:s7], [sflag:$0x5], $0x80, s21, s5, $0xb8;
	[tilespmem:$0x1FB80] =	vst v63  }
0x71: {  	s29 =	simm.s32 $0x15B00  }
0x72: {  	[spmem:s2] =	stream.indirect.scatter.add.f32 [tilespmem:s10], [sflag:$0x5], $0x80, s29, s5, $0xb8;
	[tilespmem:$0x1FB80] =	vst v63  }
0x73: {  	_ =	swait.ge [sflag:s11], $0x2800  }
0x74: {  	[sflag:s11] =	ssyncset.done $0x0  }
0x75: {  	[sflag:s11] =	ssyncadd.s32 $0xFFFFD800  }
0x76: {  	_ =	swait.ge [sflag:s11], $0x2800  }
0x77: {  	[sflag:s11] =	ssyncset.done $0x0  }
0x78: {  	[sflag:s11] =	ssyncadd.s32 $0xFFFFD800  }
0x79: {  	[bflag:$0x0] =	sbarrier.arrive $0xFFFF  }
0x7a: {  	s22 =	rddreg [dreg:$0x5]  }
0x7b: {  	s23 =	simm.s32 $0x200;
	s21 =	sor.u32 $0x1C06, s22;
	s22 =	rddreg [dreg:$0x8]  }
0x7c: {  	[hbm:s22@s23], [sflag:s21] =	dma.strided [spmem:s19@s31], $0x2700, s30, $0x10   }
0x7d: {  	_ =	swait.ge [sflag:s17], $0x2700  }
0x7e: {  	s25 =	simm.s32 @p0 $0x80;
	s29 =	simm.s32 @p0 $0x200;
	[sflag:s17] =	ssyncset.done $0x0  }
0x7f: {  	s22 =	sshrl.u32 @p0 s6, $0x3;
	s23 =	simm.s32 @p0 $0x8;
	[sflag:s17] =	ssyncadd.s32 $0xFFFFD900  }
0x80: {  	[spmem:s22@s25], [sflag:s9] =	dma.strided @p0 [hbm:s15@s29], $0x2700, s23, $0x10   }
0x81: {  	s22 =	simm.s32 @p0 $0x400  }
0x82: {  	s23 =	simm.s32 @p0 $0x1000;
	s25 =	simm.s32 @p0 $0x15B80;
	s29 =	rddreg [dreg:$0xa]  }
0x83: {  	[tilespmem:s25], [sflag:$0x3] =	stream.strided.gather @p0 [hbm4b:s29+s22], $0x5000, s23, s22, $0x38;
	[tilespmem:$0x1FB80] =	vst v63  }
0x84: {  	s22 =	simm.s32 @p0 $0x2  }
0x85: {  	_ =	swait.ge @p0 [sflag:s22], $0x2700  }
0x86: {  	s23 =	simm.s32 @!p0 $0x200;
	s25 =	simm.s32 @!p0 $0x80;
	[sflag:s22] =	ssyncset.done @p0 $0x0  }
0x87: {  	s29 =	rddreg [dreg:$0x9];
	[sflag:s22] =	ssyncadd.s32 @p0 $0xFFFFD900;
	s22 =	simm.s32 @!p0 $0x8  }
0x88: {  	[hbm:s29@s23], [sflag:s21] =	dma.strided @!p0 [spmem:s20@s25], $0x100, s22, $0x10   }
0x89: {  	s29 =	simm.s32 @!p0 $0x6  }
0x8a: {  	_ =	swait.ge @!p0 [sflag:s29], $0x100  }
0x8b: {  	[sflag:s29] =	ssyncset.done @!p0 $0x0  }
0x8c: {  	[sflag:s29] =	ssyncadd.s32 @!p0 $0xFFFFFF00;
	s29 =	sshrl.u32 @!p0 s6, $0x3  }
0x8d: {  	[spmem:s29@s25], [sflag:s9] =	dma.strided @!p0 [hbm:s15@s23], $0x2700, s22, $0x10   }
0x8e: {  	s29 =	rddreg [dreg:$0xb]  }
0x8f: {  	[spmem:s20@s25], [sflag:s9] =	dma.strided @!p0 [hbm:s29@s23], $0x100, s22, $0x10   }
0x90: {  	s22 =	simm.s32 @!p0 $0x400  }
0x91: {  	s23 =	simm.s32 @!p0 $0x1000;
	s25 =	simm.s32 @!p0 $0x15B80;
	s29 =	rddreg [dreg:$0xc]  }
0x92: {  	[tilespmem:s25], [sflag:$0x3] =	stream.strided.gather @!p0 [hbm4b:s29+s22], $0x5000, s23, s22, $0x38;
	[tilespmem:$0x1FB80] =	vst v63  }
0x93: {  	s22 =	simm.s32 @!p0 $0x2  }
0x94: {  	_ =	swait.ge @!p0 [sflag:s22], $0x2700  }
0x95: {  	[sflag:s22] =	ssyncset.done @!p0 $0x0  }
0x96: {  	[sflag:s22] =	ssyncadd.s32 @!p0 $0xFFFFD900  }
0x97: {  	_ =	swait.ge @!p0 [sflag:s22], $0x100  }
0x98: {  	[sflag:s22] =	ssyncset.done @!p0 $0x0  }
0x99: {  	[sflag:s22] =	ssyncadd.s32 @!p0 $0xFFFFFF00  }
0x9a: {  	[bflag:$0x0] =	sbarrier.arrive $0xFFFF  }
0x9b: {  	[tilespmem:s3], [sflag:$0x4] =	stream.strided.gather [hbm4b:s24+s0], $0x5000, s1, s0, $0x38;
	[tilespmem:$0x1FB80] =	vst v63  }
0x9c: {  	_ =	swait.ge [sflag:s26], $0x5000  }
0x9d: {  	[sflag:s26] =	ssyncset.done $0x0  }
0x9e: {  	s23 =	simm.s32 $0x13880;
	[sflag:s26] =	ssyncadd.s32 $0xFFFFB000  }
0x9f: {  	[spmem:s2] =	stream.indirect.scatter.add.f32 [tilespmem:s7], [sflag:$0x5], $0x80, s23, s5, $0xb8;
	[tilespmem:$0x1FB80] =	vst v63  }
0xa0: {  	s25 =	simm.s32 $0x13900  }
0xa1: {  	[spmem:s2] =	stream.indirect.scatter.add.f32 [tilespmem:s10], [sflag:$0x5], $0x80, s25, s5, $0xb8;
	[tilespmem:$0x1FB80] =	vst v63  }
0xa2: {  	_ =	swait.ge [sflag:s11], $0x2800  }
0xa3: {  	[sflag:s11] =	ssyncset.done $0x0  }
0xa4: {  	[sflag:s11] =	ssyncadd.s32 $0xFFFFD800  }
0xa5: {  	_ =	swait.ge [sflag:s11], $0x2800  }
0xa6: {  	[sflag:s11] =	ssyncset.done $0x0  }
0xa7: {  	[sflag:s11] =	ssyncadd.s32 $0xFFFFD800  }
0xa8: {  	[tilespmem:s7], [sflag:$0x3] =	stream.strided.gather [hbm4b:s28+s0], $0x5000, s1, s0, $0x38;
	[tilespmem:$0x1FB80] =	vst v63  }
0xa9: {  	_ =	swait.ge [sflag:s13], $0x5000  }
0xaa: {  	[sflag:s13] =	ssyncset.done $0x0  }
0xab: {  	s29 =	simm.s32 $0x13980;
	[sflag:s13] =	ssyncadd.s32 $0xFFFFB000  }
0xac: {  	[spmem:s2] =	stream.indirect.scatter.add.f32 [tilespmem:s3], [sflag:$0x5], $0x80, s29, s5, $0xb8;
	[tilespmem:$0x1FB80] =	vst v63  }
0xad: {  	s30 =	simm.s32 $0x13A00  }
0xae: {  	[spmem:s2] =	stream.indirect.scatter.add.f32 [tilespmem:s8], [sflag:$0x5], $0x80, s30, s5, $0xb8;
	[tilespmem:$0x1FB80] =	vst v63  }
0xaf: {  	_ =	swait.ge [sflag:s11], $0x2800  }
0xb0: {  	[sflag:s11] =	ssyncset.done $0x0  }
0xb1: {  	[sflag:s11] =	ssyncadd.s32 $0xFFFFD800  }
0xb2: {  	s31 =	simm.s32 $0x200;
	s22 =	simm.s32 $0x800;
	_ =	swait.ge [sflag:s11], $0x2800  }
0xb3: {  	s23 =	smov.u32 s24;
	s25 =	smov.u32 s28;
	[sflag:s11] =	ssyncset.done $0x0  }
.LBB2_4:
0xb4: {  	[sflag:s11] =	ssyncadd.s32 $0xFFFFD800  }
0xb5: {  	s23 =	sadd.s32 $0x5000, s23;
	s25 =	sadd.s32 $0x5000, s25;
	s29 =	smov.u32 s22  }
0xb6: {  	[tilespmem:s3], [sflag:$0x4] =	stream.strided.gather [hbm4b:s23+s0], $0x5000, s1, s0, $0x38;
	[tilespmem:$0x1FB80] =	vst v63  }
0xb7: {  	p1 =	sne.s32 s22, $0x8000;
	s22 =	sadd.s32 $0x800, s22;
	_ =	swait.ge [sflag:s26], $0x5000  }
0xb8: {  	s29 =	sshra.s32 s29, $0x2;
	[sflag:s26] =	ssyncset.done $0x0  }
0xb9: {  	s30 =	sadd.s32 $0x13880, s29;
	[sflag:s26] =	ssyncadd.s32 $0xFFFFB000  }
0xba: {  	[spmem:s2] =	stream.indirect.scatter.add.f32 [tilespmem:s7], [sflag:$0x5], $0x80, s30, s5, $0xb8;
	[tilespmem:$0x1FB80] =	vst v63  }
0xbb: {  	s30 =	sadd.s32 $0x13900, s29  }
0xbc: {  	[spmem:s2] =	stream.indirect.scatter.add.f32 [tilespmem:s10], [sflag:$0x5], $0x80, s30, s5, $0xb8;
	[tilespmem:$0x1FB80] =	vst v63  }
0xbd: {  	_ =	swait.ge [sflag:s11], $0x2800  }
0xbe: {  	[sflag:s11] =	ssyncset.done $0x0  }
0xbf: {  	[sflag:s11] =	ssyncadd.s32 $0xFFFFD800  }
0xc0: {  	_ =	swait.ge [sflag:s11], $0x2800  }
0xc1: {  	[sflag:s11] =	ssyncset.done $0x0  }
0xc2: {  	[sflag:s11] =	ssyncadd.s32 $0xFFFFD800  }
0xc3: {  	[tilespmem:s7], [sflag:$0x3] =	stream.strided.gather [hbm4b:s25+s0], $0x5000, s1, s0, $0x38;
	[tilespmem:$0x1FB80] =	vst v63  }
0xc4: {  	_ =	swait.ge [sflag:s13], $0x5000  }
0xc5: {  	[sflag:s13] =	ssyncset.done $0x0  }
0xc6: {  	s30 =	sadd.s32 $0x13980, s29;
	[sflag:s13] =	ssyncadd.s32 $0xFFFFB000  }
0xc7: {  	[spmem:s2] =	stream.indirect.scatter.add.f32 [tilespmem:s3], [sflag:$0x5], $0x80, s30, s5, $0xb8;
	[tilespmem:$0x1FB80] =	vst v63  }
0xc8: {  	s29 =	sadd.s32 $0x13A00, s29  }
0xc9: {  	[spmem:s2] =	stream.indirect.scatter.add.f32 [tilespmem:s8], [sflag:$0x5], $0x80, s29, s5, $0xb8;
	[tilespmem:$0x1FB80] =	vst v63  }
.Ltmp1:
0xca: {  	_ =	swait.ge [sflag:s11], $0x2800;
	(pc) =	sbr.rel @p1 .LBB2_4-.Ltmp1, $4  }
0xcb: {  	[sflag:s11] =	ssyncset.done $0x0  }
0xcc: {  	[sflag:s11] =	ssyncadd.s32 $0xFFFFD800  }
0xcd: {  	_ =	swait.ge [sflag:s11], $0x2800  }
0xce: {  	[sflag:s11] =	ssyncset.done $0x0  }
0xcf: {  	[sflag:s11] =	ssyncadd.s32 $0xFFFFD800  }
0xd0: {  	_ =	swait.ge [sflag:s26], $0x5000  }
0xd1: {  	[sflag:s26] =	ssyncset.done $0x0  }
0xd2: {  	s22 =	simm.s32 $0x15A80;
	[sflag:s26] =	ssyncadd.s32 $0xFFFFB000  }
0xd3: {  	[spmem:s2] =	stream.indirect.scatter.add.f32 [tilespmem:s7], [sflag:$0x5], $0x80, s22, s5, $0xb8;
	[tilespmem:$0x1FB80] =	vst v63  }
0xd4: {  	s23 =	simm.s32 $0x15B00  }
0xd5: {  	[spmem:s2] =	stream.indirect.scatter.add.f32 [tilespmem:s10], [sflag:$0x5], $0x80, s23, s5, $0xb8;
	[tilespmem:$0x1FB80] =	vst v63  }
0xd6: {  	_ =	swait.ge [sflag:s11], $0x2800  }
0xd7: {  	[sflag:s11] =	ssyncset.done $0x0  }
0xd8: {  	[sflag:s11] =	ssyncadd.s32 $0xFFFFD800  }
0xd9: {  	_ =	swait.ge [sflag:s11], $0x2800  }
0xda: {  	[sflag:s11] =	ssyncset.done $0x0  }
0xdb: {  	[sflag:s11] =	ssyncadd.s32 $0xFFFFD800  }
0xdc: {  	[bflag:$0x0] =	sbarrier.arrive $0xFFFF  }
0xdd: {  	s30 =	simm.s32 $0x8;
	s29 =	simm.s32 $0x80;
	s25 =	rddreg [dreg:$0xd]  }
0xde: {  	[hbm:s25@s31], [sflag:s21] =	dma.strided [spmem:s19@s29], $0x2700, s30, $0x10   }
0xdf: {  	_ =	swait.ge [sflag:s17], $0x2700  }
0xe0: {  	s22 =	simm.s32 @!p0 $0x200;
	s23 =	simm.s32 @!p0 $0x80;
	[sflag:s17] =	ssyncset.done $0x0  }
0xe1: {  	s19 =	simm.s32 @!p0 $0x8;
	s25 =	rddreg [dreg:$0xe];
	[sflag:s17] =	ssyncadd.s32 $0xFFFFD900  }
0xe2: {  	[hbm:s25@s22], [sflag:s21] =	dma.strided @!p0 [spmem:s20@s23], $0x100, s19, $0x10   }
0xe3: {  	s19 =	simm.s32 @!p0 $0x6  }
0xe4: {  	_ =	swait.ge @!p0 [sflag:s19], $0x100  }
0xe5: {  	s18 =	sadd.s32 $0x1, s18;
	s31 =	rddreg [dreg:$0xf]  }
0xe6: {  	p1 =	sne.s32 s18, s31  }
.Ltmp2:
0xe7: {  	_ = 	snop;
	(pc) =	sbr.rel @p1 .LBB2_1-.Ltmp2, $3  }
0xe8: {  	_ =	sdelay $0x1  }
0xe9: {  	[sflag:s19] =	ssyncset.done @!p0 $0x0  }
0xea: {  	[sflag:s19] =	ssyncadd.s32 @!p0 $0xFFFFFF00  }
0xeb: {  	_ =	sfence.sel $0x180000  }
0xec: {  	[bflag:$0x0] =	sbarrier.arrive $0xFFFF  }
0xed: {  	_ =	strace $0x90000053  }
0xee: {  	s0 =	stileid.u32;
	[bflag:$0x2] =	sbarrier.arrive $0xFFFF  }
0xef: {  	p0 =	sne.s32 s0, $0x0;
	s0 =	rddreg [dreg:$0x2]  }
0xf0: {  	s0 =	sadd.s32 @!p0 $0x100000, s0  }
0xf1: {  	[sflag:s0] =	ssyncadd.tile.s32 @!p0 $0x1;
	_ =	shalt  }
.Lfunc_end2:
_tile_overlayer_lowered:
.L_overlay_start_2:
0xf2: {  	(tag) =	ssettag $0x2  }
0xf3: {  	s0 =	rddreg [dreg:$0x0];
	s2 =	stileid.u32  }
0xf4: {  	s1 =	rddreg [dreg:$0x1];
	p0 =	sne.s32 s2, $0x0  }
0xf5: {  	s3 =	rddreg [dreg:$0x2];
	[bflag:$0x3] =	sbarrier.arrive $0xFFFF;
	s2 =	simm.s32 @!p0 $0x1C06  }
0xf6: {  	[timem:s3], [sflag:s2] =	dma.local @!p0 [hbm:s0], s1  }
0xf7: {  	s0 =	simm.s32 @!p0 $0x6  }
0xf8: {  	_ =	swait.ge @!p0 [sflag:s0], s1  }
0xf9: {  	s1 =	ssub.s32 @!p0 $0x0, s1;
	[sflag:s0] =	ssyncset.done @!p0 $0x0  }
0xfa: {  	[sflag:s0] =	ssyncadd.s32 @!p0 s1  }
0xfb: {  	[bflag:$0x3] =	sbarrier.arrive $0xFFFF  }
0xfc: {  	_ =	shalt  }

// kernel: kernel.28.cloned.1.call-start
scs
__scs_entry_jumppad:
0x0: {  	(pc) =	sbr.rel $0x88, $3  }
0x1: {  	(tag) =	ssettag $0x0;
	lr =	simm.s32 $0x1  }
0x2: {  	[smem:$0x3F92] =	sst lr;
	_ =	strace $0xD0000000  }
0x3: {  	_ = 	snop  }
0x4: {  	_ = 	snop  }
0x5: {  	_ = 	snop  }
0x6: {  	_ = 	snop  }
0x7: {  	_ = 	snop  }
__scs_overlays_trampoline_lowered:
0x8: {  	[smem:$0x3FA1] =	sst s0  }
0x9: {  	[smem:$0x3FA2] =	sst s1  }
0xa: {  	[smem:$0x3FA3] =	sst s2  }
0xb: {  	[smem:$0x3FA4] =	sst s3  }
0xc: {  	[smem:$0x3FA5] =	sst s4  }
0xd: {  	[smem:$0x3FA6] =	sst s5  }
0xe: {  	[smem:$0x3FA7] =	sst s6  }
0xf: {  	[smem:$0x3FA8] =	sst s7  }
0x10: {  	[smem:$0x3FA9] =	sst s8  }
0x11: {  	[smem:$0x3FAA] =	sst s9;
	s0 =	simm.s32 @!p0 $0x0  }
0x12: {  	s1 =	sld [smem:$0x3F90];
	s0 =	simm.s32 @p0 $0x1  }
0x13: {  	[smem:$0x3FAB] =	sst s0;
	s0 =	simm.s32 @!p1 $0x0  }
0x14: {  	s2 =	sld [smem:$0x3F8F];
	s0 =	simm.s32 @p1 $0x1  }
0x15: {  	[smem:$0x3FAC] =	sst s0;
	s0 =	simm.s32 @!p2 $0x0  }
0x16: {  	s3 =	sld [smem:$0x3FDB];
	s0 =	simm.s32 @p2 $0x1  }
0x17: {  	s4 =	simm.s32 $0x1BF5;
	[smem:$0x3FAE] =	sst s0  }
0x18: {  	s0 =	sld [smem:$0x3F91];
	_ =	swait.ge [sflag:s4], $0x0  }
0x19: {  	s7 =	sld [smem:$0x3F92]  }
0x1a: {  	s8 =	sadd.s32 $0xFFFFE003, lr  }
0x1b: {  	s9 =	sadd.s32 $0xFFFFFEF7, lr;
	s5 =	simm.s32 $0xFFFFFFFF;
	p2 =	slt.u32 s8, $0xFFFFF086  }
0x1c: {  	p1 =	slt.u32 s9, $0xF7A;
	s5 =	simm.s32 @!p2 $0x0  }
0x1d: {  	s5 =	simm.s32 @p1 $0x1;
	p0 =	seq.s32 s7, s2  }
0x1e: {  	s7 =	smul.u32 @!p0 $0xF7A, s2;
	p2 =	seq.s32 @!p0 s5, $0x0  }
0x1f: {  	s9 =	smul.u32 $0xF7A, s1;
	s8 =	simm.s32 @!p0 $0x1BF5;
	p2 =	por !p2, p0  }
0x20: {  	[sflag:s8] =	ssyncset.s32 @!p0 $0xFFFFF086;
	s6 =	sadd.s32 @!p0 s3, s7;
	s7 =	simm.s32 @!p0 $0x108  }
0x21: {  	s3 =	sadd.s32 s3, s9;
	s6 =	sadd.s32 @!p0 $0x88, s6;
	s7 =	simm.s32 @p2 $0x1082  }
0x22: {  	[simem:s7], [sflag:s8] =	dma.local @!p0 [hbm:s6], $0xF7A  }
0x23: {  	s9 =	sor.u32 $0xD0000000, s2;
	s6 =	simm.s32 $0x108;
	_ =	swait.ge @!p0 [sflag:s8], $0x0  }
0x24: {  	s3 =	sadd.s32 $0x88, s3;
	s6 =	simm.s32 @!p1 $0x1082;
	[sflag:s4] =	ssyncset.s32 $0xFFFFF086  }
0x25: {  	[simem:s6], [sflag:s4] =	dma.local [hbm:s3], $0xF7A  }
0x26: {  	[smem:$0x3F92] =	sst s1;
	(tag) =	ssettag s2;
	_ =	strace s9  }
0x27: {  	s1 =	sld [smem:$0x3FA2]  }
0x28: {  	s2 =	sld [smem:$0x3FA3]  }
0x29: {  	s4 =	sld [smem:$0x3FA5]  }
0x2a: {  	p0 =	seq.s32 s5, $0x0;
	s5 =	sld [smem:$0x3FA6]  }
0x2b: {  	s6 =	sld [smem:$0x3FA7]  }
0x2c: {  	s7 =	sld [smem:$0x3FA8]  }
0x2d: {  	s3 =	simm.s32 $0x108;
	s8 =	sld [smem:$0x3FA9]  }
0x2e: {  	s3 =	simm.s32 @!p0 $0x1082;
	s9 =	sld [smem:$0x3FAA]  }
0x2f: {  	lr =	sadd.s32 s0, s3;
	s0 =	sld [smem:$0x3FA1]  }
0x30: {  	s3 =	sld [smem:$0x3FA4]  }
0x31: {  	[smem:$0x3FAD] =	sst s10  }
0x32: {  	s10 =	sld [smem:$0x3FAB];
	_ =	sdelay $0x3  }
0x33: {  	p0 =	seq.s32 s10, $0x1;
	s10 =	sld [smem:$0x3FAD];
	_ =	sdelay $0x3  }
0x34: {  	[smem:$0x3FAD] =	sst s10  }
0x35: {  	s10 =	sld [smem:$0x3FAC];
	_ =	sdelay $0x3  }
0x36: {  	p1 =	seq.s32 s10, $0x1;
	s10 =	sld [smem:$0x3FAD];
	_ =	sdelay $0x3  }
0x37: {  	[smem:$0x3FAD] =	sst s10  }
0x38: {  	s10 =	sld [smem:$0x3FAE]  }
0x39: {  	_ = 	snop;
	(pc) =	sbr.ind lr, $3  }
0x3a: {  	_ = 	snop  }
0x3b: {  	_ = 	snop  }
0x3c: {  	p2 =	seq.s32 s10, $0x1;
	s10 =	sld [smem:$0x3FAD]  }
0x3d: {  	_ =	shalt  }
0x3e: {  	_ =	shalt  }
0x3f: {  	_ =	shalt  }
0x40: {  	_ =	shalt  }
0x41: {  	_ =	shalt  }
0x42: {  	_ =	shalt  }
0x43: {  	_ =	shalt  }
0x44: {  	_ =	shalt  }
0x45: {  	_ =	shalt  }
0x46: {  	_ =	shalt  }
0x47: {  	_ =	shalt  }
0x48: {  	_ =	shalt  }
0x49: {  	_ =	shalt  }
0x4a: {  	_ =	shalt  }
0x4b: {  	_ =	shalt  }
0x4c: {  	_ =	shalt  }
0x4d: {  	_ =	shalt  }
0x4e: {  	_ =	shalt  }
0x4f: {  	_ =	shalt  }
0x50: {  	_ =	shalt  }
0x51: {  	_ =	shalt  }
0x52: {  	_ =	shalt  }
0x53: {  	_ =	shalt  }
0x54: {  	_ =	shalt  }
0x55: {  	_ =	shalt  }
0x56: {  	_ =	shalt  }
0x57: {  	_ =	shalt  }
0x58: {  	_ =	shalt  }
0x59: {  	_ =	shalt  }
0x5a: {  	_ =	shalt  }
0x5b: {  	_ =	shalt  }
0x5c: {  	_ =	shalt  }
0x5d: {  	_ =	shalt  }
0x5e: {  	_ =	shalt  }
0x5f: {  	_ =	shalt  }
0x60: {  	_ =	shalt  }
0x61: {  	_ =	shalt  }
0x62: {  	_ =	shalt  }
0x63: {  	_ =	shalt  }
0x64: {  	_ =	shalt  }
0x65: {  	_ =	shalt  }
0x66: {  	_ =	shalt  }
0x67: {  	_ =	shalt  }
0x68: {  	_ =	shalt  }
0x69: {  	_ =	shalt  }
0x6a: {  	_ =	shalt  }
0x6b: {  	_ =	shalt  }
0x6c: {  	_ =	shalt  }
0x6d: {  	_ =	shalt  }
0x6e: {  	_ =	shalt  }
0x6f: {  	_ =	shalt  }
0x70: {  	_ =	shalt  }
0x71: {  	_ =	shalt  }
0x72: {  	_ =	shalt  }
0x73: {  	_ =	shalt  }
0x74: {  	_ =	shalt  }
0x75: {  	_ =	shalt  }
0x76: {  	_ =	shalt  }
0x77: {  	_ =	shalt  }
0x78: {  	_ =	shalt  }
0x79: {  	_ =	shalt  }
0x7a: {  	_ =	shalt  }
0x7b: {  	_ =	shalt  }
0x7c: {  	_ =	shalt  }
0x7d: {  	_ =	shalt  }
0x7e: {  	_ =	shalt  }
0x7f: {  	_ =	shalt  }
0x80: {  	_ =	shalt  }
0x81: {  	_ =	shalt  }
0x82: {  	_ =	shalt  }
0x83: {  	_ =	shalt  }
0x84: {  	_ =	shalt  }
0x85: {  	_ =	shalt  }
0x86: {  	_ =	shalt  }
0x87: {  	_ =	shalt  }
.Lfunc_end0:
.L_simem_size_0:
called_computation.5_lowered:
.L_overlay_start_0:
0x88: {  	s2 =	sld [smem:$0x3FD9]  }
0x89: {  	s3 =	sld [smem:$0x3FFE];
	_ =	sdelay $0x1  }
0x8a: {  	s1 =	srdreg.scid  }
0x8b: {  	s0 =	sand.u32 $0x1, s1  }
0x8c: {  	s17 =	sshll.u32 s0, $0xA;
	s2 =	sadd.s32 s3, s2  }
0x8d: {  	s2 =	sadd.s32 s2, s17  }
0x8e: {  	[smem:$0x3FB9] =	sst s2  }
0x8f: {  	_ = 	snop  }
0x90: {  	s2 =	sld [smem:$0x3FD0];
	(tm) =	ssettm $0x1  }
0x91: {  	s18 =	sld [smem:$0x3FFB];
	_ =	sdelay $0x3  }
0x92: {  	_ =	strace s18  }
0x93: {  	s3 =	sld [smem:$0x3FFC];
	_ =	sdelay $0x3  }
0x94: {  	_ =	strace s3  }
0x95: {  	s3 =	sld [smem:$0x3FFD];
	_ =	sdelay $0x3  }
0x96: {  	_ =	strace s3  }
0x97: {  	_ =	strace $0x8FFFFFFF  }
0x98: {  	s19 =	sld [smem:$0x3FDB];
	_ =	sdelay $0x1  }
0x99: {  	s4 =	simm.s32 $_scs_section_size  }
0x9a: {  	s5 =	simm.s32 $_size__tile_overlayer_lowered;
	s6 =	simm.s32 $_tile_overlayer_lowered  }
0x9b: {  	s22 =	simm.s32 $0x1BFF;
	s21 =	sshll.u32 s6, $0x1;
	s3 =	sadd.s32 s4, s19  }
0x9c: {  	s7 =	simm.s32 $0x0;
	s20 =	sshll.u32 s5, $0x1;
	s5 =	sadd.s32 s21, s3  }
0x9d: {  	[timem:s7], [sflag:s22] =	dma.local [hbm:s5], s20  }
0x9e: {  	_ =	swait.ge [sflag:s22], s20  }
0x9f: {  	s4 =	ssub.s32 $0x0, s20;
	[sflag:s22] =	ssyncset.done $0x0  }
0xa0: {  	[sflag:s22] =	ssyncadd.s32 s4;
	_ =	sdelay $0x1  }
0xa1: {  	s23 =	simm.s32 $0x1B8B  }
0xa2: {  	_ =	swait.ge [sflag:s23], $0x1  }
0xa3: {  	[sflag:s23] =	ssyncset.done $0x0  }
0xa4: {  	s25 =	simm.s32 $0x1B8E;
	s24 =	sld [smem:$0x3FFE];
	[sflag:s23] =	ssyncadd.s32 $0xFFFFFFFF  }
0xa5: {  	s26 =	simm.s32 $execute0_lowered;
	[smem:$0x3FD2] =	sst s25  }
0xa6: {  	s5 =	sshll.u32 s26, $0x1;
	_ =	strace $0x80000055;
	[dreg:$0x1] =	wrdreg $0xFFFFFFFF  }
0xa7: {  	s28 =	simm.s32 $_size_execute0_lowered;
	s3 =	sadd.s32 s3, s5;
	[dreg:$0x0] =	wrdreg $0x0  }
0xa8: {  	s5 =	sshll.u32 s28, $0x1;
	[dreg:$0x2] =	wrdreg s3  }
0xa9: {  	[dreg:$0x3] =	wrdreg s5  }
0xaa: {  	[dreg:$0x4] =	wrdreg $0xC0  }
0xab: {  	_ =	task [dreg:s7], $0x5FFFF  }
0xac: {  	[dreg:$0x1] =	wrdreg $0xFFFFFFFF  }
0xad: {  	[dreg:$0x0] =	wrdreg $0x60  }
0xae: {  	[dreg:$0x2] =	wrdreg s24  }
0xaf: {  	[dreg:$0x3] =	wrdreg s2  }
0xb0: {  	[dreg:$0x4] =	wrdreg $0x0  }
0xb1: {  	[dreg:$0x5] =	wrdreg $0x9  }
0xb2: {  	_ =	task.clear_ibuf [dreg:s7], $0x6FFFF;
	_ =	strace $0x90000055  }
0xb3: {  	s29 =	simm.s32 $0x9;
	_ =	strace $0x80000057  }
0xb4: {  	_ =	swait.ge [sflag:s29], $0x1  }
0xb5: {  	[sflag:s29] =	ssyncadd.s32 $0xFFFFFFFF  }
0xb6: {  	_ =	strace $0x90000057  }
0xb7: {  	_ =	sfence  }
0xb8: {  	s30 =	sld [smem:$0x0];
	_ =	sdelay $0x2  }
0xb9: {  	s31 =	sshll.u32 s1, $0xD;
	s1 =	sshrl.u32 s1, $0x2  }
0xba: {  	s3 =	sand.u32 $0x4000, s31;
	s1 =	sadd.s32 s1, s30  }
0xbb: {  	s0 =	sor.u32 s3, s0;
	s1 =	sshll.u32 s1, $0x11  }
0xbc: {  	s0 =	sor.u32 s1, s0  }
0xbd: {  	s0 =	sadd.s32 $0x8F2B, s0  }
0xbe: {  	[sflag:s0] =	ssyncadd.remote.s32 $0x1  }
0xbf: {  	_ =	sfence.sel $0xFFFF  }
0xc0: {  	[dreg:$0x0] =	wrdreg $0xFFFFFFFF;
	(pc) =	sbr.abs _section_cstart, $3  }
0xc1: {  	[dreg:$0x1] =	wrdreg $0xFFFFFFFF  }
0xc2: {  	_ =	task.clear_ibuf [dreg:s7], $0x2FFFF;
	_ =	strace $0x9FFFFFFF  }
0xc3: {  	(tm) =	ssettm $0x7FFFFFFF  }
tec
execute0_lowered:
.L_overlay_start_1:
0x0: {  	(tag) =	ssettag $0x1  }
0x1: {  	s0 =	rddreg [dreg:$0x0]  }
0x2: {  	s2 =	rddreg [dreg:$0x1]  }
0x3: {  	s1 =	rddreg [dreg:$0x2];
	s3 =	simm.s32 $0x0  }
0x4: {  	s22 =	srdreg.scid;
	s17 =	stileid.u32;
	s30 =	simm.s32 $0x8  }
0x5: {  	s29 =	simm.s32 $0x80;
	[smem:$0x7FF] =	sst s3;
	s5 =	smul.u32 $0x460, s17  }
0x6: {  	s4 =	sadd.s32 $0x58DE00, s0;
	s3 =	sand.u32 $0x1, s22;
	s8 =	smul.u32 $0x4E000, s17  }
0x7: {  	s7 =	sadd.s32 $0x4F1A00, s0;
	s0 =	sadd.s32 $0x4200, s0;
	s13 =	smul.u32 $0x2BC000, s17  }
0x8: {  	s26 =	sshll.u32 s17, $0x6;
	s12 =	sadd.s32 $0x138000, s1;
	p0 =	sne.s32 s17, $0xF  }
0x9: {  	s17 =	simm.s32 $0x6;
	_ =	strace $0x80000056;
	s6 =	ssub.s32 $0x2, s3  }
0xa: {  	s10 =	sshll.u32 s3, $0xB;
	[dreg:$0x6] =	wrdreg s26;
	s3 =	sshll.u32 s3, $0x8  }
0xb: {  	[dreg:$0x7] =	wrdreg s12;
	s9 =	sshrl.u32 s6, $0x1;
	s2 =	sadd.s32 s2, s5  }
0xc: {  	s23 =	sor.u32 s10, s8;
	s24 =	sshrl.u32 s8, $0x2;
	s5 =	sor.u32 s10, s13  }
0xd: {  	s14 =	sadd.s32 s3, s7;
	s10 =	sor.u32 $0x400, s10;
	s16 =	sadd.s32 s3, s0  }
0xe: {  	s3 =	sadd.s32 s3, s4;
	s11 =	ssub.s32 s6, s9;
	[dreg:$0x4] =	wrdreg s2  }
0xf: {  	s2 =	sshrl.u32 s23, $0x3;
	s6 =	sadd.s32 s24, s1;
	s9 =	sor.u32 $0x1C02, s26  }
0x10: {  	s31 =	sshrl.u32 s5, $0x3;
	s15 =	sadd.s32 $0x9C000, s14;
	s8 =	sor.u32 s8, s10  }
0x11: {  	s18 =	sadd.s32 $0x9C000, s16;
	s10 =	sor.u32 s13, s10;
	s20 =	sadd.s32 $0x9C080, s14  }
0x12: {  	s3 =	sadd.s32 $0x520880, s3;
	s21 =	sadd.s32 $0x9C080, s16;
	s22 =	sadd.s32 $0x14000, s5  }
0x13: {  	s24 =	sadd.s32 $0x14400, s5;
	s26 =	sadd.s32 $0x28400, s5;
	[dreg:$0x8] =	wrdreg s15  }
0x14: {  	s16 =	sadd.s32 $0x28000, s5;
	s5 =	simm.s32 $0x50;
	[dreg:$0xa] =	wrdreg s18  }
0x15: {  	s13 =	simm.s32 $0x4;
	s25 =	sadd.s32 s7, s2;
	[dreg:$0xc] =	wrdreg s20  }
0x16: {  	s12 =	sadd.s32 s4, s31;
	s2 =	sadd.s32 s0, s2;
	[dreg:$0xd] =	wrdreg s3  }
0x17: {  	s8 =	sshrl.u32 s8, $0x3;
	s19 =	sshrl.u32 s10, $0x3;
	[dreg:$0xf] =	wrdreg s21  }
0x18: {  	s23 =	smax.u32 s11, $0x1;
	s31 =	sshrl.u32 s26, $0x3;
	s3 =	simm.s32 $0x1AB80  }
0x19: {  	s26 =	simm.s32 $0x3;
	s10 =	simm.s32 $0x18380;
	[dreg:$0x5] =	wrdreg s25  }
0x1a: {  	s11 =	simm.s32 $0x5;
	s18 =	simm.s32 $0x0;
	[dreg:$0x9] =	wrdreg s2  }
0x1b: {  	s15 =	sadd.s32 s7, s8;
	s7 =	sadd.s32 s4, s19;
	s0 =	sadd.s32 s0, s8  }
0x1c: {  	[dreg:$0x10] =	wrdreg s23;
	s25 =	sshrl.u32 s24, $0x3;
	s28 =	sadd.s32 s31, s4  }
0x1d: {  	s2 =	simm.s32 $0x1000;
	s8 =	simm.s32 $0x1D380;
	[dreg:$0xb] =	wrdreg s7  }
0x1e: {  	[dreg:$0xe] =	wrdreg s0;
	s0 =	sshrl.u32 s22, $0x3;
	s24 =	sadd.s32 s25, s4  }
0x1f: {  	s7 =	simm.s32 $0x15B80;
	s14 =	sadd.s32 s0, s4;
	s0 =	simm.s32 $0x400  }
.LBB2_1:
0x20: {  	s19 =	simm.s32 $0x0;
	s20 =	rddreg [dreg:$0x4];
	s21 =	simm.s32 $0x13880  }
0x21: {  	[tilespmem:s21], [sflag:$0x1] =	stream.linear.gather [hbm4b:s20+s19], $0x2300, $0x38;
	[tilespmem:$0x1FB80] =	vst v63  }
0x22: {  	s22 =	rddreg [dreg:$0x5];
	s23 =	simm.s32 $0x200;
	s19 =	sshrl.u32 s6, $0x3  }
0x23: {  	[spmem:s19@s29], [sflag:s9] =	dma.strided [hbm:s22@s23], $0x2700, s30, $0x10   }
0x24: {  	s20 =	simm.s32 @p0 $0x400;
	s21 =	simm.s32 @p0 $0x1000;
	s22 =	simm.s32 @p0 $0x15B80  }
0x25: {  	[tilespmem:s22], [sflag:$0x3] =	stream.strided.gather @p0 [hbm4b:s12+s20], $0x5000, s21, s20, $0x38;
	[tilespmem:$0x1FB80] =	vst v63  }
0x26: {  	s20 =	simm.s32 @p0 $0x2  }
0x27: {  	_ =	swait.ge @p0 [sflag:s20], $0x2700  }
0x28: {  	s23 =	simm.s32 @!p0 $0x200;
	[sflag:s20] =	ssyncset.done @p0 $0x0  }
0x29: {  	s21 =	simm.s32 @!p0 $0x8;
	[sflag:s20] =	ssyncadd.s32 @p0 $0xFFFFD900;
	s20 =	rddreg [dreg:$0x7]  }
0x2a: {  	s22 =	simm.s32 @!p0 $0x80;
	s25 =	rddreg [dreg:$0x8];
	s20 =	sshrl.u32 @!p0 s20, $0x3  }
0x2b: {  	[spmem:s20@s22], [sflag:s9] =	dma.strided @!p0 [hbm:s25@s23], $0x100, s21, $0x10   }
0x2c: {  	s21 =	simm.s32 @!p0 $0x400;
	s22 =	simm.s32 @!p0 $0x1000;
	s23 =	simm.s32 @!p0 $0x15B80  }
0x2d: {  	[tilespmem:s23], [sflag:$0x3] =	stream.strided.gather @!p0 [hbm4b:s12+s21], $0x5000, s22, s21, $0x38;
	[tilespmem:$0x1FB80] =	vst v63  }
0x2e: {  	s21 =	simm.s32 @!p0 $0x2  }
0x2f: {  	_ =	swait.ge @!p0 [sflag:s21], $0x2700  }
0x30: {  	[sflag:s21] =	ssyncset.done @!p0 $0x0  }
0x31: {  	[sflag:s21] =	ssyncadd.s32 @!p0 $0xFFFFD900  }
0x32: {  	_ =	swait.ge @!p0 [sflag:s21], $0x100  }
0x33: {  	[sflag:s21] =	ssyncset.done @!p0 $0x0  }
0x34: {  	s25 =	simm.s32 $0x1;
	[sflag:s21] =	ssyncadd.s32 @!p0 $0xFFFFFF00  }
0x35: {  	_ =	swait.ge [sflag:s25], $0x2300  }
0x36: {  	[sflag:s25] =	ssyncset.done $0x0  }
0x37: {  	[sflag:s25] =	ssyncadd.s32 $0xFFFFDD00  }
0x38: {  	[bflag:$0x0] =	sbarrier.arrive $0xFFFF  }
0x39: {  	[tilespmem:s3], [sflag:$0x4] =	stream.strided.gather [hbm4b:s14+s0], $0x5000, s2, s0, $0x38;
	[tilespmem:$0x1FB80] =	vst v63  }
0x3a: {  	_ =	swait.ge [sflag:s26], $0x5000  }
0x3b: {  	[sflag:s26] =	ssyncset.done $0x0  }
0x3c: {  	s29 =	simm.s32 $0x13880;
	[sflag:s26] =	ssyncadd.s32 $0xFFFFB000  }
0x3d: {  	[spmem:s1] =	stream.indirect.scatter.add.f32 [tilespmem:s7], [sflag:$0x5], $0x80, s29, s5, $0xb8;
	[tilespmem:$0x1FB80] =	vst v63  }
0x3e: {  	s22 =	simm.s32 $0x13900  }
0x3f: {  	[spmem:s1] =	stream.indirect.scatter.add.f32 [tilespmem:s10], [sflag:$0x5], $0x80, s22, s5, $0xb8;
	[tilespmem:$0x1FB80] =	vst v63  }
0x40: {  	_ =	swait.ge [sflag:s11], $0x2800  }
0x41: {  	[sflag:s11] =	ssyncset.done $0x0  }
0x42: {  	[sflag:s11] =	ssyncadd.s32 $0xFFFFD800  }
0x43: {  	_ =	swait.ge [sflag:s11], $0x2800  }
0x44: {  	s23 =	sshrl.u32 s16, $0x3;
	[sflag:s11] =	ssyncset.done $0x0  }
0x45: {  	s21 =	sadd.s32 s4, s23;
	[sflag:s11] =	ssyncadd.s32 $0xFFFFD800  }
0x46: {  	[tilespmem:s7], [sflag:$0x3] =	stream.strided.gather [hbm4b:s21+s0], $0x5000, s2, s0, $0x38;
	[tilespmem:$0x1FB80] =	vst v63  }
0x47: {  	_ =	swait.ge [sflag:s13], $0x5000  }
0x48: {  	[sflag:s13] =	ssyncset.done $0x0  }
0x49: {  	s25 =	simm.s32 $0x13980;
	[sflag:s13] =	ssyncadd.s32 $0xFFFFB000  }
0x4a: {  	[spmem:s1] =	stream.indirect.scatter.add.f32 [tilespmem:s3], [sflag:$0x5], $0x80, s25, s5, $0xb8;
	[tilespmem:$0x1FB80] =	vst v63  }
0x4b: {  	s29 =	simm.s32 $0x13A00  }
0x4c: {  	[spmem:s1] =	stream.indirect.scatter.add.f32 [tilespmem:s8], [sflag:$0x5], $0x80, s29, s5, $0xb8;
	[tilespmem:$0x1FB80] =	vst v63  }
0x4d: {  	_ =	swait.ge [sflag:s11], $0x2800  }
0x4e: {  	[sflag:s11] =	ssyncset.done $0x0  }
0x4f: {  	[sflag:s11] =	ssyncadd.s32 $0xFFFFD800  }
0x50: {  	s31 =	simm.s32 $0x80;
	s23 =	smov.u32 s16;
	_ =	swait.ge [sflag:s11], $0x2800  }
0x51: {  	s22 =	smov.u32 s14;
	s21 =	simm.s32 $0x800;
	[sflag:s11] =	ssyncset.done $0x0  }
.LBB2_2:
0x52: {  	[sflag:s11] =	ssyncadd.s32 $0xFFFFD800  }
0x53: {  	s22 =	sadd.s32 $0x5000, s22;
	s23 =	sadd.s32 $0x28000, s23;
	s25 =	smov.u32 s21  }
0x54: {  	[tilespmem:s3], [sflag:$0x4] =	stream.strided.gather [hbm4b:s22+s0], $0x5000, s2, s0, $0x38;
	[tilespmem:$0x1FB80] =	vst v63  }
0x55: {  	p1 =	sne.s32 s21, $0x8000;
	s21 =	sadd.s32 $0x800, s21;
	_ =	swait.ge [sflag:s26], $0x5000  }
0x56: {  	s25 =	sshra.s32 s25, $0x2;
	[sflag:s26] =	ssyncset.done $0x0  }
0x57: {  	s29 =	sadd.s32 $0x13880, s25;
	[sflag:s26] =	ssyncadd.s32 $0xFFFFB000  }
0x58: {  	[spmem:s1] =	stream.indirect.scatter.add.f32 [tilespmem:s7], [sflag:$0x5], $0x80, s29, s5, $0xb8;
	[tilespmem:$0x1FB80] =	vst v63  }
0x59: {  	s29 =	sadd.s32 $0x13900, s25  }
0x5a: {  	[spmem:s1] =	stream.indirect.scatter.add.f32 [tilespmem:s10], [sflag:$0x5], $0x80, s29, s5, $0xb8;
	[tilespmem:$0x1FB80] =	vst v63  }
0x5b: {  	_ =	swait.ge [sflag:s11], $0x2800  }
0x5c: {  	[sflag:s11] =	ssyncset.done $0x0  }
0x5d: {  	[sflag:s11] =	ssyncadd.s32 $0xFFFFD800  }
0x5e: {  	_ =	swait.ge [sflag:s11], $0x2800  }
0x5f: {  	s29 =	sshrl.u32 s23, $0x3;
	[sflag:s11] =	ssyncset.done $0x0  }
0x60: {  	s29 =	sadd.s32 s4, s29;
	[sflag:s11] =	ssyncadd.s32 $0xFFFFD800  }
0x61: {  	[tilespmem:s7], [sflag:$0x3] =	stream.strided.gather [hbm4b:s29+s0], $0x5000, s2, s0, $0x38;
	[tilespmem:$0x1FB80] =	vst v63  }
0x62: {  	_ =	swait.ge [sflag:s13], $0x5000  }
0x63: {  	[sflag:s13] =	ssyncset.done $0x0  }
0x64: {  	s29 =	sadd.s32 $0x13980, s25;
	[sflag:s13] =	ssyncadd.s32 $0xFFFFB000  }
0x65: {  	[spmem:s1] =	stream.indirect.scatter.add.f32 [tilespmem:s3], [sflag:$0x5], $0x80, s29, s5, $0xb8;
	[tilespmem:$0x1FB80] =	vst v63  }
0x66: {  	s25 =	sadd.s32 $0x13A00, s25  }
0x67: {  	[spmem:s1] =	stream.indirect.scatter.add.f32 [tilespmem:s8], [sflag:$0x5], $0x80, s25, s5, $0xb8;
	[tilespmem:$0x1FB80] =	vst v63  }
.Ltmp0:
0x68: {  	_ =	swait.ge [sflag:s11], $0x2800;
	(pc) =	sbr.rel @p1 .LBB2_2-.Ltmp0, $4  }
0x69: {  	[sflag:s11] =	ssyncset.done $0x0  }
0x6a: {  	[sflag:s11] =	ssyncadd.s32 $0xFFFFD800  }
0x6b: {  	_ =	swait.ge [sflag:s11], $0x2800  }
0x6c: {  	[sflag:s11] =	ssyncset.done $0x0  }
0x6d: {  	[sflag:s11] =	ssyncadd.s32 $0xFFFFD800  }
0x6e: {  	_ =	swait.ge [sflag:s26], $0x5000  }
0x6f: {  	[sflag:s26] =	ssyncset.done $0x0  }
0x70: {  	s21 =	simm.s32 $0x15A80;
	[sflag:s26] =	ssyncadd.s32 $0xFFFFB000  }
0x71: {  	[spmem:s1] =	stream.indirect.scatter.add.f32 [tilespmem:s7], [sflag:$0x5], $0x80, s21, s5, $0xb8;
	[tilespmem:$0x1FB80] =	vst v63  }
0x72: {  	s29 =	simm.s32 $0x15B00  }
0x73: {  	[spmem:s1] =	stream.indirect.scatter.add.f32 [tilespmem:s10], [sflag:$0x5], $0x80, s29, s5, $0xb8;
	[tilespmem:$0x1FB80] =	vst v63  }
0x74: {  	_ =	swait.ge [sflag:s11], $0x2800  }
0x75: {  	[sflag:s11] =	ssyncset.done $0x0  }
0x76: {  	[sflag:s11] =	ssyncadd.s32 $0xFFFFD800  }
0x77: {  	_ =	swait.ge [sflag:s11], $0x2800  }
0x78: {  	[sflag:s11] =	ssyncset.done $0x0  }
0x79: {  	[sflag:s11] =	ssyncadd.s32 $0xFFFFD800  }
0x7a: {  	[bflag:$0x0] =	sbarrier.arrive $0xFFFF  }
0x7b: {  	s22 =	rddreg [dreg:$0x6]  }
0x7c: {  	s23 =	simm.s32 $0x200;
	s21 =	sor.u32 $0x1C06, s22;
	s22 =	rddreg [dreg:$0x9]  }
0x7d: {  	[hbm:s22@s23], [sflag:s21] =	dma.strided [spmem:s19@s31], $0x2700, s30, $0x10   }
0x7e: {  	_ =	swait.ge [sflag:s17], $0x2700  }
0x7f: {  	s25 =	simm.s32 @p0 $0x80;
	s29 =	simm.s32 @p0 $0x200;
	[sflag:s17] =	ssyncset.done $0x0  }
0x80: {  	s22 =	sshrl.u32 @p0 s6, $0x3;
	s23 =	simm.s32 @p0 $0x8;
	[sflag:s17] =	ssyncadd.s32 $0xFFFFD900  }
0x81: {  	[spmem:s22@s25], [sflag:s9] =	dma.strided @p0 [hbm:s15@s29], $0x2700, s23, $0x10   }
0x82: {  	s22 =	simm.s32 @p0 $0x400  }
0x83: {  	s23 =	simm.s32 @p0 $0x1000;
	s25 =	simm.s32 @p0 $0x15B80;
	s29 =	rddreg [dreg:$0xb]  }
0x84: {  	[tilespmem:s25], [sflag:$0x3] =	stream.strided.gather @p0 [hbm4b:s29+s22], $0x5000, s23, s22, $0x38;
	[tilespmem:$0x1FB80] =	vst v63  }
0x85: {  	s22 =	simm.s32 @p0 $0x2  }
0x86: {  	_ =	swait.ge @p0 [sflag:s22], $0x2700  }
0x87: {  	s23 =	simm.s32 @!p0 $0x200;
	s25 =	simm.s32 @!p0 $0x80;
	[sflag:s22] =	ssyncset.done @p0 $0x0  }
0x88: {  	s29 =	rddreg [dreg:$0xa];
	[sflag:s22] =	ssyncadd.s32 @p0 $0xFFFFD900;
	s22 =	simm.s32 @!p0 $0x8  }
0x89: {  	[hbm:s29@s23], [sflag:s21] =	dma.strided @!p0 [spmem:s20@s25], $0x100, s22, $0x10   }
0x8a: {  	s29 =	simm.s32 @!p0 $0x6  }
0x8b: {  	_ =	swait.ge @!p0 [sflag:s29], $0x100  }
0x8c: {  	[sflag:s29] =	ssyncset.done @!p0 $0x0  }
0x8d: {  	[sflag:s29] =	ssyncadd.s32 @!p0 $0xFFFFFF00;
	s29 =	sshrl.u32 @!p0 s6, $0x3  }
0x8e: {  	[spmem:s29@s25], [sflag:s9] =	dma.strided @!p0 [hbm:s15@s23], $0x2700, s22, $0x10   }
0x8f: {  	s29 =	rddreg [dreg:$0xc]  }
0x90: {  	[spmem:s20@s25], [sflag:s9] =	dma.strided @!p0 [hbm:s29@s23], $0x100, s22, $0x10   }
0x91: {  	s22 =	simm.s32 @!p0 $0x400  }
0x92: {  	s23 =	simm.s32 @!p0 $0x1000;
	s25 =	simm.s32 @!p0 $0x15B80;
	s29 =	rddreg [dreg:$0xd]  }
0x93: {  	[tilespmem:s25], [sflag:$0x3] =	stream.strided.gather @!p0 [hbm4b:s29+s22], $0x5000, s23, s22, $0x38;
	[tilespmem:$0x1FB80] =	vst v63  }
0x94: {  	s22 =	simm.s32 @!p0 $0x2  }
0x95: {  	_ =	swait.ge @!p0 [sflag:s22], $0x2700  }
0x96: {  	[sflag:s22] =	ssyncset.done @!p0 $0x0  }
0x97: {  	[sflag:s22] =	ssyncadd.s32 @!p0 $0xFFFFD900  }
0x98: {  	_ =	swait.ge @!p0 [sflag:s22], $0x100  }
0x99: {  	[sflag:s22] =	ssyncset.done @!p0 $0x0  }
0x9a: {  	[sflag:s22] =	ssyncadd.s32 @!p0 $0xFFFFFF00  }
0x9b: {  	[bflag:$0x0] =	sbarrier.arrive $0xFFFF  }
0x9c: {  	[tilespmem:s3], [sflag:$0x4] =	stream.strided.gather [hbm4b:s24+s0], $0x5000, s2, s0, $0x38;
	[tilespmem:$0x1FB80] =	vst v63  }
0x9d: {  	_ =	swait.ge [sflag:s26], $0x5000  }
0x9e: {  	[sflag:s26] =	ssyncset.done $0x0  }
0x9f: {  	s23 =	simm.s32 $0x13880;
	[sflag:s26] =	ssyncadd.s32 $0xFFFFB000  }
0xa0: {  	[spmem:s1] =	stream.indirect.scatter.add.f32 [tilespmem:s7], [sflag:$0x5], $0x80, s23, s5, $0xb8;
	[tilespmem:$0x1FB80] =	vst v63  }
0xa1: {  	s25 =	simm.s32 $0x13900  }
0xa2: {  	[spmem:s1] =	stream.indirect.scatter.add.f32 [tilespmem:s10], [sflag:$0x5], $0x80, s25, s5, $0xb8;
	[tilespmem:$0x1FB80] =	vst v63  }
0xa3: {  	_ =	swait.ge [sflag:s11], $0x2800  }
0xa4: {  	[sflag:s11] =	ssyncset.done $0x0  }
0xa5: {  	[sflag:s11] =	ssyncadd.s32 $0xFFFFD800  }
0xa6: {  	_ =	swait.ge [sflag:s11], $0x2800  }
0xa7: {  	[sflag:s11] =	ssyncset.done $0x0  }
0xa8: {  	[sflag:s11] =	ssyncadd.s32 $0xFFFFD800  }
0xa9: {  	[tilespmem:s7], [sflag:$0x3] =	stream.strided.gather [hbm4b:s28+s0], $0x5000, s2, s0, $0x38;
	[tilespmem:$0x1FB80] =	vst v63  }
0xaa: {  	_ =	swait.ge [sflag:s13], $0x5000  }
0xab: {  	[sflag:s13] =	ssyncset.done $0x0  }
0xac: {  	s29 =	simm.s32 $0x13980;
	[sflag:s13] =	ssyncadd.s32 $0xFFFFB000  }
0xad: {  	[spmem:s1] =	stream.indirect.scatter.add.f32 [tilespmem:s3], [sflag:$0x5], $0x80, s29, s5, $0xb8;
	[tilespmem:$0x1FB80] =	vst v63  }
0xae: {  	s30 =	simm.s32 $0x13A00  }
0xaf: {  	[spmem:s1] =	stream.indirect.scatter.add.f32 [tilespmem:s8], [sflag:$0x5], $0x80, s30, s5, $0xb8;
	[tilespmem:$0x1FB80] =	vst v63  }
0xb0: {  	_ =	swait.ge [sflag:s11], $0x2800  }
0xb1: {  	[sflag:s11] =	ssyncset.done $0x0  }
0xb2: {  	[sflag:s11] =	ssyncadd.s32 $0xFFFFD800  }
0xb3: {  	s31 =	simm.s32 $0x200;
	s22 =	simm.s32 $0x800;
	_ =	swait.ge [sflag:s11], $0x2800  }
0xb4: {  	s23 =	smov.u32 s24;
	s25 =	smov.u32 s28;
	[sflag:s11] =	ssyncset.done $0x0  }
.LBB2_4:
0xb5: {  	[sflag:s11] =	ssyncadd.s32 $0xFFFFD800  }
0xb6: {  	s23 =	sadd.s32 $0x5000, s23;
	s25 =	sadd.s32 $0x5000, s25;
	s29 =	smov.u32 s22  }
0xb7: {  	[tilespmem:s3], [sflag:$0x4] =	stream.strided.gather [hbm4b:s23+s0], $0x5000, s2, s0, $0x38;
	[tilespmem:$0x1FB80] =	vst v63  }
0xb8: {  	p1 =	sne.s32 s22, $0x8000;
	s22 =	sadd.s32 $0x800, s22;
	_ =	swait.ge [sflag:s26], $0x5000  }
0xb9: {  	s29 =	sshra.s32 s29, $0x2;
	[sflag:s26] =	ssyncset.done $0x0  }
0xba: {  	s30 =	sadd.s32 $0x13880, s29;
	[sflag:s26] =	ssyncadd.s32 $0xFFFFB000  }
0xbb: {  	[spmem:s1] =	stream.indirect.scatter.add.f32 [tilespmem:s7], [sflag:$0x5], $0x80, s30, s5, $0xb8;
	[tilespmem:$0x1FB80] =	vst v63  }
0xbc: {  	s30 =	sadd.s32 $0x13900, s29  }
0xbd: {  	[spmem:s1] =	stream.indirect.scatter.add.f32 [tilespmem:s10], [sflag:$0x5], $0x80, s30, s5, $0xb8;
	[tilespmem:$0x1FB80] =	vst v63  }
0xbe: {  	_ =	swait.ge [sflag:s11], $0x2800  }
0xbf: {  	[sflag:s11] =	ssyncset.done $0x0  }
0xc0: {  	[sflag:s11] =	ssyncadd.s32 $0xFFFFD800  }
0xc1: {  	_ =	swait.ge [sflag:s11], $0x2800  }
0xc2: {  	[sflag:s11] =	ssyncset.done $0x0  }
0xc3: {  	[sflag:s11] =	ssyncadd.s32 $0xFFFFD800  }
0xc4: {  	[tilespmem:s7], [sflag:$0x3] =	stream.strided.gather [hbm4b:s25+s0], $0x5000, s2, s0, $0x38;
	[tilespmem:$0x1FB80] =	vst v63  }
0xc5: {  	_ =	swait.ge [sflag:s13], $0x5000  }
0xc6: {  	[sflag:s13] =	ssyncset.done $0x0  }
0xc7: {  	s30 =	sadd.s32 $0x13980, s29;
	[sflag:s13] =	ssyncadd.s32 $0xFFFFB000  }
0xc8: {  	[spmem:s1] =	stream.indirect.scatter.add.f32 [tilespmem:s3], [sflag:$0x5], $0x80, s30, s5, $0xb8;
	[tilespmem:$0x1FB80] =	vst v63  }
0xc9: {  	s29 =	sadd.s32 $0x13A00, s29  }
0xca: {  	[spmem:s1] =	stream.indirect.scatter.add.f32 [tilespmem:s8], [sflag:$0x5], $0x80, s29, s5, $0xb8;
	[tilespmem:$0x1FB80] =	vst v63  }
.Ltmp1:
0xcb: {  	_ =	swait.ge [sflag:s11], $0x2800;
	(pc) =	sbr.rel @p1 .LBB2_4-.Ltmp1, $4  }
0xcc: {  	[sflag:s11] =	ssyncset.done $0x0  }
0xcd: {  	[sflag:s11] =	ssyncadd.s32 $0xFFFFD800  }
0xce: {  	_ =	swait.ge [sflag:s11], $0x2800  }
0xcf: {  	[sflag:s11] =	ssyncset.done $0x0  }
0xd0: {  	[sflag:s11] =	ssyncadd.s32 $0xFFFFD800  }
0xd1: {  	_ =	swait.ge [sflag:s26], $0x5000  }
0xd2: {  	[sflag:s26] =	ssyncset.done $0x0  }
0xd3: {  	s22 =	simm.s32 $0x15A80;
	[sflag:s26] =	ssyncadd.s32 $0xFFFFB000  }
0xd4: {  	[spmem:s1] =	stream.indirect.scatter.add.f32 [tilespmem:s7], [sflag:$0x5], $0x80, s22, s5, $0xb8;
	[tilespmem:$0x1FB80] =	vst v63  }
0xd5: {  	s23 =	simm.s32 $0x15B00  }
0xd6: {  	[spmem:s1] =	stream.indirect.scatter.add.f32 [tilespmem:s10], [sflag:$0x5], $0x80, s23, s5, $0xb8;
	[tilespmem:$0x1FB80] =	vst v63  }
0xd7: {  	_ =	swait.ge [sflag:s11], $0x2800  }
0xd8: {  	[sflag:s11] =	ssyncset.done $0x0  }
0xd9: {  	[sflag:s11] =	ssyncadd.s32 $0xFFFFD800  }
0xda: {  	_ =	swait.ge [sflag:s11], $0x2800  }
0xdb: {  	[sflag:s11] =	ssyncset.done $0x0  }
0xdc: {  	[sflag:s11] =	ssyncadd.s32 $0xFFFFD800  }
0xdd: {  	[bflag:$0x0] =	sbarrier.arrive $0xFFFF  }
0xde: {  	s30 =	simm.s32 $0x8;
	s29 =	simm.s32 $0x80;
	s25 =	rddreg [dreg:$0xe]  }
0xdf: {  	[hbm:s25@s31], [sflag:s21] =	dma.strided [spmem:s19@s29], $0x2700, s30, $0x10   }
0xe0: {  	_ =	swait.ge [sflag:s17], $0x2700  }
0xe1: {  	s22 =	simm.s32 @!p0 $0x200;
	s23 =	simm.s32 @!p0 $0x80;
	[sflag:s17] =	ssyncset.done $0x0  }
0xe2: {  	s19 =	simm.s32 @!p0 $0x8;
	s25 =	rddreg [dreg:$0xf];
	[sflag:s17] =	ssyncadd.s32 $0xFFFFD900  }
0xe3: {  	[hbm:s25@s22], [sflag:s21] =	dma.strided @!p0 [spmem:s20@s23], $0x100, s19, $0x10   }
0xe4: {  	s19 =	simm.s32 @!p0 $0x6  }
0xe5: {  	_ =	swait.ge @!p0 [sflag:s19], $0x100  }
0xe6: {  	s18 =	sadd.s32 $0x1, s18;
	s31 =	rddreg [dreg:$0x10]  }
0xe7: {  	p1 =	sne.s32 s18, s31  }
.Ltmp2:
0xe8: {  	_ = 	snop;
	(pc) =	sbr.rel @p1 .LBB2_1-.Ltmp2, $3  }
0xe9: {  	_ =	sdelay $0x1  }
0xea: {  	[sflag:s19] =	ssyncset.done @!p0 $0x0  }
0xeb: {  	[sflag:s19] =	ssyncadd.s32 @!p0 $0xFFFFFF00  }
0xec: {  	_ =	sfence.sel $0x180000  }
0xed: {  	[bflag:$0x0] =	sbarrier.arrive $0xFFFF  }
0xee: {  	_ =	strace $0x90000056  }
0xef: {  	s0 =	stileid.u32;
	[bflag:$0x2] =	sbarrier.arrive $0xFFFF  }
0xf0: {  	p0 =	sne.s32 s0, $0x0;
	s0 =	rddreg [dreg:$0x3]  }
0xf1: {  	s0 =	sadd.s32 @!p0 $0x100000, s0  }
0xf2: {  	[sflag:s0] =	ssyncadd.tile.s32 @!p0 $0x1;
	_ =	shalt  }
.Lfunc_end2:
_tile_overlayer_lowered:
.L_overlay_start_2:
0xf3: {  	(tag) =	ssettag $0x2  }
0xf4: {  	s0 =	rddreg [dreg:$0x0];
	s2 =	stileid.u32  }
0xf5: {  	s1 =	rddreg [dreg:$0x1];
	p0 =	sne.s32 s2, $0x0  }
0xf6: {  	s3 =	rddreg [dreg:$0x2];
	[bflag:$0x3] =	sbarrier.arrive $0xFFFF;
	s2 =	simm.s32 @!p0 $0x1C06  }
0xf7: {  	[timem:s3], [sflag:s2] =	dma.local @!p0 [hbm:s0], s1  }
0xf8: {  	s0 =	simm.s32 @!p0 $0x6  }
0xf9: {  	_ =	swait.ge @!p0 [sflag:s0], s1  }
0xfa: {  	s1 =	ssub.s32 @!p0 $0x0, s1;
	[sflag:s0] =	ssyncset.done @!p0 $0x0  }
0xfb: {  	[sflag:s0] =	ssyncadd.s32 @!p0 s1  }
0xfc: {  	[bflag:$0x3] =	sbarrier.arrive $0xFFFF  }
0xfd: {  	_ =	shalt  }

</sc_bundles>
